<compile_context>
chip_gen: v7x
topology: tpu7x:2x2x1
jax: 0.10.2.dev20260603
libtpu: 0.0.44.dev20260713+nightly
codegen_flags: <defaults>
</compile_context>

<pallas_src>
import functools

import jax
import jax.numpy as jnp
from jax import lax
from jax.experimental import pallas as pl
from jax.experimental.pallas import tpu as pltpu
from jax.experimental.pallas import tpu_sc as plsc

N = 10000
E = 320000
G = 32
D = 128

NC = 2
NS = 16
NW = NC * NS
EPT = E // NW
CH = 128
NB = 80
EPT_PAD = NB * CH
N_PAD = 10112
RPT = N_PAD // NS
ZROWS = 64
NBH = NB // 2
R = 2000

_MESH = plsc.VectorSubcoreMesh(core_axis_name="c", subcore_axis_name="s")



def _zero_slab(zbuf, dst, base):
    def _cp(i, carry):
        pltpu.sync_copy(zbuf, dst.at[pl.ds(base + i * ZROWS, ZROWS)])
        return carry

    lax.fori_loop(0, 9, _cp, 0)
    pltpu.sync_copy(zbuf.at[pl.ds(0, 56)], dst.at[pl.ds(base + 9 * ZROWS, 56)])


def _zero_slab(zbuf, dst, base):
    def _cp(i, carry):
        pltpu.sync_copy(zbuf, dst.at[pl.ds(base + i * ZROWS, ZROWS)])
        return carry

    lax.fori_loop(0, 9, _cp, 0)
    pltpu.sync_copy(zbuf.at[pl.ds(0, 56)], dst.at[pl.ds(base + 9 * ZROWS, 56)])


def _sc_deg_body(dstp, ones, out, deg, dst_v, ones_v, zbuf):
    c = lax.axis_index("c")
    s = lax.axis_index("s")
    wid = c * NS + s

    z16 = jnp.zeros((16,), jnp.float32)

    def _zrow(i, carry):
        for k in range(8):
            zbuf[i, pl.ds(k * 16, 16)] = z16
        return carry

    lax.fori_loop(0, ZROWS, _zrow, 0)
    _zero_slab(zbuf, deg, s * RPT)
    pltpu.sync_copy(ones, ones_v)
    pltpu.sync_copy(dstp.at[wid], dst_v)
    plsc.subcore_barrier()

    def _step(jj, carry):
        pltpu.sync_copy(ones_v, deg.at[dst_v.at[jj]], add=True)
        return carry

    lax.fori_loop(0, NB, _step, 0)
    plsc.subcore_barrier()

    ob = s * RPT
    pltpu.sync_copy(deg.at[pl.ds(ob, RPT)], out.at[c, pl.ds(ob, RPT)])


_sc_deg = pl.kernel(
    _sc_deg_body,
    out_type=jax.ShapeDtypeStruct((NC, N_PAD, D), jnp.float32),
    mesh=_MESH,
    scratch_types=[
        pltpu.VMEM_SHARED((N_PAD, D), jnp.float32),
        pltpu.VMEM((NB, CH), jnp.int32),
        pltpu.VMEM((CH, D), jnp.float32),
        pltpu.VMEM((ZROWS, D), jnp.float32),
    ],
)


def _sc_agg_body(hwn, srcp, dstp, out, agg, src_v, dst_v, rows0, rows1,
                 sem0, sem1):
    c = lax.axis_index("c")
    s = lax.axis_index("s")
    wid = c * NS + s

    z16 = jnp.zeros((16,), jnp.float32)

    def _zrow(i, carry):
        for k in range(8):
            rows0[i, pl.ds(k * 16, 16)] = z16
        return carry

    lax.fori_loop(0, CH, _zrow, 0)

    base = s * RPT
    def _zcp(i, carry):
        pltpu.sync_copy(rows0, agg.at[pl.ds(base + i * CH, CH)])
        return carry

    lax.fori_loop(0, 4, _zcp, 0)
    pltpu.sync_copy(rows0.at[pl.ds(0, RPT - 4 * CH)],
                    agg.at[pl.ds(base + 4 * CH, RPT - 4 * CH)])
    plsc.subcore_barrier()

    bufs = (rows0, rows1)
    sems = (sem0, sem1)

    pltpu.sync_copy(srcp.at[wid], src_v)
    pltpu.sync_copy(dstp.at[wid, 0], dst_v)
    pltpu.async_copy(hwn.at[src_v.at[0]], rows0, sem0)
    pltpu.async_copy(hwn.at[src_v.at[1]], rows1, sem1)

    def _gwait(b):
        pltpu.make_async_copy(hwn.at[src_v.at[0]], bufs[b], sems[b]).wait()

    def _mkstep(off):
        def _step(i, carry):
            for b in range(2):
                jj = off + i * 2 + b
                _gwait(b)
                pltpu.sync_copy(bufs[b], agg.at[dst_v.at[i * 2 + b]],
                                add=True)
                nxt = jnp.where(jj + 2 >= NB, jj + 2 - NB, jj + 2)
                pltpu.async_copy(hwn.at[src_v.at[nxt]], bufs[b], sems[b])
            return carry
        return _step

    lax.fori_loop(0, NBH // 2, _mkstep(0), 0)
    pltpu.sync_copy(dstp.at[wid, 1], dst_v)
    lax.fori_loop(0, NBH // 2, _mkstep(NBH), 0)

    _gwait(0)
    _gwait(1)

    plsc.subcore_barrier()
    ob = s * RPT
    pltpu.sync_copy(agg.at[pl.ds(ob, RPT)], out.at[c, pl.ds(ob, RPT)])


_sc_agg = pl.kernel(
    _sc_agg_body,
    out_type=jax.ShapeDtypeStruct((NC, N_PAD, D), jnp.float32),
    mesh=_MESH,
    scratch_types=[
        pltpu.VMEM_SHARED((N_PAD, D), jnp.float32),
        pltpu.VMEM((NB, CH), jnp.int32),
        pltpu.VMEM((NBH, CH), jnp.int32),
        pltpu.VMEM((CH, D), jnp.float32),
        pltpu.VMEM((CH, D), jnp.float32),
        pltpu.SemaphoreType.DMA,
        pltpu.SemaphoreType.DMA,
    ],
)



def _elu(v):
    return jnp.where(v > 0, v, jnp.exp(jnp.minimum(v, 0.0)) - 1.0)


def _dinv_plane(dp):
    return lax.rsqrt(1.0 + dp[0][:, 0:1] + dp[1][:, 0:1])


_spec_row = pl.BlockSpec((R, D), lambda i: (i, 0))
_spec_w = pl.BlockSpec((D, D), lambda i: (0, 0))
_spec_dp = pl.BlockSpec((2, R, D), lambda i: (0, i, 0))
_spec_a = pl.BlockSpec((2, R, D), lambda i: (0, i, 0))
_spec_b = pl.BlockSpec((1, D), lambda i: (0, 0))


def _mm(a, b):
    return jnp.dot(a, b, preferred_element_type=jnp.float32)


def _tc_qe2_body(qemb, wq, bq, winq, out):
    t = _elu(_mm(qemb[...], wq[...]) + bq[...])
    out[...] = _mm(t, winq[...])


_tc_qe2 = pl.pallas_call(
    _tc_qe2_body,
    out_shape=jax.ShapeDtypeStruct((G, D), jnp.float32),
)


def _tc_pre1_body(x, w, dp, out, out_dv):
    dinv = _dinv_plane(dp[...])
    out[...] = _mm(x[...], w[...]) * dinv
    out_dv[...] = jnp.broadcast_to(dinv, (R, D))


_tc_pre1 = pl.pallas_call(
    _tc_pre1_body,
    grid=(N // R,),
    in_specs=[_spec_row, _spec_w, _spec_dp],
    out_specs=[_spec_row, _spec_row],
    out_shape=[jax.ShapeDtypeStruct((N, D), jnp.float32),
               jax.ShapeDtypeStruct((N, D), jnp.float32)],
)


def _tc_pre2_body(a, hwn, dv, b, w, qe2, bat, out):
    dinv = dv[...]
    h1 = _elu((a[0] + a[1] + hwn[...]) * dinv + b[...])
    oh = (bat[...] == lax.broadcasted_iota(jnp.int32, (R, G), 1))
    out[...] = (_mm(h1, w[...]) + _mm(oh.astype(jnp.float32), qe2[...])) \
        * dinv


_tc_pre2 = pl.pallas_call(
    _tc_pre2_body,
    grid=(N // R,),
    in_specs=[_spec_a, _spec_row, _spec_row, _spec_b, _spec_w,
              pl.BlockSpec((G, D), lambda i: (0, 0)),
              pl.BlockSpec((R, 1), lambda i: (i, 0))],
    out_specs=_spec_row,
    out_shape=jax.ShapeDtypeStruct((N, D), jnp.float32),
)


def _tc_pre3_body(a, hwn, dv, b, w, out, out_h):
    dinv = dv[...]
    h = _elu((a[0] + a[1] + hwn[...]) * dinv + b[...])
    out_h[...] = h
    out[...] = _mm(h, w[...]) * dinv


_tc_pre3 = pl.pallas_call(
    _tc_pre3_body,
    grid=(N // R,),
    in_specs=[_spec_a, _spec_row, _spec_row, _spec_b, _spec_w],
    out_specs=[_spec_row, _spec_row],
    out_shape=[jax.ShapeDtypeStruct((N, D), jnp.float32),
               jax.ShapeDtypeStruct((N, D), jnp.float32)],
)


def _tc_pre4_body(a, hwn, dv, b, w, out):
    dinv = dv[...]
    h = _elu((a[0] + a[1] + hwn[...]) * dinv + b[...])
    out[...] = _mm(h, w[...]) * dinv


_tc_pre4 = pl.pallas_call(
    _tc_pre4_body,
    grid=(N // R,),
    in_specs=[_spec_a, _spec_row, _spec_row, _spec_b, _spec_w],
    out_specs=_spec_row,
    out_shape=jax.ShapeDtypeStruct((N, D), jnp.float32),
)


def _tc_pre5_body(a, hwn, dv, b, w, res, out):
    dinv = dv[...]
    h = _elu((a[0] + a[1] + hwn[...]) * dinv + b[...]) + res[...]
    out[...] = _mm(h, w[...]) * dinv


_tc_pre5 = pl.pallas_call(
    _tc_pre5_body,
    grid=(N // R,),
    in_specs=[_spec_a, _spec_row, _spec_row, _spec_b, _spec_w, _spec_row],
    out_specs=_spec_row,
    out_shape=jax.ShapeDtypeStruct((N, D), jnp.float32),
)


def _tc_post_body(a, hwn, dv, b, out):
    out[...] = (a[0] + a[1] + hwn[...]) * dv[...] + b[...]


_tc_post = pl.pallas_call(
    _tc_post_body,
    grid=(N // R,),
    in_specs=[_spec_a, _spec_row, _spec_row, _spec_b],
    out_specs=_spec_row,
    out_shape=jax.ShapeDtypeStruct((N, D), jnp.float32),
)



def kernel(x, edge_index, batch, question_embedding, Wq, bq, W_red, b_red,
           W_in, b_in, W_g1, b_g1, W_g2, b_g2, W_out, b_out):
    src = edge_index[0].reshape(NW, EPT)
    dst = edge_index[1].reshape(NW, EPT)
    pad = EPT_PAD - EPT
    srcp = jnp.pad(src, ((0, 0), (0, pad))).reshape(NW, NB, CH)
    dstp = jnp.pad(dst, ((0, 0), (0, pad)),
                   constant_values=N).reshape(NW, 2, NBH, CH)
    dstp3 = dstp.reshape(NW, NB, CH)
    bat2 = batch.reshape(N, 1)

    ones = jnp.zeros((CH, D), jnp.float32).at[:, 0].set(1.0)
    degp = _sc_deg(dstp3, ones)
    qe2 = _tc_qe2(question_embedding, Wq, bq.reshape(1, -1), W_in[D:])

    hwn, dv = _tc_pre1(x, W_red, degp)
    a = _sc_agg(hwn, srcp, dstp)
    hwn = _tc_pre2(a, hwn, dv, b_red.reshape(1, -1), W_in[:D], qe2, bat2)
    a = _sc_agg(hwn, srcp, dstp)
    hwn, h2 = _tc_pre3(a, hwn, dv, b_in.reshape(1, -1), W_g1)
    a = _sc_agg(hwn, srcp, dstp)
    hwn = _tc_pre4(a, hwn, dv, b_g1.reshape(1, -1), W_g2)
    a = _sc_agg(hwn, srcp, dstp)
    hwn = _tc_pre5(a, hwn, dv, b_g2.reshape(1, -1), W_out, h2)
    a = _sc_agg(hwn, srcp, dstp)
    return _tc_post(a, hwn, dv, b_out.reshape(1, -1))

# --- scband reference (transcript-rebuilt; emitter-appended) ---
"""Pipeline reference for scband-gcnmodel-17145509445883 (READ-ONLY COPY).

The authoritative reference and input builder live on the scoring server;
editing this copy changes nothing except your own understanding.
"""

import jax, jax.numpy as jnp
import numpy as np

N = 10000
E = 320000
G = 32
D_IN = 128
D_Q = 512
PROC_QN = 64
PROC_X = 128
HID = 128
OUT = 128


def _glorot(key, fan_in, fan_out):
    s = float(np.sqrt(6.0 / (fan_in + fan_out)))
    return jax.random.uniform(key, (fan_in, fan_out), dtype=jnp.float32, minval=-s, maxval=s)


def setup_inputs(seed: int = 0) -> dict:
    key = jax.random.key(seed)
    ks = jax.random.split(key, 16)
    x = jax.random.normal(ks[0], (N, D_IN), dtype=jnp.float32)
    edge_index = jax.random.randint(ks[1], (2, E), 0, N, dtype=jnp.int32)
    batch = jnp.sort(jax.random.randint(ks[2], (N,), 0, G, dtype=jnp.int32))
    question_embedding = jax.random.normal(ks[3], (G, D_Q), dtype=jnp.float32)
    params = {
        'Wq': _glorot(ks[4], D_Q, PROC_QN), 'bq': jnp.zeros((PROC_QN,), jnp.float32),
        'W_red': _glorot(ks[5], D_IN, PROC_X), 'b_red': jnp.zeros((PROC_X,), jnp.float32),
        'W_in': _glorot(ks[6], PROC_X + PROC_QN, HID), 'b_in': jnp.zeros((HID,), jnp.float32),
        'W_g1': _glorot(ks[7], HID, HID), 'b_g1': jnp.zeros((HID,), jnp.float32),
        'W_g2': _glorot(ks[8], HID, HID), 'b_g2': jnp.zeros((HID,), jnp.float32),
        'W_out': _glorot(ks[9], HID, OUT), 'b_out': jnp.zeros((OUT,), jnp.float32),
    }
    inp = {'x': x, 'edge_index': edge_index, 'batch': batch, 'question_embedding': question_embedding}
    inp.update(params)
    return inp


def reference(x, edge_index, batch, question_embedding, Wq, bq, W_red, b_red, W_in, b_in, W_g1, b_g1, W_g2, b_g2, W_out, b_out):
    src = edge_index[0]
    dst = edge_index[1]
    loop = jnp.arange(N, dtype=src.dtype)
    src_f = jnp.concatenate([src, loop])
    dst_f = jnp.concatenate([dst, loop])
    deg = jnp.zeros((N,), jnp.float32).at[dst_f].add(1.0)
    dinv = jax.lax.rsqrt(deg)
    norm = dinv[src_f] * dinv[dst_f]

    def gcn(h, W, b):
        hw = h @ W
        msg = hw[src_f] * norm[:, None]
        agg = jnp.zeros((N, W.shape[1]), hw.dtype).at[dst_f].add(msg)
        return agg + b

    qe = jax.nn.elu(question_embedding @ Wq + bq)
    h = jax.nn.elu(gcn(x, W_red, b_red))
    combined = jnp.concatenate([h, qe[batch]], axis=1)
    h = jax.nn.elu(gcn(combined, W_in, b_in))
    residual = h
    # gcn_layers: num_GCNCov - 2 = 2 layers; residual added after layer index 1
    h = jax.nn.elu(gcn(h, W_g1, b_g1))
    h = jax.nn.elu(gcn(h, W_g2, b_g2))
    h = h + residual
    out = gcn(h, W_out, b_out)
    return out

if __name__ == "__main__":
    import jax
    _d = setup_inputs()
    print(jax.jit(kernel)(*tuple(_d.values())))

</pallas_src>

<mosaic_0001>
#map = affine_map<(d0, d1) -> (0, 0)>
#map1 = affine_map<(d0, d1) -> (0, 0, 0)>
#map2 = affine_map<(d0, d1) -> (0, 0, 0, 0)>
module attributes {stable_mosaic.version = 14 : i64} {
  func.func @_sc_agg_body(%arg0: i32, %arg1: i32, %arg2: memref<10000x128xf32, #tpu.memory_space<hbm>>, %arg3: memref<32x80x128xi32, #tpu.memory_space<hbm>>, %arg4: memref<32x2x40x128xi32, #tpu.memory_space<hbm>>, %arg5: memref<2x10112x128xf32, #tpu.memory_space<hbm>>, %arg6: memref<10112x128xf32, #tpu.memory_space<vmem_shared>>, %arg7: memref<80x128xi32, #tpu.memory_space<vmem>>, %arg8: memref<40x128xi32, #tpu.memory_space<vmem>>, %arg9: memref<128x128xf32, #tpu.memory_space<vmem>>, %arg10: memref<128x128xf32, #tpu.memory_space<vmem>>, %arg11: memref<!tpu.dma_semaphore, #tpu.memory_space<semaphore_mem>>, %arg12: memref<!tpu.dma_semaphore, #tpu.memory_space<semaphore_mem>>) attributes {dimension_semantics = [#tpu.dimension_semantics<core_parallel>, #tpu.dimension_semantics<subcore_parallel>], iteration_bounds = array<i64: 2, 16>, scalar_prefetch = 0 : i64, scratch_operands = 7 : i64, tpu.core_type = #tpu.core_type<sc_vector_subcore>, window_params = [{transform_indices = #map}, {transform_indices = #map1}, {transform_indices = #map2}, {transform_indices = #map1}]} {
    %mul3A = arith.constant 16 : i32
    %mul3A_0 = arith.muli %arg0, %mul3A : i32
    %add3A = arith.addi %mul3A_0, %arg1 : i32
    %broadcast_in_dim3A = arith.constant 0.000000e+00 : f32
    %broadcast_in_dim3A_1 = vector.broadcast %broadcast_in_dim3A : f32 to vector<16xf32>
    %scan3A = arith.constant 0 : i32
    %scan3A_2 = arith.constant 0 : i32
    %scan3A_3 = arith.constant 128 : i32
    %scan3A_4 = arith.addi %scan3A_2, %scan3A_3 : i32
    %scan3A_5 = arith.constant 1 : i32
    scf.for %scan3A_59 = %scan3A_2 to %scan3A_4 step %scan3A_5  : i32 {
      %swap3A = arith.index_cast %scan3A_59 : i32 to index
      %swap3A_60 = arith.constant 0 : index
      %swap3A_61 = tpu.vector_load %arg9[%swap3A, %swap3A_60] {strides = array<i32>} : memref<128x128xf32, #tpu.memory_space<vmem>>, vector<1x16xf32>,
      %swap3A_62 = vector.shape_cast %swap3A_61 : vector<1x16xf32> to vector<16xf32>
      %swap3A_63 = vector.shape_cast %broadcast_in_dim3A_1 : vector<16xf32> to vector<1x16xf32>
      tpu.vector_store %arg9[%swap3A, %swap3A_60], %swap3A_63 {strides = array<i32>} : memref<128x128xf32, #tpu.memory_space<vmem>>, vector<1x16xf32>,
      %swap3A_64 = arith.index_cast %scan3A_59 : i32 to index
      %swap3A_65 = arith.constant 16 : index
      %swap3A_66 = tpu.vector_load %arg9[%swap3A_64, %swap3A_65] {strides = array<i32>} : memref<128x128xf32, #tpu.memory_space<vmem>>, vector<1x16xf32>,
      %swap3A_67 = vector.shape_cast %swap3A_66 : vector<1x16xf32> to vector<16xf32>
      %swap3A_68 = vector.shape_cast %broadcast_in_dim3A_1 : vector<16xf32> to vector<1x16xf32>
      tpu.vector_store %arg9[%swap3A_64, %swap3A_65], %swap3A_68 {strides = array<i32>} : memref<128x128xf32, #tpu.memory_space<vmem>>, vector<1x16xf32>,
      %swap3A_69 = arith.index_cast %scan3A_59 : i32 to index
      %swap3A_70 = arith.constant 32 : index
      %swap3A_71 = tpu.vector_load %arg9[%swap3A_69, %swap3A_70] {strides = array<i32>} : memref<128x128xf32, #tpu.memory_space<vmem>>, vector<1x16xf32>,
      %swap3A_72 = vector.shape_cast %swap3A_71 : vector<1x16xf32> to vector<16xf32>
      %swap3A_73 = vector.shape_cast %broadcast_in_dim3A_1 : vector<16xf32> to vector<1x16xf32>
      tpu.vector_store %arg9[%swap3A_69, %swap3A_70], %swap3A_73 {strides = array<i32>} : memref<128x128xf32, #tpu.memory_space<vmem>>, vector<1x16xf32>,
      %swap3A_74 = arith.index_cast %scan3A_59 : i32 to index
      %swap3A_75 = arith.constant 48 : index
      %swap3A_76 = tpu.vector_load %arg9[%swap3A_74, %swap3A_75] {strides = array<i32>} : memref<128x128xf32, #tpu.memory_space<vmem>>, vector<1x16xf32>,
      %swap3A_77 = vector.shape_cast %swap3A_76 : vector<1x16xf32> to vector<16xf32>
      %swap3A_78 = vector.shape_cast %broadcast_in_dim3A_1 : vector<16xf32> to vector<1x16xf32>
      tpu.vector_store %arg9[%swap3A_74, %swap3A_75], %swap3A_78 {strides = array<i32>} : memref<128x128xf32, #tpu.memory_space<vmem>>, vector<1x16xf32>,
      %swap3A_79 = arith.index_cast %scan3A_59 : i32 to index
      %swap3A_80 = arith.constant 64 : index
      %swap3A_81 = tpu.vector_load %arg9[%swap3A_79, %swap3A_80] {strides = array<i32>} : memref<128x128xf32, #tpu.memory_space<vmem>>, vector<1x16xf32>,
      %swap3A_82 = vector.shape_cast %swap3A_81 : vector<1x16xf32> to vector<16xf32>
      %swap3A_83 = vector.shape_cast %broadcast_in_dim3A_1 : vector<16xf32> to vector<1x16xf32>
      tpu.vector_store %arg9[%swap3A_79, %swap3A_80], %swap3A_83 {strides = array<i32>} : memref<128x128xf32, #tpu.memory_space<vmem>>, vector<1x16xf32>,
      %swap3A_84 = arith.index_cast %scan3A_59 : i32 to index
      %swap3A_85 = arith.constant 80 : index
      %swap3A_86 = tpu.vector_load %arg9[%swap3A_84, %swap3A_85] {strides = array<i32>} : memref<128x128xf32, #tpu.memory_space<vmem>>, vector<1x16xf32>,
      %swap3A_87 = vector.shape_cast %swap3A_86 : vector<1x16xf32> to vector<16xf32>
      %swap3A_88 = vector.shape_cast %broadcast_in_dim3A_1 : vector<16xf32> to vector<1x16xf32>
      tpu.vector_store %arg9[%swap3A_84, %swap3A_85], %swap3A_88 {strides = array<i32>} : memref<128x128xf32, #tpu.memory_space<vmem>>, vector<1x16xf32>,
      %swap3A_89 = arith.index_cast %scan3A_59 : i32 to index
      %swap3A_90 = arith.constant 96 : index
      %swap3A_91 = tpu.vector_load %arg9[%swap3A_89, %swap3A_90] {strides = array<i32>} : memref<128x128xf32, #tpu.memory_space<vmem>>, vector<1x16xf32>,
      %swap3A_92 = vector.shape_cast %swap3A_91 : vector<1x16xf32> to vector<16xf32>
      %swap3A_93 = vector.shape_cast %broadcast_in_dim3A_1 : vector<16xf32> to vector<1x16xf32>
      tpu.vector_store %arg9[%swap3A_89, %swap3A_90], %swap3A_93 {strides = array<i32>} : memref<128x128xf32, #tpu.memory_space<vmem>>, vector<1x16xf32>,
      %swap3A_94 = arith.index_cast %scan3A_59 : i32 to index
      %swap3A_95 = arith.constant 112 : index
      %swap3A_96 = tpu.vector_load %arg9[%swap3A_94, %swap3A_95] {strides = array<i32>} : memref<128x128xf32, #tpu.memory_space<vmem>>, vector<1x16xf32>,
      %swap3A_97 = vector.shape_cast %swap3A_96 : vector<1x16xf32> to vector<16xf32>
      %swap3A_98 = vector.shape_cast %broadcast_in_dim3A_1 : vector<16xf32> to vector<1x16xf32>
      tpu.vector_store %arg9[%swap3A_94, %swap3A_95], %swap3A_98 {strides = array<i32>} : memref<128x128xf32, #tpu.memory_space<vmem>>, vector<1x16xf32>,
    }
    %scan3A_6 = arith.constant 128 : i32
    %mul3A_7 = arith.constant 632 : i32
    %mul3A_8 = arith.muli %arg1, %mul3A_7 : i32
    %scan3A_9 = arith.constant 0 : i32
    %scan3A_10 = arith.constant 0 : i32
    %scan3A_11 = arith.constant 4 : i32
    %scan3A_12 = arith.addi %scan3A_10, %scan3A_11 : i32
    %scan3A_13 = arith.constant 1 : i32
    scf.for %scan3A_59 = %scan3A_10 to %scan3A_12 step %scan3A_13  : i32 {
      %mul3A_60 = arith.constant 128 : i32
      %mul3A_61 = arith.muli %scan3A_59, %mul3A_60 : i32
      %add3A_62 = arith.addi %mul3A_8, %mul3A_61 : i32
      "tpu.region"() ({
        %run_scoped3A_63 = tpu.sem_alloc : memref<!tpu.dma_semaphore, #tpu.memory_space<semaphore_mem>>
        %dma_start3A_64 = arith.constant 0 : i32
        %dma_start3A_65 = tpu.memref_slice %arg6[%add3A_62, %dma_start3A_64] : memref<10112x128xf32, #tpu.memory_space<vmem_shared>> -> memref<128x128xf32, #tpu.memory_space<vmem_shared>>
        %dma_start3A_66 = arith.constant 0 : i32
        %dma_start3A_67 = tpu.memref_slice %arg6[%add3A_62, %dma_start3A_66] : memref<10112x128xf32, #tpu.memory_space<vmem_shared>> -> memref<128x128xf32, #tpu.memory_space<vmem_shared>>
        tpu.enqueue_dma source(%arg9 : memref<128x128xf32, #tpu.memory_space<vmem>>) target(%dma_start3A_67 : memref<128x128xf32, #tpu.memory_space<vmem_shared>>) target_semaphore(%run_scoped3A_63 : memref<!tpu.dma_semaphore, #tpu.memory_space<semaphore_mem>>)
        %dma_wait3A_68 = arith.constant 0 : i32
        %dma_wait3A_69 = tpu.memref_slice %arg6[%add3A_62, %dma_wait3A_68] : memref<10112x128xf32, #tpu.memory_space<vmem_shared>> -> memref<128x128xf32, #tpu.memory_space<vmem_shared>>
        %dma_wait3A_70 = arith.constant 0 : i32
        %dma_wait3A_71 = tpu.memref_slice %arg6[%add3A_62, %dma_wait3A_70] : memref<10112x128xf32, #tpu.memory_space<vmem_shared>> -> memref<128x128xf32, #tpu.memory_space<vmem_shared>>
        tpu.wait_dma2 semaphore(%run_scoped3A_63 : memref<!tpu.dma_semaphore, #tpu.memory_space<semaphore_mem>>) src(%arg9 : memref<128x128xf32, #tpu.memory_space<vmem>>) dst(%dma_wait3A_71 : memref<128x128xf32, #tpu.memory_space<vmem_shared>>)
        tpu.yield
      }) : () -> ()
    }
    %scan3A_14 = arith.constant 4 : i32
    %add3A_15 = arith.constant 512 : i32
    %add3A_16 = arith.addi %mul3A_8, %add3A_15 : i32
    "tpu.region"() ({
      %run_scoped3A_59 = tpu.sem_alloc : memref<!tpu.dma_semaphore, #tpu.memory_space<semaphore_mem>>
      %dma_start3A_60 = arith.constant 0 : i32
      %dma_start3A_61 = arith.constant 0 : i32
      %dma_start3A_62 = tpu.memref_slice %arg9[%dma_start3A_60, %dma_start3A_61] : memref<128x128xf32, #tpu.memory_space<vmem>> -> memref<120x128xf32, #tpu.memory_space<vmem>>
      %dma_start3A_63 = arith.constant 0 : i32
      %dma_start3A_64 = tpu.memref_slice %arg6[%add3A_16, %dma_start3A_63] : memref<10112x128xf32, #tpu.memory_space<vmem_shared>> -> memref<120x128xf32, #tpu.memory_space<vmem_shared>>
      %dma_start3A_65 = arith.constant 0 : i32
      %dma_start3A_66 = tpu.memref_slice %arg6[%add3A_16, %dma_start3A_65] : memref<10112x128xf32, #tpu.memory_space<vmem_shared>> -> memref<120x128xf32, #tpu.memory_space<vmem_shared>>
      %dma_start3A_67 = arith.constant 0 : i32
      %dma_start3A_68 = arith.constant 0 : i32
      %dma_start3A_69 = tpu.memref_slice %arg9[%dma_start3A_67, %dma_start3A_68] : memref<128x128xf32, #tpu.memory_space<vmem>> -> memref<120x128xf32, #tpu.memory_space<vmem>>
      tpu.enqueue_dma source(%dma_start3A_69 : memref<120x128xf32, #tpu.memory_space<vmem>>) target(%dma_start3A_66 : memref<120x128xf32, #tpu.memory_space<vmem_shared>>) target_semaphore(%run_scoped3A_59 : memref<!tpu.dma_semaphore, #tpu.memory_space<semaphore_mem>>)
      %dma_wait3A_70 = arith.constant 0 : i32
      %dma_wait3A_71 = arith.constant 0 : i32
      %dma_wait3A_72 = tpu.memref_slice %arg9[%dma_wait3A_70, %dma_wait3A_71] : memref<128x128xf32, #tpu.memory_space<vmem>> -> memref<120x128xf32, #tpu.memory_space<vmem>>
      %dma_wait3A_73 = arith.constant 0 : i32
      %dma_wait3A_74 = tpu.memref_slice %arg6[%add3A_16, %dma_wait3A_73] : memref<10112x128xf32, #tpu.memory_space<vmem_shared>> -> memref<120x128xf32, #tpu.memory_space<vmem_shared>>
      %dma_wait3A_75 = arith.constant 0 : i32
      %dma_wait3A_76 = tpu.memref_slice %arg6[%add3A_16, %dma_wait3A_75] : memref<10112x128xf32, #tpu.memory_space<vmem_shared>> -> memref<120x128xf32, #tpu.memory_space<vmem_shared>>
      %dma_wait3A_77 = arith.constant 0 : i32
      %dma_wait3A_78 = arith.constant 0 : i32
      %dma_wait3A_79 = tpu.memref_slice %arg9[%dma_wait3A_77, %dma_wait3A_78] : memref<128x128xf32, #tpu.memory_space<vmem>> -> memref<120x128xf32, #tpu.memory_space<vmem>>
      tpu.wait_dma2 semaphore(%run_scoped3A_59 : memref<!tpu.dma_semaphore, #tpu.memory_space<semaphore_mem>>) src(%dma_wait3A_79 : memref<120x128xf32, #tpu.memory_space<vmem>>) dst(%dma_wait3A_76 : memref<120x128xf32, #tpu.memory_space<vmem_shared>>)
      tpu.yield
    }) : () -> ()
    %barrier3A = arith.constant 0 : index
    tpu.barrier barrier_id(%barrier3A)
    "tpu.region"() ({
      %run_scoped3A_59 = tpu.sem_alloc : memref<!tpu.dma_semaphore, #tpu.memory_space<semaphore_mem>>
      %dma_start3A_60 = arith.constant 0 : i32
      %dma_start3A_61 = arith.constant 0 : i32
      %dma_start3A_62 = tpu.memref_slice %arg3[%add3A, %dma_start3A_60, %dma_start3A_61] : memref<32x80x128xi32, #tpu.memory_space<hbm>> -> memref<1x80x128xi32, #tpu.memory_space<hbm>>
      %dma_start3A_63 = tpu.memref_squeeze %dma_start3A_62 : memref<1x80x128xi32, #tpu.memory_space<hbm>> -> memref<80x128xi32, #tpu.memory_space<hbm>>
      %dma_start3A_64 = arith.constant 0 : i32
      %dma_start3A_65 = arith.constant 0 : i32
      %dma_start3A_66 = tpu.memref_slice %arg3[%add3A, %dma_start3A_64, %dma_start3A_65] : memref<32x80x128xi32, #tpu.memory_space<hbm>> -> memref<1x80x128xi32, #tpu.memory_space<hbm>>
      %dma_start3A_67 = tpu.memref_squeeze %dma_start3A_66 : memref<1x80x128xi32, #tpu.memory_space<hbm>> -> memref<80x128xi32, #tpu.memory_space<hbm>>
      tpu.enqueue_dma source(%dma_start3A_67 : memref<80x128xi32, #tpu.memory_space<hbm>>) target(%arg7 : memref<80x128xi32, #tpu.memory_space<vmem>>) target_semaphore(%run_scoped3A_59 : memref<!tpu.dma_semaphore, #tpu.memory_space<semaphore_mem>>)
      %dma_wait3A_68 = arith.constant 0 : i32
      %dma_wait3A_69 = arith.constant 0 : i32
      %dma_wait3A_70 = tpu.memref_slice %arg3[%add3A, %dma_wait3A_68, %dma_wait3A_69] : memref<32x80x128xi32, #tpu.memory_space<hbm>> -> memref<1x80x128xi32, #tpu.memory_space<hbm>>
      %dma_wait3A_71 = tpu.memref_squeeze %dma_wait3A_70 : memref<1x80x128xi32, #tpu.memory_space<hbm>> -> memref<80x128xi32, #tpu.memory_space<hbm>>
      %dma_wait3A_72 = arith.constant 0 : i32
      %dma_wait3A_73 = arith.constant 0 : i32
      %dma_wait3A_74 = tpu.memref_slice %arg3[%add3A, %dma_wait3A_72, %dma_wait3A_73] : memref<32x80x128xi32, #tpu.memory_space<hbm>> -> memref<1x80x128xi32, #tpu.memory_space<hbm>>
      %dma_wait3A_75 = tpu.memref_squeeze %dma_wait3A_74 : memref<1x80x128xi32, #tpu.memory_space<hbm>> -> memref<80x128xi32, #tpu.memory_space<hbm>>
      tpu.wait_dma2 semaphore(%run_scoped3A_59 : memref<!tpu.dma_semaphore, #tpu.memory_space<semaphore_mem>>) src(%dma_wait3A_75 : memref<80x128xi32, #tpu.memory_space<hbm>>) dst(%arg7 : memref<80x128xi32, #tpu.memory_space<vmem>>)
      tpu.yield
    }) : () -> ()
    %run_scoped3A = arith.constant 0 : i32
    "tpu.region"() ({
      %run_scoped3A_59 = tpu.sem_alloc : memref<!tpu.dma_semaphore, #tpu.memory_space<semaphore_mem>>
      %dma_start3A_60 = arith.constant 0 : i32
      %dma_start3A_61 = arith.constant 0 : i32
      %dma_start3A_62 = tpu.memref_slice %arg4[%add3A, %run_scoped3A, %dma_start3A_60, %dma_start3A_61] : memref<32x2x40x128xi32, #tpu.memory_space<hbm>> -> memref<1x1x40x128xi32, #tpu.memory_space<hbm>>
      %dma_start3A_63 = tpu.memref_squeeze %dma_start3A_62 : memref<1x1x40x128xi32, #tpu.memory_space<hbm>> -> memref<40x128xi32, #tpu.memory_space<hbm>>
      %dma_start3A_64 = arith.constant 0 : i32
      %dma_start3A_65 = arith.constant 0 : i32
      %dma_start3A_66 = tpu.memref_slice %arg4[%add3A, %run_scoped3A, %dma_start3A_64, %dma_start3A_65] : memref<32x2x40x128xi32, #tpu.memory_space<hbm>> -> memref<1x1x40x128xi32, #tpu.memory_space<hbm>>
      %dma_start3A_67 = tpu.memref_squeeze %dma_start3A_66 : memref<1x1x40x128xi32, #tpu.memory_space<hbm>> -> memref<40x128xi32, #tpu.memory_space<hbm>>
      tpu.enqueue_dma source(%dma_start3A_67 : memref<40x128xi32, #tpu.memory_space<hbm>>) target(%arg8 : memref<40x128xi32, #tpu.memory_space<vmem>>) target_semaphore(%run_scoped3A_59 : memref<!tpu.dma_semaphore, #tpu.memory_space<semaphore_mem>>)
      %dma_wait3A_68 = arith.constant 0 : i32
      %dma_wait3A_69 = arith.constant 0 : i32
      %dma_wait3A_70 = tpu.memref_slice %arg4[%add3A, %run_scoped3A, %dma_wait3A_68, %dma_wait3A_69] : memref<32x2x40x128xi32, #tpu.memory_space<hbm>> -> memref<1x1x40x128xi32, #tpu.memory_space<hbm>>
      %dma_wait3A_71 = tpu.memref_squeeze %dma_wait3A_70 : memref<1x1x40x128xi32, #tpu.memory_space<hbm>> -> memref<40x128xi32, #tpu.memory_space<hbm>>
      %dma_wait3A_72 = arith.constant 0 : i32
      %dma_wait3A_73 = arith.constant 0 : i32
      %dma_wait3A_74 = tpu.memref_slice %arg4[%add3A, %run_scoped3A, %dma_wait3A_72, %dma_wait3A_73] : memref<32x2x40x128xi32, #tpu.memory_space<hbm>> -> memref<1x1x40x128xi32, #tpu.memory_space<hbm>>
      %dma_wait3A_75 = tpu.memref_squeeze %dma_wait3A_74 : memref<1x1x40x128xi32, #tpu.memory_space<hbm>> -> memref<40x128xi32, #tpu.memory_space<hbm>>
      tpu.wait_dma2 semaphore(%run_scoped3A_59 : memref<!tpu.dma_semaphore, #tpu.memory_space<semaphore_mem>>) src(%dma_wait3A_75 : memref<40x128xi32, #tpu.memory_space<hbm>>) dst(%arg8 : memref<40x128xi32, #tpu.memory_space<vmem>>)
      tpu.yield
    }) : () -> ()
    %dma_start3A = arith.constant 0 : i32
    %dma_start3A_17 = arith.constant 0 : i32
    %dma_start3A_18 = tpu.memref_slice %arg7[%dma_start3A, %dma_start3A_17] : memref<80x128xi32, #tpu.memory_space<vmem>> -> memref<1x128xi32, #tpu.memory_space<vmem>>
    %dma_start3A_19 = tpu.memref_squeeze %dma_start3A_18 : memref<1x128xi32, #tpu.memory_space<vmem>> -> memref<128xi32, #tpu.memory_space<vmem>>
    %dma_start3A_20 = arith.constant 0 : i32
    %dma_start3A_21 = arith.constant 0 : i32
    %dma_start3A_22 = tpu.memref_slice %arg2[%dma_start3A_20, %dma_start3A_21] : memref<10000x128xf32, #tpu.memory_space<hbm>> -> memref<10000x128xf32, #tpu.memory_space<hbm>>
    tpu.enqueue_indirect_dma source(%dma_start3A_22 : memref<10000x128xf32, #tpu.memory_space<hbm>>) target(%arg9 : memref<128x128xf32, #tpu.memory_space<vmem>>) offsets(%dma_start3A_19 : memref<128xi32, #tpu.memory_space<vmem>>) semaphore(%arg11 : memref<!tpu.dma_semaphore, #tpu.memory_space<semaphore_mem>>)
    %dma_start3A_23 = arith.constant 1 : i32
    %dma_start3A_24 = arith.constant 0 : i32
    %dma_start3A_25 = tpu.memref_slice %arg7[%dma_start3A_23, %dma_start3A_24] : memref<80x128xi32, #tpu.memory_space<vmem>> -> memref<1x128xi32, #tpu.memory_space<vmem>>
    %dma_start3A_26 = tpu.memref_squeeze %dma_start3A_25 : memref<1x128xi32, #tpu.memory_space<vmem>> -> memref<128xi32, #tpu.memory_space<vmem>>
    %dma_start3A_27 = arith.constant 0 : i32
    %dma_start3A_28 = arith.constant 0 : i32
    %dma_start3A_29 = tpu.memref_slice %arg2[%dma_start3A_27, %dma_start3A_28] : memref<10000x128xf32, #tpu.memory_space<hbm>> -> memref<10000x128xf32, #tpu.memory_space<hbm>>
    tpu.enqueue_indirect_dma source(%dma_start3A_29 : memref<10000x128xf32, #tpu.memory_space<hbm>>) target(%arg10 : memref<128x128xf32, #tpu.memory_space<vmem>>) offsets(%dma_start3A_26 : memref<128xi32, #tpu.memory_space<vmem>>) semaphore(%arg12 : memref<!tpu.dma_semaphore, #tpu.memory_space<semaphore_mem>>)
    %scan3A_30 = arith.constant 0 : i32
    %scan3A_31 = arith.constant 0 : i32
    %scan3A_32 = arith.constant 20 : i32
    %scan3A_33 = arith.addi %scan3A_31, %scan3A_32 : i32
    %scan3A_34 = arith.constant 1 : i32
    scf.for %scan3A_59 = %scan3A_31 to %scan3A_33 step %scan3A_34  : i32 {
      %mul3A_60 = arith.constant 2 : i32
      %mul3A_61 = arith.muli %scan3A_59, %mul3A_60 : i32
      %add3A_62 = arith.constant 0 : i32
      %add3A_63 = arith.addi %add3A_62, %mul3A_61 : i32
      %add3A_64 = arith.constant 0 : i32
      %add3A_65 = arith.addi %add3A_63, %add3A_64 : i32
      %dma_wait3A_66 = arith.constant 0 : i32
      %dma_wait3A_67 = arith.constant 0 : i32
      %dma_wait3A_68 = tpu.memref_slice %arg7[%dma_wait3A_66, %dma_wait3A_67] : memref<80x128xi32, #tpu.memory_space<vmem>> -> memref<1x128xi32, #tpu.memory_space<vmem>>
      %dma_wait3A_69 = tpu.memref_squeeze %dma_wait3A_68 : memref<1x128xi32, #tpu.memory_space<vmem>> -> memref<128xi32, #tpu.memory_space<vmem>>
      %dma_wait3A_70 = arith.constant 0 : i32
      %dma_wait3A_71 = arith.constant 0 : i32
      %dma_wait3A_72 = tpu.memref_slice %arg2[%dma_wait3A_70, %dma_wait3A_71] : memref<10000x128xf32, #tpu.memory_space<hbm>> -> memref<10000x128xf32, #tpu.memory_space<hbm>>
      tpu.wait_indirect_dma semaphore(%arg11 : memref<!tpu.dma_semaphore, #tpu.memory_space<semaphore_mem>>) src(%dma_wait3A_72 : memref<10000x128xf32, #tpu.memory_space<hbm>>) dst(%arg9 : memref<128x128xf32, #tpu.memory_space<vmem>>)
      %mul3A_73 = arith.constant 2 : i32
      %mul3A_74 = arith.muli %scan3A_59, %mul3A_73 : i32
      %add3A_75 = arith.constant 0 : i32
      %add3A_76 = arith.addi %mul3A_74, %add3A_75 : i32
      "tpu.region"() ({
        %run_scoped3A_125 = tpu.sem_alloc : memref<!tpu.dma_semaphore, #tpu.memory_space<semaphore_mem>>
        %dma_start3A_126 = arith.constant 0 : i32
        %dma_start3A_127 = tpu.memref_slice %arg8[%add3A_76, %dma_start3A_126] : memref<40x128xi32, #tpu.memory_space<vmem>> -> memref<1x128xi32, #tpu.memory_space<vmem>>
        %dma_start3A_128 = tpu.memref_squeeze %dma_start3A_127 : memref<1x128xi32, #tpu.memory_space<vmem>> -> memref<128xi32, #tpu.memory_space<vmem>>
        %dma_start3A_129 = arith.constant 0 : i32
        %dma_start3A_130 = arith.constant 0 : i32
        %dma_start3A_131 = tpu.memref_slice %arg6[%dma_start3A_129, %dma_start3A_130] : memref<10112x128xf32, #tpu.memory_space<vmem_shared>> -> memref<10112x128xf32, #tpu.memory_space<vmem_shared>>
        tpu.enqueue_indirect_dma source(%arg9 : memref<128x128xf32, #tpu.memory_space<vmem>>) target(%dma_start3A_131 : memref<10112x128xf32, #tpu.memory_space<vmem_shared>>) offsets(%dma_start3A_128 : memref<128xi32, #tpu.memory_space<vmem>>) semaphore(%run_scoped3A_125 : memref<!tpu.dma_semaphore, #tpu.memory_space<semaphore_mem>>) {add = true}
        %dma_wait3A_132 = arith.constant 0 : i32
        %dma_wait3A_133 = tpu.memref_slice %arg8[%add3A_76, %dma_wait3A_132] : memref<40x128xi32, #tpu.memory_space<vmem>> -> memref<1x128xi32, #tpu.memory_space<vmem>>
        %dma_wait3A_134 = tpu.memref_squeeze %dma_wait3A_133 : memref<1x128xi32, #tpu.memory_space<vmem>> -> memref<128xi32, #tpu.memory_space<vmem>>
        %dma_wait3A_135 = arith.constant 0 : i32
        %dma_wait3A_136 = arith.constant 0 : i32
        %dma_wait3A_137 = tpu.memref_slice %arg6[%dma_wait3A_135, %dma_wait3A_136] : memref<10112x128xf32, #tpu.memory_space<vmem_shared>> -> memref<10112x128xf32, #tpu.memory_space<vmem_shared>>
        tpu.wait_indirect_dma semaphore(%run_scoped3A_125 : memref<!tpu.dma_semaphore, #tpu.memory_space<semaphore_mem>>) src(%arg9 : memref<128x128xf32, #tpu.memory_space<vmem>>) dst(%dma_wait3A_137 : memref<10112x128xf32, #tpu.memory_space<vmem_shared>>)
        tpu.yield
      }) : () -> ()
      %add3A_77 = arith.constant 2 : i32
      %add3A_78 = arith.addi %add3A_65, %add3A_77 : i32
      %ge3A = arith.constant 80 : i32
      %ge3A_79 = arith.cmpi sge, %add3A_78, %ge3A : i32
      %add3A_80 = arith.constant 2 : i32
      %add3A_81 = arith.addi %add3A_65, %add3A_80 : i32
      %sub3A = arith.constant 80 : i32
      %sub3A_82 = arith.subi %add3A_81, %sub3A : i32
      %add3A_83 = arith.constant 2 : i32
      %add3A_84 = arith.addi %add3A_65, %add3A_83 : i32
      %select_n3A = arith.select %ge3A_79, %sub3A_82, %add3A_84 : i32
      %dma_start3A_85 = arith.constant 0 : i32
      %dma_start3A_86 = tpu.memref_slice %arg7[%select_n3A, %dma_start3A_85] : memref<80x128xi32, #tpu.memory_space<vmem>> -> memref<1x128xi32, #tpu.memory_space<vmem>>
      %dma_start3A_87 = tpu.memref_squeeze %dma_start3A_86 : memref<1x128xi32, #tpu.memory_space<vmem>> -> memref<128xi32, #tpu.memory_space<vmem>>
      %dma_start3A_88 = arith.constant 0 : i32
      %dma_start3A_89 = arith.constant 0 : i32
      %dma_start3A_90 = tpu.memref_slice %arg2[%dma_start3A_88, %dma_start3A_89] : memref<10000x128xf32, #tpu.memory_space<hbm>> -> memref<10000x128xf32, #tpu.memory_space<hbm>>
      tpu.enqueue_indirect_dma source(%dma_start3A_90 : memref<10000x128xf32, #tpu.memory_space<hbm>>) target(%arg9 : memref<128x128xf32, #tpu.memory_space<vmem>>) offsets(%dma_start3A_87 : memref<128xi32, #tpu.memory_space<vmem>>) semaphore(%arg11 : memref<!tpu.dma_semaphore, #tpu.memory_space<semaphore_mem>>)
      %mul3A_91 = arith.constant 2 : i32
      %mul3A_92 = arith.muli %scan3A_59, %mul3A_91 : i32
      %add3A_93 = arith.constant 0 : i32
      %add3A_94 = arith.addi %add3A_93, %mul3A_92 : i32
      %add3A_95 = arith.constant 1 : i32
      %add3A_96 = arith.addi %add3A_94, %add3A_95 : i32
      %dma_wait3A_97 = arith.constant 0 : i32
      %dma_wait3A_98 = arith.constant 0 : i32
      %dma_wait3A_99 = tpu.memref_slice %arg7[%dma_wait3A_97, %dma_wait3A_98] : memref<80x128xi32, #tpu.memory_space<vmem>> -> memref<1x128xi32, #tpu.memory_space<vmem>>
      %dma_wait3A_100 = tpu.memref_squeeze %dma_wait3A_99 : memref<1x128xi32, #tpu.memory_space<vmem>> -> memref<128xi32, #tpu.memory_space<vmem>>
      %dma_wait3A_101 = arith.constant 0 : i32
      %dma_wait3A_102 = arith.constant 0 : i32
      %dma_wait3A_103 = tpu.memref_slice %arg2[%dma_wait3A_101, %dma_wait3A_102] : memref<10000x128xf32, #tpu.memory_space<hbm>> -> memref<10000x128xf32, #tpu.memory_space<hbm>>
      tpu.wait_indirect_dma semaphore(%arg12 : memref<!tpu.dma_semaphore, #tpu.memory_space<semaphore_mem>>) src(%dma_wait3A_103 : memref<10000x128xf32, #tpu.memory_space<hbm>>) dst(%arg10 : memref<128x128xf32, #tpu.memory_space<vmem>>)
      %mul3A_104 = arith.constant 2 : i32
      %mul3A_105 = arith.muli %scan3A_59, %mul3A_104 : i32
      %add3A_106 = arith.constant 1 : i32
      %add3A_107 = arith.addi %mul3A_105, %add3A_106 : i32
      "tpu.region"() ({
        %run_scoped3A_125 = tpu.sem_alloc : memref<!tpu.dma_semaphore, #tpu.memory_space<semaphore_mem>>
        %dma_start3A_126 = arith.constant 0 : i32
        %dma_start3A_127 = tpu.memref_slice %arg8[%add3A_107, %dma_start3A_126] : memref<40x128xi32, #tpu.memory_space<vmem>> -> memref<1x128xi32, #tpu.memory_space<vmem>>
        %dma_start3A_128 = tpu.memref_squeeze %dma_start3A_127 : memref<1x128xi32, #tpu.memory_space<vmem>> -> memref<128xi32, #tpu.memory_space<vmem>>
        %dma_start3A_129 = arith.constant 0 : i32
        %dma_start3A_130 = arith.constant 0 : i32
        %dma_start3A_131 = tpu.memref_slice %arg6[%dma_start3A_129, %dma_start3A_130] : memref<10112x128xf32, #tpu.memory_space<vmem_shared>> -> memref<10112x128xf32, #tpu.memory_space<vmem_shared>>
        tpu.enqueue_indirect_dma source(%arg10 : memref<128x128xf32, #tpu.memory_space<vmem>>) target(%dma_start3A_131 : memref<10112x128xf32, #tpu.memory_space<vmem_shared>>) offsets(%dma_start3A_128 : memref<128xi32, #tpu.memory_space<vmem>>) semaphore(%run_scoped3A_125 : memref<!tpu.dma_semaphore, #tpu.memory_space<semaphore_mem>>) {add = true}
        %dma_wait3A_132 = arith.constant 0 : i32
        %dma_wait3A_133 = tpu.memref_slice %arg8[%add3A_107, %dma_wait3A_132] : memref<40x128xi32, #tpu.memory_space<vmem>> -> memref<1x128xi32, #tpu.memory_space<vmem>>
        %dma_wait3A_134 = tpu.memref_squeeze %dma_wait3A_133 : memref<1x128xi32, #tpu.memory_space<vmem>> -> memref<128xi32, #tpu.memory_space<vmem>>
        %dma_wait3A_135 = arith.constant 0 : i32
        %dma_wait3A_136 = arith.constant 0 : i32
        %dma_wait3A_137 = tpu.memref_slice %arg6[%dma_wait3A_135, %dma_wait3A_136] : memref<10112x128xf32, #tpu.memory_space<vmem_shared>> -> memref<10112x128xf32, #tpu.memory_space<vmem_shared>>
        tpu.wait_indirect_dma semaphore(%run_scoped3A_125 : memref<!tpu.dma_semaphore, #tpu.memory_space<semaphore_mem>>) src(%arg10 : memref<128x128xf32, #tpu.memory_space<vmem>>) dst(%dma_wait3A_137 : memref<10112x128xf32, #tpu.memory_space<vmem_shared>>)
        tpu.yield
      }) : () -> ()
      %add3A_108 = arith.constant 2 : i32
      %add3A_109 = arith.addi %add3A_96, %add3A_108 : i32
      %ge3A_110 = arith.constant 80 : i32
      %ge3A_111 = arith.cmpi sge, %add3A_109, %ge3A_110 : i32
      %add3A_112 = arith.constant 2 : i32
      %add3A_113 = arith.addi %add3A_96, %add3A_112 : i32
      %sub3A_114 = arith.constant 80 : i32
      %sub3A_115 = arith.subi %add3A_113, %sub3A_114 : i32
      %add3A_116 = arith.constant 2 : i32
      %add3A_117 = arith.addi %add3A_96, %add3A_116 : i32
      %select_n3A_118 = arith.select %ge3A_111, %sub3A_115, %add3A_117 : i32
      %dma_start3A_119 = arith.constant 0 : i32
      %dma_start3A_120 = tpu.memref_slice %arg7[%select_n3A_118, %dma_start3A_119] : memref<80x128xi32, #tpu.memory_space<vmem>> -> memref<1x128xi32, #tpu.memory_space<vmem>>
      %dma_start3A_121 = tpu.memref_squeeze %dma_start3A_120 : memref<1x128xi32, #tpu.memory_space<vmem>> -> memref<128xi32, #tpu.memory_space<vmem>>
      %dma_start3A_122 = arith.constant 0 : i32
      %dma_start3A_123 = arith.constant 0 : i32
      %dma_start3A_124 = tpu.memref_slice %arg2[%dma_start3A_122, %dma_start3A_123] : memref<10000x128xf32, #tpu.memory_space<hbm>> -> memref<10000x128xf32, #tpu.memory_space<hbm>>
      tpu.enqueue_indirect_dma source(%dma_start3A_124 : memref<10000x128xf32, #tpu.memory_space<hbm>>) target(%arg10 : memref<128x128xf32, #tpu.memory_space<vmem>>) offsets(%dma_start3A_121 : memref<128xi32, #tpu.memory_space<vmem>>) semaphore(%arg12 : memref<!tpu.dma_semaphore, #tpu.memory_space<semaphore_mem>>)
    }
    %scan3A_35 = arith.constant 20 : i32
    %run_scoped3A_36 = arith.constant 1 : i32
    "tpu.region"() ({
      %run_scoped3A_59 = tpu.sem_alloc : memref<!tpu.dma_semaphore, #tpu.memory_space<semaphore_mem>>
      %dma_start3A_60 = arith.constant 0 : i32
      %dma_start3A_61 = arith.constant 0 : i32
      %dma_start3A_62 = tpu.memref_slice %arg4[%add3A, %run_scoped3A_36, %dma_start3A_60, %dma_start3A_61] : memref<32x2x40x128xi32, #tpu.memory_space<hbm>> -> memref<1x1x40x128xi32, #tpu.memory_space<hbm>>
      %dma_start3A_63 = tpu.memref_squeeze %dma_start3A_62 : memref<1x1x40x128xi32, #tpu.memory_space<hbm>> -> memref<40x128xi32, #tpu.memory_space<hbm>>
      %dma_start3A_64 = arith.constant 0 : i32
      %dma_start3A_65 = arith.constant 0 : i32
      %dma_start3A_66 = tpu.memref_slice %arg4[%add3A, %run_scoped3A_36, %dma_start3A_64, %dma_start3A_65] : memref<32x2x40x128xi32, #tpu.memory_space<hbm>> -> memref<1x1x40x128xi32, #tpu.memory_space<hbm>>
      %dma_start3A_67 = tpu.memref_squeeze %dma_start3A_66 : memref<1x1x40x128xi32, #tpu.memory_space<hbm>> -> memref<40x128xi32, #tpu.memory_space<hbm>>
      tpu.enqueue_dma source(%dma_start3A_67 : memref<40x128xi32, #tpu.memory_space<hbm>>) target(%arg8 : memref<40x128xi32, #tpu.memory_space<vmem>>) target_semaphore(%run_scoped3A_59 : memref<!tpu.dma_semaphore, #tpu.memory_space<semaphore_mem>>)
      %dma_wait3A_68 = arith.constant 0 : i32
      %dma_wait3A_69 = arith.constant 0 : i32
      %dma_wait3A_70 = tpu.memref_slice %arg4[%add3A, %run_scoped3A_36, %dma_wait3A_68, %dma_wait3A_69] : memref<32x2x40x128xi32, #tpu.memory_space<hbm>> -> memref<1x1x40x128xi32, #tpu.memory_space<hbm>>
      %dma_wait3A_71 = tpu.memref_squeeze %dma_wait3A_70 : memref<1x1x40x128xi32, #tpu.memory_space<hbm>> -> memref<40x128xi32, #tpu.memory_space<hbm>>
      %dma_wait3A_72 = arith.constant 0 : i32
      %dma_wait3A_73 = arith.constant 0 : i32
      %dma_wait3A_74 = tpu.memref_slice %arg4[%add3A, %run_scoped3A_36, %dma_wait3A_72, %dma_wait3A_73] : memref<32x2x40x128xi32, #tpu.memory_space<hbm>> -> memref<1x1x40x128xi32, #tpu.memory_space<hbm>>
      %dma_wait3A_75 = tpu.memref_squeeze %dma_wait3A_74 : memref<1x1x40x128xi32, #tpu.memory_space<hbm>> -> memref<40x128xi32, #tpu.memory_space<hbm>>
      tpu.wait_dma2 semaphore(%run_scoped3A_59 : memref<!tpu.dma_semaphore, #tpu.memory_space<semaphore_mem>>) src(%dma_wait3A_75 : memref<40x128xi32, #tpu.memory_space<hbm>>) dst(%arg8 : memref<40x128xi32, #tpu.memory_space<vmem>>)
      tpu.yield
    }) : () -> ()
    %scan3A_37 = arith.constant 0 : i32
    %scan3A_38 = arith.constant 0 : i32
    %scan3A_39 = arith.constant 20 : i32
    %scan3A_40 = arith.addi %scan3A_38, %scan3A_39 : i32
    %scan3A_41 = arith.constant 1 : i32
    scf.for %scan3A_59 = %scan3A_38 to %scan3A_40 step %scan3A_41  : i32 {
      %mul3A_60 = arith.constant 2 : i32
      %mul3A_61 = arith.muli %scan3A_59, %mul3A_60 : i32
      %add3A_62 = arith.constant 40 : i32
      %add3A_63 = arith.addi %add3A_62, %mul3A_61 : i32
      %add3A_64 = arith.constant 0 : i32
      %add3A_65 = arith.addi %add3A_63, %add3A_64 : i32
      %dma_wait3A_66 = arith.constant 0 : i32
      %dma_wait3A_67 = arith.constant 0 : i32
      %dma_wait3A_68 = tpu.memref_slice %arg7[%dma_wait3A_66, %dma_wait3A_67] : memref<80x128xi32, #tpu.memory_space<vmem>> -> memref<1x128xi32, #tpu.memory_space<vmem>>
      %dma_wait3A_69 = tpu.memref_squeeze %dma_wait3A_68 : memref<1x128xi32, #tpu.memory_space<vmem>> -> memref<128xi32, #tpu.memory_space<vmem>>
      %dma_wait3A_70 = arith.constant 0 : i32
      %dma_wait3A_71 = arith.constant 0 : i32
      %dma_wait3A_72 = tpu.memref_slice %arg2[%dma_wait3A_70, %dma_wait3A_71] : memref<10000x128xf32, #tpu.memory_space<hbm>> -> memref<10000x128xf32, #tpu.memory_space<hbm>>
      tpu.wait_indirect_dma semaphore(%arg11 : memref<!tpu.dma_semaphore, #tpu.memory_space<semaphore_mem>>) src(%dma_wait3A_72 : memref<10000x128xf32, #tpu.memory_space<hbm>>) dst(%arg9 : memref<128x128xf32, #tpu.memory_space<vmem>>)
      %mul3A_73 = arith.constant 2 : i32
      %mul3A_74 = arith.muli %scan3A_59, %mul3A_73 : i32
      %add3A_75 = arith.constant 0 : i32
      %add3A_76 = arith.addi %mul3A_74, %add3A_75 : i32
      "tpu.region"() ({
        %run_scoped3A_125 = tpu.sem_alloc : memref<!tpu.dma_semaphore, #tpu.memory_space<semaphore_mem>>
        %dma_start3A_126 = arith.constant 0 : i32
        %dma_start3A_127 = tpu.memref_slice %arg8[%add3A_76, %dma_start3A_126] : memref<40x128xi32, #tpu.memory_space<vmem>> -> memref<1x128xi32, #tpu.memory_space<vmem>>
        %dma_start3A_128 = tpu.memref_squeeze %dma_start3A_127 : memref<1x128xi32, #tpu.memory_space<vmem>> -> memref<128xi32, #tpu.memory_space<vmem>>
        %dma_start3A_129 = arith.constant 0 : i32
        %dma_start3A_130 = arith.constant 0 : i32
        %dma_start3A_131 = tpu.memref_slice %arg6[%dma_start3A_129, %dma_start3A_130] : memref<10112x128xf32, #tpu.memory_space<vmem_shared>> -> memref<10112x128xf32, #tpu.memory_space<vmem_shared>>
        tpu.enqueue_indirect_dma source(%arg9 : memref<128x128xf32, #tpu.memory_space<vmem>>) target(%dma_start3A_131 : memref<10112x128xf32, #tpu.memory_space<vmem_shared>>) offsets(%dma_start3A_128 : memref<128xi32, #tpu.memory_space<vmem>>) semaphore(%run_scoped3A_125 : memref<!tpu.dma_semaphore, #tpu.memory_space<semaphore_mem>>) {add = true}
        %dma_wait3A_132 = arith.constant 0 : i32
        %dma_wait3A_133 = tpu.memref_slice %arg8[%add3A_76, %dma_wait3A_132] : memref<40x128xi32, #tpu.memory_space<vmem>> -> memref<1x128xi32, #tpu.memory_space<vmem>>
        %dma_wait3A_134 = tpu.memref_squeeze %dma_wait3A_133 : memref<1x128xi32, #tpu.memory_space<vmem>> -> memref<128xi32, #tpu.memory_space<vmem>>
        %dma_wait3A_135 = arith.constant 0 : i32
        %dma_wait3A_136 = arith.constant 0 : i32
        %dma_wait3A_137 = tpu.memref_slice %arg6[%dma_wait3A_135, %dma_wait3A_136] : memref<10112x128xf32, #tpu.memory_space<vmem_shared>> -> memref<10112x128xf32, #tpu.memory_space<vmem_shared>>
        tpu.wait_indirect_dma semaphore(%run_scoped3A_125 : memref<!tpu.dma_semaphore, #tpu.memory_space<semaphore_mem>>) src(%arg9 : memref<128x128xf32, #tpu.memory_space<vmem>>) dst(%dma_wait3A_137 : memref<10112x128xf32, #tpu.memory_space<vmem_shared>>)
        tpu.yield
      }) : () -> ()
      %add3A_77 = arith.constant 2 : i32
      %add3A_78 = arith.addi %add3A_65, %add3A_77 : i32
      %ge3A = arith.constant 80 : i32
      %ge3A_79 = arith.cmpi sge, %add3A_78, %ge3A : i32
      %add3A_80 = arith.constant 2 : i32
      %add3A_81 = arith.addi %add3A_65, %add3A_80 : i32
      %sub3A = arith.constant 80 : i32
      %sub3A_82 = arith.subi %add3A_81, %sub3A : i32
      %add3A_83 = arith.constant 2 : i32
      %add3A_84 = arith.addi %add3A_65, %add3A_83 : i32
      %select_n3A = arith.select %ge3A_79, %sub3A_82, %add3A_84 : i32
      %dma_start3A_85 = arith.constant 0 : i32
      %dma_start3A_86 = tpu.memref_slice %arg7[%select_n3A, %dma_start3A_85] : memref<80x128xi32, #tpu.memory_space<vmem>> -> memref<1x128xi32, #tpu.memory_space<vmem>>
      %dma_start3A_87 = tpu.memref_squeeze %dma_start3A_86 : memref<1x128xi32, #tpu.memory_space<vmem>> -> memref<128xi32, #tpu.memory_space<vmem>>
      %dma_start3A_88 = arith.constant 0 : i32
      %dma_start3A_89 = arith.constant 0 : i32
      %dma_start3A_90 = tpu.memref_slice %arg2[%dma_start3A_88, %dma_start3A_89] : memref<10000x128xf32, #tpu.memory_space<hbm>> -> memref<10000x128xf32, #tpu.memory_space<hbm>>
      tpu.enqueue_indirect_dma source(%dma_start3A_90 : memref<10000x128xf32, #tpu.memory_space<hbm>>) target(%arg9 : memref<128x128xf32, #tpu.memory_space<vmem>>) offsets(%dma_start3A_87 : memref<128xi32, #tpu.memory_space<vmem>>) semaphore(%arg11 : memref<!tpu.dma_semaphore, #tpu.memory_space<semaphore_mem>>)
      %mul3A_91 = arith.constant 2 : i32
      %mul3A_92 = arith.muli %scan3A_59, %mul3A_91 : i32
      %add3A_93 = arith.constant 40 : i32
      %add3A_94 = arith.addi %add3A_93, %mul3A_92 : i32
      %add3A_95 = arith.constant 1 : i32
      %add3A_96 = arith.addi %add3A_94, %add3A_95 : i32
      %dma_wait3A_97 = arith.constant 0 : i32
      %dma_wait3A_98 = arith.constant 0 : i32
      %dma_wait3A_99 = tpu.memref_slice %arg7[%dma_wait3A_97, %dma_wait3A_98] : memref<80x128xi32, #tpu.memory_space<vmem>> -> memref<1x128xi32, #tpu.memory_space<vmem>>
      %dma_wait3A_100 = tpu.memref_squeeze %dma_wait3A_99 : memref<1x128xi32, #tpu.memory_space<vmem>> -> memref<128xi32, #tpu.memory_space<vmem>>
      %dma_wait3A_101 = arith.constant 0 : i32
      %dma_wait3A_102 = arith.constant 0 : i32
      %dma_wait3A_103 = tpu.memref_slice %arg2[%dma_wait3A_101, %dma_wait3A_102] : memref<10000x128xf32, #tpu.memory_space<hbm>> -> memref<10000x128xf32, #tpu.memory_space<hbm>>
      tpu.wait_indirect_dma semaphore(%arg12 : memref<!tpu.dma_semaphore, #tpu.memory_space<semaphore_mem>>) src(%dma_wait3A_103 : memref<10000x128xf32, #tpu.memory_space<hbm>>) dst(%arg10 : memref<128x128xf32, #tpu.memory_space<vmem>>)
      %mul3A_104 = arith.constant 2 : i32
      %mul3A_105 = arith.muli %scan3A_59, %mul3A_104 : i32
      %add3A_106 = arith.constant 1 : i32
      %add3A_107 = arith.addi %mul3A_105, %add3A_106 : i32
      "tpu.region"() ({
        %run_scoped3A_125 = tpu.sem_alloc : memref<!tpu.dma_semaphore, #tpu.memory_space<semaphore_mem>>
        %dma_start3A_126 = arith.constant 0 : i32
        %dma_start3A_127 = tpu.memref_slice %arg8[%add3A_107, %dma_start3A_126] : memref<40x128xi32, #tpu.memory_space<vmem>> -> memref<1x128xi32, #tpu.memory_space<vmem>>
        %dma_start3A_128 = tpu.memref_squeeze %dma_start3A_127 : memref<1x128xi32, #tpu.memory_space<vmem>> -> memref<128xi32, #tpu.memory_space<vmem>>
        %dma_start3A_129 = arith.constant 0 : i32
        %dma_start3A_130 = arith.constant 0 : i32
        %dma_start3A_131 = tpu.memref_slice %arg6[%dma_start3A_129, %dma_start3A_130] : memref<10112x128xf32, #tpu.memory_space<vmem_shared>> -> memref<10112x128xf32, #tpu.memory_space<vmem_shared>>
        tpu.enqueue_indirect_dma source(%arg10 : memref<128x128xf32, #tpu.memory_space<vmem>>) target(%dma_start3A_131 : memref<10112x128xf32, #tpu.memory_space<vmem_shared>>) offsets(%dma_start3A_128 : memref<128xi32, #tpu.memory_space<vmem>>) semaphore(%run_scoped3A_125 : memref<!tpu.dma_semaphore, #tpu.memory_space<semaphore_mem>>) {add = true}
        %dma_wait3A_132 = arith.constant 0 : i32
        %dma_wait3A_133 = tpu.memref_slice %arg8[%add3A_107, %dma_wait3A_132] : memref<40x128xi32, #tpu.memory_space<vmem>> -> memref<1x128xi32, #tpu.memory_space<vmem>>
        %dma_wait3A_134 = tpu.memref_squeeze %dma_wait3A_133 : memref<1x128xi32, #tpu.memory_space<vmem>> -> memref<128xi32, #tpu.memory_space<vmem>>
        %dma_wait3A_135 = arith.constant 0 : i32
        %dma_wait3A_136 = arith.constant 0 : i32
        %dma_wait3A_137 = tpu.memref_slice %arg6[%dma_wait3A_135, %dma_wait3A_136] : memref<10112x128xf32, #tpu.memory_space<vmem_shared>> -> memref<10112x128xf32, #tpu.memory_space<vmem_shared>>
        tpu.wait_indirect_dma semaphore(%run_scoped3A_125 : memref<!tpu.dma_semaphore, #tpu.memory_space<semaphore_mem>>) src(%arg10 : memref<128x128xf32, #tpu.memory_space<vmem>>) dst(%dma_wait3A_137 : memref<10112x128xf32, #tpu.memory_space<vmem_shared>>)
        tpu.yield
      }) : () -> ()
      %add3A_108 = arith.constant 2 : i32
      %add3A_109 = arith.addi %add3A_96, %add3A_108 : i32
      %ge3A_110 = arith.constant 80 : i32
      %ge3A_111 = arith.cmpi sge, %add3A_109, %ge3A_110 : i32
      %add3A_112 = arith.constant 2 : i32
      %add3A_113 = arith.addi %add3A_96, %add3A_112 : i32
      %sub3A_114 = arith.constant 80 : i32
      %sub3A_115 = arith.subi %add3A_113, %sub3A_114 : i32
      %add3A_116 = arith.constant 2 : i32
      %add3A_117 = arith.addi %add3A_96, %add3A_116 : i32
      %select_n3A_118 = arith.select %ge3A_111, %sub3A_115, %add3A_117 : i32
      %dma_start3A_119 = arith.constant 0 : i32
      %dma_start3A_120 = tpu.memref_slice %arg7[%select_n3A_118, %dma_start3A_119] : memref<80x128xi32, #tpu.memory_space<vmem>> -> memref<1x128xi32, #tpu.memory_space<vmem>>
      %dma_start3A_121 = tpu.memref_squeeze %dma_start3A_120 : memref<1x128xi32, #tpu.memory_space<vmem>> -> memref<128xi32, #tpu.memory_space<vmem>>
      %dma_start3A_122 = arith.constant 0 : i32
      %dma_start3A_123 = arith.constant 0 : i32
      %dma_start3A_124 = tpu.memref_slice %arg2[%dma_start3A_122, %dma_start3A_123] : memref<10000x128xf32, #tpu.memory_space<hbm>> -> memref<10000x128xf32, #tpu.memory_space<hbm>>
      tpu.enqueue_indirect_dma source(%dma_start3A_124 : memref<10000x128xf32, #tpu.memory_space<hbm>>) target(%arg10 : memref<128x128xf32, #tpu.memory_space<vmem>>) offsets(%dma_start3A_121 : memref<128xi32, #tpu.memory_space<vmem>>) semaphore(%arg12 : memref<!tpu.dma_semaphore, #tpu.memory_space<semaphore_mem>>)
    }
    %scan3A_42 = arith.constant 20 : i32
    %dma_wait3A = arith.constant 0 : i32
    %dma_wait3A_43 = arith.constant 0 : i32
    %dma_wait3A_44 = tpu.memref_slice %arg7[%dma_wait3A, %dma_wait3A_43] : memref<80x128xi32, #tpu.memory_space<vmem>> -> memref<1x128xi32, #tpu.memory_space<vmem>>
    %dma_wait3A_45 = tpu.memref_squeeze %dma_wait3A_44 : memref<1x128xi32, #tpu.memory_space<vmem>> -> memref<128xi32, #tpu.memory_space<vmem>>
    %dma_wait3A_46 = arith.constant 0 : i32
    %dma_wait3A_47 = arith.constant 0 : i32
    %dma_wait3A_48 = tpu.memref_slice %arg2[%dma_wait3A_46, %dma_wait3A_47] : memref<10000x128xf32, #tpu.memory_space<hbm>> -> memref<10000x128xf32, #tpu.memory_space<hbm>>
    tpu.wait_indirect_dma semaphore(%arg11 : memref<!tpu.dma_semaphore, #tpu.memory_space<semaphore_mem>>) src(%dma_wait3A_48 : memref<10000x128xf32, #tpu.memory_space<hbm>>) dst(%arg9 : memref<128x128xf32, #tpu.memory_space<vmem>>)
    %dma_wait3A_49 = arith.constant 0 : i32
    %dma_wait3A_50 = arith.constant 0 : i32
    %dma_wait3A_51 = tpu.memref_slice %arg7[%dma_wait3A_49, %dma_wait3A_50] : memref<80x128xi32, #tpu.memory_space<vmem>> -> memref<1x128xi32, #tpu.memory_space<vmem>>
    %dma_wait3A_52 = tpu.memref_squeeze %dma_wait3A_51 : memref<1x128xi32, #tpu.memory_space<vmem>> -> memref<128xi32, #tpu.memory_space<vmem>>
    %dma_wait3A_53 = arith.constant 0 : i32
    %dma_wait3A_54 = arith.constant 0 : i32
    %dma_wait3A_55 = tpu.memref_slice %arg2[%dma_wait3A_53, %dma_wait3A_54] : memref<10000x128xf32, #tpu.memory_space<hbm>> -> memref<10000x128xf32, #tpu.memory_space<hbm>>
    tpu.wait_indirect_dma semaphore(%arg12 : memref<!tpu.dma_semaphore, #tpu.memory_space<semaphore_mem>>) src(%dma_wait3A_55 : memref<10000x128xf32, #tpu.memory_space<hbm>>) dst(%arg10 : memref<128x128xf32, #tpu.memory_space<vmem>>)
    %barrier3A_56 = arith.constant 0 : index
    tpu.barrier barrier_id(%barrier3A_56)
    %mul3A_57 = arith.constant 632 : i32
    %mul3A_58 = arith.muli %arg1, %mul3A_57 : i32
    "tpu.region"() ({
      %run_scoped3A_59 = tpu.sem_alloc : memref<!tpu.dma_semaphore, #tpu.memory_space<semaphore_mem>>
      %dma_start3A_60 = arith.constant 0 : i32
      %dma_start3A_61 = tpu.memref_slice %arg5[%arg0, %mul3A_58, %dma_start3A_60] : memref<2x10112x128xf32, #tpu.memory_space<hbm>> -> memref<1x632x128xf32, #tpu.memory_space<hbm>>
      %dma_start3A_62 = tpu.memref_squeeze %dma_start3A_61 : memref<1x632x128xf32, #tpu.memory_space<hbm>> -> memref<632x128xf32, #tpu.memory_space<hbm>>
      %dma_start3A_63 = arith.constant 0 : i32
      %dma_start3A_64 = tpu.memref_slice %arg6[%mul3A_58, %dma_start3A_63] : memref<10112x128xf32, #tpu.memory_space<vmem_shared>> -> memref<632x128xf32, #tpu.memory_space<vmem_shared>>
      tpu.enqueue_dma source(%dma_start3A_64 : memref<632x128xf32, #tpu.memory_space<vmem_shared>>) target(%dma_start3A_62 : memref<632x128xf32, #tpu.memory_space<hbm>>) target_semaphore(%run_scoped3A_59 : memref<!tpu.dma_semaphore, #tpu.memory_space<semaphore_mem>>)
      %dma_wait3A_65 = arith.constant 0 : i32
      %dma_wait3A_66 = tpu.memref_slice %arg5[%arg0, %mul3A_58, %dma_wait3A_65] : memref<2x10112x128xf32, #tpu.memory_space<hbm>> -> memref<1x632x128xf32, #tpu.memory_space<hbm>>
      %dma_wait3A_67 = tpu.memref_squeeze %dma_wait3A_66 : memref<1x632x128xf32, #tpu.memory_space<hbm>> -> memref<632x128xf32, #tpu.memory_space<hbm>>
      %dma_wait3A_68 = arith.constant 0 : i32
      %dma_wait3A_69 = tpu.memref_slice %arg6[%mul3A_58, %dma_wait3A_68] : memref<10112x128xf32, #tpu.memory_space<vmem_shared>> -> memref<632x128xf32, #tpu.memory_space<vmem_shared>>
      tpu.wait_dma2 semaphore(%run_scoped3A_59 : memref<!tpu.dma_semaphore, #tpu.memory_space<semaphore_mem>>) src(%dma_wait3A_69 : memref<632x128xf32, #tpu.memory_space<vmem_shared>>) dst(%dma_wait3A_67 : memref<632x128xf32, #tpu.memory_space<hbm>>)
      tpu.yield
    }) : () -> ()
    return
  }
}

#map = affine_map<(d0, d1) -> (0, 0, 0)>
#map1 = affine_map<(d0, d1) -> (0, 0)>
module attributes {stable_mosaic.version = 14 : i64} {
  func.func @_sc_deg_body(%arg0: i32, %arg1: i32, %arg2: memref<32x80x128xi32, #tpu.memory_space<hbm>>, %arg3: memref<128x128xf32, #tpu.memory_space<hbm>>, %arg4: memref<2x10112x128xf32, #tpu.memory_space<hbm>>, %arg5: memref<10112x128xf32, #tpu.memory_space<vmem_shared>>, %arg6: memref<80x128xi32, #tpu.memory_space<vmem>>, %arg7: memref<128x128xf32, #tpu.memory_space<vmem>>, %arg8: memref<64x128xf32, #tpu.memory_space<vmem>>) attributes {dimension_semantics = [#tpu.dimension_semantics<core_parallel>, #tpu.dimension_semantics<subcore_parallel>], iteration_bounds = array<i64: 2, 16>, scalar_prefetch = 0 : i64, scratch_operands = 4 : i64, tpu.core_type = #tpu.core_type<sc_vector_subcore>, window_params = [{transform_indices = #map}, {transform_indices = #map1}, {transform_indices = #map}]} {
    %mul3A = arith.constant 16 : i32
    %mul3A_0 = arith.muli %arg0, %mul3A : i32
    %add3A = arith.addi %mul3A_0, %arg1 : i32
    %broadcast_in_dim3A = arith.constant 0.000000e+00 : f32
    %broadcast_in_dim3A_1 = vector.broadcast %broadcast_in_dim3A : f32 to vector<16xf32>
    %scan3A = arith.constant 0 : i32
    %scan3A_2 = arith.constant 0 : i32
    %scan3A_3 = arith.constant 64 : i32
    %scan3A_4 = arith.addi %scan3A_2, %scan3A_3 : i32
    %scan3A_5 = arith.constant 1 : i32
    scf.for %scan3A_26 = %scan3A_2 to %scan3A_4 step %scan3A_5  : i32 {
      %swap3A = arith.index_cast %scan3A_26 : i32 to index
      %swap3A_27 = arith.constant 0 : index
      %swap3A_28 = tpu.vector_load %arg8[%swap3A, %swap3A_27] {strides = array<i32>} : memref<64x128xf32, #tpu.memory_space<vmem>>, vector<1x16xf32>,
      %swap3A_29 = vector.shape_cast %swap3A_28 : vector<1x16xf32> to vector<16xf32>
      %swap3A_30 = vector.shape_cast %broadcast_in_dim3A_1 : vector<16xf32> to vector<1x16xf32>
      tpu.vector_store %arg8[%swap3A, %swap3A_27], %swap3A_30 {strides = array<i32>} : memref<64x128xf32, #tpu.memory_space<vmem>>, vector<1x16xf32>,
      %swap3A_31 = arith.index_cast %scan3A_26 : i32 to index
      %swap3A_32 = arith.constant 16 : index
      %swap3A_33 = tpu.vector_load %arg8[%swap3A_31, %swap3A_32] {strides = array<i32>} : memref<64x128xf32, #tpu.memory_space<vmem>>, vector<1x16xf32>,
      %swap3A_34 = vector.shape_cast %swap3A_33 : vector<1x16xf32> to vector<16xf32>
      %swap3A_35 = vector.shape_cast %broadcast_in_dim3A_1 : vector<16xf32> to vector<1x16xf32>
      tpu.vector_store %arg8[%swap3A_31, %swap3A_32], %swap3A_35 {strides = array<i32>} : memref<64x128xf32, #tpu.memory_space<vmem>>, vector<1x16xf32>,
      %swap3A_36 = arith.index_cast %scan3A_26 : i32 to index
      %swap3A_37 = arith.constant 32 : index
      %swap3A_38 = tpu.vector_load %arg8[%swap3A_36, %swap3A_37] {strides = array<i32>} : memref<64x128xf32, #tpu.memory_space<vmem>>, vector<1x16xf32>,
      %swap3A_39 = vector.shape_cast %swap3A_38 : vector<1x16xf32> to vector<16xf32>
      %swap3A_40 = vector.shape_cast %broadcast_in_dim3A_1 : vector<16xf32> to vector<1x16xf32>
      tpu.vector_store %arg8[%swap3A_36, %swap3A_37], %swap3A_40 {strides = array<i32>} : memref<64x128xf32, #tpu.memory_space<vmem>>, vector<1x16xf32>,
      %swap3A_41 = arith.index_cast %scan3A_26 : i32 to index
      %swap3A_42 = arith.constant 48 : index
      %swap3A_43 = tpu.vector_load %arg8[%swap3A_41, %swap3A_42] {strides = array<i32>} : memref<64x128xf32, #tpu.memory_space<vmem>>, vector<1x16xf32>,
      %swap3A_44 = vector.shape_cast %swap3A_43 : vector<1x16xf32> to vector<16xf32>
      %swap3A_45 = vector.shape_cast %broadcast_in_dim3A_1 : vector<16xf32> to vector<1x16xf32>
      tpu.vector_store %arg8[%swap3A_41, %swap3A_42], %swap3A_45 {strides = array<i32>} : memref<64x128xf32, #tpu.memory_space<vmem>>, vector<1x16xf32>,
      %swap3A_46 = arith.index_cast %scan3A_26 : i32 to index
      %swap3A_47 = arith.constant 64 : index
      %swap3A_48 = tpu.vector_load %arg8[%swap3A_46, %swap3A_47] {strides = array<i32>} : memref<64x128xf32, #tpu.memory_space<vmem>>, vector<1x16xf32>,
      %swap3A_49 = vector.shape_cast %swap3A_48 : vector<1x16xf32> to vector<16xf32>
      %swap3A_50 = vector.shape_cast %broadcast_in_dim3A_1 : vector<16xf32> to vector<1x16xf32>
      tpu.vector_store %arg8[%swap3A_46, %swap3A_47], %swap3A_50 {strides = array<i32>} : memref<64x128xf32, #tpu.memory_space<vmem>>, vector<1x16xf32>,
      %swap3A_51 = arith.index_cast %scan3A_26 : i32 to index
      %swap3A_52 = arith.constant 80 : index
      %swap3A_53 = tpu.vector_load %arg8[%swap3A_51, %swap3A_52] {strides = array<i32>} : memref<64x128xf32, #tpu.memory_space<vmem>>, vector<1x16xf32>,
      %swap3A_54 = vector.shape_cast %swap3A_53 : vector<1x16xf32> to vector<16xf32>
      %swap3A_55 = vector.shape_cast %broadcast_in_dim3A_1 : vector<16xf32> to vector<1x16xf32>
      tpu.vector_store %arg8[%swap3A_51, %swap3A_52], %swap3A_55 {strides = array<i32>} : memref<64x128xf32, #tpu.memory_space<vmem>>, vector<1x16xf32>,
      %swap3A_56 = arith.index_cast %scan3A_26 : i32 to index
      %swap3A_57 = arith.constant 96 : index
      %swap3A_58 = tpu.vector_load %arg8[%swap3A_56, %swap3A_57] {strides = array<i32>} : memref<64x128xf32, #tpu.memory_space<vmem>>, vector<1x16xf32>,
      %swap3A_59 = vector.shape_cast %swap3A_58 : vector<1x16xf32> to vector<16xf32>
      %swap3A_60 = vector.shape_cast %broadcast_in_dim3A_1 : vector<16xf32> to vector<1x16xf32>
      tpu.vector_store %arg8[%swap3A_56, %swap3A_57], %swap3A_60 {strides = array<i32>} : memref<64x128xf32, #tpu.memory_space<vmem>>, vector<1x16xf32>,
      %swap3A_61 = arith.index_cast %scan3A_26 : i32 to index
      %swap3A_62 = arith.constant 112 : index
      %swap3A_63 = tpu.vector_load %arg8[%swap3A_61, %swap3A_62] {strides = array<i32>} : memref<64x128xf32, #tpu.memory_space<vmem>>, vector<1x16xf32>,
      %swap3A_64 = vector.shape_cast %swap3A_63 : vector<1x16xf32> to vector<16xf32>
      %swap3A_65 = vector.shape_cast %broadcast_in_dim3A_1 : vector<16xf32> to vector<1x16xf32>
      tpu.vector_store %arg8[%swap3A_61, %swap3A_62], %swap3A_65 {strides = array<i32>} : memref<64x128xf32, #tpu.memory_space<vmem>>, vector<1x16xf32>,
    }
    %scan3A_6 = arith.constant 64 : i32
    %mul3A_7 = arith.constant 632 : i32
    %mul3A_8 = arith.muli %arg1, %mul3A_7 : i32
    %scan3A_9 = arith.constant 0 : i32
    %scan3A_10 = arith.constant 0 : i32
    %scan3A_11 = arith.constant 9 : i32
    %scan3A_12 = arith.addi %scan3A_10, %scan3A_11 : i32
    %scan3A_13 = arith.constant 1 : i32
    scf.for %scan3A_26 = %scan3A_10 to %scan3A_12 step %scan3A_13  : i32 {
      %mul3A_27 = arith.constant 64 : i32
      %mul3A_28 = arith.muli %scan3A_26, %mul3A_27 : i32
      %add3A_29 = arith.addi %mul3A_8, %mul3A_28 : i32
      "tpu.region"() ({
        %run_scoped3A = tpu.sem_alloc : memref<!tpu.dma_semaphore, #tpu.memory_space<semaphore_mem>>
        %dma_start3A = arith.constant 0 : i32
        %dma_start3A_30 = tpu.memref_slice %arg5[%add3A_29, %dma_start3A] : memref<10112x128xf32, #tpu.memory_space<vmem_shared>> -> memref<64x128xf32, #tpu.memory_space<vmem_shared>>
        %dma_start3A_31 = arith.constant 0 : i32
        %dma_start3A_32 = tpu.memref_slice %arg5[%add3A_29, %dma_start3A_31] : memref<10112x128xf32, #tpu.memory_space<vmem_shared>> -> memref<64x128xf32, #tpu.memory_space<vmem_shared>>
        tpu.enqueue_dma source(%arg8 : memref<64x128xf32, #tpu.memory_space<vmem>>) target(%dma_start3A_32 : memref<64x128xf32, #tpu.memory_space<vmem_shared>>) target_semaphore(%run_scoped3A : memref<!tpu.dma_semaphore, #tpu.memory_space<semaphore_mem>>)
        %dma_wait3A = arith.constant 0 : i32
        %dma_wait3A_33 = tpu.memref_slice %arg5[%add3A_29, %dma_wait3A] : memref<10112x128xf32, #tpu.memory_space<vmem_shared>> -> memref<64x128xf32, #tpu.memory_space<vmem_shared>>
        %dma_wait3A_34 = arith.constant 0 : i32
        %dma_wait3A_35 = tpu.memref_slice %arg5[%add3A_29, %dma_wait3A_34] : memref<10112x128xf32, #tpu.memory_space<vmem_shared>> -> memref<64x128xf32, #tpu.memory_space<vmem_shared>>
        tpu.wait_dma2 semaphore(%run_scoped3A : memref<!tpu.dma_semaphore, #tpu.memory_space<semaphore_mem>>) src(%arg8 : memref<64x128xf32, #tpu.memory_space<vmem>>) dst(%dma_wait3A_35 : memref<64x128xf32, #tpu.memory_space<vmem_shared>>)
        tpu.yield
      }) : () -> ()
    }
    %scan3A_14 = arith.constant 9 : i32
    %add3A_15 = arith.constant 576 : i32
    %add3A_16 = arith.addi %mul3A_8, %add3A_15 : i32
    "tpu.region"() ({
      %run_scoped3A = tpu.sem_alloc : memref<!tpu.dma_semaphore, #tpu.memory_space<semaphore_mem>>
      %dma_start3A = arith.constant 0 : i32
      %dma_start3A_26 = arith.constant 0 : i32
      %dma_start3A_27 = tpu.memref_slice %arg8[%dma_start3A, %dma_start3A_26] : memref<64x128xf32, #tpu.memory_space<vmem>> -> memref<56x128xf32, #tpu.memory_space<vmem>>
      %dma_start3A_28 = arith.constant 0 : i32
      %dma_start3A_29 = tpu.memref_slice %arg5[%add3A_16, %dma_start3A_28] : memref<10112x128xf32, #tpu.memory_space<vmem_shared>> -> memref<56x128xf32, #tpu.memory_space<vmem_shared>>
      %dma_start3A_30 = arith.constant 0 : i32
      %dma_start3A_31 = tpu.memref_slice %arg5[%add3A_16, %dma_start3A_30] : memref<10112x128xf32, #tpu.memory_space<vmem_shared>> -> memref<56x128xf32, #tpu.memory_space<vmem_shared>>
      %dma_start3A_32 = arith.constant 0 : i32
      %dma_start3A_33 = arith.constant 0 : i32
      %dma_start3A_34 = tpu.memref_slice %arg8[%dma_start3A_32, %dma_start3A_33] : memref<64x128xf32, #tpu.memory_space<vmem>> -> memref<56x128xf32, #tpu.memory_space<vmem>>
      tpu.enqueue_dma source(%dma_start3A_34 : memref<56x128xf32, #tpu.memory_space<vmem>>) target(%dma_start3A_31 : memref<56x128xf32, #tpu.memory_space<vmem_shared>>) target_semaphore(%run_scoped3A : memref<!tpu.dma_semaphore, #tpu.memory_space<semaphore_mem>>)
      %dma_wait3A = arith.constant 0 : i32
      %dma_wait3A_35 = arith.constant 0 : i32
      %dma_wait3A_36 = tpu.memref_slice %arg8[%dma_wait3A, %dma_wait3A_35] : memref<64x128xf32, #tpu.memory_space<vmem>> -> memref<56x128xf32, #tpu.memory_space<vmem>>
      %dma_wait3A_37 = arith.constant 0 : i32
      %dma_wait3A_38 = tpu.memref_slice %arg5[%add3A_16, %dma_wait3A_37] : memref<10112x128xf32, #tpu.memory_space<vmem_shared>> -> memref<56x128xf32, #tpu.memory_space<vmem_shared>>
      %dma_wait3A_39 = arith.constant 0 : i32
      %dma_wait3A_40 = tpu.memref_slice %arg5[%add3A_16, %dma_wait3A_39] : memref<10112x128xf32, #tpu.memory_space<vmem_shared>> -> memref<56x128xf32, #tpu.memory_space<vmem_shared>>
      %dma_wait3A_41 = arith.constant 0 : i32
      %dma_wait3A_42 = arith.constant 0 : i32
      %dma_wait3A_43 = tpu.memref_slice %arg8[%dma_wait3A_41, %dma_wait3A_42] : memref<64x128xf32, #tpu.memory_space<vmem>> -> memref<56x128xf32, #tpu.memory_space<vmem>>
      tpu.wait_dma2 semaphore(%run_scoped3A : memref<!tpu.dma_semaphore, #tpu.memory_space<semaphore_mem>>) src(%dma_wait3A_43 : memref<56x128xf32, #tpu.memory_space<vmem>>) dst(%dma_wait3A_40 : memref<56x128xf32, #tpu.memory_space<vmem_shared>>)
      tpu.yield
    }) : () -> ()
    "tpu.region"() ({
      %run_scoped3A = tpu.sem_alloc : memref<!tpu.dma_semaphore, #tpu.memory_space<semaphore_mem>>
      tpu.enqueue_dma source(%arg3 : memref<128x128xf32, #tpu.memory_space<hbm>>) target(%arg7 : memref<128x128xf32, #tpu.memory_space<vmem>>) target_semaphore(%run_scoped3A : memref<!tpu.dma_semaphore, #tpu.memory_space<semaphore_mem>>)
      tpu.wait_dma2 semaphore(%run_scoped3A : memref<!tpu.dma_semaphore, #tpu.memory_space<semaphore_mem>>) src(%arg3 : memref<128x128xf32, #tpu.memory_space<hbm>>) dst(%arg7 : memref<128x128xf32, #tpu.memory_space<vmem>>)
      tpu.yield
    }) : () -> ()
    "tpu.region"() ({
      %run_scoped3A = tpu.sem_alloc : memref<!tpu.dma_semaphore, #tpu.memory_space<semaphore_mem>>
      %dma_start3A = arith.constant 0 : i32
      %dma_start3A_26 = arith.constant 0 : i32
      %dma_start3A_27 = tpu.memref_slice %arg2[%add3A, %dma_start3A, %dma_start3A_26] : memref<32x80x128xi32, #tpu.memory_space<hbm>> -> memref<1x80x128xi32, #tpu.memory_space<hbm>>
      %dma_start3A_28 = tpu.memref_squeeze %dma_start3A_27 : memref<1x80x128xi32, #tpu.memory_space<hbm>> -> memref<80x128xi32, #tpu.memory_space<hbm>>
      %dma_start3A_29 = arith.constant 0 : i32
      %dma_start3A_30 = arith.constant 0 : i32
      %dma_start3A_31 = tpu.memref_slice %arg2[%add3A, %dma_start3A_29, %dma_start3A_30] : memref<32x80x128xi32, #tpu.memory_space<hbm>> -> memref<1x80x128xi32, #tpu.memory_space<hbm>>
      %dma_start3A_32 = tpu.memref_squeeze %dma_start3A_31 : memref<1x80x128xi32, #tpu.memory_space<hbm>> -> memref<80x128xi32, #tpu.memory_space<hbm>>
      tpu.enqueue_dma source(%dma_start3A_32 : memref<80x128xi32, #tpu.memory_space<hbm>>) target(%arg6 : memref<80x128xi32, #tpu.memory_space<vmem>>) target_semaphore(%run_scoped3A : memref<!tpu.dma_semaphore, #tpu.memory_space<semaphore_mem>>)
      %dma_wait3A = arith.constant 0 : i32
      %dma_wait3A_33 = arith.constant 0 : i32
      %dma_wait3A_34 = tpu.memref_slice %arg2[%add3A, %dma_wait3A, %dma_wait3A_33] : memref<32x80x128xi32, #tpu.memory_space<hbm>> -> memref<1x80x128xi32, #tpu.memory_space<hbm>>
      %dma_wait3A_35 = tpu.memref_squeeze %dma_wait3A_34 : memref<1x80x128xi32, #tpu.memory_space<hbm>> -> memref<80x128xi32, #tpu.memory_space<hbm>>
      %dma_wait3A_36 = arith.constant 0 : i32
      %dma_wait3A_37 = arith.constant 0 : i32
      %dma_wait3A_38 = tpu.memref_slice %arg2[%add3A, %dma_wait3A_36, %dma_wait3A_37] : memref<32x80x128xi32, #tpu.memory_space<hbm>> -> memref<1x80x128xi32, #tpu.memory_space<hbm>>
      %dma_wait3A_39 = tpu.memref_squeeze %dma_wait3A_38 : memref<1x80x128xi32, #tpu.memory_space<hbm>> -> memref<80x128xi32, #tpu.memory_space<hbm>>
      tpu.wait_dma2 semaphore(%run_scoped3A : memref<!tpu.dma_semaphore, #tpu.memory_space<semaphore_mem>>) src(%dma_wait3A_39 : memref<80x128xi32, #tpu.memory_space<hbm>>) dst(%arg6 : memref<80x128xi32, #tpu.memory_space<vmem>>)
      tpu.yield
    }) : () -> ()
    %barrier3A = arith.constant 0 : index
    tpu.barrier barrier_id(%barrier3A)
    %scan3A_17 = arith.constant 0 : i32
    %scan3A_18 = arith.constant 0 : i32
    %scan3A_19 = arith.constant 80 : i32
    %scan3A_20 = arith.addi %scan3A_18, %scan3A_19 : i32
    %scan3A_21 = arith.constant 1 : i32
    scf.for %scan3A_26 = %scan3A_18 to %scan3A_20 step %scan3A_21  : i32 {
      "tpu.region"() ({
        %run_scoped3A = tpu.sem_alloc : memref<!tpu.dma_semaphore, #tpu.memory_space<semaphore_mem>>
        %dma_start3A = arith.constant 0 : i32
        %dma_start3A_27 = tpu.memref_slice %arg6[%scan3A_26, %dma_start3A] : memref<80x128xi32, #tpu.memory_space<vmem>> -> memref<1x128xi32, #tpu.memory_space<vmem>>
        %dma_start3A_28 = tpu.memref_squeeze %dma_start3A_27 : memref<1x128xi32, #tpu.memory_space<vmem>> -> memref<128xi32, #tpu.memory_space<vmem>>
        %dma_start3A_29 = arith.constant 0 : i32
        %dma_start3A_30 = arith.constant 0 : i32
        %dma_start3A_31 = tpu.memref_slice %arg5[%dma_start3A_29, %dma_start3A_30] : memref<10112x128xf32, #tpu.memory_space<vmem_shared>> -> memref<10112x128xf32, #tpu.memory_space<vmem_shared>>
        tpu.enqueue_indirect_dma source(%arg7 : memref<128x128xf32, #tpu.memory_space<vmem>>) target(%dma_start3A_31 : memref<10112x128xf32, #tpu.memory_space<vmem_shared>>) offsets(%dma_start3A_28 : memref<128xi32, #tpu.memory_space<vmem>>) semaphore(%run_scoped3A : memref<!tpu.dma_semaphore, #tpu.memory_space<semaphore_mem>>) {add = true}
        %dma_wait3A = arith.constant 0 : i32
        %dma_wait3A_32 = tpu.memref_slice %arg6[%scan3A_26, %dma_wait3A] : memref<80x128xi32, #tpu.memory_space<vmem>> -> memref<1x128xi32, #tpu.memory_space<vmem>>
        %dma_wait3A_33 = tpu.memref_squeeze %dma_wait3A_32 : memref<1x128xi32, #tpu.memory_space<vmem>> -> memref<128xi32, #tpu.memory_space<vmem>>
        %dma_wait3A_34 = arith.constant 0 : i32
        %dma_wait3A_35 = arith.constant 0 : i32
        %dma_wait3A_36 = tpu.memref_slice %arg5[%dma_wait3A_34, %dma_wait3A_35] : memref<10112x128xf32, #tpu.memory_space<vmem_shared>> -> memref<10112x128xf32, #tpu.memory_space<vmem_shared>>
        tpu.wait_indirect_dma semaphore(%run_scoped3A : memref<!tpu.dma_semaphore, #tpu.memory_space<semaphore_mem>>) src(%arg7 : memref<128x128xf32, #tpu.memory_space<vmem>>) dst(%dma_wait3A_36 : memref<10112x128xf32, #tpu.memory_space<vmem_shared>>)
        tpu.yield
      }) : () -> ()
    }
    %scan3A_22 = arith.constant 80 : i32
    %barrier3A_23 = arith.constant 0 : index
    tpu.barrier barrier_id(%barrier3A_23)
    %mul3A_24 = arith.constant 632 : i32
    %mul3A_25 = arith.muli %arg1, %mul3A_24 : i32
    "tpu.region"() ({
      %run_scoped3A = tpu.sem_alloc : memref<!tpu.dma_semaphore, #tpu.memory_space<semaphore_mem>>
      %dma_start3A = arith.constant 0 : i32
      %dma_start3A_26 = tpu.memref_slice %arg4[%arg0, %mul3A_25, %dma_start3A] : memref<2x10112x128xf32, #tpu.memory_space<hbm>> -> memref<1x632x128xf32, #tpu.memory_space<hbm>>
      %dma_start3A_27 = tpu.memref_squeeze %dma_start3A_26 : memref<1x632x128xf32, #tpu.memory_space<hbm>> -> memref<632x128xf32, #tpu.memory_space<hbm>>
      %dma_start3A_28 = arith.constant 0 : i32
      %dma_start3A_29 = tpu.memref_slice %arg5[%mul3A_25, %dma_start3A_28] : memref<10112x128xf32, #tpu.memory_space<vmem_shared>> -> memref<632x128xf32, #tpu.memory_space<vmem_shared>>
      tpu.enqueue_dma source(%dma_start3A_29 : memref<632x128xf32, #tpu.memory_space<vmem_shared>>) target(%dma_start3A_27 : memref<632x128xf32, #tpu.memory_space<hbm>>) target_semaphore(%run_scoped3A : memref<!tpu.dma_semaphore, #tpu.memory_space<semaphore_mem>>)
      %dma_wait3A = arith.constant 0 : i32
      %dma_wait3A_30 = tpu.memref_slice %arg4[%arg0, %mul3A_25, %dma_wait3A] : memref<2x10112x128xf32, #tpu.memory_space<hbm>> -> memref<1x632x128xf32, #tpu.memory_space<hbm>>
      %dma_wait3A_31 = tpu.memref_squeeze %dma_wait3A_30 : memref<1x632x128xf32, #tpu.memory_space<hbm>> -> memref<632x128xf32, #tpu.memory_space<hbm>>
      %dma_wait3A_32 = arith.constant 0 : i32
      %dma_wait3A_33 = tpu.memref_slice %arg5[%mul3A_25, %dma_wait3A_32] : memref<10112x128xf32, #tpu.memory_space<vmem_shared>> -> memref<632x128xf32, #tpu.memory_space<vmem_shared>>
      tpu.wait_dma2 semaphore(%run_scoped3A : memref<!tpu.dma_semaphore, #tpu.memory_space<semaphore_mem>>) src(%dma_wait3A_33 : memref<632x128xf32, #tpu.memory_space<vmem_shared>>) dst(%dma_wait3A_31 : memref<632x128xf32, #tpu.memory_space<hbm>>)
      tpu.yield
    }) : () -> ()
    return
  }
}

#map = affine_map<(d0, d1) -> (0, 0)>
#map1 = affine_map<(d0, d1) -> (0, 0, 0)>
#map2 = affine_map<(d0, d1) -> (0, 0, 0, 0)>
module attributes {stable_mosaic.version = 14 : i64} {
  func.func @_sc_agg_body(%arg0: i32, %arg1: i32, %arg2: memref<10000x128xf32, #tpu.memory_space<hbm>>, %arg3: memref<32x80x128xi32, #tpu.memory_space<hbm>>, %arg4: memref<32x2x40x128xi32, #tpu.memory_space<hbm>>, %arg5: memref<2x10112x128xf32, #tpu.memory_space<hbm>>, %arg6: memref<10112x128xf32, #tpu.memory_space<vmem_shared>>, %arg7: memref<80x128xi32, #tpu.memory_space<vmem>>, %arg8: memref<40x128xi32, #tpu.memory_space<vmem>>, %arg9: memref<128x128xf32, #tpu.memory_space<vmem>>, %arg10: memref<128x128xf32, #tpu.memory_space<vmem>>, %arg11: memref<!tpu.dma_semaphore, #tpu.memory_space<semaphore_mem>>, %arg12: memref<!tpu.dma_semaphore, #tpu.memory_space<semaphore_mem>>) attributes {dimension_semantics = [#tpu.dimension_semantics<core_parallel>, #tpu.dimension_semantics<subcore_parallel>], iteration_bounds = array<i64: 2, 16>, scalar_prefetch = 0 : i64, scratch_operands = 7 : i64, tpu.core_type = #tpu.core_type<sc_vector_subcore>, window_params = [{transform_indices = #map}, {transform_indices = #map1}, {transform_indices = #map2}, {transform_indices = #map1}]} {
    %mul3A = arith.constant 16 : i32
    %mul3A_0 = arith.muli %arg0, %mul3A : i32
    %add3A = arith.addi %mul3A_0, %arg1 : i32
    %broadcast_in_dim3A = arith.constant 0.000000e+00 : f32
    %broadcast_in_dim3A_1 = vector.broadcast %broadcast_in_dim3A : f32 to vector<16xf32>
    %scan3A = arith.constant 0 : i32
    %scan3A_2 = arith.constant 0 : i32
    %scan3A_3 = arith.constant 128 : i32
    %scan3A_4 = arith.addi %scan3A_2, %scan3A_3 : i32
    %scan3A_5 = arith.constant 1 : i32
    scf.for %scan3A_59 = %scan3A_2 to %scan3A_4 step %scan3A_5  : i32 {
      %swap3A = arith.index_cast %scan3A_59 : i32 to index
      %swap3A_60 = arith.constant 0 : index
      %swap3A_61 = tpu.vector_load %arg9[%swap3A, %swap3A_60] {strides = array<i32>} : memref<128x128xf32, #tpu.memory_space<vmem>>, vector<1x16xf32>,
      %swap3A_62 = vector.shape_cast %swap3A_61 : vector<1x16xf32> to vector<16xf32>
      %swap3A_63 = vector.shape_cast %broadcast_in_dim3A_1 : vector<16xf32> to vector<1x16xf32>
      tpu.vector_store %arg9[%swap3A, %swap3A_60], %swap3A_63 {strides = array<i32>} : memref<128x128xf32, #tpu.memory_space<vmem>>, vector<1x16xf32>,
      %swap3A_64 = arith.index_cast %scan3A_59 : i32 to index
      %swap3A_65 = arith.constant 16 : index
      %swap3A_66 = tpu.vector_load %arg9[%swap3A_64, %swap3A_65] {strides = array<i32>} : memref<128x128xf32, #tpu.memory_space<vmem>>, vector<1x16xf32>,
      %swap3A_67 = vector.shape_cast %swap3A_66 : vector<1x16xf32> to vector<16xf32>
      %swap3A_68 = vector.shape_cast %broadcast_in_dim3A_1 : vector<16xf32> to vector<1x16xf32>
      tpu.vector_store %arg9[%swap3A_64, %swap3A_65], %swap3A_68 {strides = array<i32>} : memref<128x128xf32, #tpu.memory_space<vmem>>, vector<1x16xf32>,
      %swap3A_69 = arith.index_cast %scan3A_59 : i32 to index
      %swap3A_70 = arith.constant 32 : index
      %swap3A_71 = tpu.vector_load %arg9[%swap3A_69, %swap3A_70] {strides = array<i32>} : memref<128x128xf32, #tpu.memory_space<vmem>>, vector<1x16xf32>,
      %swap3A_72 = vector.shape_cast %swap3A_71 : vector<1x16xf32> to vector<16xf32>
      %swap3A_73 = vector.shape_cast %broadcast_in_dim3A_1 : vector<16xf32> to vector<1x16xf32>
      tpu.vector_store %arg9[%swap3A_69, %swap3A_70], %swap3A_73 {strides = array<i32>} : memref<128x128xf32, #tpu.memory_space<vmem>>, vector<1x16xf32>,
      %swap3A_74 = arith.index_cast %scan3A_59 : i32 to index
      %swap3A_75 = arith.constant 48 : index
      %swap3A_76 = tpu.vector_load %arg9[%swap3A_74, %swap3A_75] {strides = array<i32>} : memref<128x128xf32, #tpu.memory_space<vmem>>, vector<1x16xf32>,
      %swap3A_77 = vector.shape_cast %swap3A_76 : vector<1x16xf32> to vector<16xf32>
      %swap3A_78 = vector.shape_cast %broadcast_in_dim3A_1 : vector<16xf32> to vector<1x16xf32>
      tpu.vector_store %arg9[%swap3A_74, %swap3A_75], %swap3A_78 {strides = array<i32>} : memref<128x128xf32, #tpu.memory_space<vmem>>, vector<1x16xf32>,
      %swap3A_79 = arith.index_cast %scan3A_59 : i32 to index
      %swap3A_80 = arith.constant 64 : index
      %swap3A_81 = tpu.vector_load %arg9[%swap3A_79, %swap3A_80] {strides = array<i32>} : memref<128x128xf32, #tpu.memory_space<vmem>>, vector<1x16xf32>,
      %swap3A_82 = vector.shape_cast %swap3A_81 : vector<1x16xf32> to vector<16xf32>
      %swap3A_83 = vector.shape_cast %broadcast_in_dim3A_1 : vector<16xf32> to vector<1x16xf32>
      tpu.vector_store %arg9[%swap3A_79, %swap3A_80], %swap3A_83 {strides = array<i32>} : memref<128x128xf32, #tpu.memory_space<vmem>>, vector<1x16xf32>,
      %swap3A_84 = arith.index_cast %scan3A_59 : i32 to index
      %swap3A_85 = arith.constant 80 : index
      %swap3A_86 = tpu.vector_load %arg9[%swap3A_84, %swap3A_85] {strides = array<i32>} : memref<128x128xf32, #tpu.memory_space<vmem>>, vector<1x16xf32>,
      %swap3A_87 = vector.shape_cast %swap3A_86 : vector<1x16xf32> to vector<16xf32>
      %swap3A_88 = vector.shape_cast %broadcast_in_dim3A_1 : vector<16xf32> to vector<1x16xf32>
      tpu.vector_store %arg9[%swap3A_84, %swap3A_85], %swap3A_88 {strides = array<i32>} : memref<128x128xf32, #tpu.memory_space<vmem>>, vector<1x16xf32>,
      %swap3A_89 = arith.index_cast %scan3A_59 : i32 to index
      %swap3A_90 = arith.constant 96 : index
      %swap3A_91 = tpu.vector_load %arg9[%swap3A_89, %swap3A_90] {strides = array<i32>} : memref<128x128xf32, #tpu.memory_space<vmem>>, vector<1x16xf32>,
      %swap3A_92 = vector.shape_cast %swap3A_91 : vector<1x16xf32> to vector<16xf32>
      %swap3A_93 = vector.shape_cast %broadcast_in_dim3A_1 : vector<16xf32> to vector<1x16xf32>
      tpu.vector_store %arg9[%swap3A_89, %swap3A_90], %swap3A_93 {strides = array<i32>} : memref<128x128xf32, #tpu.memory_space<vmem>>, vector<1x16xf32>,
      %swap3A_94 = arith.index_cast %scan3A_59 : i32 to index
      %swap3A_95 = arith.constant 112 : index
      %swap3A_96 = tpu.vector_load %arg9[%swap3A_94, %swap3A_95] {strides = array<i32>} : memref<128x128xf32, #tpu.memory_space<vmem>>, vector<1x16xf32>,
      %swap3A_97 = vector.shape_cast %swap3A_96 : vector<1x16xf32> to vector<16xf32>
      %swap3A_98 = vector.shape_cast %broadcast_in_dim3A_1 : vector<16xf32> to vector<1x16xf32>
      tpu.vector_store %arg9[%swap3A_94, %swap3A_95], %swap3A_98 {strides = array<i32>} : memref<128x128xf32, #tpu.memory_space<vmem>>, vector<1x16xf32>,
    }
    %scan3A_6 = arith.constant 128 : i32
    %mul3A_7 = arith.constant 632 : i32
    %mul3A_8 = arith.muli %arg1, %mul3A_7 : i32
    %scan3A_9 = arith.constant 0 : i32
    %scan3A_10 = arith.constant 0 : i32
    %scan3A_11 = arith.constant 4 : i32
    %scan3A_12 = arith.addi %scan3A_10, %scan3A_11 : i32
    %scan3A_13 = arith.constant 1 : i32
    scf.for %scan3A_59 = %scan3A_10 to %scan3A_12 step %scan3A_13  : i32 {
      %mul3A_60 = arith.constant 128 : i32
      %mul3A_61 = arith.muli %scan3A_59, %mul3A_60 : i32
      %add3A_62 = arith.addi %mul3A_8, %mul3A_61 : i32
      "tpu.region"() ({
        %run_scoped3A_63 = tpu.sem_alloc : memref<!tpu.dma_semaphore, #tpu.memory_space<semaphore_mem>>
        %dma_start3A_64 = arith.constant 0 : i32
        %dma_start3A_65 = tpu.memref_slice %arg6[%add3A_62, %dma_start3A_64] : memref<10112x128xf32, #tpu.memory_space<vmem_shared>> -> memref<128x128xf32, #tpu.memory_space<vmem_shared>>
        %dma_start3A_66 = arith.constant 0 : i32
        %dma_start3A_67 = tpu.memref_slice %arg6[%add3A_62, %dma_start3A_66] : memref<10112x128xf32, #tpu.memory_space<vmem_shared>> -> memref<128x128xf32, #tpu.memory_space<vmem_shared>>
        tpu.enqueue_dma source(%arg9 : memref<128x128xf32, #tpu.memory_space<vmem>>) target(%dma_start3A_67 : memref<128x128xf32, #tpu.memory_space<vmem_shared>>) target_semaphore(%run_scoped3A_63 : memref<!tpu.dma_semaphore, #tpu.memory_space<semaphore_mem>>)
        %dma_wait3A_68 = arith.constant 0 : i32
        %dma_wait3A_69 = tpu.memref_slice %arg6[%add3A_62, %dma_wait3A_68] : memref<10112x128xf32, #tpu.memory_space<vmem_shared>> -> memref<128x128xf32, #tpu.memory_space<vmem_shared>>
        %dma_wait3A_70 = arith.constant 0 : i32
        %dma_wait3A_71 = tpu.memref_slice %arg6[%add3A_62, %dma_wait3A_70] : memref<10112x128xf32, #tpu.memory_space<vmem_shared>> -> memref<128x128xf32, #tpu.memory_space<vmem_shared>>
        tpu.wait_dma2 semaphore(%run_scoped3A_63 : memref<!tpu.dma_semaphore, #tpu.memory_space<semaphore_mem>>) src(%arg9 : memref<128x128xf32, #tpu.memory_space<vmem>>) dst(%dma_wait3A_71 : memref<128x128xf32, #tpu.memory_space<vmem_shared>>)
        tpu.yield
      }) : () -> ()
    }
    %scan3A_14 = arith.constant 4 : i32
    %add3A_15 = arith.constant 512 : i32
    %add3A_16 = arith.addi %mul3A_8, %add3A_15 : i32
    "tpu.region"() ({
      %run_scoped3A_59 = tpu.sem_alloc : memref<!tpu.dma_semaphore, #tpu.memory_space<semaphore_mem>>
      %dma_start3A_60 = arith.constant 0 : i32
      %dma_start3A_61 = arith.constant 0 : i32
      %dma_start3A_62 = tpu.memref_slice %arg9[%dma_start3A_60, %dma_start3A_61] : memref<128x128xf32, #tpu.memory_space<vmem>> -> memref<120x128xf32, #tpu.memory_space<vmem>>
      %dma_start3A_63 = arith.constant 0 : i32
      %dma_start3A_64 = tpu.memref_slice %arg6[%add3A_16, %dma_start3A_63] : memref<10112x128xf32, #tpu.memory_space<vmem_shared>> -> memref<120x128xf32, #tpu.memory_space<vmem_shared>>
      %dma_start3A_65 = arith.constant 0 : i32
      %dma_start3A_66 = tpu.memref_slice %arg6[%add3A_16, %dma_start3A_65] : memref<10112x128xf32, #tpu.memory_space<vmem_shared>> -> memref<120x128xf32, #tpu.memory_space<vmem_shared>>
      %dma_start3A_67 = arith.constant 0 : i32
      %dma_start3A_68 = arith.constant 0 : i32
      %dma_start3A_69 = tpu.memref_slice %arg9[%dma_start3A_67, %dma_start3A_68] : memref<128x128xf32, #tpu.memory_space<vmem>> -> memref<120x128xf32, #tpu.memory_space<vmem>>
      tpu.enqueue_dma source(%dma_start3A_69 : memref<120x128xf32, #tpu.memory_space<vmem>>) target(%dma_start3A_66 : memref<120x128xf32, #tpu.memory_space<vmem_shared>>) target_semaphore(%run_scoped3A_59 : memref<!tpu.dma_semaphore, #tpu.memory_space<semaphore_mem>>)
      %dma_wait3A_70 = arith.constant 0 : i32
      %dma_wait3A_71 = arith.constant 0 : i32
      %dma_wait3A_72 = tpu.memref_slice %arg9[%dma_wait3A_70, %dma_wait3A_71] : memref<128x128xf32, #tpu.memory_space<vmem>> -> memref<120x128xf32, #tpu.memory_space<vmem>>
      %dma_wait3A_73 = arith.constant 0 : i32
      %dma_wait3A_74 = tpu.memref_slice %arg6[%add3A_16, %dma_wait3A_73] : memref<10112x128xf32, #tpu.memory_space<vmem_shared>> -> memref<120x128xf32, #tpu.memory_space<vmem_shared>>
      %dma_wait3A_75 = arith.constant 0 : i32
      %dma_wait3A_76 = tpu.memref_slice %arg6[%add3A_16, %dma_wait3A_75] : memref<10112x128xf32, #tpu.memory_space<vmem_shared>> -> memref<120x128xf32, #tpu.memory_space<vmem_shared>>
      %dma_wait3A_77 = arith.constant 0 : i32
      %dma_wait3A_78 = arith.constant 0 : i32
      %dma_wait3A_79 = tpu.memref_slice %arg9[%dma_wait3A_77, %dma_wait3A_78] : memref<128x128xf32, #tpu.memory_space<vmem>> -> memref<120x128xf32, #tpu.memory_space<vmem>>
      tpu.wait_dma2 semaphore(%run_scoped3A_59 : memref<!tpu.dma_semaphore, #tpu.memory_space<semaphore_mem>>) src(%dma_wait3A_79 : memref<120x128xf32, #tpu.memory_space<vmem>>) dst(%dma_wait3A_76 : memref<120x128xf32, #tpu.memory_space<vmem_shared>>)
      tpu.yield
    }) : () -> ()
    %barrier3A = arith.constant 0 : index
    tpu.barrier barrier_id(%barrier3A)
    "tpu.region"() ({
      %run_scoped3A_59 = tpu.sem_alloc : memref<!tpu.dma_semaphore, #tpu.memory_space<semaphore_mem>>
      %dma_start3A_60 = arith.constant 0 : i32
      %dma_start3A_61 = arith.constant 0 : i32
      %dma_start3A_62 = tpu.memref_slice %arg3[%add3A, %dma_start3A_60, %dma_start3A_61] : memref<32x80x128xi32, #tpu.memory_space<hbm>> -> memref<1x80x128xi32, #tpu.memory_space<hbm>>
      %dma_start3A_63 = tpu.memref_squeeze %dma_start3A_62 : memref<1x80x128xi32, #tpu.memory_space<hbm>> -> memref<80x128xi32, #tpu.memory_space<hbm>>
      %dma_start3A_64 = arith.constant 0 : i32
      %dma_start3A_65 = arith.constant 0 : i32
      %dma_start3A_66 = tpu.memref_slice %arg3[%add3A, %dma_start3A_64, %dma_start3A_65] : memref<32x80x128xi32, #tpu.memory_space<hbm>> -> memref<1x80x128xi32, #tpu.memory_space<hbm>>
      %dma_start3A_67 = tpu.memref_squeeze %dma_start3A_66 : memref<1x80x128xi32, #tpu.memory_space<hbm>> -> memref<80x128xi32, #tpu.memory_space<hbm>>
      tpu.enqueue_dma source(%dma_start3A_67 : memref<80x128xi32, #tpu.memory_space<hbm>>) target(%arg7 : memref<80x128xi32, #tpu.memory_space<vmem>>) target_semaphore(%run_scoped3A_59 : memref<!tpu.dma_semaphore, #tpu.memory_space<semaphore_mem>>)
      %dma_wait3A_68 = arith.constant 0 : i32
      %dma_wait3A_69 = arith.constant 0 : i32
      %dma_wait3A_70 = tpu.memref_slice %arg3[%add3A, %dma_wait3A_68, %dma_wait3A_69] : memref<32x80x128xi32, #tpu.memory_space<hbm>> -> memref<1x80x128xi32, #tpu.memory_space<hbm>>
      %dma_wait3A_71 = tpu.memref_squeeze %dma_wait3A_70 : memref<1x80x128xi32, #tpu.memory_space<hbm>> -> memref<80x128xi32, #tpu.memory_space<hbm>>
      %dma_wait3A_72 = arith.constant 0 : i32
      %dma_wait3A_73 = arith.constant 0 : i32
      %dma_wait3A_74 = tpu.memref_slice %arg3[%add3A, %dma_wait3A_72, %dma_wait3A_73] : memref<32x80x128xi32, #tpu.memory_space<hbm>> -> memref<1x80x128xi32, #tpu.memory_space<hbm>>
      %dma_wait3A_75 = tpu.memref_squeeze %dma_wait3A_74 : memref<1x80x128xi32, #tpu.memory_space<hbm>> -> memref<80x128xi32, #tpu.memory_space<hbm>>
      tpu.wait_dma2 semaphore(%run_scoped3A_59 : memref<!tpu.dma_semaphore, #tpu.memory_space<semaphore_mem>>) src(%dma_wait3A_75 : memref<80x128xi32, #tpu.memory_space<hbm>>) dst(%arg7 : memref<80x128xi32, #tpu.memory_space<vmem>>)
      tpu.yield
    }) : () -> ()
    %run_scoped3A = arith.constant 0 : i32
    "tpu.region"() ({
      %run_scoped3A_59 = tpu.sem_alloc : memref<!tpu.dma_semaphore, #tpu.memory_space<semaphore_mem>>
      %dma_start3A_60 = arith.constant 0 : i32
      %dma_start3A_61 = arith.constant 0 : i32
      %dma_start3A_62 = tpu.memref_slice %arg4[%add3A, %run_scoped3A, %dma_start3A_60, %dma_start3A_61] : memref<32x2x40x128xi32, #tpu.memory_space<hbm>> -> memref<1x1x40x128xi32, #tpu.memory_space<hbm>>
      %dma_start3A_63 = tpu.memref_squeeze %dma_start3A_62 : memref<1x1x40x128xi32, #tpu.memory_space<hbm>> -> memref<40x128xi32, #tpu.memory_space<hbm>>
      %dma_start3A_64 = arith.constant 0 : i32
      %dma_start3A_65 = arith.constant 0 : i32
      %dma_start3A_66 = tpu.memref_slice %arg4[%add3A, %run_scoped3A, %dma_start3A_64, %dma_start3A_65] : memref<32x2x40x128xi32, #tpu.memory_space<hbm>> -> memref<1x1x40x128xi32, #tpu.memory_space<hbm>>
      %dma_start3A_67 = tpu.memref_squeeze %dma_start3A_66 : memref<1x1x40x128xi32, #tpu.memory_space<hbm>> -> memref<40x128xi32, #tpu.memory_space<hbm>>
      tpu.enqueue_dma source(%dma_start3A_67 : memref<40x128xi32, #tpu.memory_space<hbm>>) target(%arg8 : memref<40x128xi32, #tpu.memory_space<vmem>>) target_semaphore(%run_scoped3A_59 : memref<!tpu.dma_semaphore, #tpu.memory_space<semaphore_mem>>)
      %dma_wait3A_68 = arith.constant 0 : i32
      %dma_wait3A_69 = arith.constant 0 : i32
      %dma_wait3A_70 = tpu.memref_slice %arg4[%add3A, %run_scoped3A, %dma_wait3A_68, %dma_wait3A_69] : memref<32x2x40x128xi32, #tpu.memory_space<hbm>> -> memref<1x1x40x128xi32, #tpu.memory_space<hbm>>
      %dma_wait3A_71 = tpu.memref_squeeze %dma_wait3A_70 : memref<1x1x40x128xi32, #tpu.memory_space<hbm>> -> memref<40x128xi32, #tpu.memory_space<hbm>>
      %dma_wait3A_72 = arith.constant 0 : i32
      %dma_wait3A_73 = arith.constant 0 : i32
      %dma_wait3A_74 = tpu.memref_slice %arg4[%add3A, %run_scoped3A, %dma_wait3A_72, %dma_wait3A_73] : memref<32x2x40x128xi32, #tpu.memory_space<hbm>> -> memref<1x1x40x128xi32, #tpu.memory_space<hbm>>
      %dma_wait3A_75 = tpu.memref_squeeze %dma_wait3A_74 : memref<1x1x40x128xi32, #tpu.memory_space<hbm>> -> memref<40x128xi32, #tpu.memory_space<hbm>>
      tpu.wait_dma2 semaphore(%run_scoped3A_59 : memref<!tpu.dma_semaphore, #tpu.memory_space<semaphore_mem>>) src(%dma_wait3A_75 : memref<40x128xi32, #tpu.memory_space<hbm>>) dst(%arg8 : memref<40x128xi32, #tpu.memory_space<vmem>>)
      tpu.yield
    }) : () -> ()
    %dma_start3A = arith.constant 0 : i32
    %dma_start3A_17 = arith.constant 0 : i32
    %dma_start3A_18 = tpu.memref_slice %arg7[%dma_start3A, %dma_start3A_17] : memref<80x128xi32, #tpu.memory_space<vmem>> -> memref<1x128xi32, #tpu.memory_space<vmem>>
    %dma_start3A_19 = tpu.memref_squeeze %dma_start3A_18 : memref<1x128xi32, #tpu.memory_space<vmem>> -> memref<128xi32, #tpu.memory_space<vmem>>
    %dma_start3A_20 = arith.constant 0 : i32
    %dma_start3A_21 = arith.constant 0 : i32
    %dma_start3A_22 = tpu.memref_slice %arg2[%dma_start3A_20, %dma_start3A_21] : memref<10000x128xf32, #tpu.memory_space<hbm>> -> memref<10000x128xf32, #tpu.memory_space<hbm>>
    tpu.enqueue_indirect_dma source(%dma_start3A_22 : memref<10000x128xf32, #tpu.memory_space<hbm>>) target(%arg9 : memref<128x128xf32, #tpu.memory_space<vmem>>) offsets(%dma_start3A_19 : memref<128xi32, #tpu.memory_space<vmem>>) semaphore(%arg11 : memref<!tpu.dma_semaphore, #tpu.memory_space<semaphore_mem>>)
    %dma_start3A_23 = arith.constant 1 : i32
    %dma_start3A_24 = arith.constant 0 : i32
    %dma_start3A_25 = tpu.memref_slice %arg7[%dma_start3A_23, %dma_start3A_24] : memref<80x128xi32, #tpu.memory_space<vmem>> -> memref<1x128xi32, #tpu.memory_space<vmem>>
    %dma_start3A_26 = tpu.memref_squeeze %dma_start3A_25 : memref<1x128xi32, #tpu.memory_space<vmem>> -> memref<128xi32, #tpu.memory_space<vmem>>
    %dma_start3A_27 = arith.constant 0 : i32
    %dma_start3A_28 = arith.constant 0 : i32
    %dma_start3A_29 = tpu.memref_slice %arg2[%dma_start3A_27, %dma_start3A_28] : memref<10000x128xf32, #tpu.memory_space<hbm>> -> memref<10000x128xf32, #tpu.memory_space<hbm>>
    tpu.enqueue_indirect_dma source(%dma_start3A_29 : memref<10000x128xf32, #tpu.memory_space<hbm>>) target(%arg10 : memref<128x128xf32, #tpu.memory_space<vmem>>) offsets(%dma_start3A_26 : memref<128xi32, #tpu.memory_space<vmem>>) semaphore(%arg12 : memref<!tpu.dma_semaphore, #tpu.memory_space<semaphore_mem>>)
    %scan3A_30 = arith.constant 0 : i32
    %scan3A_31 = arith.constant 0 : i32
    %scan3A_32 = arith.constant 20 : i32
    %scan3A_33 = arith.addi %scan3A_31, %scan3A_32 : i32
    %scan3A_34 = arith.constant 1 : i32
    scf.for %scan3A_59 = %scan3A_31 to %scan3A_33 step %scan3A_34  : i32 {
      %mul3A_60 = arith.constant 2 : i32
      %mul3A_61 = arith.muli %scan3A_59, %mul3A_60 : i32
      %add3A_62 = arith.constant 0 : i32
      %add3A_63 = arith.addi %add3A_62, %mul3A_61 : i32
      %add3A_64 = arith.constant 0 : i32
      %add3A_65 = arith.addi %add3A_63, %add3A_64 : i32
      %dma_wait3A_66 = arith.constant 0 : i32
      %dma_wait3A_67 = arith.constant 0 : i32
      %dma_wait3A_68 = tpu.memref_slice %arg7[%dma_wait3A_66, %dma_wait3A_67] : memref<80x128xi32, #tpu.memory_space<vmem>> -> memref<1x128xi32, #tpu.memory_space<vmem>>
      %dma_wait3A_69 = tpu.memref_squeeze %dma_wait3A_68 : memref<1x128xi32, #tpu.memory_space<vmem>> -> memref<128xi32, #tpu.memory_space<vmem>>
      %dma_wait3A_70 = arith.constant 0 : i32
      %dma_wait3A_71 = arith.constant 0 : i32
      %dma_wait3A_72 = tpu.memref_slice %arg2[%dma_wait3A_70, %dma_wait3A_71] : memref<10000x128xf32, #tpu.memory_space<hbm>> -> memref<10000x128xf32, #tpu.memory_space<hbm>>
      tpu.wait_indirect_dma semaphore(%arg11 : memref<!tpu.dma_semaphore, #tpu.memory_space<semaphore_mem>>) src(%dma_wait3A_72 : memref<10000x128xf32, #tpu.memory_space<hbm>>) dst(%arg9 : memref<128x128xf32, #tpu.memory_space<vmem>>)
      %mul3A_73 = arith.constant 2 : i32
      %mul3A_74 = arith.muli %scan3A_59, %mul3A_73 : i32
      %add3A_75 = arith.constant 0 : i32
      %add3A_76 = arith.addi %mul3A_74, %add3A_75 : i32
      "tpu.region"() ({
        %run_scoped3A_125 = tpu.sem_alloc : memref<!tpu.dma_semaphore, #tpu.memory_space<semaphore_mem>>
        %dma_start3A_126 = arith.constant 0 : i32
        %dma_start3A_127 = tpu.memref_slice %arg8[%add3A_76, %dma_start3A_126] : memref<40x128xi32, #tpu.memory_space<vmem>> -> memref<1x128xi32, #tpu.memory_space<vmem>>
        %dma_start3A_128 = tpu.memref_squeeze %dma_start3A_127 : memref<1x128xi32, #tpu.memory_space<vmem>> -> memref<128xi32, #tpu.memory_space<vmem>>
        %dma_start3A_129 = arith.constant 0 : i32
        %dma_start3A_130 = arith.constant 0 : i32
        %dma_start3A_131 = tpu.memref_slice %arg6[%dma_start3A_129, %dma_start3A_130] : memref<10112x128xf32, #tpu.memory_space<vmem_shared>> -> memref<10112x128xf32, #tpu.memory_space<vmem_shared>>
        tpu.enqueue_indirect_dma source(%arg9 : memref<128x128xf32, #tpu.memory_space<vmem>>) target(%dma_start3A_131 : memref<10112x128xf32, #tpu.memory_space<vmem_shared>>) offsets(%dma_start3A_128 : memref<128xi32, #tpu.memory_space<vmem>>) semaphore(%run_scoped3A_125 : memref<!tpu.dma_semaphore, #tpu.memory_space<semaphore_mem>>) {add = true}
        %dma_wait3A_132 = arith.constant 0 : i32
        %dma_wait3A_133 = tpu.memref_slice %arg8[%add3A_76, %dma_wait3A_132] : memref<40x128xi32, #tpu.memory_space<vmem>> -> memref<1x128xi32, #tpu.memory_space<vmem>>
        %dma_wait3A_134 = tpu.memref_squeeze %dma_wait3A_133 : memref<1x128xi32, #tpu.memory_space<vmem>> -> memref<128xi32, #tpu.memory_space<vmem>>
        %dma_wait3A_135 = arith.constant 0 : i32
        %dma_wait3A_136 = arith.constant 0 : i32
        %dma_wait3A_137 = tpu.memref_slice %arg6[%dma_wait3A_135, %dma_wait3A_136] : memref<10112x128xf32, #tpu.memory_space<vmem_shared>> -> memref<10112x128xf32, #tpu.memory_space<vmem_shared>>
        tpu.wait_indirect_dma semaphore(%run_scoped3A_125 : memref<!tpu.dma_semaphore, #tpu.memory_space<semaphore_mem>>) src(%arg9 : memref<128x128xf32, #tpu.memory_space<vmem>>) dst(%dma_wait3A_137 : memref<10112x128xf32, #tpu.memory_space<vmem_shared>>)
        tpu.yield
      }) : () -> ()
      %add3A_77 = arith.constant 2 : i32
      %add3A_78 = arith.addi %add3A_65, %add3A_77 : i32
      %ge3A = arith.constant 80 : i32
      %ge3A_79 = arith.cmpi sge, %add3A_78, %ge3A : i32
      %add3A_80 = arith.constant 2 : i32
      %add3A_81 = arith.addi %add3A_65, %add3A_80 : i32
      %sub3A = arith.constant 80 : i32
      %sub3A_82 = arith.subi %add3A_81, %sub3A : i32
      %add3A_83 = arith.constant 2 : i32
      %add3A_84 = arith.addi %add3A_65, %add3A_83 : i32
      %select_n3A = arith.select %ge3A_79, %sub3A_82, %add3A_84 : i32
      %dma_start3A_85 = arith.constant 0 : i32
      %dma_start3A_86 = tpu.memref_slice %arg7[%select_n3A, %dma_start3A_85] : memref<80x128xi32, #tpu.memory_space<vmem>> -> memref<1x128xi32, #tpu.memory_space<vmem>>
      %dma_start3A_87 = tpu.memref_squeeze %dma_start3A_86 : memref<1x128xi32, #tpu.memory_space<vmem>> -> memref<128xi32, #tpu.memory_space<vmem>>
      %dma_start3A_88 = arith.constant 0 : i32
      %dma_start3A_89 = arith.constant 0 : i32
      %dma_start3A_90 = tpu.memref_slice %arg2[%dma_start3A_88, %dma_start3A_89] : memref<10000x128xf32, #tpu.memory_space<hbm>> -> memref<10000x128xf32, #tpu.memory_space<hbm>>
      tpu.enqueue_indirect_dma source(%dma_start3A_90 : memref<10000x128xf32, #tpu.memory_space<hbm>>) target(%arg9 : memref<128x128xf32, #tpu.memory_space<vmem>>) offsets(%dma_start3A_87 : memref<128xi32, #tpu.memory_space<vmem>>) semaphore(%arg11 : memref<!tpu.dma_semaphore, #tpu.memory_space<semaphore_mem>>)
      %mul3A_91 = arith.constant 2 : i32
      %mul3A_92 = arith.muli %scan3A_59, %mul3A_91 : i32
      %add3A_93 = arith.constant 0 : i32
      %add3A_94 = arith.addi %add3A_93, %mul3A_92 : i32
      %add3A_95 = arith.constant 1 : i32
      %add3A_96 = arith.addi %add3A_94, %add3A_95 : i32
      %dma_wait3A_97 = arith.constant 0 : i32
      %dma_wait3A_98 = arith.constant 0 : i32
      %dma_wait3A_99 = tpu.memref_slice %arg7[%dma_wait3A_97, %dma_wait3A_98] : memref<80x128xi32, #tpu.memory_space<vmem>> -> memref<1x128xi32, #tpu.memory_space<vmem>>
      %dma_wait3A_100 = tpu.memref_squeeze %dma_wait3A_99 : memref<1x128xi32, #tpu.memory_space<vmem>> -> memref<128xi32, #tpu.memory_space<vmem>>
      %dma_wait3A_101 = arith.constant 0 : i32
      %dma_wait3A_102 = arith.constant 0 : i32
      %dma_wait3A_103 = tpu.memref_slice %arg2[%dma_wait3A_101, %dma_wait3A_102] : memref<10000x128xf32, #tpu.memory_space<hbm>> -> memref<10000x128xf32, #tpu.memory_space<hbm>>
      tpu.wait_indirect_dma semaphore(%arg12 : memref<!tpu.dma_semaphore, #tpu.memory_space<semaphore_mem>>) src(%dma_wait3A_103 : memref<10000x128xf32, #tpu.memory_space<hbm>>) dst(%arg10 : memref<128x128xf32, #tpu.memory_space<vmem>>)
      %mul3A_104 = arith.constant 2 : i32
      %mul3A_105 = arith.muli %scan3A_59, %mul3A_104 : i32
      %add3A_106 = arith.constant 1 : i32
      %add3A_107 = arith.addi %mul3A_105, %add3A_106 : i32
      "tpu.region"() ({
        %run_scoped3A_125 = tpu.sem_alloc : memref<!tpu.dma_semaphore, #tpu.memory_space<semaphore_mem>>
        %dma_start3A_126 = arith.constant 0 : i32
        %dma_start3A_127 = tpu.memref_slice %arg8[%add3A_107, %dma_start3A_126] : memref<40x128xi32, #tpu.memory_space<vmem>> -> memref<1x128xi32, #tpu.memory_space<vmem>>
        %dma_start3A_128 = tpu.memref_squeeze %dma_start3A_127 : memref<1x128xi32, #tpu.memory_space<vmem>> -> memref<128xi32, #tpu.memory_space<vmem>>
        %dma_start3A_129 = arith.constant 0 : i32
        %dma_start3A_130 = arith.constant 0 : i32
        %dma_start3A_131 = tpu.memref_slice %arg6[%dma_start3A_129, %dma_start3A_130] : memref<10112x128xf32, #tpu.memory_space<vmem_shared>> -> memref<10112x128xf32, #tpu.memory_space<vmem_shared>>
        tpu.enqueue_indirect_dma source(%arg10 : memref<128x128xf32, #tpu.memory_space<vmem>>) target(%dma_start3A_131 : memref<10112x128xf32, #tpu.memory_space<vmem_shared>>) offsets(%dma_start3A_128 : memref<128xi32, #tpu.memory_space<vmem>>) semaphore(%run_scoped3A_125 : memref<!tpu.dma_semaphore, #tpu.memory_space<semaphore_mem>>) {add = true}
        %dma_wait3A_132 = arith.constant 0 : i32
        %dma_wait3A_133 = tpu.memref_slice %arg8[%add3A_107, %dma_wait3A_132] : memref<40x128xi32, #tpu.memory_space<vmem>> -> memref<1x128xi32, #tpu.memory_space<vmem>>
        %dma_wait3A_134 = tpu.memref_squeeze %dma_wait3A_133 : memref<1x128xi32, #tpu.memory_space<vmem>> -> memref<128xi32, #tpu.memory_space<vmem>>
        %dma_wait3A_135 = arith.constant 0 : i32
        %dma_wait3A_136 = arith.constant 0 : i32
        %dma_wait3A_137 = tpu.memref_slice %arg6[%dma_wait3A_135, %dma_wait3A_136] : memref<10112x128xf32, #tpu.memory_space<vmem_shared>> -> memref<10112x128xf32, #tpu.memory_space<vmem_shared>>
        tpu.wait_indirect_dma semaphore(%run_scoped3A_125 : memref<!tpu.dma_semaphore, #tpu.memory_space<semaphore_mem>>) src(%arg10 : memref<128x128xf32, #tpu.memory_space<vmem>>) dst(%dma_wait3A_137 : memref<10112x128xf32, #tpu.memory_space<vmem_shared>>)
        tpu.yield
      }) : () -> ()
      %add3A_108 = arith.constant 2 : i32
      %add3A_109 = arith.addi %add3A_96, %add3A_108 : i32
      %ge3A_110 = arith.constant 80 : i32
      %ge3A_111 = arith.cmpi sge, %add3A_109, %ge3A_110 : i32
      %add3A_112 = arith.constant 2 : i32
      %add3A_113 = arith.addi %add3A_96, %add3A_112 : i32
      %sub3A_114 = arith.constant 80 : i32
      %sub3A_115 = arith.subi %add3A_113, %sub3A_114 : i32
      %add3A_116 = arith.constant 2 : i32
      %add3A_117 = arith.addi %add3A_96, %add3A_116 : i32
      %select_n3A_118 = arith.select %ge3A_111, %sub3A_115, %add3A_117 : i32
      %dma_start3A_119 = arith.constant 0 : i32
      %dma_start3A_120 = tpu.memref_slice %arg7[%select_n3A_118, %dma_start3A_119] : memref<80x128xi32, #tpu.memory_space<vmem>> -> memref<1x128xi32, #tpu.memory_space<vmem>>
      %dma_start3A_121 = tpu.memref_squeeze %dma_start3A_120 : memref<1x128xi32, #tpu.memory_space<vmem>> -> memref<128xi32, #tpu.memory_space<vmem>>
      %dma_start3A_122 = arith.constant 0 : i32
      %dma_start3A_123 = arith.constant 0 : i32
      %dma_start3A_124 = tpu.memref_slice %arg2[%dma_start3A_122, %dma_start3A_123] : memref<10000x128xf32, #tpu.memory_space<hbm>> -> memref<10000x128xf32, #tpu.memory_space<hbm>>
      tpu.enqueue_indirect_dma source(%dma_start3A_124 : memref<10000x128xf32, #tpu.memory_space<hbm>>) target(%arg10 : memref<128x128xf32, #tpu.memory_space<vmem>>) offsets(%dma_start3A_121 : memref<128xi32, #tpu.memory_space<vmem>>) semaphore(%arg12 : memref<!tpu.dma_semaphore, #tpu.memory_space<semaphore_mem>>)
    }
    %scan3A_35 = arith.constant 20 : i32
    %run_scoped3A_36 = arith.constant 1 : i32
    "tpu.region"() ({
      %run_scoped3A_59 = tpu.sem_alloc : memref<!tpu.dma_semaphore, #tpu.memory_space<semaphore_mem>>
      %dma_start3A_60 = arith.constant 0 : i32
      %dma_start3A_61 = arith.constant 0 : i32
      %dma_start3A_62 = tpu.memref_slice %arg4[%add3A, %run_scoped3A_36, %dma_start3A_60, %dma_start3A_61] : memref<32x2x40x128xi32, #tpu.memory_space<hbm>> -> memref<1x1x40x128xi32, #tpu.memory_space<hbm>>
      %dma_start3A_63 = tpu.memref_squeeze %dma_start3A_62 : memref<1x1x40x128xi32, #tpu.memory_space<hbm>> -> memref<40x128xi32, #tpu.memory_space<hbm>>
      %dma_start3A_64 = arith.constant 0 : i32
      %dma_start3A_65 = arith.constant 0 : i32
      %dma_start3A_66 = tpu.memref_slice %arg4[%add3A, %run_scoped3A_36, %dma_start3A_64, %dma_start3A_65] : memref<32x2x40x128xi32, #tpu.memory_space<hbm>> -> memref<1x1x40x128xi32, #tpu.memory_space<hbm>>
      %dma_start3A_67 = tpu.memref_squeeze %dma_start3A_66 : memref<1x1x40x128xi32, #tpu.memory_space<hbm>> -> memref<40x128xi32, #tpu.memory_space<hbm>>
      tpu.enqueue_dma source(%dma_start3A_67 : memref<40x128xi32, #tpu.memory_space<hbm>>) target(%arg8 : memref<40x128xi32, #tpu.memory_space<vmem>>) target_semaphore(%run_scoped3A_59 : memref<!tpu.dma_semaphore, #tpu.memory_space<semaphore_mem>>)
      %dma_wait3A_68 = arith.constant 0 : i32
      %dma_wait3A_69 = arith.constant 0 : i32
      %dma_wait3A_70 = tpu.memref_slice %arg4[%add3A, %run_scoped3A_36, %dma_wait3A_68, %dma_wait3A_69] : memref<32x2x40x128xi32, #tpu.memory_space<hbm>> -> memref<1x1x40x128xi32, #tpu.memory_space<hbm>>
      %dma_wait3A_71 = tpu.memref_squeeze %dma_wait3A_70 : memref<1x1x40x128xi32, #tpu.memory_space<hbm>> -> memref<40x128xi32, #tpu.memory_space<hbm>>
      %dma_wait3A_72 = arith.constant 0 : i32
      %dma_wait3A_73 = arith.constant 0 : i32
      %dma_wait3A_74 = tpu.memref_slice %arg4[%add3A, %run_scoped3A_36, %dma_wait3A_72, %dma_wait3A_73] : memref<32x2x40x128xi32, #tpu.memory_space<hbm>> -> memref<1x1x40x128xi32, #tpu.memory_space<hbm>>
      %dma_wait3A_75 = tpu.memref_squeeze %dma_wait3A_74 : memref<1x1x40x128xi32, #tpu.memory_space<hbm>> -> memref<40x128xi32, #tpu.memory_space<hbm>>
      tpu.wait_dma2 semaphore(%run_scoped3A_59 : memref<!tpu.dma_semaphore, #tpu.memory_space<semaphore_mem>>) src(%dma_wait3A_75 : memref<40x128xi32, #tpu.memory_space<hbm>>) dst(%arg8 : memref<40x128xi32, #tpu.memory_space<vmem>>)
      tpu.yield
    }) : () -> ()
    %scan3A_37 = arith.constant 0 : i32
    %scan3A_38 = arith.constant 0 : i32
    %scan3A_39 = arith.constant 20 : i32
    %scan3A_40 = arith.addi %scan3A_38, %scan3A_39 : i32
    %scan3A_41 = arith.constant 1 : i32
    scf.for %scan3A_59 = %scan3A_38 to %scan3A_40 step %scan3A_41  : i32 {
      %mul3A_60 = arith.constant 2 : i32
      %mul3A_61 = arith.muli %scan3A_59, %mul3A_60 : i32
      %add3A_62 = arith.constant 40 : i32
      %add3A_63 = arith.addi %add3A_62, %mul3A_61 : i32
      %add3A_64 = arith.constant 0 : i32
      %add3A_65 = arith.addi %add3A_63, %add3A_64 : i32
      %dma_wait3A_66 = arith.constant 0 : i32
      %dma_wait3A_67 = arith.constant 0 : i32
      %dma_wait3A_68 = tpu.memref_slice %arg7[%dma_wait3A_66, %dma_wait3A_67] : memref<80x128xi32, #tpu.memory_space<vmem>> -> memref<1x128xi32, #tpu.memory_space<vmem>>
      %dma_wait3A_69 = tpu.memref_squeeze %dma_wait3A_68 : memref<1x128xi32, #tpu.memory_space<vmem>> -> memref<128xi32, #tpu.memory_space<vmem>>
      %dma_wait3A_70 = arith.constant 0 : i32
      %dma_wait3A_71 = arith.constant 0 : i32
      %dma_wait3A_72 = tpu.memref_slice %arg2[%dma_wait3A_70, %dma_wait3A_71] : memref<10000x128xf32, #tpu.memory_space<hbm>> -> memref<10000x128xf32, #tpu.memory_space<hbm>>
      tpu.wait_indirect_dma semaphore(%arg11 : memref<!tpu.dma_semaphore, #tpu.memory_space<semaphore_mem>>) src(%dma_wait3A_72 : memref<10000x128xf32, #tpu.memory_space<hbm>>) dst(%arg9 : memref<128x128xf32, #tpu.memory_space<vmem>>)
      %mul3A_73 = arith.constant 2 : i32
      %mul3A_74 = arith.muli %scan3A_59, %mul3A_73 : i32
      %add3A_75 = arith.constant 0 : i32
      %add3A_76 = arith.addi %mul3A_74, %add3A_75 : i32
      "tpu.region"() ({
        %run_scoped3A_125 = tpu.sem_alloc : memref<!tpu.dma_semaphore, #tpu.memory_space<semaphore_mem>>
        %dma_start3A_126 = arith.constant 0 : i32
        %dma_start3A_127 = tpu.memref_slice %arg8[%add3A_76, %dma_start3A_126] : memref<40x128xi32, #tpu.memory_space<vmem>> -> memref<1x128xi32, #tpu.memory_space<vmem>>
        %dma_start3A_128 = tpu.memref_squeeze %dma_start3A_127 : memref<1x128xi32, #tpu.memory_space<vmem>> -> memref<128xi32, #tpu.memory_space<vmem>>
        %dma_start3A_129 = arith.constant 0 : i32
        %dma_start3A_130 = arith.constant 0 : i32
        %dma_start3A_131 = tpu.memref_slice %arg6[%dma_start3A_129, %dma_start3A_130] : memref<10112x128xf32, #tpu.memory_space<vmem_shared>> -> memref<10112x128xf32, #tpu.memory_space<vmem_shared>>
        tpu.enqueue_indirect_dma source(%arg9 : memref<128x128xf32, #tpu.memory_space<vmem>>) target(%dma_start3A_131 : memref<10112x128xf32, #tpu.memory_space<vmem_shared>>) offsets(%dma_start3A_128 : memref<128xi32, #tpu.memory_space<vmem>>) semaphore(%run_scoped3A_125 : memref<!tpu.dma_semaphore, #tpu.memory_space<semaphore_mem>>) {add = true}
        %dma_wait3A_132 = arith.constant 0 : i32
        %dma_wait3A_133 = tpu.memref_slice %arg8[%add3A_76, %dma_wait3A_132] : memref<40x128xi32, #tpu.memory_space<vmem>> -> memref<1x128xi32, #tpu.memory_space<vmem>>
        %dma_wait3A_134 = tpu.memref_squeeze %dma_wait3A_133 : memref<1x128xi32, #tpu.memory_space<vmem>> -> memref<128xi32, #tpu.memory_space<vmem>>
        %dma_wait3A_135 = arith.constant 0 : i32
        %dma_wait3A_136 = arith.constant 0 : i32
        %dma_wait3A_137 = tpu.memref_slice %arg6[%dma_wait3A_135, %dma_wait3A_136] : memref<10112x128xf32, #tpu.memory_space<vmem_shared>> -> memref<10112x128xf32, #tpu.memory_space<vmem_shared>>
        tpu.wait_indirect_dma semaphore(%run_scoped3A_125 : memref<!tpu.dma_semaphore, #tpu.memory_space<semaphore_mem>>) src(%arg9 : memref<128x128xf32, #tpu.memory_space<vmem>>) dst(%dma_wait3A_137 : memref<10112x128xf32, #tpu.memory_space<vmem_shared>>)
        tpu.yield
      }) : () -> ()
      %add3A_77 = arith.constant 2 : i32
      %add3A_78 = arith.addi %add3A_65, %add3A_77 : i32
      %ge3A = arith.constant 80 : i32
      %ge3A_79 = arith.cmpi sge, %add3A_78, %ge3A : i32
      %add3A_80 = arith.constant 2 : i32
      %add3A_81 = arith.addi %add3A_65, %add3A_80 : i32
      %sub3A = arith.constant 80 : i32
      %sub3A_82 = arith.subi %add3A_81, %sub3A : i32
      %add3A_83 = arith.constant 2 : i32
      %add3A_84 = arith.addi %add3A_65, %add3A_83 : i32
      %select_n3A = arith.select %ge3A_79, %sub3A_82, %add3A_84 : i32
      %dma_start3A_85 = arith.constant 0 : i32
      %dma_start3A_86 = tpu.memref_slice %arg7[%select_n3A, %dma_start3A_85] : memref<80x128xi32, #tpu.memory_space<vmem>> -> memref<1x128xi32, #tpu.memory_space<vmem>>
      %dma_start3A_87 = tpu.memref_squeeze %dma_start3A_86 : memref<1x128xi32, #tpu.memory_space<vmem>> -> memref<128xi32, #tpu.memory_space<vmem>>
      %dma_start3A_88 = arith.constant 0 : i32
      %dma_start3A_89 = arith.constant 0 : i32
      %dma_start3A_90 = tpu.memref_slice %arg2[%dma_start3A_88, %dma_start3A_89] : memref<10000x128xf32, #tpu.memory_space<hbm>> -> memref<10000x128xf32, #tpu.memory_space<hbm>>
      tpu.enqueue_indirect_dma source(%dma_start3A_90 : memref<10000x128xf32, #tpu.memory_space<hbm>>) target(%arg9 : memref<128x128xf32, #tpu.memory_space<vmem>>) offsets(%dma_start3A_87 : memref<128xi32, #tpu.memory_space<vmem>>) semaphore(%arg11 : memref<!tpu.dma_semaphore, #tpu.memory_space<semaphore_mem>>)
      %mul3A_91 = arith.constant 2 : i32
      %mul3A_92 = arith.muli %scan3A_59, %mul3A_91 : i32
      %add3A_93 = arith.constant 40 : i32
      %add3A_94 = arith.addi %add3A_93, %mul3A_92 : i32
      %add3A_95 = arith.constant 1 : i32
      %add3A_96 = arith.addi %add3A_94, %add3A_95 : i32
      %dma_wait3A_97 = arith.constant 0 : i32
      %dma_wait3A_98 = arith.constant 0 : i32
      %dma_wait3A_99 = tpu.memref_slice %arg7[%dma_wait3A_97, %dma_wait3A_98] : memref<80x128xi32, #tpu.memory_space<vmem>> -> memref<1x128xi32, #tpu.memory_space<vmem>>
      %dma_wait3A_100 = tpu.memref_squeeze %dma_wait3A_99 : memref<1x128xi32, #tpu.memory_space<vmem>> -> memref<128xi32, #tpu.memory_space<vmem>>
      %dma_wait3A_101 = arith.constant 0 : i32
      %dma_wait3A_102 = arith.constant 0 : i32
      %dma_wait3A_103 = tpu.memref_slice %arg2[%dma_wait3A_101, %dma_wait3A_102] : memref<10000x128xf32, #tpu.memory_space<hbm>> -> memref<10000x128xf32, #tpu.memory_space<hbm>>
      tpu.wait_indirect_dma semaphore(%arg12 : memref<!tpu.dma_semaphore, #tpu.memory_space<semaphore_mem>>) src(%dma_wait3A_103 : memref<10000x128xf32, #tpu.memory_space<hbm>>) dst(%arg10 : memref<128x128xf32, #tpu.memory_space<vmem>>)
      %mul3A_104 = arith.constant 2 : i32
      %mul3A_105 = arith.muli %scan3A_59, %mul3A_104 : i32
      %add3A_106 = arith.constant 1 : i32
      %add3A_107 = arith.addi %mul3A_105, %add3A_106 : i32
      "tpu.region"() ({
        %run_scoped3A_125 = tpu.sem_alloc : memref<!tpu.dma_semaphore, #tpu.memory_space<semaphore_mem>>
        %dma_start3A_126 = arith.constant 0 : i32
        %dma_start3A_127 = tpu.memref_slice %arg8[%add3A_107, %dma_start3A_126] : memref<40x128xi32, #tpu.memory_space<vmem>> -> memref<1x128xi32, #tpu.memory_space<vmem>>
        %dma_start3A_128 = tpu.memref_squeeze %dma_start3A_127 : memref<1x128xi32, #tpu.memory_space<vmem>> -> memref<128xi32, #tpu.memory_space<vmem>>
        %dma_start3A_129 = arith.constant 0 : i32
        %dma_start3A_130 = arith.constant 0 : i32
        %dma_start3A_131 = tpu.memref_slice %arg6[%dma_start3A_129, %dma_start3A_130] : memref<10112x128xf32, #tpu.memory_space<vmem_shared>> -> memref<10112x128xf32, #tpu.memory_space<vmem_shared>>
        tpu.enqueue_indirect_dma source(%arg10 : memref<128x128xf32, #tpu.memory_space<vmem>>) target(%dma_start3A_131 : memref<10112x128xf32, #tpu.memory_space<vmem_shared>>) offsets(%dma_start3A_128 : memref<128xi32, #tpu.memory_space<vmem>>) semaphore(%run_scoped3A_125 : memref<!tpu.dma_semaphore, #tpu.memory_space<semaphore_mem>>) {add = true}
        %dma_wait3A_132 = arith.constant 0 : i32
        %dma_wait3A_133 = tpu.memref_slice %arg8[%add3A_107, %dma_wait3A_132] : memref<40x128xi32, #tpu.memory_space<vmem>> -> memref<1x128xi32, #tpu.memory_space<vmem>>
        %dma_wait3A_134 = tpu.memref_squeeze %dma_wait3A_133 : memref<1x128xi32, #tpu.memory_space<vmem>> -> memref<128xi32, #tpu.memory_space<vmem>>
        %dma_wait3A_135 = arith.constant 0 : i32
        %dma_wait3A_136 = arith.constant 0 : i32
        %dma_wait3A_137 = tpu.memref_slice %arg6[%dma_wait3A_135, %dma_wait3A_136] : memref<10112x128xf32, #tpu.memory_space<vmem_shared>> -> memref<10112x128xf32, #tpu.memory_space<vmem_shared>>
        tpu.wait_indirect_dma semaphore(%run_scoped3A_125 : memref<!tpu.dma_semaphore, #tpu.memory_space<semaphore_mem>>) src(%arg10 : memref<128x128xf32, #tpu.memory_space<vmem>>) dst(%dma_wait3A_137 : memref<10112x128xf32, #tpu.memory_space<vmem_shared>>)
        tpu.yield
      }) : () -> ()
      %add3A_108 = arith.constant 2 : i32
      %add3A_109 = arith.addi %add3A_96, %add3A_108 : i32
      %ge3A_110 = arith.constant 80 : i32
      %ge3A_111 = arith.cmpi sge, %add3A_109, %ge3A_110 : i32
      %add3A_112 = arith.constant 2 : i32
      %add3A_113 = arith.addi %add3A_96, %add3A_112 : i32
      %sub3A_114 = arith.constant 80 : i32
      %sub3A_115 = arith.subi %add3A_113, %sub3A_114 : i32
      %add3A_116 = arith.constant 2 : i32
      %add3A_117 = arith.addi %add3A_96, %add3A_116 : i32
      %select_n3A_118 = arith.select %ge3A_111, %sub3A_115, %add3A_117 : i32
      %dma_start3A_119 = arith.constant 0 : i32
      %dma_start3A_120 = tpu.memref_slice %arg7[%select_n3A_118, %dma_start3A_119] : memref<80x128xi32, #tpu.memory_space<vmem>> -> memref<1x128xi32, #tpu.memory_space<vmem>>
      %dma_start3A_121 = tpu.memref_squeeze %dma_start3A_120 : memref<1x128xi32, #tpu.memory_space<vmem>> -> memref<128xi32, #tpu.memory_space<vmem>>
      %dma_start3A_122 = arith.constant 0 : i32
      %dma_start3A_123 = arith.constant 0 : i32
      %dma_start3A_124 = tpu.memref_slice %arg2[%dma_start3A_122, %dma_start3A_123] : memref<10000x128xf32, #tpu.memory_space<hbm>> -> memref<10000x128xf32, #tpu.memory_space<hbm>>
      tpu.enqueue_indirect_dma source(%dma_start3A_124 : memref<10000x128xf32, #tpu.memory_space<hbm>>) target(%arg10 : memref<128x128xf32, #tpu.memory_space<vmem>>) offsets(%dma_start3A_121 : memref<128xi32, #tpu.memory_space<vmem>>) semaphore(%arg12 : memref<!tpu.dma_semaphore, #tpu.memory_space<semaphore_mem>>)
    }
    %scan3A_42 = arith.constant 20 : i32
    %dma_wait3A = arith.constant 0 : i32
    %dma_wait3A_43 = arith.constant 0 : i32
    %dma_wait3A_44 = tpu.memref_slice %arg7[%dma_wait3A, %dma_wait3A_43] : memref<80x128xi32, #tpu.memory_space<vmem>> -> memref<1x128xi32, #tpu.memory_space<vmem>>
    %dma_wait3A_45 = tpu.memref_squeeze %dma_wait3A_44 : memref<1x128xi32, #tpu.memory_space<vmem>> -> memref<128xi32, #tpu.memory_space<vmem>>
    %dma_wait3A_46 = arith.constant 0 : i32
    %dma_wait3A_47 = arith.constant 0 : i32
    %dma_wait3A_48 = tpu.memref_slice %arg2[%dma_wait3A_46, %dma_wait3A_47] : memref<10000x128xf32, #tpu.memory_space<hbm>> -> memref<10000x128xf32, #tpu.memory_space<hbm>>
    tpu.wait_indirect_dma semaphore(%arg11 : memref<!tpu.dma_semaphore, #tpu.memory_space<semaphore_mem>>) src(%dma_wait3A_48 : memref<10000x128xf32, #tpu.memory_space<hbm>>) dst(%arg9 : memref<128x128xf32, #tpu.memory_space<vmem>>)
    %dma_wait3A_49 = arith.constant 0 : i32
    %dma_wait3A_50 = arith.constant 0 : i32
    %dma_wait3A_51 = tpu.memref_slice %arg7[%dma_wait3A_49, %dma_wait3A_50] : memref<80x128xi32, #tpu.memory_space<vmem>> -> memref<1x128xi32, #tpu.memory_space<vmem>>
    %dma_wait3A_52 = tpu.memref_squeeze %dma_wait3A_51 : memref<1x128xi32, #tpu.memory_space<vmem>> -> memref<128xi32, #tpu.memory_space<vmem>>
    %dma_wait3A_53 = arith.constant 0 : i32
    %dma_wait3A_54 = arith.constant 0 : i32
    %dma_wait3A_55 = tpu.memref_slice %arg2[%dma_wait3A_53, %dma_wait3A_54] : memref<10000x128xf32, #tpu.memory_space<hbm>> -> memref<10000x128xf32, #tpu.memory_space<hbm>>
    tpu.wait_indirect_dma semaphore(%arg12 : memref<!tpu.dma_semaphore, #tpu.memory_space<semaphore_mem>>) src(%dma_wait3A_55 : memref<10000x128xf32, #tpu.memory_space<hbm>>) dst(%arg10 : memref<128x128xf32, #tpu.memory_space<vmem>>)
    %barrier3A_56 = arith.constant 0 : index
    tpu.barrier barrier_id(%barrier3A_56)
    %mul3A_57 = arith.constant 632 : i32
    %mul3A_58 = arith.muli %arg1, %mul3A_57 : i32
    "tpu.region"() ({
      %run_scoped3A_59 = tpu.sem_alloc : memref<!tpu.dma_semaphore, #tpu.memory_space<semaphore_mem>>
      %dma_start3A_60 = arith.constant 0 : i32
      %dma_start3A_61 = tpu.memref_slice %arg5[%arg0, %mul3A_58, %dma_start3A_60] : memref<2x10112x128xf32, #tpu.memory_space<hbm>> -> memref<1x632x128xf32, #tpu.memory_space<hbm>>
      %dma_start3A_62 = tpu.memref_squeeze %dma_start3A_61 : memref<1x632x128xf32, #tpu.memory_space<hbm>> -> memref<632x128xf32, #tpu.memory_space<hbm>>
      %dma_start3A_63 = arith.constant 0 : i32
      %dma_start3A_64 = tpu.memref_slice %arg6[%mul3A_58, %dma_start3A_63] : memref<10112x128xf32, #tpu.memory_space<vmem_shared>> -> memref<632x128xf32, #tpu.memory_space<vmem_shared>>
      tpu.enqueue_dma source(%dma_start3A_64 : memref<632x128xf32, #tpu.memory_space<vmem_shared>>) target(%dma_start3A_62 : memref<632x128xf32, #tpu.memory_space<hbm>>) target_semaphore(%run_scoped3A_59 : memref<!tpu.dma_semaphore, #tpu.memory_space<semaphore_mem>>)
      %dma_wait3A_65 = arith.constant 0 : i32
      %dma_wait3A_66 = tpu.memref_slice %arg5[%arg0, %mul3A_58, %dma_wait3A_65] : memref<2x10112x128xf32, #tpu.memory_space<hbm>> -> memref<1x632x128xf32, #tpu.memory_space<hbm>>
      %dma_wait3A_67 = tpu.memref_squeeze %dma_wait3A_66 : memref<1x632x128xf32, #tpu.memory_space<hbm>> -> memref<632x128xf32, #tpu.memory_space<hbm>>
      %dma_wait3A_68 = arith.constant 0 : i32
      %dma_wait3A_69 = tpu.memref_slice %arg6[%mul3A_58, %dma_wait3A_68] : memref<10112x128xf32, #tpu.memory_space<vmem_shared>> -> memref<632x128xf32, #tpu.memory_space<vmem_shared>>
      tpu.wait_dma2 semaphore(%run_scoped3A_59 : memref<!tpu.dma_semaphore, #tpu.memory_space<semaphore_mem>>) src(%dma_wait3A_69 : memref<632x128xf32, #tpu.memory_space<vmem_shared>>) dst(%dma_wait3A_67 : memref<632x128xf32, #tpu.memory_space<hbm>>)
      tpu.yield
    }) : () -> ()
    return
  }
}

#map = affine_map<(d0, d1) -> (0, 0)>
#map1 = affine_map<(d0, d1) -> (0, 0, 0)>
#map2 = affine_map<(d0, d1) -> (0, 0, 0, 0)>
module attributes {stable_mosaic.version = 14 : i64} {
  func.func @_sc_agg_body(%arg0: i32, %arg1: i32, %arg2: memref<10000x128xf32, #tpu.memory_space<hbm>>, %arg3: memref<32x80x128xi32, #tpu.memory_space<hbm>>, %arg4: memref<32x2x40x128xi32, #tpu.memory_space<hbm>>, %arg5: memref<2x10112x128xf32, #tpu.memory_space<hbm>>, %arg6: memref<10112x128xf32, #tpu.memory_space<vmem_shared>>, %arg7: memref<80x128xi32, #tpu.memory_space<vmem>>, %arg8: memref<40x128xi32, #tpu.memory_space<vmem>>, %arg9: memref<128x128xf32, #tpu.memory_space<vmem>>, %arg10: memref<128x128xf32, #tpu.memory_space<vmem>>, %arg11: memref<!tpu.dma_semaphore, #tpu.memory_space<semaphore_mem>>, %arg12: memref<!tpu.dma_semaphore, #tpu.memory_space<semaphore_mem>>) attributes {dimension_semantics = [#tpu.dimension_semantics<core_parallel>, #tpu.dimension_semantics<subcore_parallel>], iteration_bounds = array<i64: 2, 16>, scalar_prefetch = 0 : i64, scratch_operands = 7 : i64, tpu.core_type = #tpu.core_type<sc_vector_subcore>, window_params = [{transform_indices = #map}, {transform_indices = #map1}, {transform_indices = #map2}, {transform_indices = #map1}]} {
    %mul3A = arith.constant 16 : i32
    %mul3A_0 = arith.muli %arg0, %mul3A : i32
    %add3A = arith.addi %mul3A_0, %arg1 : i32
    %broadcast_in_dim3A = arith.constant 0.000000e+00 : f32
    %broadcast_in_dim3A_1 = vector.broadcast %broadcast_in_dim3A : f32 to vector<16xf32>
    %scan3A = arith.constant 0 : i32
    %scan3A_2 = arith.constant 0 : i32
    %scan3A_3 = arith.constant 128 : i32
    %scan3A_4 = arith.addi %scan3A_2, %scan3A_3 : i32
    %scan3A_5 = arith.constant 1 : i32
    scf.for %scan3A_59 = %scan3A_2 to %scan3A_4 step %scan3A_5  : i32 {
      %swap3A = arith.index_cast %scan3A_59 : i32 to index
      %swap3A_60 = arith.constant 0 : index
      %swap3A_61 = tpu.vector_load %arg9[%swap3A, %swap3A_60] {strides = array<i32>} : memref<128x128xf32, #tpu.memory_space<vmem>>, vector<1x16xf32>,
      %swap3A_62 = vector.shape_cast %swap3A_61 : vector<1x16xf32> to vector<16xf32>
      %swap3A_63 = vector.shape_cast %broadcast_in_dim3A_1 : vector<16xf32> to vector<1x16xf32>
      tpu.vector_store %arg9[%swap3A, %swap3A_60], %swap3A_63 {strides = array<i32>} : memref<128x128xf32, #tpu.memory_space<vmem>>, vector<1x16xf32>,
      %swap3A_64 = arith.index_cast %scan3A_59 : i32 to index
      %swap3A_65 = arith.constant 16 : index
      %swap3A_66 = tpu.vector_load %arg9[%swap3A_64, %swap3A_65] {strides = array<i32>} : memref<128x128xf32, #tpu.memory_space<vmem>>, vector<1x16xf32>,
      %swap3A_67 = vector.shape_cast %swap3A_66 : vector<1x16xf32> to vector<16xf32>
      %swap3A_68 = vector.shape_cast %broadcast_in_dim3A_1 : vector<16xf32> to vector<1x16xf32>
      tpu.vector_store %arg9[%swap3A_64, %swap3A_65], %swap3A_68 {strides = array<i32>} : memref<128x128xf32, #tpu.memory_space<vmem>>, vector<1x16xf32>,
      %swap3A_69 = arith.index_cast %scan3A_59 : i32 to index
      %swap3A_70 = arith.constant 32 : index
      %swap3A_71 = tpu.vector_load %arg9[%swap3A_69, %swap3A_70] {strides = array<i32>} : memref<128x128xf32, #tpu.memory_space<vmem>>, vector<1x16xf32>,
      %swap3A_72 = vector.shape_cast %swap3A_71 : vector<1x16xf32> to vector<16xf32>
      %swap3A_73 = vector.shape_cast %broadcast_in_dim3A_1 : vector<16xf32> to vector<1x16xf32>
      tpu.vector_store %arg9[%swap3A_69, %swap3A_70], %swap3A_73 {strides = array<i32>} : memref<128x128xf32, #tpu.memory_space<vmem>>, vector<1x16xf32>,
      %swap3A_74 = arith.index_cast %scan3A_59 : i32 to index
      %swap3A_75 = arith.constant 48 : index
      %swap3A_76 = tpu.vector_load %arg9[%swap3A_74, %swap3A_75] {strides = array<i32>} : memref<128x128xf32, #tpu.memory_space<vmem>>, vector<1x16xf32>,
      %swap3A_77 = vector.shape_cast %swap3A_76 : vector<1x16xf32> to vector<16xf32>
      %swap3A_78 = vector.shape_cast %broadcast_in_dim3A_1 : vector<16xf32> to vector<1x16xf32>
      tpu.vector_store %arg9[%swap3A_74, %swap3A_75], %swap3A_78 {strides = array<i32>} : memref<128x128xf32, #tpu.memory_space<vmem>>, vector<1x16xf32>,
      %swap3A_79 = arith.index_cast %scan3A_59 : i32 to index
      %swap3A_80 = arith.constant 64 : index
      %swap3A_81 = tpu.vector_load %arg9[%swap3A_79, %swap3A_80] {strides = array<i32>} : memref<128x128xf32, #tpu.memory_space<vmem>>, vector<1x16xf32>,
      %swap3A_82 = vector.shape_cast %swap3A_81 : vector<1x16xf32> to vector<16xf32>
      %swap3A_83 = vector.shape_cast %broadcast_in_dim3A_1 : vector<16xf32> to vector<1x16xf32>
      tpu.vector_store %arg9[%swap3A_79, %swap3A_80], %swap3A_83 {strides = array<i32>} : memref<128x128xf32, #tpu.memory_space<vmem>>, vector<1x16xf32>,
      %swap3A_84 = arith.index_cast %scan3A_59 : i32 to index
      %swap3A_85 = arith.constant 80 : index
      %swap3A_86 = tpu.vector_load %arg9[%swap3A_84, %swap3A_85] {strides = array<i32>} : memref<128x128xf32, #tpu.memory_space<vmem>>, vector<1x16xf32>,
      %swap3A_87 = vector.shape_cast %swap3A_86 : vector<1x16xf32> to vector<16xf32>
      %swap3A_88 = vector.shape_cast %broadcast_in_dim3A_1 : vector<16xf32> to vector<1x16xf32>
      tpu.vector_store %arg9[%swap3A_84, %swap3A_85], %swap3A_88 {strides = array<i32>} : memref<128x128xf32, #tpu.memory_space<vmem>>, vector<1x16xf32>,
      %swap3A_89 = arith.index_cast %scan3A_59 : i32 to index
      %swap3A_90 = arith.constant 96 : index
      %swap3A_91 = tpu.vector_load %arg9[%swap3A_89, %swap3A_90] {strides = array<i32>} : memref<128x128xf32, #tpu.memory_space<vmem>>, vector<1x16xf32>,
      %swap3A_92 = vector.shape_cast %swap3A_91 : vector<1x16xf32> to vector<16xf32>
      %swap3A_93 = vector.shape_cast %broadcast_in_dim3A_1 : vector<16xf32> to vector<1x16xf32>
      tpu.vector_store %arg9[%swap3A_89, %swap3A_90], %swap3A_93 {strides = array<i32>} : memref<128x128xf32, #tpu.memory_space<vmem>>, vector<1x16xf32>,
      %swap3A_94 = arith.index_cast %scan3A_59 : i32 to index
      %swap3A_95 = arith.constant 112 : index
      %swap3A_96 = tpu.vector_load %arg9[%swap3A_94, %swap3A_95] {strides = array<i32>} : memref<128x128xf32, #tpu.memory_space<vmem>>, vector<1x16xf32>,
      %swap3A_97 = vector.shape_cast %swap3A_96 : vector<1x16xf32> to vector<16xf32>
      %swap3A_98 = vector.shape_cast %broadcast_in_dim3A_1 : vector<16xf32> to vector<1x16xf32>
      tpu.vector_store %arg9[%swap3A_94, %swap3A_95], %swap3A_98 {strides = array<i32>} : memref<128x128xf32, #tpu.memory_space<vmem>>, vector<1x16xf32>,
    }
    %scan3A_6 = arith.constant 128 : i32
    %mul3A_7 = arith.constant 632 : i32
    %mul3A_8 = arith.muli %arg1, %mul3A_7 : i32
    %scan3A_9 = arith.constant 0 : i32
    %scan3A_10 = arith.constant 0 : i32
    %scan3A_11 = arith.constant 4 : i32
    %scan3A_12 = arith.addi %scan3A_10, %scan3A_11 : i32
    %scan3A_13 = arith.constant 1 : i32
    scf.for %scan3A_59 = %scan3A_10 to %scan3A_12 step %scan3A_13  : i32 {
      %mul3A_60 = arith.constant 128 : i32
      %mul3A_61 = arith.muli %scan3A_59, %mul3A_60 : i32
      %add3A_62 = arith.addi %mul3A_8, %mul3A_61 : i32
      "tpu.region"() ({
        %run_scoped3A_63 = tpu.sem_alloc : memref<!tpu.dma_semaphore, #tpu.memory_space<semaphore_mem>>
        %dma_start3A_64 = arith.constant 0 : i32
        %dma_start3A_65 = tpu.memref_slice %arg6[%add3A_62, %dma_start3A_64] : memref<10112x128xf32, #tpu.memory_space<vmem_shared>> -> memref<128x128xf32, #tpu.memory_space<vmem_shared>>
        %dma_start3A_66 = arith.constant 0 : i32
        %dma_start3A_67 = tpu.memref_slice %arg6[%add3A_62, %dma_start3A_66] : memref<10112x128xf32, #tpu.memory_space<vmem_shared>> -> memref<128x128xf32, #tpu.memory_space<vmem_shared>>
        tpu.enqueue_dma source(%arg9 : memref<128x128xf32, #tpu.memory_space<vmem>>) target(%dma_start3A_67 : memref<128x128xf32, #tpu.memory_space<vmem_shared>>) target_semaphore(%run_scoped3A_63 : memref<!tpu.dma_semaphore, #tpu.memory_space<semaphore_mem>>)
        %dma_wait3A_68 = arith.constant 0 : i32
        %dma_wait3A_69 = tpu.memref_slice %arg6[%add3A_62, %dma_wait3A_68] : memref<10112x128xf32, #tpu.memory_space<vmem_shared>> -> memref<128x128xf32, #tpu.memory_space<vmem_shared>>
        %dma_wait3A_70 = arith.constant 0 : i32
        %dma_wait3A_71 = tpu.memref_slice %arg6[%add3A_62, %dma_wait3A_70] : memref<10112x128xf32, #tpu.memory_space<vmem_shared>> -> memref<128x128xf32, #tpu.memory_space<vmem_shared>>
        tpu.wait_dma2 semaphore(%run_scoped3A_63 : memref<!tpu.dma_semaphore, #tpu.memory_space<semaphore_mem>>) src(%arg9 : memref<128x128xf32, #tpu.memory_space<vmem>>) dst(%dma_wait3A_71 : memref<128x128xf32, #tpu.memory_space<vmem_shared>>)
        tpu.yield
      }) : () -> ()
    }
    %scan3A_14 = arith.constant 4 : i32
    %add3A_15 = arith.constant 512 : i32
    %add3A_16 = arith.addi %mul3A_8, %add3A_15 : i32
    "tpu.region"() ({
      %run_scoped3A_59 = tpu.sem_alloc : memref<!tpu.dma_semaphore, #tpu.memory_space<semaphore_mem>>
      %dma_start3A_60 = arith.constant 0 : i32
      %dma_start3A_61 = arith.constant 0 : i32
      %dma_start3A_62 = tpu.memref_slice %arg9[%dma_start3A_60, %dma_start3A_61] : memref<128x128xf32, #tpu.memory_space<vmem>> -> memref<120x128xf32, #tpu.memory_space<vmem>>
      %dma_start3A_63 = arith.constant 0 : i32
      %dma_start3A_64 = tpu.memref_slice %arg6[%add3A_16, %dma_start3A_63] : memref<10112x128xf32, #tpu.memory_space<vmem_shared>> -> memref<120x128xf32, #tpu.memory_space<vmem_shared>>
      %dma_start3A_65 = arith.constant 0 : i32
      %dma_start3A_66 = tpu.memref_slice %arg6[%add3A_16, %dma_start3A_65] : memref<10112x128xf32, #tpu.memory_space<vmem_shared>> -> memref<120x128xf32, #tpu.memory_space<vmem_shared>>
      %dma_start3A_67 = arith.constant 0 : i32
      %dma_start3A_68 = arith.constant 0 : i32
      %dma_start3A_69 = tpu.memref_slice %arg9[%dma_start3A_67, %dma_start3A_68] : memref<128x128xf32, #tpu.memory_space<vmem>> -> memref<120x128xf32, #tpu.memory_space<vmem>>
      tpu.enqueue_dma source(%dma_start3A_69 : memref<120x128xf32, #tpu.memory_space<vmem>>) target(%dma_start3A_66 : memref<120x128xf32, #tpu.memory_space<vmem_shared>>) target_semaphore(%run_scoped3A_59 : memref<!tpu.dma_semaphore, #tpu.memory_space<semaphore_mem>>)
      %dma_wait3A_70 = arith.constant 0 : i32
      %dma_wait3A_71 = arith.constant 0 : i32
      %dma_wait3A_72 = tpu.memref_slice %arg9[%dma_wait3A_70, %dma_wait3A_71] : memref<128x128xf32, #tpu.memory_space<vmem>> -> memref<120x128xf32, #tpu.memory_space<vmem>>
      %dma_wait3A_73 = arith.constant 0 : i32
      %dma_wait3A_74 = tpu.memref_slice %arg6[%add3A_16, %dma_wait3A_73] : memref<10112x128xf32, #tpu.memory_space<vmem_shared>> -> memref<120x128xf32, #tpu.memory_space<vmem_shared>>
      %dma_wait3A_75 = arith.constant 0 : i32
      %dma_wait3A_76 = tpu.memref_slice %arg6[%add3A_16, %dma_wait3A_75] : memref<10112x128xf32, #tpu.memory_space<vmem_shared>> -> memref<120x128xf32, #tpu.memory_space<vmem_shared>>
      %dma_wait3A_77 = arith.constant 0 : i32
      %dma_wait3A_78 = arith.constant 0 : i32
      %dma_wait3A_79 = tpu.memref_slice %arg9[%dma_wait3A_77, %dma_wait3A_78] : memref<128x128xf32, #tpu.memory_space<vmem>> -> memref<120x128xf32, #tpu.memory_space<vmem>>
      tpu.wait_dma2 semaphore(%run_scoped3A_59 : memref<!tpu.dma_semaphore, #tpu.memory_space<semaphore_mem>>) src(%dma_wait3A_79 : memref<120x128xf32, #tpu.memory_space<vmem>>) dst(%dma_wait3A_76 : memref<120x128xf32, #tpu.memory_space<vmem_shared>>)
      tpu.yield
    }) : () -> ()
    %barrier3A = arith.constant 0 : index
    tpu.barrier barrier_id(%barrier3A)
    "tpu.region"() ({
      %run_scoped3A_59 = tpu.sem_alloc : memref<!tpu.dma_semaphore, #tpu.memory_space<semaphore_mem>>
      %dma_start3A_60 = arith.constant 0 : i32
      %dma_start3A_61 = arith.constant 0 : i32
      %dma_start3A_62 = tpu.memref_slice %arg3[%add3A, %dma_start3A_60, %dma_start3A_61] : memref<32x80x128xi32, #tpu.memory_space<hbm>> -> memref<1x80x128xi32, #tpu.memory_space<hbm>>
      %dma_start3A_63 = tpu.memref_squeeze %dma_start3A_62 : memref<1x80x128xi32, #tpu.memory_space<hbm>> -> memref<80x128xi32, #tpu.memory_space<hbm>>
      %dma_start3A_64 = arith.constant 0 : i32
      %dma_start3A_65 = arith.constant 0 : i32
      %dma_start3A_66 = tpu.memref_slice %arg3[%add3A, %dma_start3A_64, %dma_start3A_65] : memref<32x80x128xi32, #tpu.memory_space<hbm>> -> memref<1x80x128xi32, #tpu.memory_space<hbm>>
      %dma_start3A_67 = tpu.memref_squeeze %dma_start3A_66 : memref<1x80x128xi32, #tpu.memory_space<hbm>> -> memref<80x128xi32, #tpu.memory_space<hbm>>
      tpu.enqueue_dma source(%dma_start3A_67 : memref<80x128xi32, #tpu.memory_space<hbm>>) target(%arg7 : memref<80x128xi32, #tpu.memory_space<vmem>>) target_semaphore(%run_scoped3A_59 : memref<!tpu.dma_semaphore, #tpu.memory_space<semaphore_mem>>)
      %dma_wait3A_68 = arith.constant 0 : i32
      %dma_wait3A_69 = arith.constant 0 : i32
      %dma_wait3A_70 = tpu.memref_slice %arg3[%add3A, %dma_wait3A_68, %dma_wait3A_69] : memref<32x80x128xi32, #tpu.memory_space<hbm>> -> memref<1x80x128xi32, #tpu.memory_space<hbm>>
      %dma_wait3A_71 = tpu.memref_squeeze %dma_wait3A_70 : memref<1x80x128xi32, #tpu.memory_space<hbm>> -> memref<80x128xi32, #tpu.memory_space<hbm>>
      %dma_wait3A_72 = arith.constant 0 : i32
      %dma_wait3A_73 = arith.constant 0 : i32
      %dma_wait3A_74 = tpu.memref_slice %arg3[%add3A, %dma_wait3A_72, %dma_wait3A_73] : memref<32x80x128xi32, #tpu.memory_space<hbm>> -> memref<1x80x128xi32, #tpu.memory_space<hbm>>
      %dma_wait3A_75 = tpu.memref_squeeze %dma_wait3A_74 : memref<1x80x128xi32, #tpu.memory_space<hbm>> -> memref<80x128xi32, #tpu.memory_space<hbm>>
      tpu.wait_dma2 semaphore(%run_scoped3A_59 : memref<!tpu.dma_semaphore, #tpu.memory_space<semaphore_mem>>) src(%dma_wait3A_75 : memref<80x128xi32, #tpu.memory_space<hbm>>) dst(%arg7 : memref<80x128xi32, #tpu.memory_space<vmem>>)
      tpu.yield
    }) : () -> ()
    %run_scoped3A = arith.constant 0 : i32
    "tpu.region"() ({
      %run_scoped3A_59 = tpu.sem_alloc : memref<!tpu.dma_semaphore, #tpu.memory_space<semaphore_mem>>
      %dma_start3A_60 = arith.constant 0 : i32
      %dma_start3A_61 = arith.constant 0 : i32
      %dma_start3A_62 = tpu.memref_slice %arg4[%add3A, %run_scoped3A, %dma_start3A_60, %dma_start3A_61] : memref<32x2x40x128xi32, #tpu.memory_space<hbm>> -> memref<1x1x40x128xi32, #tpu.memory_space<hbm>>
      %dma_start3A_63 = tpu.memref_squeeze %dma_start3A_62 : memref<1x1x40x128xi32, #tpu.memory_space<hbm>> -> memref<40x128xi32, #tpu.memory_space<hbm>>
      %dma_start3A_64 = arith.constant 0 : i32
      %dma_start3A_65 = arith.constant 0 : i32
      %dma_start3A_66 = tpu.memref_slice %arg4[%add3A, %run_scoped3A, %dma_start3A_64, %dma_start3A_65] : memref<32x2x40x128xi32, #tpu.memory_space<hbm>> -> memref<1x1x40x128xi32, #tpu.memory_space<hbm>>
      %dma_start3A_67 = tpu.memref_squeeze %dma_start3A_66 : memref<1x1x40x128xi32, #tpu.memory_space<hbm>> -> memref<40x128xi32, #tpu.memory_space<hbm>>
      tpu.enqueue_dma source(%dma_start3A_67 : memref<40x128xi32, #tpu.memory_space<hbm>>) target(%arg8 : memref<40x128xi32, #tpu.memory_space<vmem>>) target_semaphore(%run_scoped3A_59 : memref<!tpu.dma_semaphore, #tpu.memory_space<semaphore_mem>>)
      %dma_wait3A_68 = arith.constant 0 : i32
      %dma_wait3A_69 = arith.constant 0 : i32
      %dma_wait3A_70 = tpu.memref_slice %arg4[%add3A, %run_scoped3A, %dma_wait3A_68, %dma_wait3A_69] : memref<32x2x40x128xi32, #tpu.memory_space<hbm>> -> memref<1x1x40x128xi32, #tpu.memory_space<hbm>>
      %dma_wait3A_71 = tpu.memref_squeeze %dma_wait3A_70 : memref<1x1x40x128xi32, #tpu.memory_space<hbm>> -> memref<40x128xi32, #tpu.memory_space<hbm>>
      %dma_wait3A_72 = arith.constant 0 : i32
      %dma_wait3A_73 = arith.constant 0 : i32
      %dma_wait3A_74 = tpu.memref_slice %arg4[%add3A, %run_scoped3A, %dma_wait3A_72, %dma_wait3A_73] : memref<32x2x40x128xi32, #tpu.memory_space<hbm>> -> memref<1x1x40x128xi32, #tpu.memory_space<hbm>>
      %dma_wait3A_75 = tpu.memref_squeeze %dma_wait3A_74 : memref<1x1x40x128xi32, #tpu.memory_space<hbm>> -> memref<40x128xi32, #tpu.memory_space<hbm>>
      tpu.wait_dma2 semaphore(%run_scoped3A_59 : memref<!tpu.dma_semaphore, #tpu.memory_space<semaphore_mem>>) src(%dma_wait3A_75 : memref<40x128xi32, #tpu.memory_space<hbm>>) dst(%arg8 : memref<40x128xi32, #tpu.memory_space<vmem>>)
      tpu.yield
    }) : () -> ()
    %dma_start3A = arith.constant 0 : i32
    %dma_start3A_17 = arith.constant 0 : i32
    %dma_start3A_18 = tpu.memref_slice %arg7[%dma_start3A, %dma_start3A_17] : memref<80x128xi32, #tpu.memory_space<vmem>> -> memref<1x128xi32, #tpu.memory_space<vmem>>
    %dma_start3A_19 = tpu.memref_squeeze %dma_start3A_18 : memref<1x128xi32, #tpu.memory_space<vmem>> -> memref<128xi32, #tpu.memory_space<vmem>>
    %dma_start3A_20 = arith.constant 0 : i32
    %dma_start3A_21 = arith.constant 0 : i32
    %dma_start3A_22 = tpu.memref_slice %arg2[%dma_start3A_20, %dma_start3A_21] : memref<10000x128xf32, #tpu.memory_space<hbm>> -> memref<10000x128xf32, #tpu.memory_space<hbm>>
    tpu.enqueue_indirect_dma source(%dma_start3A_22 : memref<10000x128xf32, #tpu.memory_space<hbm>>) target(%arg9 : memref<128x128xf32, #tpu.memory_space<vmem>>) offsets(%dma_start3A_19 : memref<128xi32, #tpu.memory_space<vmem>>) semaphore(%arg11 : memref<!tpu.dma_semaphore, #tpu.memory_space<semaphore_mem>>)
    %dma_start3A_23 = arith.constant 1 : i32
    %dma_start3A_24 = arith.constant 0 : i32
    %dma_start3A_25 = tpu.memref_slice %arg7[%dma_start3A_23, %dma_start3A_24] : memref<80x128xi32, #tpu.memory_space<vmem>> -> memref<1x128xi32, #tpu.memory_space<vmem>>
    %dma_start3A_26 = tpu.memref_squeeze %dma_start3A_25 : memref<1x128xi32, #tpu.memory_space<vmem>> -> memref<128xi32, #tpu.memory_space<vmem>>
    %dma_start3A_27 = arith.constant 0 : i32
    %dma_start3A_28 = arith.constant 0 : i32
    %dma_start3A_29 = tpu.memref_slice %arg2[%dma_start3A_27, %dma_start3A_28] : memref<10000x128xf32, #tpu.memory_space<hbm>> -> memref<10000x128xf32, #tpu.memory_space<hbm>>
    tpu.enqueue_indirect_dma source(%dma_start3A_29 : memref<10000x128xf32, #tpu.memory_space<hbm>>) target(%arg10 : memref<128x128xf32, #tpu.memory_space<vmem>>) offsets(%dma_start3A_26 : memref<128xi32, #tpu.memory_space<vmem>>) semaphore(%arg12 : memref<!tpu.dma_semaphore, #tpu.memory_space<semaphore_mem>>)
    %scan3A_30 = arith.constant 0 : i32
    %scan3A_31 = arith.constant 0 : i32
    %scan3A_32 = arith.constant 20 : i32
    %scan3A_33 = arith.addi %scan3A_31, %scan3A_32 : i32
    %scan3A_34 = arith.constant 1 : i32
    scf.for %scan3A_59 = %scan3A_31 to %scan3A_33 step %scan3A_34  : i32 {
      %mul3A_60 = arith.constant 2 : i32
      %mul3A_61 = arith.muli %scan3A_59, %mul3A_60 : i32
      %add3A_62 = arith.constant 0 : i32
      %add3A_63 = arith.addi %add3A_62, %mul3A_61 : i32
      %add3A_64 = arith.constant 0 : i32
      %add3A_65 = arith.addi %add3A_63, %add3A_64 : i32
      %dma_wait3A_66 = arith.constant 0 : i32
      %dma_wait3A_67 = arith.constant 0 : i32
      %dma_wait3A_68 = tpu.memref_slice %arg7[%dma_wait3A_66, %dma_wait3A_67] : memref<80x128xi32, #tpu.memory_space<vmem>> -> memref<1x128xi32, #tpu.memory_space<vmem>>
      %dma_wait3A_69 = tpu.memref_squeeze %dma_wait3A_68 : memref<1x128xi32, #tpu.memory_space<vmem>> -> memref<128xi32, #tpu.memory_space<vmem>>
      %dma_wait3A_70 = arith.constant 0 : i32
      %dma_wait3A_71 = arith.constant 0 : i32
      %dma_wait3A_72 = tpu.memref_slice %arg2[%dma_wait3A_70, %dma_wait3A_71] : memref<10000x128xf32, #tpu.memory_space<hbm>> -> memref<10000x128xf32, #tpu.memory_space<hbm>>
      tpu.wait_indirect_dma semaphore(%arg11 : memref<!tpu.dma_semaphore, #tpu.memory_space<semaphore_mem>>) src(%dma_wait3A_72 : memref<10000x128xf32, #tpu.memory_space<hbm>>) dst(%arg9 : memref<128x128xf32, #tpu.memory_space<vmem>>)
      %mul3A_73 = arith.constant 2 : i32
      %mul3A_74 = arith.muli %scan3A_59, %mul3A_73 : i32
      %add3A_75 = arith.constant 0 : i32
      %add3A_76 = arith.addi %mul3A_74, %add3A_75 : i32
      "tpu.region"() ({
        %run_scoped3A_125 = tpu.sem_alloc : memref<!tpu.dma_semaphore, #tpu.memory_space<semaphore_mem>>
        %dma_start3A_126 = arith.constant 0 : i32
        %dma_start3A_127 = tpu.memref_slice %arg8[%add3A_76, %dma_start3A_126] : memref<40x128xi32, #tpu.memory_space<vmem>> -> memref<1x128xi32, #tpu.memory_space<vmem>>
        %dma_start3A_128 = tpu.memref_squeeze %dma_start3A_127 : memref<1x128xi32, #tpu.memory_space<vmem>> -> memref<128xi32, #tpu.memory_space<vmem>>
        %dma_start3A_129 = arith.constant 0 : i32
        %dma_start3A_130 = arith.constant 0 : i32
        %dma_start3A_131 = tpu.memref_slice %arg6[%dma_start3A_129, %dma_start3A_130] : memref<10112x128xf32, #tpu.memory_space<vmem_shared>> -> memref<10112x128xf32, #tpu.memory_space<vmem_shared>>
        tpu.enqueue_indirect_dma source(%arg9 : memref<128x128xf32, #tpu.memory_space<vmem>>) target(%dma_start3A_131 : memref<10112x128xf32, #tpu.memory_space<vmem_shared>>) offsets(%dma_start3A_128 : memref<128xi32, #tpu.memory_space<vmem>>) semaphore(%run_scoped3A_125 : memref<!tpu.dma_semaphore, #tpu.memory_space<semaphore_mem>>) {add = true}
        %dma_wait3A_132 = arith.constant 0 : i32
        %dma_wait3A_133 = tpu.memref_slice %arg8[%add3A_76, %dma_wait3A_132] : memref<40x128xi32, #tpu.memory_space<vmem>> -> memref<1x128xi32, #tpu.memory_space<vmem>>
        %dma_wait3A_134 = tpu.memref_squeeze %dma_wait3A_133 : memref<1x128xi32, #tpu.memory_space<vmem>> -> memref<128xi32, #tpu.memory_space<vmem>>
        %dma_wait3A_135 = arith.constant 0 : i32
        %dma_wait3A_136 = arith.constant 0 : i32
        %dma_wait3A_137 = tpu.memref_slice %arg6[%dma_wait3A_135, %dma_wait3A_136] : memref<10112x128xf32, #tpu.memory_space<vmem_shared>> -> memref<10112x128xf32, #tpu.memory_space<vmem_shared>>
        tpu.wait_indirect_dma semaphore(%run_scoped3A_125 : memref<!tpu.dma_semaphore, #tpu.memory_space<semaphore_mem>>) src(%arg9 : memref<128x128xf32, #tpu.memory_space<vmem>>) dst(%dma_wait3A_137 : memref<10112x128xf32, #tpu.memory_space<vmem_shared>>)
        tpu.yield
      }) : () -> ()
      %add3A_77 = arith.constant 2 : i32
      %add3A_78 = arith.addi %add3A_65, %add3A_77 : i32
      %ge3A = arith.constant 80 : i32
      %ge3A_79 = arith.cmpi sge, %add3A_78, %ge3A : i32
      %add3A_80 = arith.constant 2 : i32
      %add3A_81 = arith.addi %add3A_65, %add3A_80 : i32
      %sub3A = arith.constant 80 : i32
      %sub3A_82 = arith.subi %add3A_81, %sub3A : i32
      %add3A_83 = arith.constant 2 : i32
      %add3A_84 = arith.addi %add3A_65, %add3A_83 : i32
      %select_n3A = arith.select %ge3A_79, %sub3A_82, %add3A_84 : i32
      %dma_start3A_85 = arith.constant 0 : i32
      %dma_start3A_86 = tpu.memref_slice %arg7[%select_n3A, %dma_start3A_85] : memref<80x128xi32, #tpu.memory_space<vmem>> -> memref<1x128xi32, #tpu.memory_space<vmem>>
      %dma_start3A_87 = tpu.memref_squeeze %dma_start3A_86 : memref<1x128xi32, #tpu.memory_space<vmem>> -> memref<128xi32, #tpu.memory_space<vmem>>
      %dma_start3A_88 = arith.constant 0 : i32
      %dma_start3A_89 = arith.constant 0 : i32
      %dma_start3A_90 = tpu.memref_slice %arg2[%dma_start3A_88, %dma_start3A_89] : memref<10000x128xf32, #tpu.memory_space<hbm>> -> memref<10000x128xf32, #tpu.memory_space<hbm>>
      tpu.enqueue_indirect_dma source(%dma_start3A_90 : memref<10000x128xf32, #tpu.memory_space<hbm>>) target(%arg9 : memref<128x128xf32, #tpu.memory_space<vmem>>) offsets(%dma_start3A_87 : memref<128xi32, #tpu.memory_space<vmem>>) semaphore(%arg11 : memref<!tpu.dma_semaphore, #tpu.memory_space<semaphore_mem>>)
      %mul3A_91 = arith.constant 2 : i32
      %mul3A_92 = arith.muli %scan3A_59, %mul3A_91 : i32
      %add3A_93 = arith.constant 0 : i32
      %add3A_94 = arith.addi %add3A_93, %mul3A_92 : i32
      %add3A_95 = arith.constant 1 : i32
      %add3A_96 = arith.addi %add3A_94, %add3A_95 : i32
      %dma_wait3A_97 = arith.constant 0 : i32
      %dma_wait3A_98 = arith.constant 0 : i32
      %dma_wait3A_99 = tpu.memref_slice %arg7[%dma_wait3A_97, %dma_wait3A_98] : memref<80x128xi32, #tpu.memory_space<vmem>> -> memref<1x128xi32, #tpu.memory_space<vmem>>
      %dma_wait3A_100 = tpu.memref_squeeze %dma_wait3A_99 : memref<1x128xi32, #tpu.memory_space<vmem>> -> memref<128xi32, #tpu.memory_space<vmem>>
      %dma_wait3A_101 = arith.constant 0 : i32
      %dma_wait3A_102 = arith.constant 0 : i32
      %dma_wait3A_103 = tpu.memref_slice %arg2[%dma_wait3A_101, %dma_wait3A_102] : memref<10000x128xf32, #tpu.memory_space<hbm>> -> memref<10000x128xf32, #tpu.memory_space<hbm>>
      tpu.wait_indirect_dma semaphore(%arg12 : memref<!tpu.dma_semaphore, #tpu.memory_space<semaphore_mem>>) src(%dma_wait3A_103 : memref<10000x128xf32, #tpu.memory_space<hbm>>) dst(%arg10 : memref<128x128xf32, #tpu.memory_space<vmem>>)
      %mul3A_104 = arith.constant 2 : i32
      %mul3A_105 = arith.muli %scan3A_59, %mul3A_104 : i32
      %add3A_106 = arith.constant 1 : i32
      %add3A_107 = arith.addi %mul3A_105, %add3A_106 : i32
      "tpu.region"() ({
        %run_scoped3A_125 = tpu.sem_alloc : memref<!tpu.dma_semaphore, #tpu.memory_space<semaphore_mem>>
        %dma_start3A_126 = arith.constant 0 : i32
        %dma_start3A_127 = tpu.memref_slice %arg8[%add3A_107, %dma_start3A_126] : memref<40x128xi32, #tpu.memory_space<vmem>> -> memref<1x128xi32, #tpu.memory_space<vmem>>
        %dma_start3A_128 = tpu.memref_squeeze %dma_start3A_127 : memref<1x128xi32, #tpu.memory_space<vmem>> -> memref<128xi32, #tpu.memory_space<vmem>>
        %dma_start3A_129 = arith.constant 0 : i32
        %dma_start3A_130 = arith.constant 0 : i32
        %dma_start3A_131 = tpu.memref_slice %arg6[%dma_start3A_129, %dma_start3A_130] : memref<10112x128xf32, #tpu.memory_space<vmem_shared>> -> memref<10112x128xf32, #tpu.memory_space<vmem_shared>>
        tpu.enqueue_indirect_dma source(%arg10 : memref<128x128xf32, #tpu.memory_space<vmem>>) target(%dma_start3A_131 : memref<10112x128xf32, #tpu.memory_space<vmem_shared>>) offsets(%dma_start3A_128 : memref<128xi32, #tpu.memory_space<vmem>>) semaphore(%run_scoped3A_125 : memref<!tpu.dma_semaphore, #tpu.memory_space<semaphore_mem>>) {add = true}
        %dma_wait3A_132 = arith.constant 0 : i32
        %dma_wait3A_133 = tpu.memref_slice %arg8[%add3A_107, %dma_wait3A_132] : memref<40x128xi32, #tpu.memory_space<vmem>> -> memref<1x128xi32, #tpu.memory_space<vmem>>
        %dma_wait3A_134 = tpu.memref_squeeze %dma_wait3A_133 : memref<1x128xi32, #tpu.memory_space<vmem>> -> memref<128xi32, #tpu.memory_space<vmem>>
        %dma_wait3A_135 = arith.constant 0 : i32
        %dma_wait3A_136 = arith.constant 0 : i32
        %dma_wait3A_137 = tpu.memref_slice %arg6[%dma_wait3A_135, %dma_wait3A_136] : memref<10112x128xf32, #tpu.memory_space<vmem_shared>> -> memref<10112x128xf32, #tpu.memory_space<vmem_shared>>
        tpu.wait_indirect_dma semaphore(%run_scoped3A_125 : memref<!tpu.dma_semaphore, #tpu.memory_space<semaphore_mem>>) src(%arg10 : memref<128x128xf32, #tpu.memory_space<vmem>>) dst(%dma_wait3A_137 : memref<10112x128xf32, #tpu.memory_space<vmem_shared>>)
        tpu.yield
      }) : () -> ()
      %add3A_108 = arith.constant 2 : i32
      %add3A_109 = arith.addi %add3A_96, %add3A_108 : i32
      %ge3A_110 = arith.constant 80 : i32
      %ge3A_111 = arith.cmpi sge, %add3A_109, %ge3A_110 : i32
      %add3A_112 = arith.constant 2 : i32
      %add3A_113 = arith.addi %add3A_96, %add3A_112 : i32
      %sub3A_114 = arith.constant 80 : i32
      %sub3A_115 = arith.subi %add3A_113, %sub3A_114 : i32
      %add3A_116 = arith.constant 2 : i32
      %add3A_117 = arith.addi %add3A_96, %add3A_116 : i32
      %select_n3A_118 = arith.select %ge3A_111, %sub3A_115, %add3A_117 : i32
      %dma_start3A_119 = arith.constant 0 : i32
      %dma_start3A_120 = tpu.memref_slice %arg7[%select_n3A_118, %dma_start3A_119] : memref<80x128xi32, #tpu.memory_space<vmem>> -> memref<1x128xi32, #tpu.memory_space<vmem>>
      %dma_start3A_121 = tpu.memref_squeeze %dma_start3A_120 : memref<1x128xi32, #tpu.memory_space<vmem>> -> memref<128xi32, #tpu.memory_space<vmem>>
      %dma_start3A_122 = arith.constant 0 : i32
      %dma_start3A_123 = arith.constant 0 : i32
      %dma_start3A_124 = tpu.memref_slice %arg2[%dma_start3A_122, %dma_start3A_123] : memref<10000x128xf32, #tpu.memory_space<hbm>> -> memref<10000x128xf32, #tpu.memory_space<hbm>>
      tpu.enqueue_indirect_dma source(%dma_start3A_124 : memref<10000x128xf32, #tpu.memory_space<hbm>>) target(%arg10 : memref<128x128xf32, #tpu.memory_space<vmem>>) offsets(%dma_start3A_121 : memref<128xi32, #tpu.memory_space<vmem>>) semaphore(%arg12 : memref<!tpu.dma_semaphore, #tpu.memory_space<semaphore_mem>>)
    }
    %scan3A_35 = arith.constant 20 : i32
    %run_scoped3A_36 = arith.constant 1 : i32
    "tpu.region"() ({
      %run_scoped3A_59 = tpu.sem_alloc : memref<!tpu.dma_semaphore, #tpu.memory_space<semaphore_mem>>
      %dma_start3A_60 = arith.constant 0 : i32
      %dma_start3A_61 = arith.constant 0 : i32
      %dma_start3A_62 = tpu.memref_slice %arg4[%add3A, %run_scoped3A_36, %dma_start3A_60, %dma_start3A_61] : memref<32x2x40x128xi32, #tpu.memory_space<hbm>> -> memref<1x1x40x128xi32, #tpu.memory_space<hbm>>
      %dma_start3A_63 = tpu.memref_squeeze %dma_start3A_62 : memref<1x1x40x128xi32, #tpu.memory_space<hbm>> -> memref<40x128xi32, #tpu.memory_space<hbm>>
      %dma_start3A_64 = arith.constant 0 : i32
      %dma_start3A_65 = arith.constant 0 : i32
      %dma_start3A_66 = tpu.memref_slice %arg4[%add3A, %run_scoped3A_36, %dma_start3A_64, %dma_start3A_65] : memref<32x2x40x128xi32, #tpu.memory_space<hbm>> -> memref<1x1x40x128xi32, #tpu.memory_space<hbm>>
      %dma_start3A_67 = tpu.memref_squeeze %dma_start3A_66 : memref<1x1x40x128xi32, #tpu.memory_space<hbm>> -> memref<40x128xi32, #tpu.memory_space<hbm>>
      tpu.enqueue_dma source(%dma_start3A_67 : memref<40x128xi32, #tpu.memory_space<hbm>>) target(%arg8 : memref<40x128xi32, #tpu.memory_space<vmem>>) target_semaphore(%run_scoped3A_59 : memref<!tpu.dma_semaphore, #tpu.memory_space<semaphore_mem>>)
      %dma_wait3A_68 = arith.constant 0 : i32
      %dma_wait3A_69 = arith.constant 0 : i32
      %dma_wait3A_70 = tpu.memref_slice %arg4[%add3A, %run_scoped3A_36, %dma_wait3A_68, %dma_wait3A_69] : memref<32x2x40x128xi32, #tpu.memory_space<hbm>> -> memref<1x1x40x128xi32, #tpu.memory_space<hbm>>
      %dma_wait3A_71 = tpu.memref_squeeze %dma_wait3A_70 : memref<1x1x40x128xi32, #tpu.memory_space<hbm>> -> memref<40x128xi32, #tpu.memory_space<hbm>>
      %dma_wait3A_72 = arith.constant 0 : i32
      %dma_wait3A_73 = arith.constant 0 : i32
      %dma_wait3A_74 = tpu.memref_slice %arg4[%add3A, %run_scoped3A_36, %dma_wait3A_72, %dma_wait3A_73] : memref<32x2x40x128xi32, #tpu.memory_space<hbm>> -> memref<1x1x40x128xi32, #tpu.memory_space<hbm>>
      %dma_wait3A_75 = tpu.memref_squeeze %dma_wait3A_74 : memref<1x1x40x128xi32, #tpu.memory_space<hbm>> -> memref<40x128xi32, #tpu.memory_space<hbm>>
      tpu.wait_dma2 semaphore(%run_scoped3A_59 : memref<!tpu.dma_semaphore, #tpu.memory_space<semaphore_mem>>) src(%dma_wait3A_75 : memref<40x128xi32, #tpu.memory_space<hbm>>) dst(%arg8 : memref<40x128xi32, #tpu.memory_space<vmem>>)
      tpu.yield
    }) : () -> ()
    %scan3A_37 = arith.constant 0 : i32
    %scan3A_38 = arith.constant 0 : i32
    %scan3A_39 = arith.constant 20 : i32
    %scan3A_40 = arith.addi %scan3A_38, %scan3A_39 : i32
    %scan3A_41 = arith.constant 1 : i32
    scf.for %scan3A_59 = %scan3A_38 to %scan3A_40 step %scan3A_41  : i32 {
      %mul3A_60 = arith.constant 2 : i32
      %mul3A_61 = arith.muli %scan3A_59, %mul3A_60 : i32
      %add3A_62 = arith.constant 40 : i32
      %add3A_63 = arith.addi %add3A_62, %mul3A_61 : i32
      %add3A_64 = arith.constant 0 : i32
      %add3A_65 = arith.addi %add3A_63, %add3A_64 : i32
      %dma_wait3A_66 = arith.constant 0 : i32
      %dma_wait3A_67 = arith.constant 0 : i32
      %dma_wait3A_68 = tpu.memref_slice %arg7[%dma_wait3A_66, %dma_wait3A_67] : memref<80x128xi32, #tpu.memory_space<vmem>> -> memref<1x128xi32, #tpu.memory_space<vmem>>
      %dma_wait3A_69 = tpu.memref_squeeze %dma_wait3A_68 : memref<1x128xi32, #tpu.memory_space<vmem>> -> memref<128xi32, #tpu.memory_space<vmem>>
      %dma_wait3A_70 = arith.constant 0 : i32
      %dma_wait3A_71 = arith.constant 0 : i32
      %dma_wait3A_72 = tpu.memref_slice %arg2[%dma_wait3A_70, %dma_wait3A_71] : memref<10000x128xf32, #tpu.memory_space<hbm>> -> memref<10000x128xf32, #tpu.memory_space<hbm>>
      tpu.wait_indirect_dma semaphore(%arg11 : memref<!tpu.dma_semaphore, #tpu.memory_space<semaphore_mem>>) src(%dma_wait3A_72 : memref<10000x128xf32, #tpu.memory_space<hbm>>) dst(%arg9 : memref<128x128xf32, #tpu.memory_space<vmem>>)
      %mul3A_73 = arith.constant 2 : i32
      %mul3A_74 = arith.muli %scan3A_59, %mul3A_73 : i32
      %add3A_75 = arith.constant 0 : i32
      %add3A_76 = arith.addi %mul3A_74, %add3A_75 : i32
      "tpu.region"() ({
        %run_scoped3A_125 = tpu.sem_alloc : memref<!tpu.dma_semaphore, #tpu.memory_space<semaphore_mem>>
        %dma_start3A_126 = arith.constant 0 : i32
        %dma_start3A_127 = tpu.memref_slice %arg8[%add3A_76, %dma_start3A_126] : memref<40x128xi32, #tpu.memory_space<vmem>> -> memref<1x128xi32, #tpu.memory_space<vmem>>
        %dma_start3A_128 = tpu.memref_squeeze %dma_start3A_127 : memref<1x128xi32, #tpu.memory_space<vmem>> -> memref<128xi32, #tpu.memory_space<vmem>>
        %dma_start3A_129 = arith.constant 0 : i32
        %dma_start3A_130 = arith.constant 0 : i32
        %dma_start3A_131 = tpu.memref_slice %arg6[%dma_start3A_129, %dma_start3A_130] : memref<10112x128xf32, #tpu.memory_space<vmem_shared>> -> memref<10112x128xf32, #tpu.memory_space<vmem_shared>>
        tpu.enqueue_indirect_dma source(%arg9 : memref<128x128xf32, #tpu.memory_space<vmem>>) target(%dma_start3A_131 : memref<10112x128xf32, #tpu.memory_space<vmem_shared>>) offsets(%dma_start3A_128 : memref<128xi32, #tpu.memory_space<vmem>>) semaphore(%run_scoped3A_125 : memref<!tpu.dma_semaphore, #tpu.memory_space<semaphore_mem>>) {add = true}
        %dma_wait3A_132 = arith.constant 0 : i32
        %dma_wait3A_133 = tpu.memref_slice %arg8[%add3A_76, %dma_wait3A_132] : memref<40x128xi32, #tpu.memory_space<vmem>> -> memref<1x128xi32, #tpu.memory_space<vmem>>
        %dma_wait3A_134 = tpu.memref_squeeze %dma_wait3A_133 : memref<1x128xi32, #tpu.memory_space<vmem>> -> memref<128xi32, #tpu.memory_space<vmem>>
        %dma_wait3A_135 = arith.constant 0 : i32
        %dma_wait3A_136 = arith.constant 0 : i32
        %dma_wait3A_137 = tpu.memref_slice %arg6[%dma_wait3A_135, %dma_wait3A_136] : memref<10112x128xf32, #tpu.memory_space<vmem_shared>> -> memref<10112x128xf32, #tpu.memory_space<vmem_shared>>
        tpu.wait_indirect_dma semaphore(%run_scoped3A_125 : memref<!tpu.dma_semaphore, #tpu.memory_space<semaphore_mem>>) src(%arg9 : memref<128x128xf32, #tpu.memory_space<vmem>>) dst(%dma_wait3A_137 : memref<10112x128xf32, #tpu.memory_space<vmem_shared>>)
        tpu.yield
      }) : () -> ()
      %add3A_77 = arith.constant 2 : i32
      %add3A_78 = arith.addi %add3A_65, %add3A_77 : i32
      %ge3A = arith.constant 80 : i32
      %ge3A_79 = arith.cmpi sge, %add3A_78, %ge3A : i32
      %add3A_80 = arith.constant 2 : i32
      %add3A_81 = arith.addi %add3A_65, %add3A_80 : i32
      %sub3A = arith.constant 80 : i32
      %sub3A_82 = arith.subi %add3A_81, %sub3A : i32
      %add3A_83 = arith.constant 2 : i32
      %add3A_84 = arith.addi %add3A_65, %add3A_83 : i32
      %select_n3A = arith.select %ge3A_79, %sub3A_82, %add3A_84 : i32
      %dma_start3A_85 = arith.constant 0 : i32
      %dma_start3A_86 = tpu.memref_slice %arg7[%select_n3A, %dma_start3A_85] : memref<80x128xi32, #tpu.memory_space<vmem>> -> memref<1x128xi32, #tpu.memory_space<vmem>>
      %dma_start3A_87 = tpu.memref_squeeze %dma_start3A_86 : memref<1x128xi32, #tpu.memory_space<vmem>> -> memref<128xi32, #tpu.memory_space<vmem>>
      %dma_start3A_88 = arith.constant 0 : i32
      %dma_start3A_89 = arith.constant 0 : i32
      %dma_start3A_90 = tpu.memref_slice %arg2[%dma_start3A_88, %dma_start3A_89] : memref<10000x128xf32, #tpu.memory_space<hbm>> -> memref<10000x128xf32, #tpu.memory_space<hbm>>
      tpu.enqueue_indirect_dma source(%dma_start3A_90 : memref<10000x128xf32, #tpu.memory_space<hbm>>) target(%arg9 : memref<128x128xf32, #tpu.memory_space<vmem>>) offsets(%dma_start3A_87 : memref<128xi32, #tpu.memory_space<vmem>>) semaphore(%arg11 : memref<!tpu.dma_semaphore, #tpu.memory_space<semaphore_mem>>)
      %mul3A_91 = arith.constant 2 : i32
      %mul3A_92 = arith.muli %scan3A_59, %mul3A_91 : i32
      %add3A_93 = arith.constant 40 : i32
      %add3A_94 = arith.addi %add3A_93, %mul3A_92 : i32
      %add3A_95 = arith.constant 1 : i32
      %add3A_96 = arith.addi %add3A_94, %add3A_95 : i32
      %dma_wait3A_97 = arith.constant 0 : i32
      %dma_wait3A_98 = arith.constant 0 : i32
      %dma_wait3A_99 = tpu.memref_slice %arg7[%dma_wait3A_97, %dma_wait3A_98] : memref<80x128xi32, #tpu.memory_space<vmem>> -> memref<1x128xi32, #tpu.memory_space<vmem>>
      %dma_wait3A_100 = tpu.memref_squeeze %dma_wait3A_99 : memref<1x128xi32, #tpu.memory_space<vmem>> -> memref<128xi32, #tpu.memory_space<vmem>>
      %dma_wait3A_101 = arith.constant 0 : i32
      %dma_wait3A_102 = arith.constant 0 : i32
      %dma_wait3A_103 = tpu.memref_slice %arg2[%dma_wait3A_101, %dma_wait3A_102] : memref<10000x128xf32, #tpu.memory_space<hbm>> -> memref<10000x128xf32, #tpu.memory_space<hbm>>
      tpu.wait_indirect_dma semaphore(%arg12 : memref<!tpu.dma_semaphore, #tpu.memory_space<semaphore_mem>>) src(%dma_wait3A_103 : memref<10000x128xf32, #tpu.memory_space<hbm>>) dst(%arg10 : memref<128x128xf32, #tpu.memory_space<vmem>>)
      %mul3A_104 = arith.constant 2 : i32
      %mul3A_105 = arith.muli %scan3A_59, %mul3A_104 : i32
      %add3A_106 = arith.constant 1 : i32
      %add3A_107 = arith.addi %mul3A_105, %add3A_106 : i32
      "tpu.region"() ({
        %run_scoped3A_125 = tpu.sem_alloc : memref<!tpu.dma_semaphore, #tpu.memory_space<semaphore_mem>>
        %dma_start3A_126 = arith.constant 0 : i32
        %dma_start3A_127 = tpu.memref_slice %arg8[%add3A_107, %dma_start3A_126] : memref<40x128xi32, #tpu.memory_space<vmem>> -> memref<1x128xi32, #tpu.memory_space<vmem>>
        %dma_start3A_128 = tpu.memref_squeeze %dma_start3A_127 : memref<1x128xi32, #tpu.memory_space<vmem>> -> memref<128xi32, #tpu.memory_space<vmem>>
        %dma_start3A_129 = arith.constant 0 : i32
        %dma_start3A_130 = arith.constant 0 : i32
        %dma_start3A_131 = tpu.memref_slice %arg6[%dma_start3A_129, %dma_start3A_130] : memref<10112x128xf32, #tpu.memory_space<vmem_shared>> -> memref<10112x128xf32, #tpu.memory_space<vmem_shared>>
        tpu.enqueue_indirect_dma source(%arg10 : memref<128x128xf32, #tpu.memory_space<vmem>>) target(%dma_start3A_131 : memref<10112x128xf32, #tpu.memory_space<vmem_shared>>) offsets(%dma_start3A_128 : memref<128xi32, #tpu.memory_space<vmem>>) semaphore(%run_scoped3A_125 : memref<!tpu.dma_semaphore, #tpu.memory_space<semaphore_mem>>) {add = true}
        %dma_wait3A_132 = arith.constant 0 : i32
        %dma_wait3A_133 = tpu.memref_slice %arg8[%add3A_107, %dma_wait3A_132] : memref<40x128xi32, #tpu.memory_space<vmem>> -> memref<1x128xi32, #tpu.memory_space<vmem>>
        %dma_wait3A_134 = tpu.memref_squeeze %dma_wait3A_133 : memref<1x128xi32, #tpu.memory_space<vmem>> -> memref<128xi32, #tpu.memory_space<vmem>>
        %dma_wait3A_135 = arith.constant 0 : i32
        %dma_wait3A_136 = arith.constant 0 : i32
        %dma_wait3A_137 = tpu.memref_slice %arg6[%dma_wait3A_135, %dma_wait3A_136] : memref<10112x128xf32, #tpu.memory_space<vmem_shared>> -> memref<10112x128xf32, #tpu.memory_space<vmem_shared>>
        tpu.wait_indirect_dma semaphore(%run_scoped3A_125 : memref<!tpu.dma_semaphore, #tpu.memory_space<semaphore_mem>>) src(%arg10 : memref<128x128xf32, #tpu.memory_space<vmem>>) dst(%dma_wait3A_137 : memref<10112x128xf32, #tpu.memory_space<vmem_shared>>)
        tpu.yield
      }) : () -> ()
      %add3A_108 = arith.constant 2 : i32
      %add3A_109 = arith.addi %add3A_96, %add3A_108 : i32
      %ge3A_110 = arith.constant 80 : i32
      %ge3A_111 = arith.cmpi sge, %add3A_109, %ge3A_110 : i32
      %add3A_112 = arith.constant 2 : i32
      %add3A_113 = arith.addi %add3A_96, %add3A_112 : i32
      %sub3A_114 = arith.constant 80 : i32
      %sub3A_115 = arith.subi %add3A_113, %sub3A_114 : i32
      %add3A_116 = arith.constant 2 : i32
      %add3A_117 = arith.addi %add3A_96, %add3A_116 : i32
      %select_n3A_118 = arith.select %ge3A_111, %sub3A_115, %add3A_117 : i32
      %dma_start3A_119 = arith.constant 0 : i32
      %dma_start3A_120 = tpu.memref_slice %arg7[%select_n3A_118, %dma_start3A_119] : memref<80x128xi32, #tpu.memory_space<vmem>> -> memref<1x128xi32, #tpu.memory_space<vmem>>
      %dma_start3A_121 = tpu.memref_squeeze %dma_start3A_120 : memref<1x128xi32, #tpu.memory_space<vmem>> -> memref<128xi32, #tpu.memory_space<vmem>>
      %dma_start3A_122 = arith.constant 0 : i32
      %dma_start3A_123 = arith.constant 0 : i32
      %dma_start3A_124 = tpu.memref_slice %arg2[%dma_start3A_122, %dma_start3A_123] : memref<10000x128xf32, #tpu.memory_space<hbm>> -> memref<10000x128xf32, #tpu.memory_space<hbm>>
      tpu.enqueue_indirect_dma source(%dma_start3A_124 : memref<10000x128xf32, #tpu.memory_space<hbm>>) target(%arg10 : memref<128x128xf32, #tpu.memory_space<vmem>>) offsets(%dma_start3A_121 : memref<128xi32, #tpu.memory_space<vmem>>) semaphore(%arg12 : memref<!tpu.dma_semaphore, #tpu.memory_space<semaphore_mem>>)
    }
    %scan3A_42 = arith.constant 20 : i32
    %dma_wait3A = arith.constant 0 : i32
    %dma_wait3A_43 = arith.constant 0 : i32
    %dma_wait3A_44 = tpu.memref_slice %arg7[%dma_wait3A, %dma_wait3A_43] : memref<80x128xi32, #tpu.memory_space<vmem>> -> memref<1x128xi32, #tpu.memory_space<vmem>>
    %dma_wait3A_45 = tpu.memref_squeeze %dma_wait3A_44 : memref<1x128xi32, #tpu.memory_space<vmem>> -> memref<128xi32, #tpu.memory_space<vmem>>
    %dma_wait3A_46 = arith.constant 0 : i32
    %dma_wait3A_47 = arith.constant 0 : i32
    %dma_wait3A_48 = tpu.memref_slice %arg2[%dma_wait3A_46, %dma_wait3A_47] : memref<10000x128xf32, #tpu.memory_space<hbm>> -> memref<10000x128xf32, #tpu.memory_space<hbm>>
    tpu.wait_indirect_dma semaphore(%arg11 : memref<!tpu.dma_semaphore, #tpu.memory_space<semaphore_mem>>) src(%dma_wait3A_48 : memref<10000x128xf32, #tpu.memory_space<hbm>>) dst(%arg9 : memref<128x128xf32, #tpu.memory_space<vmem>>)
    %dma_wait3A_49 = arith.constant 0 : i32
    %dma_wait3A_50 = arith.constant 0 : i32
    %dma_wait3A_51 = tpu.memref_slice %arg7[%dma_wait3A_49, %dma_wait3A_50] : memref<80x128xi32, #tpu.memory_space<vmem>> -> memref<1x128xi32, #tpu.memory_space<vmem>>
    %dma_wait3A_52 = tpu.memref_squeeze %dma_wait3A_51 : memref<1x128xi32, #tpu.memory_space<vmem>> -> memref<128xi32, #tpu.memory_space<vmem>>
    %dma_wait3A_53 = arith.constant 0 : i32
    %dma_wait3A_54 = arith.constant 0 : i32
    %dma_wait3A_55 = tpu.memref_slice %arg2[%dma_wait3A_53, %dma_wait3A_54] : memref<10000x128xf32, #tpu.memory_space<hbm>> -> memref<10000x128xf32, #tpu.memory_space<hbm>>
    tpu.wait_indirect_dma semaphore(%arg12 : memref<!tpu.dma_semaphore, #tpu.memory_space<semaphore_mem>>) src(%dma_wait3A_55 : memref<10000x128xf32, #tpu.memory_space<hbm>>) dst(%arg10 : memref<128x128xf32, #tpu.memory_space<vmem>>)
    %barrier3A_56 = arith.constant 0 : index
    tpu.barrier barrier_id(%barrier3A_56)
    %mul3A_57 = arith.constant 632 : i32
    %mul3A_58 = arith.muli %arg1, %mul3A_57 : i32
    "tpu.region"() ({
      %run_scoped3A_59 = tpu.sem_alloc : memref<!tpu.dma_semaphore, #tpu.memory_space<semaphore_mem>>
      %dma_start3A_60 = arith.constant 0 : i32
      %dma_start3A_61 = tpu.memref_slice %arg5[%arg0, %mul3A_58, %dma_start3A_60] : memref<2x10112x128xf32, #tpu.memory_space<hbm>> -> memref<1x632x128xf32, #tpu.memory_space<hbm>>
      %dma_start3A_62 = tpu.memref_squeeze %dma_start3A_61 : memref<1x632x128xf32, #tpu.memory_space<hbm>> -> memref<632x128xf32, #tpu.memory_space<hbm>>
      %dma_start3A_63 = arith.constant 0 : i32
      %dma_start3A_64 = tpu.memref_slice %arg6[%mul3A_58, %dma_start3A_63] : memref<10112x128xf32, #tpu.memory_space<vmem_shared>> -> memref<632x128xf32, #tpu.memory_space<vmem_shared>>
      tpu.enqueue_dma source(%dma_start3A_64 : memref<632x128xf32, #tpu.memory_space<vmem_shared>>) target(%dma_start3A_62 : memref<632x128xf32, #tpu.memory_space<hbm>>) target_semaphore(%run_scoped3A_59 : memref<!tpu.dma_semaphore, #tpu.memory_space<semaphore_mem>>)
      %dma_wait3A_65 = arith.constant 0 : i32
      %dma_wait3A_66 = tpu.memref_slice %arg5[%arg0, %mul3A_58, %dma_wait3A_65] : memref<2x10112x128xf32, #tpu.memory_space<hbm>> -> memref<1x632x128xf32, #tpu.memory_space<hbm>>
      %dma_wait3A_67 = tpu.memref_squeeze %dma_wait3A_66 : memref<1x632x128xf32, #tpu.memory_space<hbm>> -> memref<632x128xf32, #tpu.memory_space<hbm>>
      %dma_wait3A_68 = arith.constant 0 : i32
      %dma_wait3A_69 = tpu.memref_slice %arg6[%mul3A_58, %dma_wait3A_68] : memref<10112x128xf32, #tpu.memory_space<vmem_shared>> -> memref<632x128xf32, #tpu.memory_space<vmem_shared>>
      tpu.wait_dma2 semaphore(%run_scoped3A_59 : memref<!tpu.dma_semaphore, #tpu.memory_space<semaphore_mem>>) src(%dma_wait3A_69 : memref<632x128xf32, #tpu.memory_space<vmem_shared>>) dst(%dma_wait3A_67 : memref<632x128xf32, #tpu.memory_space<hbm>>)
      tpu.yield
    }) : () -> ()
    return
  }
}

#map = affine_map<(d0, d1) -> (0, 0)>
#map1 = affine_map<(d0, d1) -> (0, 0, 0)>
#map2 = affine_map<(d0, d1) -> (0, 0, 0, 0)>
module attributes {stable_mosaic.version = 14 : i64} {
  func.func @_sc_agg_body(%arg0: i32, %arg1: i32, %arg2: memref<10000x128xf32, #tpu.memory_space<hbm>>, %arg3: memref<32x80x128xi32, #tpu.memory_space<hbm>>, %arg4: memref<32x2x40x128xi32, #tpu.memory_space<hbm>>, %arg5: memref<2x10112x128xf32, #tpu.memory_space<hbm>>, %arg6: memref<10112x128xf32, #tpu.memory_space<vmem_shared>>, %arg7: memref<80x128xi32, #tpu.memory_space<vmem>>, %arg8: memref<40x128xi32, #tpu.memory_space<vmem>>, %arg9: memref<128x128xf32, #tpu.memory_space<vmem>>, %arg10: memref<128x128xf32, #tpu.memory_space<vmem>>, %arg11: memref<!tpu.dma_semaphore, #tpu.memory_space<semaphore_mem>>, %arg12: memref<!tpu.dma_semaphore, #tpu.memory_space<semaphore_mem>>) attributes {dimension_semantics = [#tpu.dimension_semantics<core_parallel>, #tpu.dimension_semantics<subcore_parallel>], iteration_bounds = array<i64: 2, 16>, scalar_prefetch = 0 : i64, scratch_operands = 7 : i64, tpu.core_type = #tpu.core_type<sc_vector_subcore>, window_params = [{transform_indices = #map}, {transform_indices = #map1}, {transform_indices = #map2}, {transform_indices = #map1}]} {
    %mul3A = arith.constant 16 : i32
    %mul3A_0 = arith.muli %arg0, %mul3A : i32
    %add3A = arith.addi %mul3A_0, %arg1 : i32
    %broadcast_in_dim3A = arith.constant 0.000000e+00 : f32
    %broadcast_in_dim3A_1 = vector.broadcast %broadcast_in_dim3A : f32 to vector<16xf32>
    %scan3A = arith.constant 0 : i32
    %scan3A_2 = arith.constant 0 : i32
    %scan3A_3 = arith.constant 128 : i32
    %scan3A_4 = arith.addi %scan3A_2, %scan3A_3 : i32
    %scan3A_5 = arith.constant 1 : i32
    scf.for %scan3A_59 = %scan3A_2 to %scan3A_4 step %scan3A_5  : i32 {
      %swap3A = arith.index_cast %scan3A_59 : i32 to index
      %swap3A_60 = arith.constant 0 : index
      %swap3A_61 = tpu.vector_load %arg9[%swap3A, %swap3A_60] {strides = array<i32>} : memref<128x128xf32, #tpu.memory_space<vmem>>, vector<1x16xf32>,
      %swap3A_62 = vector.shape_cast %swap3A_61 : vector<1x16xf32> to vector<16xf32>
      %swap3A_63 = vector.shape_cast %broadcast_in_dim3A_1 : vector<16xf32> to vector<1x16xf32>
      tpu.vector_store %arg9[%swap3A, %swap3A_60], %swap3A_63 {strides = array<i32>} : memref<128x128xf32, #tpu.memory_space<vmem>>, vector<1x16xf32>,
      %swap3A_64 = arith.index_cast %scan3A_59 : i32 to index
      %swap3A_65 = arith.constant 16 : index
      %swap3A_66 = tpu.vector_load %arg9[%swap3A_64, %swap3A_65] {strides = array<i32>} : memref<128x128xf32, #tpu.memory_space<vmem>>, vector<1x16xf32>,
      %swap3A_67 = vector.shape_cast %swap3A_66 : vector<1x16xf32> to vector<16xf32>
      %swap3A_68 = vector.shape_cast %broadcast_in_dim3A_1 : vector<16xf32> to vector<1x16xf32>
      tpu.vector_store %arg9[%swap3A_64, %swap3A_65], %swap3A_68 {strides = array<i32>} : memref<128x128xf32, #tpu.memory_space<vmem>>, vector<1x16xf32>,
      %swap3A_69 = arith.index_cast %scan3A_59 : i32 to index
      %swap3A_70 = arith.constant 32 : index
      %swap3A_71 = tpu.vector_load %arg9[%swap3A_69, %swap3A_70] {strides = array<i32>} : memref<128x128xf32, #tpu.memory_space<vmem>>, vector<1x16xf32>,
      %swap3A_72 = vector.shape_cast %swap3A_71 : vector<1x16xf32> to vector<16xf32>
      %swap3A_73 = vector.shape_cast %broadcast_in_dim3A_1 : vector<16xf32> to vector<1x16xf32>
      tpu.vector_store %arg9[%swap3A_69, %swap3A_70], %swap3A_73 {strides = array<i32>} : memref<128x128xf32, #tpu.memory_space<vmem>>, vector<1x16xf32>,
      %swap3A_74 = arith.index_cast %scan3A_59 : i32 to index
      %swap3A_75 = arith.constant 48 : index
      %swap3A_76 = tpu.vector_load %arg9[%swap3A_74, %swap3A_75] {strides = array<i32>} : memref<128x128xf32, #tpu.memory_space<vmem>>, vector<1x16xf32>,
      %swap3A_77 = vector.shape_cast %swap3A_76 : vector<1x16xf32> to vector<16xf32>
      %swap3A_78 = vector.shape_cast %broadcast_in_dim3A_1 : vector<16xf32> to vector<1x16xf32>
      tpu.vector_store %arg9[%swap3A_74, %swap3A_75], %swap3A_78 {strides = array<i32>} : memref<128x128xf32, #tpu.memory_space<vmem>>, vector<1x16xf32>,
      %swap3A_79 = arith.index_cast %scan3A_59 : i32 to index
      %swap3A_80 = arith.constant 64 : index
      %swap3A_81 = tpu.vector_load %arg9[%swap3A_79, %swap3A_80] {strides = array<i32>} : memref<128x128xf32, #tpu.memory_space<vmem>>, vector<1x16xf32>,
      %swap3A_82 = vector.shape_cast %swap3A_81 : vector<1x16xf32> to vector<16xf32>
      %swap3A_83 = vector.shape_cast %broadcast_in_dim3A_1 : vector<16xf32> to vector<1x16xf32>
      tpu.vector_store %arg9[%swap3A_79, %swap3A_80], %swap3A_83 {strides = array<i32>} : memref<128x128xf32, #tpu.memory_space<vmem>>, vector<1x16xf32>,
      %swap3A_84 = arith.index_cast %scan3A_59 : i32 to index
      %swap3A_85 = arith.constant 80 : index
      %swap3A_86 = tpu.vector_load %arg9[%swap3A_84, %swap3A_85] {strides = array<i32>} : memref<128x128xf32, #tpu.memory_space<vmem>>, vector<1x16xf32>,
      %swap3A_87 = vector.shape_cast %swap3A_86 : vector<1x16xf32> to vector<16xf32>
      %swap3A_88 = vector.shape_cast %broadcast_in_dim3A_1 : vector<16xf32> to vector<1x16xf32>
      tpu.vector_store %arg9[%swap3A_84, %swap3A_85], %swap3A_88 {strides = array<i32>} : memref<128x128xf32, #tpu.memory_space<vmem>>, vector<1x16xf32>,
      %swap3A_89 = arith.index_cast %scan3A_59 : i32 to index
      %swap3A_90 = arith.constant 96 : index
      %swap3A_91 = tpu.vector_load %arg9[%swap3A_89, %swap3A_90] {strides = array<i32>} : memref<128x128xf32, #tpu.memory_space<vmem>>, vector<1x16xf32>,
      %swap3A_92 = vector.shape_cast %swap3A_91 : vector<1x16xf32> to vector<16xf32>
      %swap3A_93 = vector.shape_cast %broadcast_in_dim3A_1 : vector<16xf32> to vector<1x16xf32>
      tpu.vector_store %arg9[%swap3A_89, %swap3A_90], %swap3A_93 {strides = array<i32>} : memref<128x128xf32, #tpu.memory_space<vmem>>, vector<1x16xf32>,
      %swap3A_94 = arith.index_cast %scan3A_59 : i32 to index
      %swap3A_95 = arith.constant 112 : index
      %swap3A_96 = tpu.vector_load %arg9[%swap3A_94, %swap3A_95] {strides = array<i32>} : memref<128x128xf32, #tpu.memory_space<vmem>>, vector<1x16xf32>,
      %swap3A_97 = vector.shape_cast %swap3A_96 : vector<1x16xf32> to vector<16xf32>
      %swap3A_98 = vector.shape_cast %broadcast_in_dim3A_1 : vector<16xf32> to vector<1x16xf32>
      tpu.vector_store %arg9[%swap3A_94, %swap3A_95], %swap3A_98 {strides = array<i32>} : memref<128x128xf32, #tpu.memory_space<vmem>>, vector<1x16xf32>,
    }
    %scan3A_6 = arith.constant 128 : i32
    %mul3A_7 = arith.constant 632 : i32
    %mul3A_8 = arith.muli %arg1, %mul3A_7 : i32
    %scan3A_9 = arith.constant 0 : i32
    %scan3A_10 = arith.constant 0 : i32
    %scan3A_11 = arith.constant 4 : i32
    %scan3A_12 = arith.addi %scan3A_10, %scan3A_11 : i32
    %scan3A_13 = arith.constant 1 : i32
    scf.for %scan3A_59 = %scan3A_10 to %scan3A_12 step %scan3A_13  : i32 {
      %mul3A_60 = arith.constant 128 : i32
      %mul3A_61 = arith.muli %scan3A_59, %mul3A_60 : i32
      %add3A_62 = arith.addi %mul3A_8, %mul3A_61 : i32
      "tpu.region"() ({
        %run_scoped3A_63 = tpu.sem_alloc : memref<!tpu.dma_semaphore, #tpu.memory_space<semaphore_mem>>
        %dma_start3A_64 = arith.constant 0 : i32
        %dma_start3A_65 = tpu.memref_slice %arg6[%add3A_62, %dma_start3A_64] : memref<10112x128xf32, #tpu.memory_space<vmem_shared>> -> memref<128x128xf32, #tpu.memory_space<vmem_shared>>
        %dma_start3A_66 = arith.constant 0 : i32
        %dma_start3A_67 = tpu.memref_slice %arg6[%add3A_62, %dma_start3A_66] : memref<10112x128xf32, #tpu.memory_space<vmem_shared>> -> memref<128x128xf32, #tpu.memory_space<vmem_shared>>
        tpu.enqueue_dma source(%arg9 : memref<128x128xf32, #tpu.memory_space<vmem>>) target(%dma_start3A_67 : memref<128x128xf32, #tpu.memory_space<vmem_shared>>) target_semaphore(%run_scoped3A_63 : memref<!tpu.dma_semaphore, #tpu.memory_space<semaphore_mem>>)
        %dma_wait3A_68 = arith.constant 0 : i32
        %dma_wait3A_69 = tpu.memref_slice %arg6[%add3A_62, %dma_wait3A_68] : memref<10112x128xf32, #tpu.memory_space<vmem_shared>> -> memref<128x128xf32, #tpu.memory_space<vmem_shared>>
        %dma_wait3A_70 = arith.constant 0 : i32
        %dma_wait3A_71 = tpu.memref_slice %arg6[%add3A_62, %dma_wait3A_70] : memref<10112x128xf32, #tpu.memory_space<vmem_shared>> -> memref<128x128xf32, #tpu.memory_space<vmem_shared>>
        tpu.wait_dma2 semaphore(%run_scoped3A_63 : memref<!tpu.dma_semaphore, #tpu.memory_space<semaphore_mem>>) src(%arg9 : memref<128x128xf32, #tpu.memory_space<vmem>>) dst(%dma_wait3A_71 : memref<128x128xf32, #tpu.memory_space<vmem_shared>>)
        tpu.yield
      }) : () -> ()
    }
    %scan3A_14 = arith.constant 4 : i32
    %add3A_15 = arith.constant 512 : i32
    %add3A_16 = arith.addi %mul3A_8, %add3A_15 : i32
    "tpu.region"() ({
      %run_scoped3A_59 = tpu.sem_alloc : memref<!tpu.dma_semaphore, #tpu.memory_space<semaphore_mem>>
      %dma_start3A_60 = arith.constant 0 : i32
      %dma_start3A_61 = arith.constant 0 : i32
      %dma_start3A_62 = tpu.memref_slice %arg9[%dma_start3A_60, %dma_start3A_61] : memref<128x128xf32, #tpu.memory_space<vmem>> -> memref<120x128xf32, #tpu.memory_space<vmem>>
      %dma_start3A_63 = arith.constant 0 : i32
      %dma_start3A_64 = tpu.memref_slice %arg6[%add3A_16, %dma_start3A_63] : memref<10112x128xf32, #tpu.memory_space<vmem_shared>> -> memref<120x128xf32, #tpu.memory_space<vmem_shared>>
      %dma_start3A_65 = arith.constant 0 : i32
      %dma_start3A_66 = tpu.memref_slice %arg6[%add3A_16, %dma_start3A_65] : memref<10112x128xf32, #tpu.memory_space<vmem_shared>> -> memref<120x128xf32, #tpu.memory_space<vmem_shared>>
      %dma_start3A_67 = arith.constant 0 : i32
      %dma_start3A_68 = arith.constant 0 : i32
      %dma_start3A_69 = tpu.memref_slice %arg9[%dma_start3A_67, %dma_start3A_68] : memref<128x128xf32, #tpu.memory_space<vmem>> -> memref<120x128xf32, #tpu.memory_space<vmem>>
      tpu.enqueue_dma source(%dma_start3A_69 : memref<120x128xf32, #tpu.memory_space<vmem>>) target(%dma_start3A_66 : memref<120x128xf32, #tpu.memory_space<vmem_shared>>) target_semaphore(%run_scoped3A_59 : memref<!tpu.dma_semaphore, #tpu.memory_space<semaphore_mem>>)
      %dma_wait3A_70 = arith.constant 0 : i32
      %dma_wait3A_71 = arith.constant 0 : i32
      %dma_wait3A_72 = tpu.memref_slice %arg9[%dma_wait3A_70, %dma_wait3A_71] : memref<128x128xf32, #tpu.memory_space<vmem>> -> memref<120x128xf32, #tpu.memory_space<vmem>>
      %dma_wait3A_73 = arith.constant 0 : i32
      %dma_wait3A_74 = tpu.memref_slice %arg6[%add3A_16, %dma_wait3A_73] : memref<10112x128xf32, #tpu.memory_space<vmem_shared>> -> memref<120x128xf32, #tpu.memory_space<vmem_shared>>
      %dma_wait3A_75 = arith.constant 0 : i32
      %dma_wait3A_76 = tpu.memref_slice %arg6[%add3A_16, %dma_wait3A_75] : memref<10112x128xf32, #tpu.memory_space<vmem_shared>> -> memref<120x128xf32, #tpu.memory_space<vmem_shared>>
      %dma_wait3A_77 = arith.constant 0 : i32
      %dma_wait3A_78 = arith.constant 0 : i32
      %dma_wait3A_79 = tpu.memref_slice %arg9[%dma_wait3A_77, %dma_wait3A_78] : memref<128x128xf32, #tpu.memory_space<vmem>> -> memref<120x128xf32, #tpu.memory_space<vmem>>
      tpu.wait_dma2 semaphore(%run_scoped3A_59 : memref<!tpu.dma_semaphore, #tpu.memory_space<semaphore_mem>>) src(%dma_wait3A_79 : memref<120x128xf32, #tpu.memory_space<vmem>>) dst(%dma_wait3A_76 : memref<120x128xf32, #tpu.memory_space<vmem_shared>>)
      tpu.yield
    }) : () -> ()
    %barrier3A = arith.constant 0 : index
    tpu.barrier barrier_id(%barrier3A)
    "tpu.region"() ({
      %run_scoped3A_59 = tpu.sem_alloc : memref<!tpu.dma_semaphore, #tpu.memory_space<semaphore_mem>>
      %dma_start3A_60 = arith.constant 0 : i32
      %dma_start3A_61 = arith.constant 0 : i32
      %dma_start3A_62 = tpu.memref_slice %arg3[%add3A, %dma_start3A_60, %dma_start3A_61] : memref<32x80x128xi32, #tpu.memory_space<hbm>> -> memref<1x80x128xi32, #tpu.memory_space<hbm>>
      %dma_start3A_63 = tpu.memref_squeeze %dma_start3A_62 : memref<1x80x128xi32, #tpu.memory_space<hbm>> -> memref<80x128xi32, #tpu.memory_space<hbm>>
      %dma_start3A_64 = arith.constant 0 : i32
      %dma_start3A_65 = arith.constant 0 : i32
      %dma_start3A_66 = tpu.memref_slice %arg3[%add3A, %dma_start3A_64, %dma_start3A_65] : memref<32x80x128xi32, #tpu.memory_space<hbm>> -> memref<1x80x128xi32, #tpu.memory_space<hbm>>
      %dma_start3A_67 = tpu.memref_squeeze %dma_start3A_66 : memref<1x80x128xi32, #tpu.memory_space<hbm>> -> memref<80x128xi32, #tpu.memory_space<hbm>>
      tpu.enqueue_dma source(%dma_start3A_67 : memref<80x128xi32, #tpu.memory_space<hbm>>) target(%arg7 : memref<80x128xi32, #tpu.memory_space<vmem>>) target_semaphore(%run_scoped3A_59 : memref<!tpu.dma_semaphore, #tpu.memory_space<semaphore_mem>>)
      %dma_wait3A_68 = arith.constant 0 : i32
      %dma_wait3A_69 = arith.constant 0 : i32
      %dma_wait3A_70 = tpu.memref_slice %arg3[%add3A, %dma_wait3A_68, %dma_wait3A_69] : memref<32x80x128xi32, #tpu.memory_space<hbm>> -> memref<1x80x128xi32, #tpu.memory_space<hbm>>
      %dma_wait3A_71 = tpu.memref_squeeze %dma_wait3A_70 : memref<1x80x128xi32, #tpu.memory_space<hbm>> -> memref<80x128xi32, #tpu.memory_space<hbm>>
      %dma_wait3A_72 = arith.constant 0 : i32
      %dma_wait3A_73 = arith.constant 0 : i32
      %dma_wait3A_74 = tpu.memref_slice %arg3[%add3A, %dma_wait3A_72, %dma_wait3A_73] : memref<32x80x128xi32, #tpu.memory_space<hbm>> -> memref<1x80x128xi32, #tpu.memory_space<hbm>>
      %dma_wait3A_75 = tpu.memref_squeeze %dma_wait3A_74 : memref<1x80x128xi32, #tpu.memory_space<hbm>> -> memref<80x128xi32, #tpu.memory_space<hbm>>
      tpu.wait_dma2 semaphore(%run_scoped3A_59 : memref<!tpu.dma_semaphore, #tpu.memory_space<semaphore_mem>>) src(%dma_wait3A_75 : memref<80x128xi32, #tpu.memory_space<hbm>>) dst(%arg7 : memref<80x128xi32, #tpu.memory_space<vmem>>)
      tpu.yield
    }) : () -> ()
    %run_scoped3A = arith.constant 0 : i32
    "tpu.region"() ({
      %run_scoped3A_59 = tpu.sem_alloc : memref<!tpu.dma_semaphore, #tpu.memory_space<semaphore_mem>>
      %dma_start3A_60 = arith.constant 0 : i32
      %dma_start3A_61 = arith.constant 0 : i32
      %dma_start3A_62 = tpu.memref_slice %arg4[%add3A, %run_scoped3A, %dma_start3A_60, %dma_start3A_61] : memref<32x2x40x128xi32, #tpu.memory_space<hbm>> -> memref<1x1x40x128xi32, #tpu.memory_space<hbm>>
      %dma_start3A_63 = tpu.memref_squeeze %dma_start3A_62 : memref<1x1x40x128xi32, #tpu.memory_space<hbm>> -> memref<40x128xi32, #tpu.memory_space<hbm>>
      %dma_start3A_64 = arith.constant 0 : i32
      %dma_start3A_65 = arith.constant 0 : i32
      %dma_start3A_66 = tpu.memref_slice %arg4[%add3A, %run_scoped3A, %dma_start3A_64, %dma_start3A_65] : memref<32x2x40x128xi32, #tpu.memory_space<hbm>> -> memref<1x1x40x128xi32, #tpu.memory_space<hbm>>
      %dma_start3A_67 = tpu.memref_squeeze %dma_start3A_66 : memref<1x1x40x128xi32, #tpu.memory_space<hbm>> -> memref<40x128xi32, #tpu.memory_space<hbm>>
      tpu.enqueue_dma source(%dma_start3A_67 : memref<40x128xi32, #tpu.memory_space<hbm>>) target(%arg8 : memref<40x128xi32, #tpu.memory_space<vmem>>) target_semaphore(%run_scoped3A_59 : memref<!tpu.dma_semaphore, #tpu.memory_space<semaphore_mem>>)
      %dma_wait3A_68 = arith.constant 0 : i32
      %dma_wait3A_69 = arith.constant 0 : i32
      %dma_wait3A_70 = tpu.memref_slice %arg4[%add3A, %run_scoped3A, %dma_wait3A_68, %dma_wait3A_69] : memref<32x2x40x128xi32, #tpu.memory_space<hbm>> -> memref<1x1x40x128xi32, #tpu.memory_space<hbm>>
      %dma_wait3A_71 = tpu.memref_squeeze %dma_wait3A_70 : memref<1x1x40x128xi32, #tpu.memory_space<hbm>> -> memref<40x128xi32, #tpu.memory_space<hbm>>
      %dma_wait3A_72 = arith.constant 0 : i32
      %dma_wait3A_73 = arith.constant 0 : i32
      %dma_wait3A_74 = tpu.memref_slice %arg4[%add3A, %run_scoped3A, %dma_wait3A_72, %dma_wait3A_73] : memref<32x2x40x128xi32, #tpu.memory_space<hbm>> -> memref<1x1x40x128xi32, #tpu.memory_space<hbm>>
      %dma_wait3A_75 = tpu.memref_squeeze %dma_wait3A_74 : memref<1x1x40x128xi32, #tpu.memory_space<hbm>> -> memref<40x128xi32, #tpu.memory_space<hbm>>
      tpu.wait_dma2 semaphore(%run_scoped3A_59 : memref<!tpu.dma_semaphore, #tpu.memory_space<semaphore_mem>>) src(%dma_wait3A_75 : memref<40x128xi32, #tpu.memory_space<hbm>>) dst(%arg8 : memref<40x128xi32, #tpu.memory_space<vmem>>)
      tpu.yield
    }) : () -> ()
    %dma_start3A = arith.constant 0 : i32
    %dma_start3A_17 = arith.constant 0 : i32
    %dma_start3A_18 = tpu.memref_slice %arg7[%dma_start3A, %dma_start3A_17] : memref<80x128xi32, #tpu.memory_space<vmem>> -> memref<1x128xi32, #tpu.memory_space<vmem>>
    %dma_start3A_19 = tpu.memref_squeeze %dma_start3A_18 : memref<1x128xi32, #tpu.memory_space<vmem>> -> memref<128xi32, #tpu.memory_space<vmem>>
    %dma_start3A_20 = arith.constant 0 : i32
    %dma_start3A_21 = arith.constant 0 : i32
    %dma_start3A_22 = tpu.memref_slice %arg2[%dma_start3A_20, %dma_start3A_21] : memref<10000x128xf32, #tpu.memory_space<hbm>> -> memref<10000x128xf32, #tpu.memory_space<hbm>>
    tpu.enqueue_indirect_dma source(%dma_start3A_22 : memref<10000x128xf32, #tpu.memory_space<hbm>>) target(%arg9 : memref<128x128xf32, #tpu.memory_space<vmem>>) offsets(%dma_start3A_19 : memref<128xi32, #tpu.memory_space<vmem>>) semaphore(%arg11 : memref<!tpu.dma_semaphore, #tpu.memory_space<semaphore_mem>>)
    %dma_start3A_23 = arith.constant 1 : i32
    %dma_start3A_24 = arith.constant 0 : i32
    %dma_start3A_25 = tpu.memref_slice %arg7[%dma_start3A_23, %dma_start3A_24] : memref<80x128xi32, #tpu.memory_space<vmem>> -> memref<1x128xi32, #tpu.memory_space<vmem>>
    %dma_start3A_26 = tpu.memref_squeeze %dma_start3A_25 : memref<1x128xi32, #tpu.memory_space<vmem>> -> memref<128xi32, #tpu.memory_space<vmem>>
    %dma_start3A_27 = arith.constant 0 : i32
    %dma_start3A_28 = arith.constant 0 : i32
    %dma_start3A_29 = tpu.memref_slice %arg2[%dma_start3A_27, %dma_start3A_28] : memref<10000x128xf32, #tpu.memory_space<hbm>> -> memref<10000x128xf32, #tpu.memory_space<hbm>>
    tpu.enqueue_indirect_dma source(%dma_start3A_29 : memref<10000x128xf32, #tpu.memory_space<hbm>>) target(%arg10 : memref<128x128xf32, #tpu.memory_space<vmem>>) offsets(%dma_start3A_26 : memref<128xi32, #tpu.memory_space<vmem>>) semaphore(%arg12 : memref<!tpu.dma_semaphore, #tpu.memory_space<semaphore_mem>>)
    %scan3A_30 = arith.constant 0 : i32
    %scan3A_31 = arith.constant 0 : i32
    %scan3A_32 = arith.constant 20 : i32
    %scan3A_33 = arith.addi %scan3A_31, %scan3A_32 : i32
    %scan3A_34 = arith.constant 1 : i32
    scf.for %scan3A_59 = %scan3A_31 to %scan3A_33 step %scan3A_34  : i32 {
      %mul3A_60 = arith.constant 2 : i32
      %mul3A_61 = arith.muli %scan3A_59, %mul3A_60 : i32
      %add3A_62 = arith.constant 0 : i32
      %add3A_63 = arith.addi %add3A_62, %mul3A_61 : i32
      %add3A_64 = arith.constant 0 : i32
      %add3A_65 = arith.addi %add3A_63, %add3A_64 : i32
      %dma_wait3A_66 = arith.constant 0 : i32
      %dma_wait3A_67 = arith.constant 0 : i32
      %dma_wait3A_68 = tpu.memref_slice %arg7[%dma_wait3A_66, %dma_wait3A_67] : memref<80x128xi32, #tpu.memory_space<vmem>> -> memref<1x128xi32, #tpu.memory_space<vmem>>
      %dma_wait3A_69 = tpu.memref_squeeze %dma_wait3A_68 : memref<1x128xi32, #tpu.memory_space<vmem>> -> memref<128xi32, #tpu.memory_space<vmem>>
      %dma_wait3A_70 = arith.constant 0 : i32
      %dma_wait3A_71 = arith.constant 0 : i32
      %dma_wait3A_72 = tpu.memref_slice %arg2[%dma_wait3A_70, %dma_wait3A_71] : memref<10000x128xf32, #tpu.memory_space<hbm>> -> memref<10000x128xf32, #tpu.memory_space<hbm>>
      tpu.wait_indirect_dma semaphore(%arg11 : memref<!tpu.dma_semaphore, #tpu.memory_space<semaphore_mem>>) src(%dma_wait3A_72 : memref<10000x128xf32, #tpu.memory_space<hbm>>) dst(%arg9 : memref<128x128xf32, #tpu.memory_space<vmem>>)
      %mul3A_73 = arith.constant 2 : i32
      %mul3A_74 = arith.muli %scan3A_59, %mul3A_73 : i32
      %add3A_75 = arith.constant 0 : i32
      %add3A_76 = arith.addi %mul3A_74, %add3A_75 : i32
      "tpu.region"() ({
        %run_scoped3A_125 = tpu.sem_alloc : memref<!tpu.dma_semaphore, #tpu.memory_space<semaphore_mem>>
        %dma_start3A_126 = arith.constant 0 : i32
        %dma_start3A_127 = tpu.memref_slice %arg8[%add3A_76, %dma_start3A_126] : memref<40x128xi32, #tpu.memory_space<vmem>> -> memref<1x128xi32, #tpu.memory_space<vmem>>
        %dma_start3A_128 = tpu.memref_squeeze %dma_start3A_127 : memref<1x128xi32, #tpu.memory_space<vmem>> -> memref<128xi32, #tpu.memory_space<vmem>>
        %dma_start3A_129 = arith.constant 0 : i32
        %dma_start3A_130 = arith.constant 0 : i32
        %dma_start3A_131 = tpu.memref_slice %arg6[%dma_start3A_129, %dma_start3A_130] : memref<10112x128xf32, #tpu.memory_space<vmem_shared>> -> memref<10112x128xf32, #tpu.memory_space<vmem_shared>>
        tpu.enqueue_indirect_dma source(%arg9 : memref<128x128xf32, #tpu.memory_space<vmem>>) target(%dma_start3A_131 : memref<10112x128xf32, #tpu.memory_space<vmem_shared>>) offsets(%dma_start3A_128 : memref<128xi32, #tpu.memory_space<vmem>>) semaphore(%run_scoped3A_125 : memref<!tpu.dma_semaphore, #tpu.memory_space<semaphore_mem>>) {add = true}
        %dma_wait3A_132 = arith.constant 0 : i32
        %dma_wait3A_133 = tpu.memref_slice %arg8[%add3A_76, %dma_wait3A_132] : memref<40x128xi32, #tpu.memory_space<vmem>> -> memref<1x128xi32, #tpu.memory_space<vmem>>
        %dma_wait3A_134 = tpu.memref_squeeze %dma_wait3A_133 : memref<1x128xi32, #tpu.memory_space<vmem>> -> memref<128xi32, #tpu.memory_space<vmem>>
        %dma_wait3A_135 = arith.constant 0 : i32
        %dma_wait3A_136 = arith.constant 0 : i32
        %dma_wait3A_137 = tpu.memref_slice %arg6[%dma_wait3A_135, %dma_wait3A_136] : memref<10112x128xf32, #tpu.memory_space<vmem_shared>> -> memref<10112x128xf32, #tpu.memory_space<vmem_shared>>
        tpu.wait_indirect_dma semaphore(%run_scoped3A_125 : memref<!tpu.dma_semaphore, #tpu.memory_space<semaphore_mem>>) src(%arg9 : memref<128x128xf32, #tpu.memory_space<vmem>>) dst(%dma_wait3A_137 : memref<10112x128xf32, #tpu.memory_space<vmem_shared>>)
        tpu.yield
      }) : () -> ()
      %add3A_77 = arith.constant 2 : i32
      %add3A_78 = arith.addi %add3A_65, %add3A_77 : i32
      %ge3A = arith.constant 80 : i32
      %ge3A_79 = arith.cmpi sge, %add3A_78, %ge3A : i32
      %add3A_80 = arith.constant 2 : i32
      %add3A_81 = arith.addi %add3A_65, %add3A_80 : i32
      %sub3A = arith.constant 80 : i32
      %sub3A_82 = arith.subi %add3A_81, %sub3A : i32
      %add3A_83 = arith.constant 2 : i32
      %add3A_84 = arith.addi %add3A_65, %add3A_83 : i32
      %select_n3A = arith.select %ge3A_79, %sub3A_82, %add3A_84 : i32
      %dma_start3A_85 = arith.constant 0 : i32
      %dma_start3A_86 = tpu.memref_slice %arg7[%select_n3A, %dma_start3A_85] : memref<80x128xi32, #tpu.memory_space<vmem>> -> memref<1x128xi32, #tpu.memory_space<vmem>>
      %dma_start3A_87 = tpu.memref_squeeze %dma_start3A_86 : memref<1x128xi32, #tpu.memory_space<vmem>> -> memref<128xi32, #tpu.memory_space<vmem>>
      %dma_start3A_88 = arith.constant 0 : i32
      %dma_start3A_89 = arith.constant 0 : i32
      %dma_start3A_90 = tpu.memref_slice %arg2[%dma_start3A_88, %dma_start3A_89] : memref<10000x128xf32, #tpu.memory_space<hbm>> -> memref<10000x128xf32, #tpu.memory_space<hbm>>
      tpu.enqueue_indirect_dma source(%dma_start3A_90 : memref<10000x128xf32, #tpu.memory_space<hbm>>) target(%arg9 : memref<128x128xf32, #tpu.memory_space<vmem>>) offsets(%dma_start3A_87 : memref<128xi32, #tpu.memory_space<vmem>>) semaphore(%arg11 : memref<!tpu.dma_semaphore, #tpu.memory_space<semaphore_mem>>)
      %mul3A_91 = arith.constant 2 : i32
      %mul3A_92 = arith.muli %scan3A_59, %mul3A_91 : i32
      %add3A_93 = arith.constant 0 : i32
      %add3A_94 = arith.addi %add3A_93, %mul3A_92 : i32
      %add3A_95 = arith.constant 1 : i32
      %add3A_96 = arith.addi %add3A_94, %add3A_95 : i32
      %dma_wait3A_97 = arith.constant 0 : i32
      %dma_wait3A_98 = arith.constant 0 : i32
      %dma_wait3A_99 = tpu.memref_slice %arg7[%dma_wait3A_97, %dma_wait3A_98] : memref<80x128xi32, #tpu.memory_space<vmem>> -> memref<1x128xi32, #tpu.memory_space<vmem>>
      %dma_wait3A_100 = tpu.memref_squeeze %dma_wait3A_99 : memref<1x128xi32, #tpu.memory_space<vmem>> -> memref<128xi32, #tpu.memory_space<vmem>>
      %dma_wait3A_101 = arith.constant 0 : i32
      %dma_wait3A_102 = arith.constant 0 : i32
      %dma_wait3A_103 = tpu.memref_slice %arg2[%dma_wait3A_101, %dma_wait3A_102] : memref<10000x128xf32, #tpu.memory_space<hbm>> -> memref<10000x128xf32, #tpu.memory_space<hbm>>
      tpu.wait_indirect_dma semaphore(%arg12 : memref<!tpu.dma_semaphore, #tpu.memory_space<semaphore_mem>>) src(%dma_wait3A_103 : memref<10000x128xf32, #tpu.memory_space<hbm>>) dst(%arg10 : memref<128x128xf32, #tpu.memory_space<vmem>>)
      %mul3A_104 = arith.constant 2 : i32
      %mul3A_105 = arith.muli %scan3A_59, %mul3A_104 : i32
      %add3A_106 = arith.constant 1 : i32
      %add3A_107 = arith.addi %mul3A_105, %add3A_106 : i32
      "tpu.region"() ({
        %run_scoped3A_125 = tpu.sem_alloc : memref<!tpu.dma_semaphore, #tpu.memory_space<semaphore_mem>>
        %dma_start3A_126 = arith.constant 0 : i32
        %dma_start3A_127 = tpu.memref_slice %arg8[%add3A_107, %dma_start3A_126] : memref<40x128xi32, #tpu.memory_space<vmem>> -> memref<1x128xi32, #tpu.memory_space<vmem>>
        %dma_start3A_128 = tpu.memref_squeeze %dma_start3A_127 : memref<1x128xi32, #tpu.memory_space<vmem>> -> memref<128xi32, #tpu.memory_space<vmem>>
        %dma_start3A_129 = arith.constant 0 : i32
        %dma_start3A_130 = arith.constant 0 : i32
        %dma_start3A_131 = tpu.memref_slice %arg6[%dma_start3A_129, %dma_start3A_130] : memref<10112x128xf32, #tpu.memory_space<vmem_shared>> -> memref<10112x128xf32, #tpu.memory_space<vmem_shared>>
        tpu.enqueue_indirect_dma source(%arg10 : memref<128x128xf32, #tpu.memory_space<vmem>>) target(%dma_start3A_131 : memref<10112x128xf32, #tpu.memory_space<vmem_shared>>) offsets(%dma_start3A_128 : memref<128xi32, #tpu.memory_space<vmem>>) semaphore(%run_scoped3A_125 : memref<!tpu.dma_semaphore, #tpu.memory_space<semaphore_mem>>) {add = true}
        %dma_wait3A_132 = arith.constant 0 : i32
        %dma_wait3A_133 = tpu.memref_slice %arg8[%add3A_107, %dma_wait3A_132] : memref<40x128xi32, #tpu.memory_space<vmem>> -> memref<1x128xi32, #tpu.memory_space<vmem>>
        %dma_wait3A_134 = tpu.memref_squeeze %dma_wait3A_133 : memref<1x128xi32, #tpu.memory_space<vmem>> -> memref<128xi32, #tpu.memory_space<vmem>>
        %dma_wait3A_135 = arith.constant 0 : i32
        %dma_wait3A_136 = arith.constant 0 : i32
        %dma_wait3A_137 = tpu.memref_slice %arg6[%dma_wait3A_135, %dma_wait3A_136] : memref<10112x128xf32, #tpu.memory_space<vmem_shared>> -> memref<10112x128xf32, #tpu.memory_space<vmem_shared>>
        tpu.wait_indirect_dma semaphore(%run_scoped3A_125 : memref<!tpu.dma_semaphore, #tpu.memory_space<semaphore_mem>>) src(%arg10 : memref<128x128xf32, #tpu.memory_space<vmem>>) dst(%dma_wait3A_137 : memref<10112x128xf32, #tpu.memory_space<vmem_shared>>)
        tpu.yield
      }) : () -> ()
      %add3A_108 = arith.constant 2 : i32
      %add3A_109 = arith.addi %add3A_96, %add3A_108 : i32
      %ge3A_110 = arith.constant 80 : i32
      %ge3A_111 = arith.cmpi sge, %add3A_109, %ge3A_110 : i32
      %add3A_112 = arith.constant 2 : i32
      %add3A_113 = arith.addi %add3A_96, %add3A_112 : i32
      %sub3A_114 = arith.constant 80 : i32
      %sub3A_115 = arith.subi %add3A_113, %sub3A_114 : i32
      %add3A_116 = arith.constant 2 : i32
      %add3A_117 = arith.addi %add3A_96, %add3A_116 : i32
      %select_n3A_118 = arith.select %ge3A_111, %sub3A_115, %add3A_117 : i32
      %dma_start3A_119 = arith.constant 0 : i32
      %dma_start3A_120 = tpu.memref_slice %arg7[%select_n3A_118, %dma_start3A_119] : memref<80x128xi32, #tpu.memory_space<vmem>> -> memref<1x128xi32, #tpu.memory_space<vmem>>
      %dma_start3A_121 = tpu.memref_squeeze %dma_start3A_120 : memref<1x128xi32, #tpu.memory_space<vmem>> -> memref<128xi32, #tpu.memory_space<vmem>>
      %dma_start3A_122 = arith.constant 0 : i32
      %dma_start3A_123 = arith.constant 0 : i32
      %dma_start3A_124 = tpu.memref_slice %arg2[%dma_start3A_122, %dma_start3A_123] : memref<10000x128xf32, #tpu.memory_space<hbm>> -> memref<10000x128xf32, #tpu.memory_space<hbm>>
      tpu.enqueue_indirect_dma source(%dma_start3A_124 : memref<10000x128xf32, #tpu.memory_space<hbm>>) target(%arg10 : memref<128x128xf32, #tpu.memory_space<vmem>>) offsets(%dma_start3A_121 : memref<128xi32, #tpu.memory_space<vmem>>) semaphore(%arg12 : memref<!tpu.dma_semaphore, #tpu.memory_space<semaphore_mem>>)
    }
    %scan3A_35 = arith.constant 20 : i32
    %run_scoped3A_36 = arith.constant 1 : i32
    "tpu.region"() ({
      %run_scoped3A_59 = tpu.sem_alloc : memref<!tpu.dma_semaphore, #tpu.memory_space<semaphore_mem>>
      %dma_start3A_60 = arith.constant 0 : i32
      %dma_start3A_61 = arith.constant 0 : i32
      %dma_start3A_62 = tpu.memref_slice %arg4[%add3A, %run_scoped3A_36, %dma_start3A_60, %dma_start3A_61] : memref<32x2x40x128xi32, #tpu.memory_space<hbm>> -> memref<1x1x40x128xi32, #tpu.memory_space<hbm>>
      %dma_start3A_63 = tpu.memref_squeeze %dma_start3A_62 : memref<1x1x40x128xi32, #tpu.memory_space<hbm>> -> memref<40x128xi32, #tpu.memory_space<hbm>>
      %dma_start3A_64 = arith.constant 0 : i32
      %dma_start3A_65 = arith.constant 0 : i32
      %dma_start3A_66 = tpu.memref_slice %arg4[%add3A, %run_scoped3A_36, %dma_start3A_64, %dma_start3A_65] : memref<32x2x40x128xi32, #tpu.memory_space<hbm>> -> memref<1x1x40x128xi32, #tpu.memory_space<hbm>>
      %dma_start3A_67 = tpu.memref_squeeze %dma_start3A_66 : memref<1x1x40x128xi32, #tpu.memory_space<hbm>> -> memref<40x128xi32, #tpu.memory_space<hbm>>
      tpu.enqueue_dma source(%dma_start3A_67 : memref<40x128xi32, #tpu.memory_space<hbm>>) target(%arg8 : memref<40x128xi32, #tpu.memory_space<vmem>>) target_semaphore(%run_scoped3A_59 : memref<!tpu.dma_semaphore, #tpu.memory_space<semaphore_mem>>)
      %dma_wait3A_68 = arith.constant 0 : i32
      %dma_wait3A_69 = arith.constant 0 : i32
      %dma_wait3A_70 = tpu.memref_slice %arg4[%add3A, %run_scoped3A_36, %dma_wait3A_68, %dma_wait3A_69] : memref<32x2x40x128xi32, #tpu.memory_space<hbm>> -> memref<1x1x40x128xi32, #tpu.memory_space<hbm>>
      %dma_wait3A_71 = tpu.memref_squeeze %dma_wait3A_70 : memref<1x1x40x128xi32, #tpu.memory_space<hbm>> -> memref<40x128xi32, #tpu.memory_space<hbm>>
      %dma_wait3A_72 = arith.constant 0 : i32
      %dma_wait3A_73 = arith.constant 0 : i32
      %dma_wait3A_74 = tpu.memref_slice %arg4[%add3A, %run_scoped3A_36, %dma_wait3A_72, %dma_wait3A_73] : memref<32x2x40x128xi32, #tpu.memory_space<hbm>> -> memref<1x1x40x128xi32, #tpu.memory_space<hbm>>
      %dma_wait3A_75 = tpu.memref_squeeze %dma_wait3A_74 : memref<1x1x40x128xi32, #tpu.memory_space<hbm>> -> memref<40x128xi32, #tpu.memory_space<hbm>>
      tpu.wait_dma2 semaphore(%run_scoped3A_59 : memref<!tpu.dma_semaphore, #tpu.memory_space<semaphore_mem>>) src(%dma_wait3A_75 : memref<40x128xi32, #tpu.memory_space<hbm>>) dst(%arg8 : memref<40x128xi32, #tpu.memory_space<vmem>>)
      tpu.yield
    }) : () -> ()
    %scan3A_37 = arith.constant 0 : i32
    %scan3A_38 = arith.constant 0 : i32
    %scan3A_39 = arith.constant 20 : i32
    %scan3A_40 = arith.addi %scan3A_38, %scan3A_39 : i32
    %scan3A_41 = arith.constant 1 : i32
    scf.for %scan3A_59 = %scan3A_38 to %scan3A_40 step %scan3A_41  : i32 {
      %mul3A_60 = arith.constant 2 : i32
      %mul3A_61 = arith.muli %scan3A_59, %mul3A_60 : i32
      %add3A_62 = arith.constant 40 : i32
      %add3A_63 = arith.addi %add3A_62, %mul3A_61 : i32
      %add3A_64 = arith.constant 0 : i32
      %add3A_65 = arith.addi %add3A_63, %add3A_64 : i32
      %dma_wait3A_66 = arith.constant 0 : i32
      %dma_wait3A_67 = arith.constant 0 : i32
      %dma_wait3A_68 = tpu.memref_slice %arg7[%dma_wait3A_66, %dma_wait3A_67] : memref<80x128xi32, #tpu.memory_space<vmem>> -> memref<1x128xi32, #tpu.memory_space<vmem>>
      %dma_wait3A_69 = tpu.memref_squeeze %dma_wait3A_68 : memref<1x128xi32, #tpu.memory_space<vmem>> -> memref<128xi32, #tpu.memory_space<vmem>>
      %dma_wait3A_70 = arith.constant 0 : i32
      %dma_wait3A_71 = arith.constant 0 : i32
      %dma_wait3A_72 = tpu.memref_slice %arg2[%dma_wait3A_70, %dma_wait3A_71] : memref<10000x128xf32, #tpu.memory_space<hbm>> -> memref<10000x128xf32, #tpu.memory_space<hbm>>
      tpu.wait_indirect_dma semaphore(%arg11 : memref<!tpu.dma_semaphore, #tpu.memory_space<semaphore_mem>>) src(%dma_wait3A_72 : memref<10000x128xf32, #tpu.memory_space<hbm>>) dst(%arg9 : memref<128x128xf32, #tpu.memory_space<vmem>>)
      %mul3A_73 = arith.constant 2 : i32
      %mul3A_74 = arith.muli %scan3A_59, %mul3A_73 : i32
      %add3A_75 = arith.constant 0 : i32
      %add3A_76 = arith.addi %mul3A_74, %add3A_75 : i32
      "tpu.region"() ({
        %run_scoped3A_125 = tpu.sem_alloc : memref<!tpu.dma_semaphore, #tpu.memory_space<semaphore_mem>>
        %dma_start3A_126 = arith.constant 0 : i32
        %dma_start3A_127 = tpu.memref_slice %arg8[%add3A_76, %dma_start3A_126] : memref<40x128xi32, #tpu.memory_space<vmem>> -> memref<1x128xi32, #tpu.memory_space<vmem>>
        %dma_start3A_128 = tpu.memref_squeeze %dma_start3A_127 : memref<1x128xi32, #tpu.memory_space<vmem>> -> memref<128xi32, #tpu.memory_space<vmem>>
        %dma_start3A_129 = arith.constant 0 : i32
        %dma_start3A_130 = arith.constant 0 : i32
        %dma_start3A_131 = tpu.memref_slice %arg6[%dma_start3A_129, %dma_start3A_130] : memref<10112x128xf32, #tpu.memory_space<vmem_shared>> -> memref<10112x128xf32, #tpu.memory_space<vmem_shared>>
        tpu.enqueue_indirect_dma source(%arg9 : memref<128x128xf32, #tpu.memory_space<vmem>>) target(%dma_start3A_131 : memref<10112x128xf32, #tpu.memory_space<vmem_shared>>) offsets(%dma_start3A_128 : memref<128xi32, #tpu.memory_space<vmem>>) semaphore(%run_scoped3A_125 : memref<!tpu.dma_semaphore, #tpu.memory_space<semaphore_mem>>) {add = true}
        %dma_wait3A_132 = arith.constant 0 : i32
        %dma_wait3A_133 = tpu.memref_slice %arg8[%add3A_76, %dma_wait3A_132] : memref<40x128xi32, #tpu.memory_space<vmem>> -> memref<1x128xi32, #tpu.memory_space<vmem>>
        %dma_wait3A_134 = tpu.memref_squeeze %dma_wait3A_133 : memref<1x128xi32, #tpu.memory_space<vmem>> -> memref<128xi32, #tpu.memory_space<vmem>>
        %dma_wait3A_135 = arith.constant 0 : i32
        %dma_wait3A_136 = arith.constant 0 : i32
        %dma_wait3A_137 = tpu.memref_slice %arg6[%dma_wait3A_135, %dma_wait3A_136] : memref<10112x128xf32, #tpu.memory_space<vmem_shared>> -> memref<10112x128xf32, #tpu.memory_space<vmem_shared>>
        tpu.wait_indirect_dma semaphore(%run_scoped3A_125 : memref<!tpu.dma_semaphore, #tpu.memory_space<semaphore_mem>>) src(%arg9 : memref<128x128xf32, #tpu.memory_space<vmem>>) dst(%dma_wait3A_137 : memref<10112x128xf32, #tpu.memory_space<vmem_shared>>)
        tpu.yield
      }) : () -> ()
      %add3A_77 = arith.constant 2 : i32
      %add3A_78 = arith.addi %add3A_65, %add3A_77 : i32
      %ge3A = arith.constant 80 : i32
      %ge3A_79 = arith.cmpi sge, %add3A_78, %ge3A : i32
      %add3A_80 = arith.constant 2 : i32
      %add3A_81 = arith.addi %add3A_65, %add3A_80 : i32
      %sub3A = arith.constant 80 : i32
      %sub3A_82 = arith.subi %add3A_81, %sub3A : i32
      %add3A_83 = arith.constant 2 : i32
      %add3A_84 = arith.addi %add3A_65, %add3A_83 : i32
      %select_n3A = arith.select %ge3A_79, %sub3A_82, %add3A_84 : i32
      %dma_start3A_85 = arith.constant 0 : i32
      %dma_start3A_86 = tpu.memref_slice %arg7[%select_n3A, %dma_start3A_85] : memref<80x128xi32, #tpu.memory_space<vmem>> -> memref<1x128xi32, #tpu.memory_space<vmem>>
      %dma_start3A_87 = tpu.memref_squeeze %dma_start3A_86 : memref<1x128xi32, #tpu.memory_space<vmem>> -> memref<128xi32, #tpu.memory_space<vmem>>
      %dma_start3A_88 = arith.constant 0 : i32
      %dma_start3A_89 = arith.constant 0 : i32
      %dma_start3A_90 = tpu.memref_slice %arg2[%dma_start3A_88, %dma_start3A_89] : memref<10000x128xf32, #tpu.memory_space<hbm>> -> memref<10000x128xf32, #tpu.memory_space<hbm>>
      tpu.enqueue_indirect_dma source(%dma_start3A_90 : memref<10000x128xf32, #tpu.memory_space<hbm>>) target(%arg9 : memref<128x128xf32, #tpu.memory_space<vmem>>) offsets(%dma_start3A_87 : memref<128xi32, #tpu.memory_space<vmem>>) semaphore(%arg11 : memref<!tpu.dma_semaphore, #tpu.memory_space<semaphore_mem>>)
      %mul3A_91 = arith.constant 2 : i32
      %mul3A_92 = arith.muli %scan3A_59, %mul3A_91 : i32
      %add3A_93 = arith.constant 40 : i32
      %add3A_94 = arith.addi %add3A_93, %mul3A_92 : i32
      %add3A_95 = arith.constant 1 : i32
      %add3A_96 = arith.addi %add3A_94, %add3A_95 : i32
      %dma_wait3A_97 = arith.constant 0 : i32
      %dma_wait3A_98 = arith.constant 0 : i32
      %dma_wait3A_99 = tpu.memref_slice %arg7[%dma_wait3A_97, %dma_wait3A_98] : memref<80x128xi32, #tpu.memory_space<vmem>> -> memref<1x128xi32, #tpu.memory_space<vmem>>
      %dma_wait3A_100 = tpu.memref_squeeze %dma_wait3A_99 : memref<1x128xi32, #tpu.memory_space<vmem>> -> memref<128xi32, #tpu.memory_space<vmem>>
      %dma_wait3A_101 = arith.constant 0 : i32
      %dma_wait3A_102 = arith.constant 0 : i32
      %dma_wait3A_103 = tpu.memref_slice %arg2[%dma_wait3A_101, %dma_wait3A_102] : memref<10000x128xf32, #tpu.memory_space<hbm>> -> memref<10000x128xf32, #tpu.memory_space<hbm>>
      tpu.wait_indirect_dma semaphore(%arg12 : memref<!tpu.dma_semaphore, #tpu.memory_space<semaphore_mem>>) src(%dma_wait3A_103 : memref<10000x128xf32, #tpu.memory_space<hbm>>) dst(%arg10 : memref<128x128xf32, #tpu.memory_space<vmem>>)
      %mul3A_104 = arith.constant 2 : i32
      %mul3A_105 = arith.muli %scan3A_59, %mul3A_104 : i32
      %add3A_106 = arith.constant 1 : i32
      %add3A_107 = arith.addi %mul3A_105, %add3A_106 : i32
      "tpu.region"() ({
        %run_scoped3A_125 = tpu.sem_alloc : memref<!tpu.dma_semaphore, #tpu.memory_space<semaphore_mem>>
        %dma_start3A_126 = arith.constant 0 : i32
        %dma_start3A_127 = tpu.memref_slice %arg8[%add3A_107, %dma_start3A_126] : memref<40x128xi32, #tpu.memory_space<vmem>> -> memref<1x128xi32, #tpu.memory_space<vmem>>
        %dma_start3A_128 = tpu.memref_squeeze %dma_start3A_127 : memref<1x128xi32, #tpu.memory_space<vmem>> -> memref<128xi32, #tpu.memory_space<vmem>>
        %dma_start3A_129 = arith.constant 0 : i32
        %dma_start3A_130 = arith.constant 0 : i32
        %dma_start3A_131 = tpu.memref_slice %arg6[%dma_start3A_129, %dma_start3A_130] : memref<10112x128xf32, #tpu.memory_space<vmem_shared>> -> memref<10112x128xf32, #tpu.memory_space<vmem_shared>>
        tpu.enqueue_indirect_dma source(%arg10 : memref<128x128xf32, #tpu.memory_space<vmem>>) target(%dma_start3A_131 : memref<10112x128xf32, #tpu.memory_space<vmem_shared>>) offsets(%dma_start3A_128 : memref<128xi32, #tpu.memory_space<vmem>>) semaphore(%run_scoped3A_125 : memref<!tpu.dma_semaphore, #tpu.memory_space<semaphore_mem>>) {add = true}
        %dma_wait3A_132 = arith.constant 0 : i32
        %dma_wait3A_133 = tpu.memref_slice %arg8[%add3A_107, %dma_wait3A_132] : memref<40x128xi32, #tpu.memory_space<vmem>> -> memref<1x128xi32, #tpu.memory_space<vmem>>
        %dma_wait3A_134 = tpu.memref_squeeze %dma_wait3A_133 : memref<1x128xi32, #tpu.memory_space<vmem>> -> memref<128xi32, #tpu.memory_space<vmem>>
        %dma_wait3A_135 = arith.constant 0 : i32
        %dma_wait3A_136 = arith.constant 0 : i32
        %dma_wait3A_137 = tpu.memref_slice %arg6[%dma_wait3A_135, %dma_wait3A_136] : memref<10112x128xf32, #tpu.memory_space<vmem_shared>> -> memref<10112x128xf32, #tpu.memory_space<vmem_shared>>
        tpu.wait_indirect_dma semaphore(%run_scoped3A_125 : memref<!tpu.dma_semaphore, #tpu.memory_space<semaphore_mem>>) src(%arg10 : memref<128x128xf32, #tpu.memory_space<vmem>>) dst(%dma_wait3A_137 : memref<10112x128xf32, #tpu.memory_space<vmem_shared>>)
        tpu.yield
      }) : () -> ()
      %add3A_108 = arith.constant 2 : i32
      %add3A_109 = arith.addi %add3A_96, %add3A_108 : i32
      %ge3A_110 = arith.constant 80 : i32
      %ge3A_111 = arith.cmpi sge, %add3A_109, %ge3A_110 : i32
      %add3A_112 = arith.constant 2 : i32
      %add3A_113 = arith.addi %add3A_96, %add3A_112 : i32
      %sub3A_114 = arith.constant 80 : i32
      %sub3A_115 = arith.subi %add3A_113, %sub3A_114 : i32
      %add3A_116 = arith.constant 2 : i32
      %add3A_117 = arith.addi %add3A_96, %add3A_116 : i32
      %select_n3A_118 = arith.select %ge3A_111, %sub3A_115, %add3A_117 : i32
      %dma_start3A_119 = arith.constant 0 : i32
      %dma_start3A_120 = tpu.memref_slice %arg7[%select_n3A_118, %dma_start3A_119] : memref<80x128xi32, #tpu.memory_space<vmem>> -> memref<1x128xi32, #tpu.memory_space<vmem>>
      %dma_start3A_121 = tpu.memref_squeeze %dma_start3A_120 : memref<1x128xi32, #tpu.memory_space<vmem>> -> memref<128xi32, #tpu.memory_space<vmem>>
      %dma_start3A_122 = arith.constant 0 : i32
      %dma_start3A_123 = arith.constant 0 : i32
      %dma_start3A_124 = tpu.memref_slice %arg2[%dma_start3A_122, %dma_start3A_123] : memref<10000x128xf32, #tpu.memory_space<hbm>> -> memref<10000x128xf32, #tpu.memory_space<hbm>>
      tpu.enqueue_indirect_dma source(%dma_start3A_124 : memref<10000x128xf32, #tpu.memory_space<hbm>>) target(%arg10 : memref<128x128xf32, #tpu.memory_space<vmem>>) offsets(%dma_start3A_121 : memref<128xi32, #tpu.memory_space<vmem>>) semaphore(%arg12 : memref<!tpu.dma_semaphore, #tpu.memory_space<semaphore_mem>>)
    }
    %scan3A_42 = arith.constant 20 : i32
    %dma_wait3A = arith.constant 0 : i32
    %dma_wait3A_43 = arith.constant 0 : i32
    %dma_wait3A_44 = tpu.memref_slice %arg7[%dma_wait3A, %dma_wait3A_43] : memref<80x128xi32, #tpu.memory_space<vmem>> -> memref<1x128xi32, #tpu.memory_space<vmem>>
    %dma_wait3A_45 = tpu.memref_squeeze %dma_wait3A_44 : memref<1x128xi32, #tpu.memory_space<vmem>> -> memref<128xi32, #tpu.memory_space<vmem>>
    %dma_wait3A_46 = arith.constant 0 : i32
    %dma_wait3A_47 = arith.constant 0 : i32
    %dma_wait3A_48 = tpu.memref_slice %arg2[%dma_wait3A_46, %dma_wait3A_47] : memref<10000x128xf32, #tpu.memory_space<hbm>> -> memref<10000x128xf32, #tpu.memory_space<hbm>>
    tpu.wait_indirect_dma semaphore(%arg11 : memref<!tpu.dma_semaphore, #tpu.memory_space<semaphore_mem>>) src(%dma_wait3A_48 : memref<10000x128xf32, #tpu.memory_space<hbm>>) dst(%arg9 : memref<128x128xf32, #tpu.memory_space<vmem>>)
    %dma_wait3A_49 = arith.constant 0 : i32
    %dma_wait3A_50 = arith.constant 0 : i32
    %dma_wait3A_51 = tpu.memref_slice %arg7[%dma_wait3A_49, %dma_wait3A_50] : memref<80x128xi32, #tpu.memory_space<vmem>> -> memref<1x128xi32, #tpu.memory_space<vmem>>
    %dma_wait3A_52 = tpu.memref_squeeze %dma_wait3A_51 : memref<1x128xi32, #tpu.memory_space<vmem>> -> memref<128xi32, #tpu.memory_space<vmem>>
    %dma_wait3A_53 = arith.constant 0 : i32
    %dma_wait3A_54 = arith.constant 0 : i32
    %dma_wait3A_55 = tpu.memref_slice %arg2[%dma_wait3A_53, %dma_wait3A_54] : memref<10000x128xf32, #tpu.memory_space<hbm>> -> memref<10000x128xf32, #tpu.memory_space<hbm>>
    tpu.wait_indirect_dma semaphore(%arg12 : memref<!tpu.dma_semaphore, #tpu.memory_space<semaphore_mem>>) src(%dma_wait3A_55 : memref<10000x128xf32, #tpu.memory_space<hbm>>) dst(%arg10 : memref<128x128xf32, #tpu.memory_space<vmem>>)
    %barrier3A_56 = arith.constant 0 : index
    tpu.barrier barrier_id(%barrier3A_56)
    %mul3A_57 = arith.constant 632 : i32
    %mul3A_58 = arith.muli %arg1, %mul3A_57 : i32
    "tpu.region"() ({
      %run_scoped3A_59 = tpu.sem_alloc : memref<!tpu.dma_semaphore, #tpu.memory_space<semaphore_mem>>
      %dma_start3A_60 = arith.constant 0 : i32
      %dma_start3A_61 = tpu.memref_slice %arg5[%arg0, %mul3A_58, %dma_start3A_60] : memref<2x10112x128xf32, #tpu.memory_space<hbm>> -> memref<1x632x128xf32, #tpu.memory_space<hbm>>
      %dma_start3A_62 = tpu.memref_squeeze %dma_start3A_61 : memref<1x632x128xf32, #tpu.memory_space<hbm>> -> memref<632x128xf32, #tpu.memory_space<hbm>>
      %dma_start3A_63 = arith.constant 0 : i32
      %dma_start3A_64 = tpu.memref_slice %arg6[%mul3A_58, %dma_start3A_63] : memref<10112x128xf32, #tpu.memory_space<vmem_shared>> -> memref<632x128xf32, #tpu.memory_space<vmem_shared>>
      tpu.enqueue_dma source(%dma_start3A_64 : memref<632x128xf32, #tpu.memory_space<vmem_shared>>) target(%dma_start3A_62 : memref<632x128xf32, #tpu.memory_space<hbm>>) target_semaphore(%run_scoped3A_59 : memref<!tpu.dma_semaphore, #tpu.memory_space<semaphore_mem>>)
      %dma_wait3A_65 = arith.constant 0 : i32
      %dma_wait3A_66 = tpu.memref_slice %arg5[%arg0, %mul3A_58, %dma_wait3A_65] : memref<2x10112x128xf32, #tpu.memory_space<hbm>> -> memref<1x632x128xf32, #tpu.memory_space<hbm>>
      %dma_wait3A_67 = tpu.memref_squeeze %dma_wait3A_66 : memref<1x632x128xf32, #tpu.memory_space<hbm>> -> memref<632x128xf32, #tpu.memory_space<hbm>>
      %dma_wait3A_68 = arith.constant 0 : i32
      %dma_wait3A_69 = tpu.memref_slice %arg6[%mul3A_58, %dma_wait3A_68] : memref<10112x128xf32, #tpu.memory_space<vmem_shared>> -> memref<632x128xf32, #tpu.memory_space<vmem_shared>>
      tpu.wait_dma2 semaphore(%run_scoped3A_59 : memref<!tpu.dma_semaphore, #tpu.memory_space<semaphore_mem>>) src(%dma_wait3A_69 : memref<632x128xf32, #tpu.memory_space<vmem_shared>>) dst(%dma_wait3A_67 : memref<632x128xf32, #tpu.memory_space<hbm>>)
      tpu.yield
    }) : () -> ()
    return
  }
}

#map = affine_map<(d0, d1) -> (0, 0)>
#map1 = affine_map<(d0, d1) -> (0, 0, 0)>
#map2 = affine_map<(d0, d1) -> (0, 0, 0, 0)>
module attributes {stable_mosaic.version = 14 : i64} {
  func.func @_sc_agg_body(%arg0: i32, %arg1: i32, %arg2: memref<10000x128xf32, #tpu.memory_space<hbm>>, %arg3: memref<32x80x128xi32, #tpu.memory_space<hbm>>, %arg4: memref<32x2x40x128xi32, #tpu.memory_space<hbm>>, %arg5: memref<2x10112x128xf32, #tpu.memory_space<hbm>>, %arg6: memref<10112x128xf32, #tpu.memory_space<vmem_shared>>, %arg7: memref<80x128xi32, #tpu.memory_space<vmem>>, %arg8: memref<40x128xi32, #tpu.memory_space<vmem>>, %arg9: memref<128x128xf32, #tpu.memory_space<vmem>>, %arg10: memref<128x128xf32, #tpu.memory_space<vmem>>, %arg11: memref<!tpu.dma_semaphore, #tpu.memory_space<semaphore_mem>>, %arg12: memref<!tpu.dma_semaphore, #tpu.memory_space<semaphore_mem>>) attributes {dimension_semantics = [#tpu.dimension_semantics<core_parallel>, #tpu.dimension_semantics<subcore_parallel>], iteration_bounds = array<i64: 2, 16>, scalar_prefetch = 0 : i64, scratch_operands = 7 : i64, tpu.core_type = #tpu.core_type<sc_vector_subcore>, window_params = [{transform_indices = #map}, {transform_indices = #map1}, {transform_indices = #map2}, {transform_indices = #map1}]} {
    %mul3A = arith.constant 16 : i32
    %mul3A_0 = arith.muli %arg0, %mul3A : i32
    %add3A = arith.addi %mul3A_0, %arg1 : i32
    %broadcast_in_dim3A = arith.constant 0.000000e+00 : f32
    %broadcast_in_dim3A_1 = vector.broadcast %broadcast_in_dim3A : f32 to vector<16xf32>
    %scan3A = arith.constant 0 : i32
    %scan3A_2 = arith.constant 0 : i32
    %scan3A_3 = arith.constant 128 : i32
    %scan3A_4 = arith.addi %scan3A_2, %scan3A_3 : i32
    %scan3A_5 = arith.constant 1 : i32
    scf.for %scan3A_59 = %scan3A_2 to %scan3A_4 step %scan3A_5  : i32 {
      %swap3A = arith.index_cast %scan3A_59 : i32 to index
      %swap3A_60 = arith.constant 0 : index
      %swap3A_61 = tpu.vector_load %arg9[%swap3A, %swap3A_60] {strides = array<i32>} : memref<128x128xf32, #tpu.memory_space<vmem>>, vector<1x16xf32>,
      %swap3A_62 = vector.shape_cast %swap3A_61 : vector<1x16xf32> to vector<16xf32>
      %swap3A_63 = vector.shape_cast %broadcast_in_dim3A_1 : vector<16xf32> to vector<1x16xf32>
      tpu.vector_store %arg9[%swap3A, %swap3A_60], %swap3A_63 {strides = array<i32>} : memref<128x128xf32, #tpu.memory_space<vmem>>, vector<1x16xf32>,
      %swap3A_64 = arith.index_cast %scan3A_59 : i32 to index
      %swap3A_65 = arith.constant 16 : index
      %swap3A_66 = tpu.vector_load %arg9[%swap3A_64, %swap3A_65] {strides = array<i32>} : memref<128x128xf32, #tpu.memory_space<vmem>>, vector<1x16xf32>,
      %swap3A_67 = vector.shape_cast %swap3A_66 : vector<1x16xf32> to vector<16xf32>
      %swap3A_68 = vector.shape_cast %broadcast_in_dim3A_1 : vector<16xf32> to vector<1x16xf32>
      tpu.vector_store %arg9[%swap3A_64, %swap3A_65], %swap3A_68 {strides = array<i32>} : memref<128x128xf32, #tpu.memory_space<vmem>>, vector<1x16xf32>,
      %swap3A_69 = arith.index_cast %scan3A_59 : i32 to index
      %swap3A_70 = arith.constant 32 : index
      %swap3A_71 = tpu.vector_load %arg9[%swap3A_69, %swap3A_70] {strides = array<i32>} : memref<128x128xf32, #tpu.memory_space<vmem>>, vector<1x16xf32>,
      %swap3A_72 = vector.shape_cast %swap3A_71 : vector<1x16xf32> to vector<16xf32>
      %swap3A_73 = vector.shape_cast %broadcast_in_dim3A_1 : vector<16xf32> to vector<1x16xf32>
      tpu.vector_store %arg9[%swap3A_69, %swap3A_70], %swap3A_73 {strides = array<i32>} : memref<128x128xf32, #tpu.memory_space<vmem>>, vector<1x16xf32>,
      %swap3A_74 = arith.index_cast %scan3A_59 : i32 to index
      %swap3A_75 = arith.constant 48 : index
      %swap3A_76 = tpu.vector_load %arg9[%swap3A_74, %swap3A_75] {strides = array<i32>} : memref<128x128xf32, #tpu.memory_space<vmem>>, vector<1x16xf32>,
      %swap3A_77 = vector.shape_cast %swap3A_76 : vector<1x16xf32> to vector<16xf32>
      %swap3A_78 = vector.shape_cast %broadcast_in_dim3A_1 : vector<16xf32> to vector<1x16xf32>
      tpu.vector_store %arg9[%swap3A_74, %swap3A_75], %swap3A_78 {strides = array<i32>} : memref<128x128xf32, #tpu.memory_space<vmem>>, vector<1x16xf32>,
      %swap3A_79 = arith.index_cast %scan3A_59 : i32 to index
      %swap3A_80 = arith.constant 64 : index
      %swap3A_81 = tpu.vector_load %arg9[%swap3A_79, %swap3A_80] {strides = array<i32>} : memref<128x128xf32, #tpu.memory_space<vmem>>, vector<1x16xf32>,
      %swap3A_82 = vector.shape_cast %swap3A_81 : vector<1x16xf32> to vector<16xf32>
      %swap3A_83 = vector.shape_cast %broadcast_in_dim3A_1 : vector<16xf32> to vector<1x16xf32>
      tpu.vector_store %arg9[%swap3A_79, %swap3A_80], %swap3A_83 {strides = array<i32>} : memref<128x128xf32, #tpu.memory_space<vmem>>, vector<1x16xf32>,
      %swap3A_84 = arith.index_cast %scan3A_59 : i32 to index
      %swap3A_85 = arith.constant 80 : index
      %swap3A_86 = tpu.vector_load %arg9[%swap3A_84, %swap3A_85] {strides = array<i32>} : memref<128x128xf32, #tpu.memory_space<vmem>>, vector<1x16xf32>,
      %swap3A_87 = vector.shape_cast %swap3A_86 : vector<1x16xf32> to vector<16xf32>
      %swap3A_88 = vector.shape_cast %broadcast_in_dim3A_1 : vector<16xf32> to vector<1x16xf32>
      tpu.vector_store %arg9[%swap3A_84, %swap3A_85], %swap3A_88 {strides = array<i32>} : memref<128x128xf32, #tpu.memory_space<vmem>>, vector<1x16xf32>,
      %swap3A_89 = arith.index_cast %scan3A_59 : i32 to index
      %swap3A_90 = arith.constant 96 : index
      %swap3A_91 = tpu.vector_load %arg9[%swap3A_89, %swap3A_90] {strides = array<i32>} : memref<128x128xf32, #tpu.memory_space<vmem>>, vector<1x16xf32>,
      %swap3A_92 = vector.shape_cast %swap3A_91 : vector<1x16xf32> to vector<16xf32>
      %swap3A_93 = vector.shape_cast %broadcast_in_dim3A_1 : vector<16xf32> to vector<1x16xf32>
      tpu.vector_store %arg9[%swap3A_89, %swap3A_90], %swap3A_93 {strides = array<i32>} : memref<128x128xf32, #tpu.memory_space<vmem>>, vector<1x16xf32>,
      %swap3A_94 = arith.index_cast %scan3A_59 : i32 to index
      %swap3A_95 = arith.constant 112 : index
      %swap3A_96 = tpu.vector_load %arg9[%swap3A_94, %swap3A_95] {strides = array<i32>} : memref<128x128xf32, #tpu.memory_space<vmem>>, vector<1x16xf32>,
      %swap3A_97 = vector.shape_cast %swap3A_96 : vector<1x16xf32> to vector<16xf32>
      %swap3A_98 = vector.shape_cast %broadcast_in_dim3A_1 : vector<16xf32> to vector<1x16xf32>
      tpu.vector_store %arg9[%swap3A_94, %swap3A_95], %swap3A_98 {strides = array<i32>} : memref<128x128xf32, #tpu.memory_space<vmem>>, vector<1x16xf32>,
    }
    %scan3A_6 = arith.constant 128 : i32
    %mul3A_7 = arith.constant 632 : i32
    %mul3A_8 = arith.muli %arg1, %mul3A_7 : i32
    %scan3A_9 = arith.constant 0 : i32
    %scan3A_10 = arith.constant 0 : i32
    %scan3A_11 = arith.constant 4 : i32
    %scan3A_12 = arith.addi %scan3A_10, %scan3A_11 : i32
    %scan3A_13 = arith.constant 1 : i32
    scf.for %scan3A_59 = %scan3A_10 to %scan3A_12 step %scan3A_13  : i32 {
      %mul3A_60 = arith.constant 128 : i32
      %mul3A_61 = arith.muli %scan3A_59, %mul3A_60 : i32
      %add3A_62 = arith.addi %mul3A_8, %mul3A_61 : i32
      "tpu.region"() ({
        %run_scoped3A_63 = tpu.sem_alloc : memref<!tpu.dma_semaphore, #tpu.memory_space<semaphore_mem>>
        %dma_start3A_64 = arith.constant 0 : i32
        %dma_start3A_65 = tpu.memref_slice %arg6[%add3A_62, %dma_start3A_64] : memref<10112x128xf32, #tpu.memory_space<vmem_shared>> -> memref<128x128xf32, #tpu.memory_space<vmem_shared>>
        %dma_start3A_66 = arith.constant 0 : i32
        %dma_start3A_67 = tpu.memref_slice %arg6[%add3A_62, %dma_start3A_66] : memref<10112x128xf32, #tpu.memory_space<vmem_shared>> -> memref<128x128xf32, #tpu.memory_space<vmem_shared>>
        tpu.enqueue_dma source(%arg9 : memref<128x128xf32, #tpu.memory_space<vmem>>) target(%dma_start3A_67 : memref<128x128xf32, #tpu.memory_space<vmem_shared>>) target_semaphore(%run_scoped3A_63 : memref<!tpu.dma_semaphore, #tpu.memory_space<semaphore_mem>>)
        %dma_wait3A_68 = arith.constant 0 : i32
        %dma_wait3A_69 = tpu.memref_slice %arg6[%add3A_62, %dma_wait3A_68] : memref<10112x128xf32, #tpu.memory_space<vmem_shared>> -> memref<128x128xf32, #tpu.memory_space<vmem_shared>>
        %dma_wait3A_70 = arith.constant 0 : i32
        %dma_wait3A_71 = tpu.memref_slice %arg6[%add3A_62, %dma_wait3A_70] : memref<10112x128xf32, #tpu.memory_space<vmem_shared>> -> memref<128x128xf32, #tpu.memory_space<vmem_shared>>
        tpu.wait_dma2 semaphore(%run_scoped3A_63 : memref<!tpu.dma_semaphore, #tpu.memory_space<semaphore_mem>>) src(%arg9 : memref<128x128xf32, #tpu.memory_space<vmem>>) dst(%dma_wait3A_71 : memref<128x128xf32, #tpu.memory_space<vmem_shared>>)
        tpu.yield
      }) : () -> ()
    }
    %scan3A_14 = arith.constant 4 : i32
    %add3A_15 = arith.constant 512 : i32
    %add3A_16 = arith.addi %mul3A_8, %add3A_15 : i32
    "tpu.region"() ({
      %run_scoped3A_59 = tpu.sem_alloc : memref<!tpu.dma_semaphore, #tpu.memory_space<semaphore_mem>>
      %dma_start3A_60 = arith.constant 0 : i32
      %dma_start3A_61 = arith.constant 0 : i32
      %dma_start3A_62 = tpu.memref_slice %arg9[%dma_start3A_60, %dma_start3A_61] : memref<128x128xf32, #tpu.memory_space<vmem>> -> memref<120x128xf32, #tpu.memory_space<vmem>>
      %dma_start3A_63 = arith.constant 0 : i32
      %dma_start3A_64 = tpu.memref_slice %arg6[%add3A_16, %dma_start3A_63] : memref<10112x128xf32, #tpu.memory_space<vmem_shared>> -> memref<120x128xf32, #tpu.memory_space<vmem_shared>>
      %dma_start3A_65 = arith.constant 0 : i32
      %dma_start3A_66 = tpu.memref_slice %arg6[%add3A_16, %dma_start3A_65] : memref<10112x128xf32, #tpu.memory_space<vmem_shared>> -> memref<120x128xf32, #tpu.memory_space<vmem_shared>>
      %dma_start3A_67 = arith.constant 0 : i32
      %dma_start3A_68 = arith.constant 0 : i32
      %dma_start3A_69 = tpu.memref_slice %arg9[%dma_start3A_67, %dma_start3A_68] : memref<128x128xf32, #tpu.memory_space<vmem>> -> memref<120x128xf32, #tpu.memory_space<vmem>>
      tpu.enqueue_dma source(%dma_start3A_69 : memref<120x128xf32, #tpu.memory_space<vmem>>) target(%dma_start3A_66 : memref<120x128xf32, #tpu.memory_space<vmem_shared>>) target_semaphore(%run_scoped3A_59 : memref<!tpu.dma_semaphore, #tpu.memory_space<semaphore_mem>>)
      %dma_wait3A_70 = arith.constant 0 : i32
      %dma_wait3A_71 = arith.constant 0 : i32
      %dma_wait3A_72 = tpu.memref_slice %arg9[%dma_wait3A_70, %dma_wait3A_71] : memref<128x128xf32, #tpu.memory_space<vmem>> -> memref<120x128xf32, #tpu.memory_space<vmem>>
      %dma_wait3A_73 = arith.constant 0 : i32
      %dma_wait3A_74 = tpu.memref_slice %arg6[%add3A_16, %dma_wait3A_73] : memref<10112x128xf32, #tpu.memory_space<vmem_shared>> -> memref<120x128xf32, #tpu.memory_space<vmem_shared>>
      %dma_wait3A_75 = arith.constant 0 : i32
      %dma_wait3A_76 = tpu.memref_slice %arg6[%add3A_16, %dma_wait3A_75] : memref<10112x128xf32, #tpu.memory_space<vmem_shared>> -> memref<120x128xf32, #tpu.memory_space<vmem_shared>>
      %dma_wait3A_77 = arith.constant 0 : i32
      %dma_wait3A_78 = arith.constant 0 : i32
      %dma_wait3A_79 = tpu.memref_slice %arg9[%dma_wait3A_77, %dma_wait3A_78] : memref<128x128xf32, #tpu.memory_space<vmem>> -> memref<120x128xf32, #tpu.memory_space<vmem>>
      tpu.wait_dma2 semaphore(%run_scoped3A_59 : memref<!tpu.dma_semaphore, #tpu.memory_space<semaphore_mem>>) src(%dma_wait3A_79 : memref<120x128xf32, #tpu.memory_space<vmem>>) dst(%dma_wait3A_76 : memref<120x128xf32, #tpu.memory_space<vmem_shared>>)
      tpu.yield
    }) : () -> ()
    %barrier3A = arith.constant 0 : index
    tpu.barrier barrier_id(%barrier3A)
    "tpu.region"() ({
      %run_scoped3A_59 = tpu.sem_alloc : memref<!tpu.dma_semaphore, #tpu.memory_space<semaphore_mem>>
      %dma_start3A_60 = arith.constant 0 : i32
      %dma_start3A_61 = arith.constant 0 : i32
      %dma_start3A_62 = tpu.memref_slice %arg3[%add3A, %dma_start3A_60, %dma_start3A_61] : memref<32x80x128xi32, #tpu.memory_space<hbm>> -> memref<1x80x128xi32, #tpu.memory_space<hbm>>
      %dma_start3A_63 = tpu.memref_squeeze %dma_start3A_62 : memref<1x80x128xi32, #tpu.memory_space<hbm>> -> memref<80x128xi32, #tpu.memory_space<hbm>>
      %dma_start3A_64 = arith.constant 0 : i32
      %dma_start3A_65 = arith.constant 0 : i32
      %dma_start3A_66 = tpu.memref_slice %arg3[%add3A, %dma_start3A_64, %dma_start3A_65] : memref<32x80x128xi32, #tpu.memory_space<hbm>> -> memref<1x80x128xi32, #tpu.memory_space<hbm>>
      %dma_start3A_67 = tpu.memref_squeeze %dma_start3A_66 : memref<1x80x128xi32, #tpu.memory_space<hbm>> -> memref<80x128xi32, #tpu.memory_space<hbm>>
      tpu.enqueue_dma source(%dma_start3A_67 : memref<80x128xi32, #tpu.memory_space<hbm>>) target(%arg7 : memref<80x128xi32, #tpu.memory_space<vmem>>) target_semaphore(%run_scoped3A_59 : memref<!tpu.dma_semaphore, #tpu.memory_space<semaphore_mem>>)
      %dma_wait3A_68 = arith.constant 0 : i32
      %dma_wait3A_69 = arith.constant 0 : i32
      %dma_wait3A_70 = tpu.memref_slice %arg3[%add3A, %dma_wait3A_68, %dma_wait3A_69] : memref<32x80x128xi32, #tpu.memory_space<hbm>> -> memref<1x80x128xi32, #tpu.memory_space<hbm>>
      %dma_wait3A_71 = tpu.memref_squeeze %dma_wait3A_70 : memref<1x80x128xi32, #tpu.memory_space<hbm>> -> memref<80x128xi32, #tpu.memory_space<hbm>>
      %dma_wait3A_72 = arith.constant 0 : i32
      %dma_wait3A_73 = arith.constant 0 : i32
      %dma_wait3A_74 = tpu.memref_slice %arg3[%add3A, %dma_wait3A_72, %dma_wait3A_73] : memref<32x80x128xi32, #tpu.memory_space<hbm>> -> memref<1x80x128xi32, #tpu.memory_space<hbm>>
      %dma_wait3A_75 = tpu.memref_squeeze %dma_wait3A_74 : memref<1x80x128xi32, #tpu.memory_space<hbm>> -> memref<80x128xi32, #tpu.memory_space<hbm>>
      tpu.wait_dma2 semaphore(%run_scoped3A_59 : memref<!tpu.dma_semaphore, #tpu.memory_space<semaphore_mem>>) src(%dma_wait3A_75 : memref<80x128xi32, #tpu.memory_space<hbm>>) dst(%arg7 : memref<80x128xi32, #tpu.memory_space<vmem>>)
      tpu.yield
    }) : () -> ()
    %run_scoped3A = arith.constant 0 : i32
    "tpu.region"() ({
      %run_scoped3A_59 = tpu.sem_alloc : memref<!tpu.dma_semaphore, #tpu.memory_space<semaphore_mem>>
      %dma_start3A_60 = arith.constant 0 : i32
      %dma_start3A_61 = arith.constant 0 : i32
      %dma_start3A_62 = tpu.memref_slice %arg4[%add3A, %run_scoped3A, %dma_start3A_60, %dma_start3A_61] : memref<32x2x40x128xi32, #tpu.memory_space<hbm>> -> memref<1x1x40x128xi32, #tpu.memory_space<hbm>>
      %dma_start3A_63 = tpu.memref_squeeze %dma_start3A_62 : memref<1x1x40x128xi32, #tpu.memory_space<hbm>> -> memref<40x128xi32, #tpu.memory_space<hbm>>
      %dma_start3A_64 = arith.constant 0 : i32
      %dma_start3A_65 = arith.constant 0 : i32
      %dma_start3A_66 = tpu.memref_slice %arg4[%add3A, %run_scoped3A, %dma_start3A_64, %dma_start3A_65] : memref<32x2x40x128xi32, #tpu.memory_space<hbm>> -> memref<1x1x40x128xi32, #tpu.memory_space<hbm>>
      %dma_start3A_67 = tpu.memref_squeeze %dma_start3A_66 : memref<1x1x40x128xi32, #tpu.memory_space<hbm>> -> memref<40x128xi32, #tpu.memory_space<hbm>>
      tpu.enqueue_dma source(%dma_start3A_67 : memref<40x128xi32, #tpu.memory_space<hbm>>) target(%arg8 : memref<40x128xi32, #tpu.memory_space<vmem>>) target_semaphore(%run_scoped3A_59 : memref<!tpu.dma_semaphore, #tpu.memory_space<semaphore_mem>>)
      %dma_wait3A_68 = arith.constant 0 : i32
      %dma_wait3A_69 = arith.constant 0 : i32
      %dma_wait3A_70 = tpu.memref_slice %arg4[%add3A, %run_scoped3A, %dma_wait3A_68, %dma_wait3A_69] : memref<32x2x40x128xi32, #tpu.memory_space<hbm>> -> memref<1x1x40x128xi32, #tpu.memory_space<hbm>>
      %dma_wait3A_71 = tpu.memref_squeeze %dma_wait3A_70 : memref<1x1x40x128xi32, #tpu.memory_space<hbm>> -> memref<40x128xi32, #tpu.memory_space<hbm>>
      %dma_wait3A_72 = arith.constant 0 : i32
      %dma_wait3A_73 = arith.constant 0 : i32
      %dma_wait3A_74 = tpu.memref_slice %arg4[%add3A, %run_scoped3A, %dma_wait3A_72, %dma_wait3A_73] : memref<32x2x40x128xi32, #tpu.memory_space<hbm>> -> memref<1x1x40x128xi32, #tpu.memory_space<hbm>>
      %dma_wait3A_75 = tpu.memref_squeeze %dma_wait3A_74 : memref<1x1x40x128xi32, #tpu.memory_space<hbm>> -> memref<40x128xi32, #tpu.memory_space<hbm>>
      tpu.wait_dma2 semaphore(%run_scoped3A_59 : memref<!tpu.dma_semaphore, #tpu.memory_space<semaphore_mem>>) src(%dma_wait3A_75 : memref<40x128xi32, #tpu.memory_space<hbm>>) dst(%arg8 : memref<40x128xi32, #tpu.memory_space<vmem>>)
      tpu.yield
    }) : () -> ()
    %dma_start3A = arith.constant 0 : i32
    %dma_start3A_17 = arith.constant 0 : i32
    %dma_start3A_18 = tpu.memref_slice %arg7[%dma_start3A, %dma_start3A_17] : memref<80x128xi32, #tpu.memory_space<vmem>> -> memref<1x128xi32, #tpu.memory_space<vmem>>
    %dma_start3A_19 = tpu.memref_squeeze %dma_start3A_18 : memref<1x128xi32, #tpu.memory_space<vmem>> -> memref<128xi32, #tpu.memory_space<vmem>>
    %dma_start3A_20 = arith.constant 0 : i32
    %dma_start3A_21 = arith.constant 0 : i32
    %dma_start3A_22 = tpu.memref_slice %arg2[%dma_start3A_20, %dma_start3A_21] : memref<10000x128xf32, #tpu.memory_space<hbm>> -> memref<10000x128xf32, #tpu.memory_space<hbm>>
    tpu.enqueue_indirect_dma source(%dma_start3A_22 : memref<10000x128xf32, #tpu.memory_space<hbm>>) target(%arg9 : memref<128x128xf32, #tpu.memory_space<vmem>>) offsets(%dma_start3A_19 : memref<128xi32, #tpu.memory_space<vmem>>) semaphore(%arg11 : memref<!tpu.dma_semaphore, #tpu.memory_space<semaphore_mem>>)
    %dma_start3A_23 = arith.constant 1 : i32
    %dma_start3A_24 = arith.constant 0 : i32
    %dma_start3A_25 = tpu.memref_slice %arg7[%dma_start3A_23, %dma_start3A_24] : memref<80x128xi32, #tpu.memory_space<vmem>> -> memref<1x128xi32, #tpu.memory_space<vmem>>
    %dma_start3A_26 = tpu.memref_squeeze %dma_start3A_25 : memref<1x128xi32, #tpu.memory_space<vmem>> -> memref<128xi32, #tpu.memory_space<vmem>>
    %dma_start3A_27 = arith.constant 0 : i32
    %dma_start3A_28 = arith.constant 0 : i32
    %dma_start3A_29 = tpu.memref_slice %arg2[%dma_start3A_27, %dma_start3A_28] : memref<10000x128xf32, #tpu.memory_space<hbm>> -> memref<10000x128xf32, #tpu.memory_space<hbm>>
    tpu.enqueue_indirect_dma source(%dma_start3A_29 : memref<10000x128xf32, #tpu.memory_space<hbm>>) target(%arg10 : memref<128x128xf32, #tpu.memory_space<vmem>>) offsets(%dma_start3A_26 : memref<128xi32, #tpu.memory_space<vmem>>) semaphore(%arg12 : memref<!tpu.dma_semaphore, #tpu.memory_space<semaphore_mem>>)
    %scan3A_30 = arith.constant 0 : i32
    %scan3A_31 = arith.constant 0 : i32
    %scan3A_32 = arith.constant 20 : i32
    %scan3A_33 = arith.addi %scan3A_31, %scan3A_32 : i32
    %scan3A_34 = arith.constant 1 : i32
    scf.for %scan3A_59 = %scan3A_31 to %scan3A_33 step %scan3A_34  : i32 {
      %mul3A_60 = arith.constant 2 : i32
      %mul3A_61 = arith.muli %scan3A_59, %mul3A_60 : i32
      %add3A_62 = arith.constant 0 : i32
      %add3A_63 = arith.addi %add3A_62, %mul3A_61 : i32
      %add3A_64 = arith.constant 0 : i32
      %add3A_65 = arith.addi %add3A_63, %add3A_64 : i32
      %dma_wait3A_66 = arith.constant 0 : i32
      %dma_wait3A_67 = arith.constant 0 : i32
      %dma_wait3A_68 = tpu.memref_slice %arg7[%dma_wait3A_66, %dma_wait3A_67] : memref<80x128xi32, #tpu.memory_space<vmem>> -> memref<1x128xi32, #tpu.memory_space<vmem>>
      %dma_wait3A_69 = tpu.memref_squeeze %dma_wait3A_68 : memref<1x128xi32, #tpu.memory_space<vmem>> -> memref<128xi32, #tpu.memory_space<vmem>>
      %dma_wait3A_70 = arith.constant 0 : i32
      %dma_wait3A_71 = arith.constant 0 : i32
      %dma_wait3A_72 = tpu.memref_slice %arg2[%dma_wait3A_70, %dma_wait3A_71] : memref<10000x128xf32, #tpu.memory_space<hbm>> -> memref<10000x128xf32, #tpu.memory_space<hbm>>
      tpu.wait_indirect_dma semaphore(%arg11 : memref<!tpu.dma_semaphore, #tpu.memory_space<semaphore_mem>>) src(%dma_wait3A_72 : memref<10000x128xf32, #tpu.memory_space<hbm>>) dst(%arg9 : memref<128x128xf32, #tpu.memory_space<vmem>>)
      %mul3A_73 = arith.constant 2 : i32
      %mul3A_74 = arith.muli %scan3A_59, %mul3A_73 : i32
      %add3A_75 = arith.constant 0 : i32
      %add3A_76 = arith.addi %mul3A_74, %add3A_75 : i32
      "tpu.region"() ({
        %run_scoped3A_125 = tpu.sem_alloc : memref<!tpu.dma_semaphore, #tpu.memory_space<semaphore_mem>>
        %dma_start3A_126 = arith.constant 0 : i32
        %dma_start3A_127 = tpu.memref_slice %arg8[%add3A_76, %dma_start3A_126] : memref<40x128xi32, #tpu.memory_space<vmem>> -> memref<1x128xi32, #tpu.memory_space<vmem>>
        %dma_start3A_128 = tpu.memref_squeeze %dma_start3A_127 : memref<1x128xi32, #tpu.memory_space<vmem>> -> memref<128xi32, #tpu.memory_space<vmem>>
        %dma_start3A_129 = arith.constant 0 : i32
        %dma_start3A_130 = arith.constant 0 : i32
        %dma_start3A_131 = tpu.memref_slice %arg6[%dma_start3A_129, %dma_start3A_130] : memref<10112x128xf32, #tpu.memory_space<vmem_shared>> -> memref<10112x128xf32, #tpu.memory_space<vmem_shared>>
        tpu.enqueue_indirect_dma source(%arg9 : memref<128x128xf32, #tpu.memory_space<vmem>>) target(%dma_start3A_131 : memref<10112x128xf32, #tpu.memory_space<vmem_shared>>) offsets(%dma_start3A_128 : memref<128xi32, #tpu.memory_space<vmem>>) semaphore(%run_scoped3A_125 : memref<!tpu.dma_semaphore, #tpu.memory_space<semaphore_mem>>) {add = true}
        %dma_wait3A_132 = arith.constant 0 : i32
        %dma_wait3A_133 = tpu.memref_slice %arg8[%add3A_76, %dma_wait3A_132] : memref<40x128xi32, #tpu.memory_space<vmem>> -> memref<1x128xi32, #tpu.memory_space<vmem>>
        %dma_wait3A_134 = tpu.memref_squeeze %dma_wait3A_133 : memref<1x128xi32, #tpu.memory_space<vmem>> -> memref<128xi32, #tpu.memory_space<vmem>>
        %dma_wait3A_135 = arith.constant 0 : i32
        %dma_wait3A_136 = arith.constant 0 : i32
        %dma_wait3A_137 = tpu.memref_slice %arg6[%dma_wait3A_135, %dma_wait3A_136] : memref<10112x128xf32, #tpu.memory_space<vmem_shared>> -> memref<10112x128xf32, #tpu.memory_space<vmem_shared>>
        tpu.wait_indirect_dma semaphore(%run_scoped3A_125 : memref<!tpu.dma_semaphore, #tpu.memory_space<semaphore_mem>>) src(%arg9 : memref<128x128xf32, #tpu.memory_space<vmem>>) dst(%dma_wait3A_137 : memref<10112x128xf32, #tpu.memory_space<vmem_shared>>)
        tpu.yield
      }) : () -> ()
      %add3A_77 = arith.constant 2 : i32
      %add3A_78 = arith.addi %add3A_65, %add3A_77 : i32
      %ge3A = arith.constant 80 : i32
      %ge3A_79 = arith.cmpi sge, %add3A_78, %ge3A : i32
      %add3A_80 = arith.constant 2 : i32
      %add3A_81 = arith.addi %add3A_65, %add3A_80 : i32
      %sub3A = arith.constant 80 : i32
      %sub3A_82 = arith.subi %add3A_81, %sub3A : i32
      %add3A_83 = arith.constant 2 : i32
      %add3A_84 = arith.addi %add3A_65, %add3A_83 : i32
      %select_n3A = arith.select %ge3A_79, %sub3A_82, %add3A_84 : i32
      %dma_start3A_85 = arith.constant 0 : i32
      %dma_start3A_86 = tpu.memref_slice %arg7[%select_n3A, %dma_start3A_85] : memref<80x128xi32, #tpu.memory_space<vmem>> -> memref<1x128xi32, #tpu.memory_space<vmem>>
      %dma_start3A_87 = tpu.memref_squeeze %dma_start3A_86 : memref<1x128xi32, #tpu.memory_space<vmem>> -> memref<128xi32, #tpu.memory_space<vmem>>
      %dma_start3A_88 = arith.constant 0 : i32
      %dma_start3A_89 = arith.constant 0 : i32
      %dma_start3A_90 = tpu.memref_slice %arg2[%dma_start3A_88, %dma_start3A_89] : memref<10000x128xf32, #tpu.memory_space<hbm>> -> memref<10000x128xf32, #tpu.memory_space<hbm>>
      tpu.enqueue_indirect_dma source(%dma_start3A_90 : memref<10000x128xf32, #tpu.memory_space<hbm>>) target(%arg9 : memref<128x128xf32, #tpu.memory_space<vmem>>) offsets(%dma_start3A_87 : memref<128xi32, #tpu.memory_space<vmem>>) semaphore(%arg11 : memref<!tpu.dma_semaphore, #tpu.memory_space<semaphore_mem>>)
      %mul3A_91 = arith.constant 2 : i32
      %mul3A_92 = arith.muli %scan3A_59, %mul3A_91 : i32
      %add3A_93 = arith.constant 0 : i32
      %add3A_94 = arith.addi %add3A_93, %mul3A_92 : i32
      %add3A_95 = arith.constant 1 : i32
      %add3A_96 = arith.addi %add3A_94, %add3A_95 : i32
      %dma_wait3A_97 = arith.constant 0 : i32
      %dma_wait3A_98 = arith.constant 0 : i32
      %dma_wait3A_99 = tpu.memref_slice %arg7[%dma_wait3A_97, %dma_wait3A_98] : memref<80x128xi32, #tpu.memory_space<vmem>> -> memref<1x128xi32, #tpu.memory_space<vmem>>
      %dma_wait3A_100 = tpu.memref_squeeze %dma_wait3A_99 : memref<1x128xi32, #tpu.memory_space<vmem>> -> memref<128xi32, #tpu.memory_space<vmem>>
      %dma_wait3A_101 = arith.constant 0 : i32
      %dma_wait3A_102 = arith.constant 0 : i32
      %dma_wait3A_103 = tpu.memref_slice %arg2[%dma_wait3A_101, %dma_wait3A_102] : memref<10000x128xf32, #tpu.memory_space<hbm>> -> memref<10000x128xf32, #tpu.memory_space<hbm>>
      tpu.wait_indirect_dma semaphore(%arg12 : memref<!tpu.dma_semaphore, #tpu.memory_space<semaphore_mem>>) src(%dma_wait3A_103 : memref<10000x128xf32, #tpu.memory_space<hbm>>) dst(%arg10 : memref<128x128xf32, #tpu.memory_space<vmem>>)
      %mul3A_104 = arith.constant 2 : i32
      %mul3A_105 = arith.muli %scan3A_59, %mul3A_104 : i32
      %add3A_106 = arith.constant 1 : i32
      %add3A_107 = arith.addi %mul3A_105, %add3A_106 : i32
      "tpu.region"() ({
        %run_scoped3A_125 = tpu.sem_alloc : memref<!tpu.dma_semaphore, #tpu.memory_space<semaphore_mem>>
        %dma_start3A_126 = arith.constant 0 : i32
        %dma_start3A_127 = tpu.memref_slice %arg8[%add3A_107, %dma_start3A_126] : memref<40x128xi32, #tpu.memory_space<vmem>> -> memref<1x128xi32, #tpu.memory_space<vmem>>
        %dma_start3A_128 = tpu.memref_squeeze %dma_start3A_127 : memref<1x128xi32, #tpu.memory_space<vmem>> -> memref<128xi32, #tpu.memory_space<vmem>>
        %dma_start3A_129 = arith.constant 0 : i32
        %dma_start3A_130 = arith.constant 0 : i32
        %dma_start3A_131 = tpu.memref_slice %arg6[%dma_start3A_129, %dma_start3A_130] : memref<10112x128xf32, #tpu.memory_space<vmem_shared>> -> memref<10112x128xf32, #tpu.memory_space<vmem_shared>>
        tpu.enqueue_indirect_dma source(%arg10 : memref<128x128xf32, #tpu.memory_space<vmem>>) target(%dma_start3A_131 : memref<10112x128xf32, #tpu.memory_space<vmem_shared>>) offsets(%dma_start3A_128 : memref<128xi32, #tpu.memory_space<vmem>>) semaphore(%run_scoped3A_125 : memref<!tpu.dma_semaphore, #tpu.memory_space<semaphore_mem>>) {add = true}
        %dma_wait3A_132 = arith.constant 0 : i32
        %dma_wait3A_133 = tpu.memref_slice %arg8[%add3A_107, %dma_wait3A_132] : memref<40x128xi32, #tpu.memory_space<vmem>> -> memref<1x128xi32, #tpu.memory_space<vmem>>
        %dma_wait3A_134 = tpu.memref_squeeze %dma_wait3A_133 : memref<1x128xi32, #tpu.memory_space<vmem>> -> memref<128xi32, #tpu.memory_space<vmem>>
        %dma_wait3A_135 = arith.constant 0 : i32
        %dma_wait3A_136 = arith.constant 0 : i32
        %dma_wait3A_137 = tpu.memref_slice %arg6[%dma_wait3A_135, %dma_wait3A_136] : memref<10112x128xf32, #tpu.memory_space<vmem_shared>> -> memref<10112x128xf32, #tpu.memory_space<vmem_shared>>
        tpu.wait_indirect_dma semaphore(%run_scoped3A_125 : memref<!tpu.dma_semaphore, #tpu.memory_space<semaphore_mem>>) src(%arg10 : memref<128x128xf32, #tpu.memory_space<vmem>>) dst(%dma_wait3A_137 : memref<10112x128xf32, #tpu.memory_space<vmem_shared>>)
        tpu.yield
      }) : () -> ()
      %add3A_108 = arith.constant 2 : i32
      %add3A_109 = arith.addi %add3A_96, %add3A_108 : i32
      %ge3A_110 = arith.constant 80 : i32
      %ge3A_111 = arith.cmpi sge, %add3A_109, %ge3A_110 : i32
      %add3A_112 = arith.constant 2 : i32
      %add3A_113 = arith.addi %add3A_96, %add3A_112 : i32
      %sub3A_114 = arith.constant 80 : i32
      %sub3A_115 = arith.subi %add3A_113, %sub3A_114 : i32
      %add3A_116 = arith.constant 2 : i32
      %add3A_117 = arith.addi %add3A_96, %add3A_116 : i32
      %select_n3A_118 = arith.select %ge3A_111, %sub3A_115, %add3A_117 : i32
      %dma_start3A_119 = arith.constant 0 : i32
      %dma_start3A_120 = tpu.memref_slice %arg7[%select_n3A_118, %dma_start3A_119] : memref<80x128xi32, #tpu.memory_space<vmem>> -> memref<1x128xi32, #tpu.memory_space<vmem>>
      %dma_start3A_121 = tpu.memref_squeeze %dma_start3A_120 : memref<1x128xi32, #tpu.memory_space<vmem>> -> memref<128xi32, #tpu.memory_space<vmem>>
      %dma_start3A_122 = arith.constant 0 : i32
      %dma_start3A_123 = arith.constant 0 : i32
      %dma_start3A_124 = tpu.memref_slice %arg2[%dma_start3A_122, %dma_start3A_123] : memref<10000x128xf32, #tpu.memory_space<hbm>> -> memref<10000x128xf32, #tpu.memory_space<hbm>>
      tpu.enqueue_indirect_dma source(%dma_start3A_124 : memref<10000x128xf32, #tpu.memory_space<hbm>>) target(%arg10 : memref<128x128xf32, #tpu.memory_space<vmem>>) offsets(%dma_start3A_121 : memref<128xi32, #tpu.memory_space<vmem>>) semaphore(%arg12 : memref<!tpu.dma_semaphore, #tpu.memory_space<semaphore_mem>>)
    }
    %scan3A_35 = arith.constant 20 : i32
    %run_scoped3A_36 = arith.constant 1 : i32
    "tpu.region"() ({
      %run_scoped3A_59 = tpu.sem_alloc : memref<!tpu.dma_semaphore, #tpu.memory_space<semaphore_mem>>
      %dma_start3A_60 = arith.constant 0 : i32
      %dma_start3A_61 = arith.constant 0 : i32
      %dma_start3A_62 = tpu.memref_slice %arg4[%add3A, %run_scoped3A_36, %dma_start3A_60, %dma_start3A_61] : memref<32x2x40x128xi32, #tpu.memory_space<hbm>> -> memref<1x1x40x128xi32, #tpu.memory_space<hbm>>
      %dma_start3A_63 = tpu.memref_squeeze %dma_start3A_62 : memref<1x1x40x128xi32, #tpu.memory_space<hbm>> -> memref<40x128xi32, #tpu.memory_space<hbm>>
      %dma_start3A_64 = arith.constant 0 : i32
      %dma_start3A_65 = arith.constant 0 : i32
      %dma_start3A_66 = tpu.memref_slice %arg4[%add3A, %run_scoped3A_36, %dma_start3A_64, %dma_start3A_65] : memref<32x2x40x128xi32, #tpu.memory_space<hbm>> -> memref<1x1x40x128xi32, #tpu.memory_space<hbm>>
      %dma_start3A_67 = tpu.memref_squeeze %dma_start3A_66 : memref<1x1x40x128xi32, #tpu.memory_space<hbm>> -> memref<40x128xi32, #tpu.memory_space<hbm>>
      tpu.enqueue_dma source(%dma_start3A_67 : memref<40x128xi32, #tpu.memory_space<hbm>>) target(%arg8 : memref<40x128xi32, #tpu.memory_space<vmem>>) target_semaphore(%run_scoped3A_59 : memref<!tpu.dma_semaphore, #tpu.memory_space<semaphore_mem>>)
      %dma_wait3A_68 = arith.constant 0 : i32
      %dma_wait3A_69 = arith.constant 0 : i32
      %dma_wait3A_70 = tpu.memref_slice %arg4[%add3A, %run_scoped3A_36, %dma_wait3A_68, %dma_wait3A_69] : memref<32x2x40x128xi32, #tpu.memory_space<hbm>> -> memref<1x1x40x128xi32, #tpu.memory_space<hbm>>
      %dma_wait3A_71 = tpu.memref_squeeze %dma_wait3A_70 : memref<1x1x40x128xi32, #tpu.memory_space<hbm>> -> memref<40x128xi32, #tpu.memory_space<hbm>>
      %dma_wait3A_72 = arith.constant 0 : i32
      %dma_wait3A_73 = arith.constant 0 : i32
      %dma_wait3A_74 = tpu.memref_slice %arg4[%add3A, %run_scoped3A_36, %dma_wait3A_72, %dma_wait3A_73] : memref<32x2x40x128xi32, #tpu.memory_space<hbm>> -> memref<1x1x40x128xi32, #tpu.memory_space<hbm>>
      %dma_wait3A_75 = tpu.memref_squeeze %dma_wait3A_74 : memref<1x1x40x128xi32, #tpu.memory_space<hbm>> -> memref<40x128xi32, #tpu.memory_space<hbm>>
      tpu.wait_dma2 semaphore(%run_scoped3A_59 : memref<!tpu.dma_semaphore, #tpu.memory_space<semaphore_mem>>) src(%dma_wait3A_75 : memref<40x128xi32, #tpu.memory_space<hbm>>) dst(%arg8 : memref<40x128xi32, #tpu.memory_space<vmem>>)
      tpu.yield
    }) : () -> ()
    %scan3A_37 = arith.constant 0 : i32
    %scan3A_38 = arith.constant 0 : i32
    %scan3A_39 = arith.constant 20 : i32
    %scan3A_40 = arith.addi %scan3A_38, %scan3A_39 : i32
    %scan3A_41 = arith.constant 1 : i32
    scf.for %scan3A_59 = %scan3A_38 to %scan3A_40 step %scan3A_41  : i32 {
      %mul3A_60 = arith.constant 2 : i32
      %mul3A_61 = arith.muli %scan3A_59, %mul3A_60 : i32
      %add3A_62 = arith.constant 40 : i32
      %add3A_63 = arith.addi %add3A_62, %mul3A_61 : i32
      %add3A_64 = arith.constant 0 : i32
      %add3A_65 = arith.addi %add3A_63, %add3A_64 : i32
      %dma_wait3A_66 = arith.constant 0 : i32
      %dma_wait3A_67 = arith.constant 0 : i32
      %dma_wait3A_68 = tpu.memref_slice %arg7[%dma_wait3A_66, %dma_wait3A_67] : memref<80x128xi32, #tpu.memory_space<vmem>> -> memref<1x128xi32, #tpu.memory_space<vmem>>
      %dma_wait3A_69 = tpu.memref_squeeze %dma_wait3A_68 : memref<1x128xi32, #tpu.memory_space<vmem>> -> memref<128xi32, #tpu.memory_space<vmem>>
      %dma_wait3A_70 = arith.constant 0 : i32
      %dma_wait3A_71 = arith.constant 0 : i32
      %dma_wait3A_72 = tpu.memref_slice %arg2[%dma_wait3A_70, %dma_wait3A_71] : memref<10000x128xf32, #tpu.memory_space<hbm>> -> memref<10000x128xf32, #tpu.memory_space<hbm>>
      tpu.wait_indirect_dma semaphore(%arg11 : memref<!tpu.dma_semaphore, #tpu.memory_space<semaphore_mem>>) src(%dma_wait3A_72 : memref<10000x128xf32, #tpu.memory_space<hbm>>) dst(%arg9 : memref<128x128xf32, #tpu.memory_space<vmem>>)
      %mul3A_73 = arith.constant 2 : i32
      %mul3A_74 = arith.muli %scan3A_59, %mul3A_73 : i32
      %add3A_75 = arith.constant 0 : i32
      %add3A_76 = arith.addi %mul3A_74, %add3A_75 : i32
      "tpu.region"() ({
        %run_scoped3A_125 = tpu.sem_alloc : memref<!tpu.dma_semaphore, #tpu.memory_space<semaphore_mem>>
        %dma_start3A_126 = arith.constant 0 : i32
        %dma_start3A_127 = tpu.memref_slice %arg8[%add3A_76, %dma_start3A_126] : memref<40x128xi32, #tpu.memory_space<vmem>> -> memref<1x128xi32, #tpu.memory_space<vmem>>
        %dma_start3A_128 = tpu.memref_squeeze %dma_start3A_127 : memref<1x128xi32, #tpu.memory_space<vmem>> -> memref<128xi32, #tpu.memory_space<vmem>>
        %dma_start3A_129 = arith.constant 0 : i32
        %dma_start3A_130 = arith.constant 0 : i32
        %dma_start3A_131 = tpu.memref_slice %arg6[%dma_start3A_129, %dma_start3A_130] : memref<10112x128xf32, #tpu.memory_space<vmem_shared>> -> memref<10112x128xf32, #tpu.memory_space<vmem_shared>>
        tpu.enqueue_indirect_dma source(%arg9 : memref<128x128xf32, #tpu.memory_space<vmem>>) target(%dma_start3A_131 : memref<10112x128xf32, #tpu.memory_space<vmem_shared>>) offsets(%dma_start3A_128 : memref<128xi32, #tpu.memory_space<vmem>>) semaphore(%run_scoped3A_125 : memref<!tpu.dma_semaphore, #tpu.memory_space<semaphore_mem>>) {add = true}
        %dma_wait3A_132 = arith.constant 0 : i32
        %dma_wait3A_133 = tpu.memref_slice %arg8[%add3A_76, %dma_wait3A_132] : memref<40x128xi32, #tpu.memory_space<vmem>> -> memref<1x128xi32, #tpu.memory_space<vmem>>
        %dma_wait3A_134 = tpu.memref_squeeze %dma_wait3A_133 : memref<1x128xi32, #tpu.memory_space<vmem>> -> memref<128xi32, #tpu.memory_space<vmem>>
        %dma_wait3A_135 = arith.constant 0 : i32
        %dma_wait3A_136 = arith.constant 0 : i32
        %dma_wait3A_137 = tpu.memref_slice %arg6[%dma_wait3A_135, %dma_wait3A_136] : memref<10112x128xf32, #tpu.memory_space<vmem_shared>> -> memref<10112x128xf32, #tpu.memory_space<vmem_shared>>
        tpu.wait_indirect_dma semaphore(%run_scoped3A_125 : memref<!tpu.dma_semaphore, #tpu.memory_space<semaphore_mem>>) src(%arg9 : memref<128x128xf32, #tpu.memory_space<vmem>>) dst(%dma_wait3A_137 : memref<10112x128xf32, #tpu.memory_space<vmem_shared>>)
        tpu.yield
      }) : () -> ()
      %add3A_77 = arith.constant 2 : i32
      %add3A_78 = arith.addi %add3A_65, %add3A_77 : i32
      %ge3A = arith.constant 80 : i32
      %ge3A_79 = arith.cmpi sge, %add3A_78, %ge3A : i32
      %add3A_80 = arith.constant 2 : i32
      %add3A_81 = arith.addi %add3A_65, %add3A_80 : i32
      %sub3A = arith.constant 80 : i32
      %sub3A_82 = arith.subi %add3A_81, %sub3A : i32
      %add3A_83 = arith.constant 2 : i32
      %add3A_84 = arith.addi %add3A_65, %add3A_83 : i32
      %select_n3A = arith.select %ge3A_79, %sub3A_82, %add3A_84 : i32
      %dma_start3A_85 = arith.constant 0 : i32
      %dma_start3A_86 = tpu.memref_slice %arg7[%select_n3A, %dma_start3A_85] : memref<80x128xi32, #tpu.memory_space<vmem>> -> memref<1x128xi32, #tpu.memory_space<vmem>>
      %dma_start3A_87 = tpu.memref_squeeze %dma_start3A_86 : memref<1x128xi32, #tpu.memory_space<vmem>> -> memref<128xi32, #tpu.memory_space<vmem>>
      %dma_start3A_88 = arith.constant 0 : i32
      %dma_start3A_89 = arith.constant 0 : i32
      %dma_start3A_90 = tpu.memref_slice %arg2[%dma_start3A_88, %dma_start3A_89] : memref<10000x128xf32, #tpu.memory_space<hbm>> -> memref<10000x128xf32, #tpu.memory_space<hbm>>
      tpu.enqueue_indirect_dma source(%dma_start3A_90 : memref<10000x128xf32, #tpu.memory_space<hbm>>) target(%arg9 : memref<128x128xf32, #tpu.memory_space<vmem>>) offsets(%dma_start3A_87 : memref<128xi32, #tpu.memory_space<vmem>>) semaphore(%arg11 : memref<!tpu.dma_semaphore, #tpu.memory_space<semaphore_mem>>)
      %mul3A_91 = arith.constant 2 : i32
      %mul3A_92 = arith.muli %scan3A_59, %mul3A_91 : i32
      %add3A_93 = arith.constant 40 : i32
      %add3A_94 = arith.addi %add3A_93, %mul3A_92 : i32
      %add3A_95 = arith.constant 1 : i32
      %add3A_96 = arith.addi %add3A_94, %add3A_95 : i32
      %dma_wait3A_97 = arith.constant 0 : i32
      %dma_wait3A_98 = arith.constant 0 : i32
      %dma_wait3A_99 = tpu.memref_slice %arg7[%dma_wait3A_97, %dma_wait3A_98] : memref<80x128xi32, #tpu.memory_space<vmem>> -> memref<1x128xi32, #tpu.memory_space<vmem>>
      %dma_wait3A_100 = tpu.memref_squeeze %dma_wait3A_99 : memref<1x128xi32, #tpu.memory_space<vmem>> -> memref<128xi32, #tpu.memory_space<vmem>>
      %dma_wait3A_101 = arith.constant 0 : i32
      %dma_wait3A_102 = arith.constant 0 : i32
      %dma_wait3A_103 = tpu.memref_slice %arg2[%dma_wait3A_101, %dma_wait3A_102] : memref<10000x128xf32, #tpu.memory_space<hbm>> -> memref<10000x128xf32, #tpu.memory_space<hbm>>
      tpu.wait_indirect_dma semaphore(%arg12 : memref<!tpu.dma_semaphore, #tpu.memory_space<semaphore_mem>>) src(%dma_wait3A_103 : memref<10000x128xf32, #tpu.memory_space<hbm>>) dst(%arg10 : memref<128x128xf32, #tpu.memory_space<vmem>>)
      %mul3A_104 = arith.constant 2 : i32
      %mul3A_105 = arith.muli %scan3A_59, %mul3A_104 : i32
      %add3A_106 = arith.constant 1 : i32
      %add3A_107 = arith.addi %mul3A_105, %add3A_106 : i32
      "tpu.region"() ({
        %run_scoped3A_125 = tpu.sem_alloc : memref<!tpu.dma_semaphore, #tpu.memory_space<semaphore_mem>>
        %dma_start3A_126 = arith.constant 0 : i32
        %dma_start3A_127 = tpu.memref_slice %arg8[%add3A_107, %dma_start3A_126] : memref<40x128xi32, #tpu.memory_space<vmem>> -> memref<1x128xi32, #tpu.memory_space<vmem>>
        %dma_start3A_128 = tpu.memref_squeeze %dma_start3A_127 : memref<1x128xi32, #tpu.memory_space<vmem>> -> memref<128xi32, #tpu.memory_space<vmem>>
        %dma_start3A_129 = arith.constant 0 : i32
        %dma_start3A_130 = arith.constant 0 : i32
        %dma_start3A_131 = tpu.memref_slice %arg6[%dma_start3A_129, %dma_start3A_130] : memref<10112x128xf32, #tpu.memory_space<vmem_shared>> -> memref<10112x128xf32, #tpu.memory_space<vmem_shared>>
        tpu.enqueue_indirect_dma source(%arg10 : memref<128x128xf32, #tpu.memory_space<vmem>>) target(%dma_start3A_131 : memref<10112x128xf32, #tpu.memory_space<vmem_shared>>) offsets(%dma_start3A_128 : memref<128xi32, #tpu.memory_space<vmem>>) semaphore(%run_scoped3A_125 : memref<!tpu.dma_semaphore, #tpu.memory_space<semaphore_mem>>) {add = true}
        %dma_wait3A_132 = arith.constant 0 : i32
        %dma_wait3A_133 = tpu.memref_slice %arg8[%add3A_107, %dma_wait3A_132] : memref<40x128xi32, #tpu.memory_space<vmem>> -> memref<1x128xi32, #tpu.memory_space<vmem>>
        %dma_wait3A_134 = tpu.memref_squeeze %dma_wait3A_133 : memref<1x128xi32, #tpu.memory_space<vmem>> -> memref<128xi32, #tpu.memory_space<vmem>>
        %dma_wait3A_135 = arith.constant 0 : i32
        %dma_wait3A_136 = arith.constant 0 : i32
        %dma_wait3A_137 = tpu.memref_slice %arg6[%dma_wait3A_135, %dma_wait3A_136] : memref<10112x128xf32, #tpu.memory_space<vmem_shared>> -> memref<10112x128xf32, #tpu.memory_space<vmem_shared>>
        tpu.wait_indirect_dma semaphore(%run_scoped3A_125 : memref<!tpu.dma_semaphore, #tpu.memory_space<semaphore_mem>>) src(%arg10 : memref<128x128xf32, #tpu.memory_space<vmem>>) dst(%dma_wait3A_137 : memref<10112x128xf32, #tpu.memory_space<vmem_shared>>)
        tpu.yield
      }) : () -> ()
      %add3A_108 = arith.constant 2 : i32
      %add3A_109 = arith.addi %add3A_96, %add3A_108 : i32
      %ge3A_110 = arith.constant 80 : i32
      %ge3A_111 = arith.cmpi sge, %add3A_109, %ge3A_110 : i32
      %add3A_112 = arith.constant 2 : i32
      %add3A_113 = arith.addi %add3A_96, %add3A_112 : i32
      %sub3A_114 = arith.constant 80 : i32
      %sub3A_115 = arith.subi %add3A_113, %sub3A_114 : i32
      %add3A_116 = arith.constant 2 : i32
      %add3A_117 = arith.addi %add3A_96, %add3A_116 : i32
      %select_n3A_118 = arith.select %ge3A_111, %sub3A_115, %add3A_117 : i32
      %dma_start3A_119 = arith.constant 0 : i32
      %dma_start3A_120 = tpu.memref_slice %arg7[%select_n3A_118, %dma_start3A_119] : memref<80x128xi32, #tpu.memory_space<vmem>> -> memref<1x128xi32, #tpu.memory_space<vmem>>
      %dma_start3A_121 = tpu.memref_squeeze %dma_start3A_120 : memref<1x128xi32, #tpu.memory_space<vmem>> -> memref<128xi32, #tpu.memory_space<vmem>>
      %dma_start3A_122 = arith.constant 0 : i32
      %dma_start3A_123 = arith.constant 0 : i32
      %dma_start3A_124 = tpu.memref_slice %arg2[%dma_start3A_122, %dma_start3A_123] : memref<10000x128xf32, #tpu.memory_space<hbm>> -> memref<10000x128xf32, #tpu.memory_space<hbm>>
      tpu.enqueue_indirect_dma source(%dma_start3A_124 : memref<10000x128xf32, #tpu.memory_space<hbm>>) target(%arg10 : memref<128x128xf32, #tpu.memory_space<vmem>>) offsets(%dma_start3A_121 : memref<128xi32, #tpu.memory_space<vmem>>) semaphore(%arg12 : memref<!tpu.dma_semaphore, #tpu.memory_space<semaphore_mem>>)
    }
    %scan3A_42 = arith.constant 20 : i32
    %dma_wait3A = arith.constant 0 : i32
    %dma_wait3A_43 = arith.constant 0 : i32
    %dma_wait3A_44 = tpu.memref_slice %arg7[%dma_wait3A, %dma_wait3A_43] : memref<80x128xi32, #tpu.memory_space<vmem>> -> memref<1x128xi32, #tpu.memory_space<vmem>>
    %dma_wait3A_45 = tpu.memref_squeeze %dma_wait3A_44 : memref<1x128xi32, #tpu.memory_space<vmem>> -> memref<128xi32, #tpu.memory_space<vmem>>
    %dma_wait3A_46 = arith.constant 0 : i32
    %dma_wait3A_47 = arith.constant 0 : i32
    %dma_wait3A_48 = tpu.memref_slice %arg2[%dma_wait3A_46, %dma_wait3A_47] : memref<10000x128xf32, #tpu.memory_space<hbm>> -> memref<10000x128xf32, #tpu.memory_space<hbm>>
    tpu.wait_indirect_dma semaphore(%arg11 : memref<!tpu.dma_semaphore, #tpu.memory_space<semaphore_mem>>) src(%dma_wait3A_48 : memref<10000x128xf32, #tpu.memory_space<hbm>>) dst(%arg9 : memref<128x128xf32, #tpu.memory_space<vmem>>)
    %dma_wait3A_49 = arith.constant 0 : i32
    %dma_wait3A_50 = arith.constant 0 : i32
    %dma_wait3A_51 = tpu.memref_slice %arg7[%dma_wait3A_49, %dma_wait3A_50] : memref<80x128xi32, #tpu.memory_space<vmem>> -> memref<1x128xi32, #tpu.memory_space<vmem>>
    %dma_wait3A_52 = tpu.memref_squeeze %dma_wait3A_51 : memref<1x128xi32, #tpu.memory_space<vmem>> -> memref<128xi32, #tpu.memory_space<vmem>>
    %dma_wait3A_53 = arith.constant 0 : i32
    %dma_wait3A_54 = arith.constant 0 : i32
    %dma_wait3A_55 = tpu.memref_slice %arg2[%dma_wait3A_53, %dma_wait3A_54] : memref<10000x128xf32, #tpu.memory_space<hbm>> -> memref<10000x128xf32, #tpu.memory_space<hbm>>
    tpu.wait_indirect_dma semaphore(%arg12 : memref<!tpu.dma_semaphore, #tpu.memory_space<semaphore_mem>>) src(%dma_wait3A_55 : memref<10000x128xf32, #tpu.memory_space<hbm>>) dst(%arg10 : memref<128x128xf32, #tpu.memory_space<vmem>>)
    %barrier3A_56 = arith.constant 0 : index
    tpu.barrier barrier_id(%barrier3A_56)
    %mul3A_57 = arith.constant 632 : i32
    %mul3A_58 = arith.muli %arg1, %mul3A_57 : i32
    "tpu.region"() ({
      %run_scoped3A_59 = tpu.sem_alloc : memref<!tpu.dma_semaphore, #tpu.memory_space<semaphore_mem>>
      %dma_start3A_60 = arith.constant 0 : i32
      %dma_start3A_61 = tpu.memref_slice %arg5[%arg0, %mul3A_58, %dma_start3A_60] : memref<2x10112x128xf32, #tpu.memory_space<hbm>> -> memref<1x632x128xf32, #tpu.memory_space<hbm>>
      %dma_start3A_62 = tpu.memref_squeeze %dma_start3A_61 : memref<1x632x128xf32, #tpu.memory_space<hbm>> -> memref<632x128xf32, #tpu.memory_space<hbm>>
      %dma_start3A_63 = arith.constant 0 : i32
      %dma_start3A_64 = tpu.memref_slice %arg6[%mul3A_58, %dma_start3A_63] : memref<10112x128xf32, #tpu.memory_space<vmem_shared>> -> memref<632x128xf32, #tpu.memory_space<vmem_shared>>
      tpu.enqueue_dma source(%dma_start3A_64 : memref<632x128xf32, #tpu.memory_space<vmem_shared>>) target(%dma_start3A_62 : memref<632x128xf32, #tpu.memory_space<hbm>>) target_semaphore(%run_scoped3A_59 : memref<!tpu.dma_semaphore, #tpu.memory_space<semaphore_mem>>)
      %dma_wait3A_65 = arith.constant 0 : i32
      %dma_wait3A_66 = tpu.memref_slice %arg5[%arg0, %mul3A_58, %dma_wait3A_65] : memref<2x10112x128xf32, #tpu.memory_space<hbm>> -> memref<1x632x128xf32, #tpu.memory_space<hbm>>
      %dma_wait3A_67 = tpu.memref_squeeze %dma_wait3A_66 : memref<1x632x128xf32, #tpu.memory_space<hbm>> -> memref<632x128xf32, #tpu.memory_space<hbm>>
      %dma_wait3A_68 = arith.constant 0 : i32
      %dma_wait3A_69 = tpu.memref_slice %arg6[%mul3A_58, %dma_wait3A_68] : memref<10112x128xf32, #tpu.memory_space<vmem_shared>> -> memref<632x128xf32, #tpu.memory_space<vmem_shared>>
      tpu.wait_dma2 semaphore(%run_scoped3A_59 : memref<!tpu.dma_semaphore, #tpu.memory_space<semaphore_mem>>) src(%dma_wait3A_69 : memref<632x128xf32, #tpu.memory_space<vmem_shared>>) dst(%dma_wait3A_67 : memref<632x128xf32, #tpu.memory_space<hbm>>)
      tpu.yield
    }) : () -> ()
    return
  }
}

module attributes {stable_mosaic.version = 14 : i64} {
  func.func @_tc_pre1_body(%arg0: i32, %arg1: memref<2000x128xf32, #tpu.memory_space<vmem>>, %arg2: memref<128x128xf32, #tpu.memory_space<vmem>>, %arg3: memref<2x2000x128xf32, #tpu.memory_space<vmem>>, %arg4: memref<2000x128xf32, #tpu.memory_space<vmem>>, %arg5: memref<2000x128xf32, #tpu.memory_space<vmem>>) attributes {dimension_semantics = [#tpu.dimension_semantics<arbitrary>], iteration_bounds = array<i64: 5>, scalar_prefetch = 0 : i64, scratch_operands = 0 : i64, tpu.core_type = #tpu.core_type<tc>, window_params = [{transform_indices = @transform_0, window_bounds = array<i64: 2000, 128>}, {pipeline_mode = #tpu.pipeline_mode<synchronous>, transform_indices = @transform_1, window_bounds = array<i64: 128, 128>}, {transform_indices = @transform_2, window_bounds = array<i64: 2, 2000, 128>}, {transform_indices = @transform_3, window_bounds = array<i64: 2000, 128>}, {transform_indices = @transform_4, window_bounds = array<i64: 2000, 128>}]} {
    %get3A = arith.constant 0 : index
    %get3A_0 = arith.constant 0 : index
    %get3A_1 = arith.constant 0 : index
    %get3A_2 = vector.load %arg3[%get3A, %get3A_0, %get3A_1] : memref<2x2000x128xf32, #tpu.memory_space<vmem>>, vector<2x2000x128xf32>
    %slice3A = vector.extract_strided_slice %get3A_2 {offsets = [0, 0, 0], sizes = [1, 2000, 128], strides = [1, 1, 1]} : vector<2x2000x128xf32> to vector<1x2000x128xf32>
    %squeeze3A = vector.shape_cast %slice3A : vector<1x2000x128xf32> to vector<2000x128xf32>
    %slice3A_3 = vector.extract_strided_slice %squeeze3A {offsets = [0, 0], sizes = [2000, 1], strides = [1, 1]} : vector<2000x128xf32> to vector<2000x1xf32>
    %add3A = arith.constant 1.000000e+00 : f32
    %add3A_4 = vector.broadcast %add3A : f32 to vector<2000x1xf32>
    %add3A_5 = arith.addf %add3A_4, %slice3A_3 : vector<2000x1xf32>
    %slice3A_6 = vector.extract_strided_slice %get3A_2 {offsets = [1, 0, 0], sizes = [1, 2000, 128], strides = [1, 1, 1]} : vector<2x2000x128xf32> to vector<1x2000x128xf32>
    %squeeze3A_7 = vector.shape_cast %slice3A_6 : vector<1x2000x128xf32> to vector<2000x128xf32>
    %slice3A_8 = vector.extract_strided_slice %squeeze3A_7 {offsets = [0, 0], sizes = [2000, 1], strides = [1, 1]} : vector<2000x128xf32> to vector<2000x1xf32>
    %add3A_9 = arith.addf %add3A_5, %slice3A_8 : vector<2000x1xf32>
    %rsqrt3A = math.rsqrt %add3A_9 : vector<2000x1xf32>
    %get3A_10 = arith.constant 0 : index
    %get3A_11 = arith.constant 0 : index
    %get3A_12 = vector.load %arg1[%get3A_10, %get3A_11] : memref<2000x128xf32, #tpu.memory_space<vmem>>, vector<2000x128xf32>
    %get3A_13 = arith.constant 0 : index
    %get3A_14 = arith.constant 0 : index
    %get3A_15 = vector.load %arg2[%get3A_13, %get3A_14] : memref<128x128xf32, #tpu.memory_space<vmem>>, vector<128x128xf32>
    %dot_general3A = arith.constant dense<0.000000e+00> : vector<2000x128xf32>
    %dot_general3A_16 = tpu.matmul %get3A_12, %get3A_15, %dot_general3A {dimension_numbers = #tpu.dot_dimension_numbers<[1], [0], [0], [1], [0, 0, 1, 1], [], []>, transpose_lhs_hint = false} : vector<2000x128xf32>, vector<128x128xf32>, vector<2000x128xf32> -> vector<2000x128xf32>
    %mul3A = vector.broadcast %rsqrt3A : vector<2000x1xf32> to vector<2000x128xf32>
    %mul3A_17 = arith.mulf %dot_general3A_16, %mul3A : vector<2000x128xf32>
    %swap3A = arith.constant 0 : index
    %swap3A_18 = arith.constant 0 : index
    %swap3A_19 = vector.load %arg4[%swap3A, %swap3A_18] : memref<2000x128xf32, #tpu.memory_space<vmem>>, vector<2000x128xf32>
    tpu.vector_store %arg4[%swap3A, %swap3A_18], %mul3A_17 {strides = array<i32>} : memref<2000x128xf32, #tpu.memory_space<vmem>>, vector<2000x128xf32>,
    %broadcast_in_dim3A = vector.shape_cast %rsqrt3A : vector<2000x1xf32> to vector<2000x1xf32>
    %broadcast_in_dim3A_20 = vector.broadcast %broadcast_in_dim3A : vector<2000x1xf32> to vector<2000x128xf32>
    %swap3A_21 = arith.constant 0 : index
    %swap3A_22 = arith.constant 0 : index
    %swap3A_23 = vector.load %arg5[%swap3A_21, %swap3A_22] : memref<2000x128xf32, #tpu.memory_space<vmem>>, vector<2000x128xf32>
    tpu.vector_store %arg5[%swap3A_21, %swap3A_22], %broadcast_in_dim3A_20 {strides = array<i32>} : memref<2000x128xf32, #tpu.memory_space<vmem>>, vector<2000x128xf32>,
    return
  }
  func.func @transform_0(%arg0: i32) -> (i32, i32) {
    %c0_i32 = arith.constant 0 : i32
    %c0_i32_0 = arith.constant 0 : i32
    return %arg0, %c0_i32 : i32, i32
  }
  func.func @transform_1(%arg0: i32) -> (i32, i32) {
    %c0_i32 = arith.constant 0 : i32
    %c0_i32_0 = arith.constant 0 : i32
    %c0_i32_1 = arith.constant 0 : i32
    return %c0_i32, %c0_i32_0 : i32, i32
  }
  func.func @transform_2(%arg0: i32) -> (i32, i32, i32) {
    %c0_i32 = arith.constant 0 : i32
    %c0_i32_0 = arith.constant 0 : i32
    %c0_i32_1 = arith.constant 0 : i32
    return %c0_i32, %arg0, %c0_i32_0 : i32, i32, i32
  }
  func.func @transform_3(%arg0: i32) -> (i32, i32) {
    %c0_i32 = arith.constant 0 : i32
    %c0_i32_0 = arith.constant 0 : i32
    return %arg0, %c0_i32 : i32, i32
  }
  func.func @transform_4(%arg0: i32) -> (i32, i32) {
    %c0_i32 = arith.constant 0 : i32
    %c0_i32_0 = arith.constant 0 : i32
    return %arg0, %c0_i32 : i32, i32
  }
}

module attributes {stable_mosaic.version = 14 : i64} {
  func.func @_tc_qe2_body(%arg0: memref<32x512xf32, #tpu.memory_space<vmem>>, %arg1: memref<512x64xf32, #tpu.memory_space<vmem>>, %arg2: memref<1x64xf32, #tpu.memory_space<vmem>>, %arg3: memref<64x128xf32, #tpu.memory_space<vmem>>, %arg4: memref<32x128xf32, #tpu.memory_space<vmem>>) attributes {dimension_semantics = [], scalar_prefetch = 0 : i64, scratch_operands = 0 : i64, tpu.core_type = #tpu.core_type<tc>} {
    %get3A = arith.constant 0 : index
    %get3A_0 = arith.constant 0 : index
    %get3A_1 = vector.load %arg0[%get3A, %get3A_0] : memref<32x512xf32, #tpu.memory_space<vmem>>, vector<32x512xf32>
    %get3A_2 = arith.constant 0 : index
    %get3A_3 = arith.constant 0 : index
    %get3A_4 = vector.load %arg1[%get3A_2, %get3A_3] : memref<512x64xf32, #tpu.memory_space<vmem>>, vector<512x64xf32>
    %dot_general3A = arith.constant dense<0.000000e+00> : vector<32x64xf32>
    %dot_general3A_5 = tpu.matmul %get3A_1, %get3A_4, %dot_general3A {dimension_numbers = #tpu.dot_dimension_numbers<[1], [0], [0], [1], [0, 0, 1, 1], [], []>, transpose_lhs_hint = false} : vector<32x512xf32>, vector<512x64xf32>, vector<32x64xf32> -> vector<32x64xf32>
    %get3A_6 = arith.constant 0 : index
    %get3A_7 = arith.constant 0 : index
    %get3A_8 = vector.load %arg2[%get3A_6, %get3A_7] : memref<1x64xf32, #tpu.memory_space<vmem>>, vector<1x64xf32>
    %add3A = vector.broadcast %get3A_8 : vector<1x64xf32> to vector<32x64xf32>
    %add3A_9 = arith.addf %dot_general3A_5, %add3A : vector<32x64xf32>
    %gt3A = arith.constant 0.000000e+00 : f32
    %gt3A_10 = vector.broadcast %gt3A : f32 to vector<32x64xf32>
    %gt3A_11 = arith.cmpf ogt, %add3A_9, %gt3A_10 : vector<32x64xf32>
    %min3A = arith.constant 0.000000e+00 : f32
    %min3A_12 = vector.broadcast %min3A : f32 to vector<32x64xf32>
    %min3A_13 = arith.minimumf %add3A_9, %min3A_12 : vector<32x64xf32>
    %exp3A = math.exp %min3A_13 : vector<32x64xf32>
    %sub3A = arith.constant 1.000000e+00 : f32
    %sub3A_14 = vector.broadcast %sub3A : f32 to vector<32x64xf32>
    %sub3A_15 = arith.subf %exp3A, %sub3A_14 : vector<32x64xf32>
    %select_n3A = arith.select %gt3A_11, %add3A_9, %sub3A_15 : vector<32x64xi1>, vector<32x64xf32>
    %get3A_16 = arith.constant 0 : index
    %get3A_17 = arith.constant 0 : index
    %get3A_18 = vector.load %arg3[%get3A_16, %get3A_17] : memref<64x128xf32, #tpu.memory_space<vmem>>, vector<64x128xf32>
    %dot_general3A_19 = arith.constant dense<0.000000e+00> : vector<32x128xf32>
    %dot_general3A_20 = tpu.matmul %select_n3A, %get3A_18, %dot_general3A_19 {dimension_numbers = #tpu.dot_dimension_numbers<[1], [0], [0], [1], [0, 0, 1, 1], [], []>, transpose_lhs_hint = false} : vector<32x64xf32>, vector<64x128xf32>, vector<32x128xf32> -> vector<32x128xf32>
    %swap3A = arith.constant 0 : index
    %swap3A_21 = arith.constant 0 : index
    %swap3A_22 = vector.load %arg4[%swap3A, %swap3A_21] : memref<32x128xf32, #tpu.memory_space<vmem>>, vector<32x128xf32>
    tpu.vector_store %arg4[%swap3A, %swap3A_21], %dot_general3A_20 {strides = array<i32>} : memref<32x128xf32, #tpu.memory_space<vmem>>, vector<32x128xf32>,
    return
  }
}

module attributes {stable_mosaic.version = 14 : i64} {
  func.func @_tc_pre2_body(%arg0: i32, %arg1: memref<2x2000x128xf32, #tpu.memory_space<vmem>>, %arg2: memref<2000x128xf32, #tpu.memory_space<vmem>>, %arg3: memref<2000x128xf32, #tpu.memory_space<vmem>>, %arg4: memref<1x128xf32, #tpu.memory_space<vmem>>, %arg5: memref<128x128xf32, #tpu.memory_space<vmem>>, %arg6: memref<32x128xf32, #tpu.memory_space<vmem>>, %arg7: memref<2000x1xi32, #tpu.memory_space<vmem>>, %arg8: memref<2000x128xf32, #tpu.memory_space<vmem>>) attributes {dimension_semantics = [#tpu.dimension_semantics<arbitrary>], iteration_bounds = array<i64: 5>, scalar_prefetch = 0 : i64, scratch_operands = 0 : i64, tpu.core_type = #tpu.core_type<tc>, window_params = [{transform_indices = @transform_0, window_bounds = array<i64: 2, 2000, 128>}, {transform_indices = @transform_1, window_bounds = array<i64: 2000, 128>}, {transform_indices = @transform_2, window_bounds = array<i64: 2000, 128>}, {pipeline_mode = #tpu.pipeline_mode<synchronous>, transform_indices = @transform_3, window_bounds = array<i64: 1, 128>}, {pipeline_mode = #tpu.pipeline_mode<synchronous>, transform_indices = @transform_4, window_bounds = array<i64: 128, 128>}, {pipeline_mode = #tpu.pipeline_mode<synchronous>, transform_indices = @transform_5, window_bounds = array<i64: 32, 128>}, {transform_indices = @transform_6, window_bounds = array<i64: 2000, 1>}, {transform_indices = @transform_7, window_bounds = array<i64: 2000, 128>}]} {
    %get3A = arith.constant 0 : index
    %get3A_0 = arith.constant 0 : index
    %get3A_1 = vector.load %arg3[%get3A, %get3A_0] : memref<2000x128xf32, #tpu.memory_space<vmem>>, vector<2000x128xf32>
    %get3A_2 = arith.constant 0 : index
    %get3A_3 = arith.constant 0 : index
    %get3A_4 = arith.constant 0 : index
    %get3A_5 = vector.load %arg1[%get3A_2, %get3A_3, %get3A_4] : memref<2x2000x128xf32, #tpu.memory_space<vmem>>, vector<1x2000x128xf32>
    %get3A_6 = vector.shape_cast %get3A_5 : vector<1x2000x128xf32> to vector<2000x128xf32>
    %get3A_7 = arith.constant 1 : index
    %get3A_8 = arith.constant 0 : index
    %get3A_9 = arith.constant 0 : index
    %get3A_10 = vector.load %arg1[%get3A_7, %get3A_8, %get3A_9] : memref<2x2000x128xf32, #tpu.memory_space<vmem>>, vector<1x2000x128xf32>
    %get3A_11 = vector.shape_cast %get3A_10 : vector<1x2000x128xf32> to vector<2000x128xf32>
    %add3A = arith.addf %get3A_6, %get3A_11 : vector<2000x128xf32>
    %get3A_12 = arith.constant 0 : index
    %get3A_13 = arith.constant 0 : index
    %get3A_14 = vector.load %arg2[%get3A_12, %get3A_13] : memref<2000x128xf32, #tpu.memory_space<vmem>>, vector<2000x128xf32>
    %add3A_15 = arith.addf %add3A, %get3A_14 : vector<2000x128xf32>
    %mul3A = arith.mulf %add3A_15, %get3A_1 : vector<2000x128xf32>
    %get3A_16 = arith.constant 0 : index
    %get3A_17 = arith.constant 0 : index
    %get3A_18 = vector.load %arg4[%get3A_16, %get3A_17] : memref<1x128xf32, #tpu.memory_space<vmem>>, vector<1x128xf32>
    %add3A_19 = vector.broadcast %get3A_18 : vector<1x128xf32> to vector<2000x128xf32>
    %add3A_20 = arith.addf %mul3A, %add3A_19 : vector<2000x128xf32>
    %gt3A = arith.constant 0.000000e+00 : f32
    %gt3A_21 = vector.broadcast %gt3A : f32 to vector<2000x128xf32>
    %gt3A_22 = arith.cmpf ogt, %add3A_20, %gt3A_21 : vector<2000x128xf32>
    %min3A = arith.constant 0.000000e+00 : f32
    %min3A_23 = vector.broadcast %min3A : f32 to vector<2000x128xf32>
    %min3A_24 = arith.minimumf %add3A_20, %min3A_23 : vector<2000x128xf32>
    %exp3A = math.exp %min3A_24 : vector<2000x128xf32>
    %sub3A = arith.constant 1.000000e+00 : f32
    %sub3A_25 = vector.broadcast %sub3A : f32 to vector<2000x128xf32>
    %sub3A_26 = arith.subf %exp3A, %sub3A_25 : vector<2000x128xf32>
    %select_n3A = arith.select %gt3A_22, %add3A_20, %sub3A_26 : vector<2000x128xi1>, vector<2000x128xf32>
    %get3A_27 = arith.constant 0 : index
    %get3A_28 = arith.constant 0 : index
    %get3A_29 = vector.load %arg7[%get3A_27, %get3A_28] : memref<2000x1xi32, #tpu.memory_space<vmem>>, vector<2000x1xi32>
    %iota3A = tpu.iota {dimensions = array<i32: 1>} : vector<2000x32xi32>
    %eq3A = vector.broadcast %get3A_29 : vector<2000x1xi32> to vector<2000x32xi32>
    %eq3A_30 = arith.cmpi eq, %eq3A, %iota3A : vector<2000x32xi32>
    %get3A_31 = arith.constant 0 : index
    %get3A_32 = arith.constant 0 : index
    %get3A_33 = vector.load %arg5[%get3A_31, %get3A_32] : memref<128x128xf32, #tpu.memory_space<vmem>>, vector<128x128xf32>
    %dot_general3A = arith.constant dense<0.000000e+00> : vector<2000x128xf32>
    %dot_general3A_34 = tpu.matmul %select_n3A, %get3A_33, %dot_general3A {dimension_numbers = #tpu.dot_dimension_numbers<[1], [0], [0], [1], [0, 0, 1, 1], [], []>, transpose_lhs_hint = false} : vector<2000x128xf32>, vector<128x128xf32>, vector<2000x128xf32> -> vector<2000x128xf32>
    %convert_element_type3A = arith.extui %eq3A_30 : vector<2000x32xi1> to vector<2000x32xi32>
    %convert_element_type3A_35 = arith.sitofp %convert_element_type3A : vector<2000x32xi32> to vector<2000x32xf32>
    %get3A_36 = arith.constant 0 : index
    %get3A_37 = arith.constant 0 : index
    %get3A_38 = vector.load %arg6[%get3A_36, %get3A_37] : memref<32x128xf32, #tpu.memory_space<vmem>>, vector<32x128xf32>
    %dot_general3A_39 = arith.constant dense<0.000000e+00> : vector<2000x128xf32>
    %dot_general3A_40 = tpu.matmul %convert_element_type3A_35, %get3A_38, %dot_general3A_39 {dimension_numbers = #tpu.dot_dimension_numbers<[1], [0], [0], [1], [0, 0, 1, 1], [], []>, transpose_lhs_hint = false} : vector<2000x32xf32>, vector<32x128xf32>, vector<2000x128xf32> -> vector<2000x128xf32>
    %add3A_41 = arith.addf %dot_general3A_34, %dot_general3A_40 : vector<2000x128xf32>
    %mul3A_42 = arith.mulf %add3A_41, %get3A_1 : vector<2000x128xf32>
    %swap3A = arith.constant 0 : index
    %swap3A_43 = arith.constant 0 : index
    %swap3A_44 = vector.load %arg8[%swap3A, %swap3A_43] : memref<2000x128xf32, #tpu.memory_space<vmem>>, vector<2000x128xf32>
    tpu.vector_store %arg8[%swap3A, %swap3A_43], %mul3A_42 {strides = array<i32>} : memref<2000x128xf32, #tpu.memory_space<vmem>>, vector<2000x128xf32>,
    return
  }
  func.func @transform_0(%arg0: i32) -> (i32, i32, i32) {
    %c0_i32 = arith.constant 0 : i32
    %c0_i32_0 = arith.constant 0 : i32
    %c0_i32_1 = arith.constant 0 : i32
    return %c0_i32, %arg0, %c0_i32_0 : i32, i32, i32
  }
  func.func @transform_1(%arg0: i32) -> (i32, i32) {
    %c0_i32 = arith.constant 0 : i32
    %c0_i32_0 = arith.constant 0 : i32
    return %arg0, %c0_i32 : i32, i32
  }
  func.func @transform_2(%arg0: i32) -> (i32, i32) {
    %c0_i32 = arith.constant 0 : i32
    %c0_i32_0 = arith.constant 0 : i32
    return %arg0, %c0_i32 : i32, i32
  }
  func.func @transform_3(%arg0: i32) -> (i32, i32) {
    %c0_i32 = arith.constant 0 : i32
    %c0_i32_0 = arith.constant 0 : i32
    %c0_i32_1 = arith.constant 0 : i32
    return %c0_i32, %c0_i32_0 : i32, i32
  }
  func.func @transform_4(%arg0: i32) -> (i32, i32) {
    %c0_i32 = arith.constant 0 : i32
    %c0_i32_0 = arith.constant 0 : i32
    %c0_i32_1 = arith.constant 0 : i32
    return %c0_i32, %c0_i32_0 : i32, i32
  }
  func.func @transform_5(%arg0: i32) -> (i32, i32) {
    %c0_i32 = arith.constant 0 : i32
    %c0_i32_0 = arith.constant 0 : i32
    %c0_i32_1 = arith.constant 0 : i32
    return %c0_i32, %c0_i32_0 : i32, i32
  }
  func.func @transform_6(%arg0: i32) -> (i32, i32) {
    %c0_i32 = arith.constant 0 : i32
    %c0_i32_0 = arith.constant 0 : i32
    return %arg0, %c0_i32 : i32, i32
  }
  func.func @transform_7(%arg0: i32) -> (i32, i32) {
    %c0_i32 = arith.constant 0 : i32
    %c0_i32_0 = arith.constant 0 : i32
    return %arg0, %c0_i32 : i32, i32
  }
}

module attributes {stable_mosaic.version = 14 : i64} {
  func.func @_tc_pre3_body(%arg0: i32, %arg1: memref<2x2000x128xf32, #tpu.memory_space<vmem>>, %arg2: memref<2000x128xf32, #tpu.memory_space<vmem>>, %arg3: memref<2000x128xf32, #tpu.memory_space<vmem>>, %arg4: memref<1x128xf32, #tpu.memory_space<vmem>>, %arg5: memref<128x128xf32, #tpu.memory_space<vmem>>, %arg6: memref<2000x128xf32, #tpu.memory_space<vmem>>, %arg7: memref<2000x128xf32, #tpu.memory_space<vmem>>) attributes {dimension_semantics = [#tpu.dimension_semantics<arbitrary>], iteration_bounds = array<i64: 5>, scalar_prefetch = 0 : i64, scratch_operands = 0 : i64, tpu.core_type = #tpu.core_type<tc>, window_params = [{transform_indices = @transform_0, window_bounds = array<i64: 2, 2000, 128>}, {transform_indices = @transform_1, window_bounds = array<i64: 2000, 128>}, {transform_indices = @transform_2, window_bounds = array<i64: 2000, 128>}, {pipeline_mode = #tpu.pipeline_mode<synchronous>, transform_indices = @transform_3, window_bounds = array<i64: 1, 128>}, {pipeline_mode = #tpu.pipeline_mode<synchronous>, transform_indices = @transform_4, window_bounds = array<i64: 128, 128>}, {transform_indices = @transform_5, window_bounds = array<i64: 2000, 128>}, {transform_indices = @transform_6, window_bounds = array<i64: 2000, 128>}]} {
    %get3A = arith.constant 0 : index
    %get3A_0 = arith.constant 0 : index
    %get3A_1 = vector.load %arg3[%get3A, %get3A_0] : memref<2000x128xf32, #tpu.memory_space<vmem>>, vector<2000x128xf32>
    %get3A_2 = arith.constant 0 : index
    %get3A_3 = arith.constant 0 : index
    %get3A_4 = arith.constant 0 : index
    %get3A_5 = vector.load %arg1[%get3A_2, %get3A_3, %get3A_4] : memref<2x2000x128xf32, #tpu.memory_space<vmem>>, vector<1x2000x128xf32>
    %get3A_6 = vector.shape_cast %get3A_5 : vector<1x2000x128xf32> to vector<2000x128xf32>
    %get3A_7 = arith.constant 1 : index
    %get3A_8 = arith.constant 0 : index
    %get3A_9 = arith.constant 0 : index
    %get3A_10 = vector.load %arg1[%get3A_7, %get3A_8, %get3A_9] : memref<2x2000x128xf32, #tpu.memory_space<vmem>>, vector<1x2000x128xf32>
    %get3A_11 = vector.shape_cast %get3A_10 : vector<1x2000x128xf32> to vector<2000x128xf32>
    %add3A = arith.addf %get3A_6, %get3A_11 : vector<2000x128xf32>
    %get3A_12 = arith.constant 0 : index
    %get3A_13 = arith.constant 0 : index
    %get3A_14 = vector.load %arg2[%get3A_12, %get3A_13] : memref<2000x128xf32, #tpu.memory_space<vmem>>, vector<2000x128xf32>
    %add3A_15 = arith.addf %add3A, %get3A_14 : vector<2000x128xf32>
    %mul3A = arith.mulf %add3A_15, %get3A_1 : vector<2000x128xf32>
    %get3A_16 = arith.constant 0 : index
    %get3A_17 = arith.constant 0 : index
    %get3A_18 = vector.load %arg4[%get3A_16, %get3A_17] : memref<1x128xf32, #tpu.memory_space<vmem>>, vector<1x128xf32>
    %add3A_19 = vector.broadcast %get3A_18 : vector<1x128xf32> to vector<2000x128xf32>
    %add3A_20 = arith.addf %mul3A, %add3A_19 : vector<2000x128xf32>
    %gt3A = arith.constant 0.000000e+00 : f32
    %gt3A_21 = vector.broadcast %gt3A : f32 to vector<2000x128xf32>
    %gt3A_22 = arith.cmpf ogt, %add3A_20, %gt3A_21 : vector<2000x128xf32>
    %min3A = arith.constant 0.000000e+00 : f32
    %min3A_23 = vector.broadcast %min3A : f32 to vector<2000x128xf32>
    %min3A_24 = arith.minimumf %add3A_20, %min3A_23 : vector<2000x128xf32>
    %exp3A = math.exp %min3A_24 : vector<2000x128xf32>
    %sub3A = arith.constant 1.000000e+00 : f32
    %sub3A_25 = vector.broadcast %sub3A : f32 to vector<2000x128xf32>
    %sub3A_26 = arith.subf %exp3A, %sub3A_25 : vector<2000x128xf32>
    %select_n3A = arith.select %gt3A_22, %add3A_20, %sub3A_26 : vector<2000x128xi1>, vector<2000x128xf32>
    %swap3A = arith.constant 0 : index
    %swap3A_27 = arith.constant 0 : index
    %swap3A_28 = vector.load %arg7[%swap3A, %swap3A_27] : memref<2000x128xf32, #tpu.memory_space<vmem>>, vector<2000x128xf32>
    tpu.vector_store %arg7[%swap3A, %swap3A_27], %select_n3A {strides = array<i32>} : memref<2000x128xf32, #tpu.memory_space<vmem>>, vector<2000x128xf32>,
    %get3A_29 = arith.constant 0 : index
    %get3A_30 = arith.constant 0 : index
    %get3A_31 = vector.load %arg5[%get3A_29, %get3A_30] : memref<128x128xf32, #tpu.memory_space<vmem>>, vector<128x128xf32>
    %dot_general3A = arith.constant dense<0.000000e+00> : vector<2000x128xf32>
    %dot_general3A_32 = tpu.matmul %select_n3A, %get3A_31, %dot_general3A {dimension_numbers = #tpu.dot_dimension_numbers<[1], [0], [0], [1], [0, 0, 1, 1], [], []>, transpose_lhs_hint = false} : vector<2000x128xf32>, vector<128x128xf32>, vector<2000x128xf32> -> vector<2000x128xf32>
    %mul3A_33 = arith.mulf %dot_general3A_32, %get3A_1 : vector<2000x128xf32>
    %swap3A_34 = arith.constant 0 : index
    %swap3A_35 = arith.constant 0 : index
    %swap3A_36 = vector.load %arg6[%swap3A_34, %swap3A_35] : memref<2000x128xf32, #tpu.memory_space<vmem>>, vector<2000x128xf32>
    tpu.vector_store %arg6[%swap3A_34, %swap3A_35], %mul3A_33 {strides = array<i32>} : memref<2000x128xf32, #tpu.memory_space<vmem>>, vector<2000x128xf32>,
    return
  }
  func.func @transform_0(%arg0: i32) -> (i32, i32, i32) {
    %c0_i32 = arith.constant 0 : i32
    %c0_i32_0 = arith.constant 0 : i32
    %c0_i32_1 = arith.constant 0 : i32
    return %c0_i32, %arg0, %c0_i32_0 : i32, i32, i32
  }
  func.func @transform_1(%arg0: i32) -> (i32, i32) {
    %c0_i32 = arith.constant 0 : i32
    %c0_i32_0 = arith.constant 0 : i32
    return %arg0, %c0_i32 : i32, i32
  }
  func.func @transform_2(%arg0: i32) -> (i32, i32) {
    %c0_i32 = arith.constant 0 : i32
    %c0_i32_0 = arith.constant 0 : i32
    return %arg0, %c0_i32 : i32, i32
  }
  func.func @transform_3(%arg0: i32) -> (i32, i32) {
    %c0_i32 = arith.constant 0 : i32
    %c0_i32_0 = arith.constant 0 : i32
    %c0_i32_1 = arith.constant 0 : i32
    return %c0_i32, %c0_i32_0 : i32, i32
  }
  func.func @transform_4(%arg0: i32) -> (i32, i32) {
    %c0_i32 = arith.constant 0 : i32
    %c0_i32_0 = arith.constant 0 : i32
    %c0_i32_1 = arith.constant 0 : i32
    return %c0_i32, %c0_i32_0 : i32, i32
  }
  func.func @transform_5(%arg0: i32) -> (i32, i32) {
    %c0_i32 = arith.constant 0 : i32
    %c0_i32_0 = arith.constant 0 : i32
    return %arg0, %c0_i32 : i32, i32
  }
  func.func @transform_6(%arg0: i32) -> (i32, i32) {
    %c0_i32 = arith.constant 0 : i32
    %c0_i32_0 = arith.constant 0 : i32
    return %arg0, %c0_i32 : i32, i32
  }
}

module attributes {stable_mosaic.version = 14 : i64} {
  func.func @_tc_pre4_body(%arg0: i32, %arg1: memref<2x2000x128xf32, #tpu.memory_space<vmem>>, %arg2: memref<2000x128xf32, #tpu.memory_space<vmem>>, %arg3: memref<2000x128xf32, #tpu.memory_space<vmem>>, %arg4: memref<1x128xf32, #tpu.memory_space<vmem>>, %arg5: memref<128x128xf32, #tpu.memory_space<vmem>>, %arg6: memref<2000x128xf32, #tpu.memory_space<vmem>>) attributes {dimension_semantics = [#tpu.dimension_semantics<arbitrary>], iteration_bounds = array<i64: 5>, scalar_prefetch = 0 : i64, scratch_operands = 0 : i64, tpu.core_type = #tpu.core_type<tc>, window_params = [{transform_indices = @transform_0, window_bounds = array<i64: 2, 2000, 128>}, {transform_indices = @transform_1, window_bounds = array<i64: 2000, 128>}, {transform_indices = @transform_2, window_bounds = array<i64: 2000, 128>}, {pipeline_mode = #tpu.pipeline_mode<synchronous>, transform_indices = @transform_3, window_bounds = array<i64: 1, 128>}, {pipeline_mode = #tpu.pipeline_mode<synchronous>, transform_indices = @transform_4, window_bounds = array<i64: 128, 128>}, {transform_indices = @transform_5, window_bounds = array<i64: 2000, 128>}]} {
    %get3A = arith.constant 0 : index
    %get3A_0 = arith.constant 0 : index
    %get3A_1 = vector.load %arg3[%get3A, %get3A_0] : memref<2000x128xf32, #tpu.memory_space<vmem>>, vector<2000x128xf32>
    %get3A_2 = arith.constant 0 : index
    %get3A_3 = arith.constant 0 : index
    %get3A_4 = arith.constant 0 : index
    %get3A_5 = vector.load %arg1[%get3A_2, %get3A_3, %get3A_4] : memref<2x2000x128xf32, #tpu.memory_space<vmem>>, vector<1x2000x128xf32>
    %get3A_6 = vector.shape_cast %get3A_5 : vector<1x2000x128xf32> to vector<2000x128xf32>
    %get3A_7 = arith.constant 1 : index
    %get3A_8 = arith.constant 0 : index
    %get3A_9 = arith.constant 0 : index
    %get3A_10 = vector.load %arg1[%get3A_7, %get3A_8, %get3A_9] : memref<2x2000x128xf32, #tpu.memory_space<vmem>>, vector<1x2000x128xf32>
    %get3A_11 = vector.shape_cast %get3A_10 : vector<1x2000x128xf32> to vector<2000x128xf32>
    %add3A = arith.addf %get3A_6, %get3A_11 : vector<2000x128xf32>
    %get3A_12 = arith.constant 0 : index
    %get3A_13 = arith.constant 0 : index
    %get3A_14 = vector.load %arg2[%get3A_12, %get3A_13] : memref<2000x128xf32, #tpu.memory_space<vmem>>, vector<2000x128xf32>
    %add3A_15 = arith.addf %add3A, %get3A_14 : vector<2000x128xf32>
    %mul3A = arith.mulf %add3A_15, %get3A_1 : vector<2000x128xf32>
    %get3A_16 = arith.constant 0 : index
    %get3A_17 = arith.constant 0 : index
    %get3A_18 = vector.load %arg4[%get3A_16, %get3A_17] : memref<1x128xf32, #tpu.memory_space<vmem>>, vector<1x128xf32>
    %add3A_19 = vector.broadcast %get3A_18 : vector<1x128xf32> to vector<2000x128xf32>
    %add3A_20 = arith.addf %mul3A, %add3A_19 : vector<2000x128xf32>
    %gt3A = arith.constant 0.000000e+00 : f32
    %gt3A_21 = vector.broadcast %gt3A : f32 to vector<2000x128xf32>
    %gt3A_22 = arith.cmpf ogt, %add3A_20, %gt3A_21 : vector<2000x128xf32>
    %min3A = arith.constant 0.000000e+00 : f32
    %min3A_23 = vector.broadcast %min3A : f32 to vector<2000x128xf32>
    %min3A_24 = arith.minimumf %add3A_20, %min3A_23 : vector<2000x128xf32>
    %exp3A = math.exp %min3A_24 : vector<2000x128xf32>
    %sub3A = arith.constant 1.000000e+00 : f32
    %sub3A_25 = vector.broadcast %sub3A : f32 to vector<2000x128xf32>
    %sub3A_26 = arith.subf %exp3A, %sub3A_25 : vector<2000x128xf32>
    %select_n3A = arith.select %gt3A_22, %add3A_20, %sub3A_26 : vector<2000x128xi1>, vector<2000x128xf32>
    %get3A_27 = arith.constant 0 : index
    %get3A_28 = arith.constant 0 : index
    %get3A_29 = vector.load %arg5[%get3A_27, %get3A_28] : memref<128x128xf32, #tpu.memory_space<vmem>>, vector<128x128xf32>
    %dot_general3A = arith.constant dense<0.000000e+00> : vector<2000x128xf32>
    %dot_general3A_30 = tpu.matmul %select_n3A, %get3A_29, %dot_general3A {dimension_numbers = #tpu.dot_dimension_numbers<[1], [0], [0], [1], [0, 0, 1, 1], [], []>, transpose_lhs_hint = false} : vector<2000x128xf32>, vector<128x128xf32>, vector<2000x128xf32> -> vector<2000x128xf32>
    %mul3A_31 = arith.mulf %dot_general3A_30, %get3A_1 : vector<2000x128xf32>
    %swap3A = arith.constant 0 : index
    %swap3A_32 = arith.constant 0 : index
    %swap3A_33 = vector.load %arg6[%swap3A, %swap3A_32] : memref<2000x128xf32, #tpu.memory_space<vmem>>, vector<2000x128xf32>
    tpu.vector_store %arg6[%swap3A, %swap3A_32], %mul3A_31 {strides = array<i32>} : memref<2000x128xf32, #tpu.memory_space<vmem>>, vector<2000x128xf32>,
    return
  }
  func.func @transform_0(%arg0: i32) -> (i32, i32, i32) {
    %c0_i32 = arith.constant 0 : i32
    %c0_i32_0 = arith.constant 0 : i32
    %c0_i32_1 = arith.constant 0 : i32
    return %c0_i32, %arg0, %c0_i32_0 : i32, i32, i32
  }
  func.func @transform_1(%arg0: i32) -> (i32, i32) {
    %c0_i32 = arith.constant 0 : i32
    %c0_i32_0 = arith.constant 0 : i32
    return %arg0, %c0_i32 : i32, i32
  }
  func.func @transform_2(%arg0: i32) -> (i32, i32) {
    %c0_i32 = arith.constant 0 : i32
    %c0_i32_0 = arith.constant 0 : i32
    return %arg0, %c0_i32 : i32, i32
  }
  func.func @transform_3(%arg0: i32) -> (i32, i32) {
    %c0_i32 = arith.constant 0 : i32
    %c0_i32_0 = arith.constant 0 : i32
    %c0_i32_1 = arith.constant 0 : i32
    return %c0_i32, %c0_i32_0 : i32, i32
  }
  func.func @transform_4(%arg0: i32) -> (i32, i32) {
    %c0_i32 = arith.constant 0 : i32
    %c0_i32_0 = arith.constant 0 : i32
    %c0_i32_1 = arith.constant 0 : i32
    return %c0_i32, %c0_i32_0 : i32, i32
  }
  func.func @transform_5(%arg0: i32) -> (i32, i32) {
    %c0_i32 = arith.constant 0 : i32
    %c0_i32_0 = arith.constant 0 : i32
    return %arg0, %c0_i32 : i32, i32
  }
}

module attributes {stable_mosaic.version = 14 : i64} {
  func.func @_tc_pre5_body(%arg0: i32, %arg1: memref<2x2000x128xf32, #tpu.memory_space<vmem>>, %arg2: memref<2000x128xf32, #tpu.memory_space<vmem>>, %arg3: memref<2000x128xf32, #tpu.memory_space<vmem>>, %arg4: memref<1x128xf32, #tpu.memory_space<vmem>>, %arg5: memref<128x128xf32, #tpu.memory_space<vmem>>, %arg6: memref<2000x128xf32, #tpu.memory_space<vmem>>, %arg7: memref<2000x128xf32, #tpu.memory_space<vmem>>) attributes {dimension_semantics = [#tpu.dimension_semantics<arbitrary>], iteration_bounds = array<i64: 5>, scalar_prefetch = 0 : i64, scratch_operands = 0 : i64, tpu.core_type = #tpu.core_type<tc>, window_params = [{transform_indices = @transform_0, window_bounds = array<i64: 2, 2000, 128>}, {transform_indices = @transform_1, window_bounds = array<i64: 2000, 128>}, {transform_indices = @transform_2, window_bounds = array<i64: 2000, 128>}, {pipeline_mode = #tpu.pipeline_mode<synchronous>, transform_indices = @transform_3, window_bounds = array<i64: 1, 128>}, {pipeline_mode = #tpu.pipeline_mode<synchronous>, transform_indices = @transform_4, window_bounds = array<i64: 128, 128>}, {transform_indices = @transform_5, window_bounds = array<i64: 2000, 128>}, {transform_indices = @transform_6, window_bounds = array<i64: 2000, 128>}]} {
    %get3A = arith.constant 0 : index
    %get3A_0 = arith.constant 0 : index
    %get3A_1 = vector.load %arg3[%get3A, %get3A_0] : memref<2000x128xf32, #tpu.memory_space<vmem>>, vector<2000x128xf32>
    %get3A_2 = arith.constant 0 : index
    %get3A_3 = arith.constant 0 : index
    %get3A_4 = arith.constant 0 : index
    %get3A_5 = vector.load %arg1[%get3A_2, %get3A_3, %get3A_4] : memref<2x2000x128xf32, #tpu.memory_space<vmem>>, vector<1x2000x128xf32>
    %get3A_6 = vector.shape_cast %get3A_5 : vector<1x2000x128xf32> to vector<2000x128xf32>
    %get3A_7 = arith.constant 1 : index
    %get3A_8 = arith.constant 0 : index
    %get3A_9 = arith.constant 0 : index
    %get3A_10 = vector.load %arg1[%get3A_7, %get3A_8, %get3A_9] : memref<2x2000x128xf32, #tpu.memory_space<vmem>>, vector<1x2000x128xf32>
    %get3A_11 = vector.shape_cast %get3A_10 : vector<1x2000x128xf32> to vector<2000x128xf32>
    %add3A = arith.addf %get3A_6, %get3A_11 : vector<2000x128xf32>
    %get3A_12 = arith.constant 0 : index
    %get3A_13 = arith.constant 0 : index
    %get3A_14 = vector.load %arg2[%get3A_12, %get3A_13] : memref<2000x128xf32, #tpu.memory_space<vmem>>, vector<2000x128xf32>
    %add3A_15 = arith.addf %add3A, %get3A_14 : vector<2000x128xf32>
    %mul3A = arith.mulf %add3A_15, %get3A_1 : vector<2000x128xf32>
    %get3A_16 = arith.constant 0 : index
    %get3A_17 = arith.constant 0 : index
    %get3A_18 = vector.load %arg4[%get3A_16, %get3A_17] : memref<1x128xf32, #tpu.memory_space<vmem>>, vector<1x128xf32>
    %add3A_19 = vector.broadcast %get3A_18 : vector<1x128xf32> to vector<2000x128xf32>
    %add3A_20 = arith.addf %mul3A, %add3A_19 : vector<2000x128xf32>
    %gt3A = arith.constant 0.000000e+00 : f32
    %gt3A_21 = vector.broadcast %gt3A : f32 to vector<2000x128xf32>
    %gt3A_22 = arith.cmpf ogt, %add3A_20, %gt3A_21 : vector<2000x128xf32>
    %min3A = arith.constant 0.000000e+00 : f32
    %min3A_23 = vector.broadcast %min3A : f32 to vector<2000x128xf32>
    %min3A_24 = arith.minimumf %add3A_20, %min3A_23 : vector<2000x128xf32>
    %exp3A = math.exp %min3A_24 : vector<2000x128xf32>
    %sub3A = arith.constant 1.000000e+00 : f32
    %sub3A_25 = vector.broadcast %sub3A : f32 to vector<2000x128xf32>
    %sub3A_26 = arith.subf %exp3A, %sub3A_25 : vector<2000x128xf32>
    %select_n3A = arith.select %gt3A_22, %add3A_20, %sub3A_26 : vector<2000x128xi1>, vector<2000x128xf32>
    %get3A_27 = arith.constant 0 : index
    %get3A_28 = arith.constant 0 : index
    %get3A_29 = vector.load %arg6[%get3A_27, %get3A_28] : memref<2000x128xf32, #tpu.memory_space<vmem>>, vector<2000x128xf32>
    %add3A_30 = arith.addf %select_n3A, %get3A_29 : vector<2000x128xf32>
    %get3A_31 = arith.constant 0 : index
    %get3A_32 = arith.constant 0 : index
    %get3A_33 = vector.load %arg5[%get3A_31, %get3A_32] : memref<128x128xf32, #tpu.memory_space<vmem>>, vector<128x128xf32>
    %dot_general3A = arith.constant dense<0.000000e+00> : vector<2000x128xf32>
    %dot_general3A_34 = tpu.matmul %add3A_30, %get3A_33, %dot_general3A {dimension_numbers = #tpu.dot_dimension_numbers<[1], [0], [0], [1], [0, 0, 1, 1], [], []>, transpose_lhs_hint = false} : vector<2000x128xf32>, vector<128x128xf32>, vector<2000x128xf32> -> vector<2000x128xf32>
    %mul3A_35 = arith.mulf %dot_general3A_34, %get3A_1 : vector<2000x128xf32>
    %swap3A = arith.constant 0 : index
    %swap3A_36 = arith.constant 0 : index
    %swap3A_37 = vector.load %arg7[%swap3A, %swap3A_36] : memref<2000x128xf32, #tpu.memory_space<vmem>>, vector<2000x128xf32>
    tpu.vector_store %arg7[%swap3A, %swap3A_36], %mul3A_35 {strides = array<i32>} : memref<2000x128xf32, #tpu.memory_space<vmem>>, vector<2000x128xf32>,
    return
  }
  func.func @transform_0(%arg0: i32) -> (i32, i32, i32) {
    %c0_i32 = arith.constant 0 : i32
    %c0_i32_0 = arith.constant 0 : i32
    %c0_i32_1 = arith.constant 0 : i32
    return %c0_i32, %arg0, %c0_i32_0 : i32, i32, i32
  }
  func.func @transform_1(%arg0: i32) -> (i32, i32) {
    %c0_i32 = arith.constant 0 : i32
    %c0_i32_0 = arith.constant 0 : i32
    return %arg0, %c0_i32 : i32, i32
  }
  func.func @transform_2(%arg0: i32) -> (i32, i32) {
    %c0_i32 = arith.constant 0 : i32
    %c0_i32_0 = arith.constant 0 : i32
    return %arg0, %c0_i32 : i32, i32
  }
  func.func @transform_3(%arg0: i32) -> (i32, i32) {
    %c0_i32 = arith.constant 0 : i32
    %c0_i32_0 = arith.constant 0 : i32
    %c0_i32_1 = arith.constant 0 : i32
    return %c0_i32, %c0_i32_0 : i32, i32
  }
  func.func @transform_4(%arg0: i32) -> (i32, i32) {
    %c0_i32 = arith.constant 0 : i32
    %c0_i32_0 = arith.constant 0 : i32
    %c0_i32_1 = arith.constant 0 : i32
    return %c0_i32, %c0_i32_0 : i32, i32
  }
  func.func @transform_5(%arg0: i32) -> (i32, i32) {
    %c0_i32 = arith.constant 0 : i32
    %c0_i32_0 = arith.constant 0 : i32
    return %arg0, %c0_i32 : i32, i32
  }
  func.func @transform_6(%arg0: i32) -> (i32, i32) {
    %c0_i32 = arith.constant 0 : i32
    %c0_i32_0 = arith.constant 0 : i32
    return %arg0, %c0_i32 : i32, i32
  }
}

module attributes {stable_mosaic.version = 14 : i64} {
  func.func @_tc_post_body(%arg0: i32, %arg1: memref<2x2000x128xf32, #tpu.memory_space<vmem>>, %arg2: memref<2000x128xf32, #tpu.memory_space<vmem>>, %arg3: memref<2000x128xf32, #tpu.memory_space<vmem>>, %arg4: memref<1x128xf32, #tpu.memory_space<vmem>>, %arg5: memref<2000x128xf32, #tpu.memory_space<vmem>>) attributes {dimension_semantics = [#tpu.dimension_semantics<arbitrary>], iteration_bounds = array<i64: 5>, scalar_prefetch = 0 : i64, scratch_operands = 0 : i64, tpu.core_type = #tpu.core_type<tc>, window_params = [{transform_indices = @transform_0, window_bounds = array<i64: 2, 2000, 128>}, {transform_indices = @transform_1, window_bounds = array<i64: 2000, 128>}, {transform_indices = @transform_2, window_bounds = array<i64: 2000, 128>}, {pipeline_mode = #tpu.pipeline_mode<synchronous>, transform_indices = @transform_3, window_bounds = array<i64: 1, 128>}, {transform_indices = @transform_4, window_bounds = array<i64: 2000, 128>}]} {
    %get3A = arith.constant 0 : index
    %get3A_0 = arith.constant 0 : index
    %get3A_1 = arith.constant 0 : index
    %get3A_2 = vector.load %arg1[%get3A, %get3A_0, %get3A_1] : memref<2x2000x128xf32, #tpu.memory_space<vmem>>, vector<1x2000x128xf32>
    %get3A_3 = vector.shape_cast %get3A_2 : vector<1x2000x128xf32> to vector<2000x128xf32>
    %get3A_4 = arith.constant 1 : index
    %get3A_5 = arith.constant 0 : index
    %get3A_6 = arith.constant 0 : index
    %get3A_7 = vector.load %arg1[%get3A_4, %get3A_5, %get3A_6] : memref<2x2000x128xf32, #tpu.memory_space<vmem>>, vector<1x2000x128xf32>
    %get3A_8 = vector.shape_cast %get3A_7 : vector<1x2000x128xf32> to vector<2000x128xf32>
    %add3A = arith.addf %get3A_3, %get3A_8 : vector<2000x128xf32>
    %get3A_9 = arith.constant 0 : index
    %get3A_10 = arith.constant 0 : index
    %get3A_11 = vector.load %arg2[%get3A_9, %get3A_10] : memref<2000x128xf32, #tpu.memory_space<vmem>>, vector<2000x128xf32>
    %add3A_12 = arith.addf %add3A, %get3A_11 : vector<2000x128xf32>
    %get3A_13 = arith.constant 0 : index
    %get3A_14 = arith.constant 0 : index
    %get3A_15 = vector.load %arg3[%get3A_13, %get3A_14] : memref<2000x128xf32, #tpu.memory_space<vmem>>, vector<2000x128xf32>
    %mul3A = arith.mulf %add3A_12, %get3A_15 : vector<2000x128xf32>
    %get3A_16 = arith.constant 0 : index
    %get3A_17 = arith.constant 0 : index
    %get3A_18 = vector.load %arg4[%get3A_16, %get3A_17] : memref<1x128xf32, #tpu.memory_space<vmem>>, vector<1x128xf32>
    %add3A_19 = vector.broadcast %get3A_18 : vector<1x128xf32> to vector<2000x128xf32>
    %add3A_20 = arith.addf %mul3A, %add3A_19 : vector<2000x128xf32>
    %swap3A = arith.constant 0 : index
    %swap3A_21 = arith.constant 0 : index
    %swap3A_22 = vector.load %arg5[%swap3A, %swap3A_21] : memref<2000x128xf32, #tpu.memory_space<vmem>>, vector<2000x128xf32>
    tpu.vector_store %arg5[%swap3A, %swap3A_21], %add3A_20 {strides = array<i32>} : memref<2000x128xf32, #tpu.memory_space<vmem>>, vector<2000x128xf32>,
    return
  }
  func.func @transform_0(%arg0: i32) -> (i32, i32, i32) {
    %c0_i32 = arith.constant 0 : i32
    %c0_i32_0 = arith.constant 0 : i32
    %c0_i32_1 = arith.constant 0 : i32
    return %c0_i32, %arg0, %c0_i32_0 : i32, i32, i32
  }
  func.func @transform_1(%arg0: i32) -> (i32, i32) {
    %c0_i32 = arith.constant 0 : i32
    %c0_i32_0 = arith.constant 0 : i32
    return %arg0, %c0_i32 : i32, i32
  }
  func.func @transform_2(%arg0: i32) -> (i32, i32) {
    %c0_i32 = arith.constant 0 : i32
    %c0_i32_0 = arith.constant 0 : i32
    return %arg0, %c0_i32 : i32, i32
  }
  func.func @transform_3(%arg0: i32) -> (i32, i32) {
    %c0_i32 = arith.constant 0 : i32
    %c0_i32_0 = arith.constant 0 : i32
    %c0_i32_1 = arith.constant 0 : i32
    return %c0_i32, %c0_i32_0 : i32, i32
  }
  func.func @transform_4(%arg0: i32) -> (i32, i32) {
    %c0_i32 = arith.constant 0 : i32
    %c0_i32_0 = arith.constant 0 : i32
    return %arg0, %c0_i32 : i32, i32
  }
}

</mosaic_0001>

<sc_bundles>
// kernel: kernel.15.cloned.1.call-start
scs
__scs_entry_jumppad:
0x0: {  	(pc) =	sbr.rel $0x88, $3  }
0x1: {  	(tag) =	ssettag $0x0;
	lr =	simm.s32 $0x1  }
0x2: {  	[smem:$0x3F91] =	sst lr;
	_ =	strace $0xD0000000  }
0x3: {  	_ = 	snop  }
0x4: {  	_ = 	snop  }
0x5: {  	_ = 	snop  }
0x6: {  	_ = 	snop  }
0x7: {  	_ = 	snop  }
__scs_overlays_trampoline_lowered:
0x8: {  	[smem:$0x3FA0] =	sst s0  }
0x9: {  	[smem:$0x3FA1] =	sst s1  }
0xa: {  	[smem:$0x3FA2] =	sst s2  }
0xb: {  	[smem:$0x3FA3] =	sst s3  }
0xc: {  	[smem:$0x3FA4] =	sst s4  }
0xd: {  	[smem:$0x3FA5] =	sst s5  }
0xe: {  	[smem:$0x3FA6] =	sst s6  }
0xf: {  	[smem:$0x3FA7] =	sst s7  }
0x10: {  	[smem:$0x3FA8] =	sst s8  }
0x11: {  	[smem:$0x3FA9] =	sst s9;
	s0 =	simm.s32 @!p0 $0x0  }
0x12: {  	s1 =	sld [smem:$0x3F8F];
	s0 =	simm.s32 @p0 $0x1  }
0x13: {  	[smem:$0x3FAA] =	sst s0;
	s0 =	simm.s32 @!p1 $0x0  }
0x14: {  	s2 =	sld [smem:$0x3F8E];
	s0 =	simm.s32 @p1 $0x1  }
0x15: {  	[smem:$0x3FAB] =	sst s0;
	s0 =	simm.s32 @!p2 $0x0  }
0x16: {  	s3 =	sld [smem:$0x3FDB];
	s0 =	simm.s32 @p2 $0x1  }
0x17: {  	s4 =	simm.s32 $0x1BF5;
	[smem:$0x3FAD] =	sst s0  }
0x18: {  	s0 =	sld [smem:$0x3F90];
	_ =	swait.ge [sflag:s4], $0x0  }
0x19: {  	s7 =	sld [smem:$0x3F91]  }
0x1a: {  	s8 =	sadd.s32 $0xFFFFE003, lr  }
0x1b: {  	s9 =	sadd.s32 $0xFFFFFEF7, lr;
	s5 =	simm.s32 $0xFFFFFFFF;
	p2 =	slt.u32 s8, $0xFFFFF086  }
0x1c: {  	p1 =	slt.u32 s9, $0xF7A;
	s5 =	simm.s32 @!p2 $0x0  }
0x1d: {  	s5 =	simm.s32 @p1 $0x1;
	p0 =	seq.s32 s7, s2  }
0x1e: {  	s7 =	smul.u32 @!p0 $0xF7A, s2;
	p2 =	seq.s32 @!p0 s5, $0x0  }
0x1f: {  	s9 =	smul.u32 $0xF7A, s1;
	s8 =	simm.s32 @!p0 $0x1BF5;
	p2 =	por !p2, p0  }
0x20: {  	[sflag:s8] =	ssyncset.s32 @!p0 $0xFFFFF086;
	s6 =	sadd.s32 @!p0 s3, s7;
	s7 =	simm.s32 @!p0 $0x108  }
0x21: {  	s3 =	sadd.s32 s3, s9;
	s6 =	sadd.s32 @!p0 $0x88, s6;
	s7 =	simm.s32 @p2 $0x1082  }
0x22: {  	[simem:s7], [sflag:s8] =	dma.local @!p0 [hbm:s6], $0xF7A  }
0x23: {  	s9 =	sor.u32 $0xD0000000, s2;
	s6 =	simm.s32 $0x108;
	_ =	swait.ge @!p0 [sflag:s8], $0x0  }
0x24: {  	s3 =	sadd.s32 $0x88, s3;
	s6 =	simm.s32 @!p1 $0x1082;
	[sflag:s4] =	ssyncset.s32 $0xFFFFF086  }
0x25: {  	[simem:s6], [sflag:s4] =	dma.local [hbm:s3], $0xF7A  }
0x26: {  	[smem:$0x3F91] =	sst s1;
	(tag) =	ssettag s2;
	_ =	strace s9  }
0x27: {  	s1 =	sld [smem:$0x3FA1]  }
0x28: {  	s2 =	sld [smem:$0x3FA2]  }
0x29: {  	s4 =	sld [smem:$0x3FA4]  }
0x2a: {  	p0 =	seq.s32 s5, $0x0;
	s5 =	sld [smem:$0x3FA5]  }
0x2b: {  	s6 =	sld [smem:$0x3FA6]  }
0x2c: {  	s7 =	sld [smem:$0x3FA7]  }
0x2d: {  	s3 =	simm.s32 $0x108;
	s8 =	sld [smem:$0x3FA8]  }
0x2e: {  	s3 =	simm.s32 @!p0 $0x1082;
	s9 =	sld [smem:$0x3FA9]  }
0x2f: {  	lr =	sadd.s32 s0, s3;
	s0 =	sld [smem:$0x3FA0]  }
0x30: {  	s3 =	sld [smem:$0x3FA3]  }
0x31: {  	[smem:$0x3FAC] =	sst s10  }
0x32: {  	s10 =	sld [smem:$0x3FAA];
	_ =	sdelay $0x3  }
0x33: {  	p0 =	seq.s32 s10, $0x1;
	s10 =	sld [smem:$0x3FAC];
	_ =	sdelay $0x3  }
0x34: {  	[smem:$0x3FAC] =	sst s10  }
0x35: {  	s10 =	sld [smem:$0x3FAB];
	_ =	sdelay $0x3  }
0x36: {  	p1 =	seq.s32 s10, $0x1;
	s10 =	sld [smem:$0x3FAC];
	_ =	sdelay $0x3  }
0x37: {  	[smem:$0x3FAC] =	sst s10  }
0x38: {  	s10 =	sld [smem:$0x3FAD]  }
0x39: {  	_ = 	snop;
	(pc) =	sbr.ind lr, $3  }
0x3a: {  	_ = 	snop  }
0x3b: {  	_ = 	snop  }
0x3c: {  	p2 =	seq.s32 s10, $0x1;
	s10 =	sld [smem:$0x3FAC]  }
0x3d: {  	_ =	shalt  }
0x3e: {  	_ =	shalt  }
0x3f: {  	_ =	shalt  }
0x40: {  	_ =	shalt  }
0x41: {  	_ =	shalt  }
0x42: {  	_ =	shalt  }
0x43: {  	_ =	shalt  }
0x44: {  	_ =	shalt  }
0x45: {  	_ =	shalt  }
0x46: {  	_ =	shalt  }
0x47: {  	_ =	shalt  }
0x48: {  	_ =	shalt  }
0x49: {  	_ =	shalt  }
0x4a: {  	_ =	shalt  }
0x4b: {  	_ =	shalt  }
0x4c: {  	_ =	shalt  }
0x4d: {  	_ =	shalt  }
0x4e: {  	_ =	shalt  }
0x4f: {  	_ =	shalt  }
0x50: {  	_ =	shalt  }
0x51: {  	_ =	shalt  }
0x52: {  	_ =	shalt  }
0x53: {  	_ =	shalt  }
0x54: {  	_ =	shalt  }
0x55: {  	_ =	shalt  }
0x56: {  	_ =	shalt  }
0x57: {  	_ =	shalt  }
0x58: {  	_ =	shalt  }
0x59: {  	_ =	shalt  }
0x5a: {  	_ =	shalt  }
0x5b: {  	_ =	shalt  }
0x5c: {  	_ =	shalt  }
0x5d: {  	_ =	shalt  }
0x5e: {  	_ =	shalt  }
0x5f: {  	_ =	shalt  }
0x60: {  	_ =	shalt  }
0x61: {  	_ =	shalt  }
0x62: {  	_ =	shalt  }
0x63: {  	_ =	shalt  }
0x64: {  	_ =	shalt  }
0x65: {  	_ =	shalt  }
0x66: {  	_ =	shalt  }
0x67: {  	_ =	shalt  }
0x68: {  	_ =	shalt  }
0x69: {  	_ =	shalt  }
0x6a: {  	_ =	shalt  }
0x6b: {  	_ =	shalt  }
0x6c: {  	_ =	shalt  }
0x6d: {  	_ =	shalt  }
0x6e: {  	_ =	shalt  }
0x6f: {  	_ =	shalt  }
0x70: {  	_ =	shalt  }
0x71: {  	_ =	shalt  }
0x72: {  	_ =	shalt  }
0x73: {  	_ =	shalt  }
0x74: {  	_ =	shalt  }
0x75: {  	_ =	shalt  }
0x76: {  	_ =	shalt  }
0x77: {  	_ =	shalt  }
0x78: {  	_ =	shalt  }
0x79: {  	_ =	shalt  }
0x7a: {  	_ =	shalt  }
0x7b: {  	_ =	shalt  }
0x7c: {  	_ =	shalt  }
0x7d: {  	_ =	shalt  }
0x7e: {  	_ =	shalt  }
0x7f: {  	_ =	shalt  }
0x80: {  	_ =	shalt  }
0x81: {  	_ =	shalt  }
0x82: {  	_ =	shalt  }
0x83: {  	_ =	shalt  }
0x84: {  	_ =	shalt  }
0x85: {  	_ =	shalt  }
0x86: {  	_ =	shalt  }
0x87: {  	_ =	shalt  }
.Lfunc_end0:
.L_simem_size_0:
called_computation_lowered:
.L_overlay_start_0:
0x88: {  	s2 =	sld [smem:$0x3FD9]  }
0x89: {  	s3 =	sld [smem:$0x3FFE];
	_ =	sdelay $0x1  }
0x8a: {  	s1 =	srdreg.scid  }
0x8b: {  	s0 =	sand.u32 $0x1, s1  }
0x8c: {  	s17 =	sshll.u32 s0, $0xA;
	s2 =	sadd.s32 s3, s2  }
0x8d: {  	s2 =	sadd.s32 s2, s17  }
0x8e: {  	[smem:$0x3FB8] =	sst s2  }
0x8f: {  	_ = 	snop  }
0x90: {  	s2 =	sld [smem:$0x3FD0];
	(tm) =	ssettm $0x1  }
0x91: {  	s18 =	sld [smem:$0x3FFB];
	_ =	sdelay $0x3  }
0x92: {  	_ =	strace s18  }
0x93: {  	s3 =	sld [smem:$0x3FFC];
	_ =	sdelay $0x3  }
0x94: {  	_ =	strace s3  }
0x95: {  	s3 =	sld [smem:$0x3FFD];
	_ =	sdelay $0x3  }
0x96: {  	_ =	strace s3  }
0x97: {  	_ =	strace $0x8FFFFFFF  }
0x98: {  	s19 =	sld [smem:$0x3FDB];
	_ =	sdelay $0x1  }
0x99: {  	s4 =	simm.s32 $_scs_section_size  }
0x9a: {  	s5 =	simm.s32 $_size__tile_overlayer_lowered;
	s6 =	simm.s32 $_tile_overlayer_lowered  }
0x9b: {  	s22 =	simm.s32 $0x1BFF;
	s21 =	sshll.u32 s6, $0x1;
	s3 =	sadd.s32 s4, s19  }
0x9c: {  	s7 =	simm.s32 $0x0;
	s20 =	sshll.u32 s5, $0x1;
	s5 =	sadd.s32 s21, s3  }
0x9d: {  	[timem:s7], [sflag:s22] =	dma.local [hbm:s5], s20  }
0x9e: {  	_ =	swait.ge [sflag:s22], s20  }
0x9f: {  	s4 =	ssub.s32 $0x0, s20;
	[sflag:s22] =	ssyncset.done $0x0  }
0xa0: {  	[sflag:s22] =	ssyncadd.s32 s4;
	_ =	sdelay $0x1  }
0xa1: {  	s23 =	simm.s32 $0x1B8B  }
0xa2: {  	_ =	swait.ge [sflag:s23], $0x1  }
0xa3: {  	[sflag:s23] =	ssyncset.done $0x0  }
0xa4: {  	s25 =	simm.s32 $0x1B8E;
	s24 =	sld [smem:$0x3FFE];
	[sflag:s23] =	ssyncadd.s32 $0xFFFFFFFF  }
0xa5: {  	s26 =	simm.s32 $execute0_lowered;
	[smem:$0x3FD2] =	sst s25  }
0xa6: {  	s5 =	sshll.u32 s26, $0x1;
	_ =	strace $0x80000046;
	[dreg:$0x1] =	wrdreg $0xFFFFFFFF  }
0xa7: {  	s28 =	simm.s32 $_size_execute0_lowered;
	s3 =	sadd.s32 s3, s5;
	[dreg:$0x0] =	wrdreg $0x0  }
0xa8: {  	s5 =	sshll.u32 s28, $0x1;
	[dreg:$0x2] =	wrdreg s3  }
0xa9: {  	[dreg:$0x3] =	wrdreg s5  }
0xaa: {  	[dreg:$0x4] =	wrdreg $0xC0  }
0xab: {  	_ =	task [dreg:s7], $0x5FFFF  }
0xac: {  	[dreg:$0x1] =	wrdreg $0xFFFFFFFF  }
0xad: {  	[dreg:$0x0] =	wrdreg $0x60  }
0xae: {  	[dreg:$0x2] =	wrdreg s24  }
0xaf: {  	[dreg:$0x3] =	wrdreg s2  }
0xb0: {  	[dreg:$0x4] =	wrdreg $0x0  }
0xb1: {  	[dreg:$0x5] =	wrdreg $0x9  }
0xb2: {  	_ =	task.clear_ibuf [dreg:s7], $0x6FFFF;
	_ =	strace $0x90000046  }
0xb3: {  	s29 =	simm.s32 $0x9;
	_ =	strace $0x80000048  }
0xb4: {  	_ =	swait.ge [sflag:s29], $0x1  }
0xb5: {  	[sflag:s29] =	ssyncadd.s32 $0xFFFFFFFF  }
0xb6: {  	_ =	strace $0x90000048  }
0xb7: {  	_ =	sfence  }
0xb8: {  	s30 =	sld [smem:$0x0];
	_ =	sdelay $0x2  }
0xb9: {  	s31 =	sshll.u32 s1, $0xD;
	s1 =	sshrl.u32 s1, $0x2  }
0xba: {  	s3 =	sand.u32 $0x4000, s31;
	s1 =	sadd.s32 s1, s30  }
0xbb: {  	s0 =	sor.u32 s3, s0;
	s1 =	sshll.u32 s1, $0x11  }
0xbc: {  	s0 =	sor.u32 s1, s0  }
0xbd: {  	s0 =	sadd.s32 $0x8F2B, s0  }
0xbe: {  	[sflag:s0] =	ssyncadd.remote.s32 $0x1  }
0xbf: {  	_ =	sfence.sel $0xFFFF  }
0xc0: {  	[dreg:$0x0] =	wrdreg $0xFFFFFFFF;
	(pc) =	sbr.abs _section_cstart, $3  }
0xc1: {  	[dreg:$0x1] =	wrdreg $0xFFFFFFFF  }
0xc2: {  	_ =	task.clear_ibuf [dreg:s7], $0x2FFFF;
	_ =	strace $0x9FFFFFFF  }
0xc3: {  	(tm) =	ssettm $0x7FFFFFFF  }
tec
execute0_lowered:
.L_overlay_start_1:
0x0: {  	(tag) =	ssettag $0x1  }
0x1: {  	s6 =	rddreg [dreg:$0x0]  }
0x2: {  	s0 =	srdreg.scid;
	s2 =	rddreg [dreg:$0x1]  }
0x3: {  	s3 =	rddreg [dreg:$0x2];
	s4 =	simm.s32 $0x0;
	s18 =	simm.s32 $0x1A400  }
0x4: {  	s19 =	simm.s32 $0x1;
	s20 =	simm.s32 $0x16400;
	s5 =	sand.u32 $0x1, s0  }
0x5: {  	s21 =	simm.s32 $0x13C00;
	s0 =	stileid.u32;
	s8 =	smul.u32 $0x13C000, s5  }
0x6: {  	s22 =	simm.s32 $0x80;
	s1 =	sshll.u32 s5, $0x4;
	s9 =	smul.u32 $0x13C00, s0  }
0x7: {  	s10 =	smul.u32 $0x4F000, s0;
	s29 =	ssub.s32 $0x2, s5;
	s1 =	sor.u32 s0, s1  }
0x8: {  	[smem:$0x7FF] =	sst s4;
	s31 =	sshrl.u32 s29, $0x1;
	s7 =	smul.u32 $0x500, s1  }
0x9: {  	s1 =	rddreg [dreg:$0x3];
	_ =	strace $0x80000047;
	s8 =	sadd.s32 s9, s8  }
0xa: {  	s30 =	sshrl.u32 s10, $0x2;
	s9 =	ssub.s32 s29, s31;
	s8 =	sshrl.u32 s8, $0x3  }
0xb: {  	s5 =	sadd.s32 s30, s3;
	s9 =	smax.u32 s9, $0x1;
	s7 =	sadd.s32 s7, s6  }
0xc: {  	s8 =	sadd.s32 s8, s6;
	s6 =	sadd.s32 $0x12000, s5;
	s10 =	sadd.s32 $0x2000, s5  }
0xd: {  	s11 =	sadd.s32 $0x4000, s5;
	s12 =	sadd.s32 $0x6000, s5;
	s13 =	sadd.s32 $0x8000, s5  }
0xe: {  	s14 =	sadd.s32 $0xA000, s5;
	s15 =	sadd.s32 $0xC000, s5;
	s16 =	sadd.s32 $0xE000, s5  }
0xf: {  	v0 =	vimm.f32 $0.0e+00;
	s17 =	sadd.s32 $0x10000, s5;
	s7 =	sadd.s32 $0x5400, s7;
	s8 =	sadd.s32 $0xF400, s8  }
.LBB2_1:
0x10: {  	s23 =	simm.s32 $0x0;
	s24 =	simm.s32 $0x200  }
.LBB2_2:
0x11: {  	p0 =	sne.s32 s24, $0x7E00;
	[tilespmem:s23+$0x1A470] =	vst v0  }
0x12: {  	[tilespmem:s23+$0x1A400] =	vst v0  }
0x13: {  	[tilespmem:s23+$0x1A410] =	vst v0  }
.Ltmp0:
0x14: {  	[tilespmem:s23+$0x1A420] =	vst v0;
	(pc) =	sbr.rel @p0 .LBB2_2-.Ltmp0, $4  }
0x15: {  	[tilespmem:s23+$0x1A430] =	vst v0  }
0x16: {  	[tilespmem:s23+$0x1A440] =	vst v0  }
0x17: {  	[tilespmem:s23+$0x1A450] =	vst v0  }
0x18: {  	[tilespmem:s23+$0x1A460] =	vst v0;
	s23 =	sshra.s32 s24, $0x2;
	s24 =	sadd.s32 $0x200, s24  }
0x19: {  	[tilespmem:s23+$0x1A470] =	vst v0  }
0x1a: {  	[tilespmem:s23+$0x1A400] =	vst v0  }
0x1b: {  	[tilespmem:s23+$0x1A410] =	vst v0  }
0x1c: {  	[tilespmem:s23+$0x1A420] =	vst v0  }
0x1d: {  	[tilespmem:s23+$0x1A430] =	vst v0  }
0x1e: {  	[tilespmem:s23+$0x1A440] =	vst v0  }
0x1f: {  	[tilespmem:s23+$0x1A450] =	vst v0  }
0x20: {  	[tilespmem:s23+$0x1A460] =	vst v0  }
0x21: {  	[spmem:s5] =	stream.linear.scatter [tilespmem:s18], [sflag:$0x1], $0x2000, $0x38;
	[tilespmem:$0x1C400] =	vst v63  }
0x22: {  	_ =	swait.ge [sflag:s19], $0x2000  }
0x23: {  	[sflag:s19] =	ssyncset.done $0x0  }
0x24: {  	[sflag:s19] =	ssyncadd.s32 $0xFFFFE000  }
0x25: {  	[spmem:s10] =	stream.linear.scatter [tilespmem:s18], [sflag:$0x1], $0x2000, $0x38;
	[tilespmem:$0x1C400] =	vst v63  }
0x26: {  	_ =	swait.ge [sflag:s19], $0x2000  }
0x27: {  	[sflag:s19] =	ssyncset.done $0x0  }
0x28: {  	[sflag:s19] =	ssyncadd.s32 $0xFFFFE000  }
0x29: {  	[spmem:s11] =	stream.linear.scatter [tilespmem:s18], [sflag:$0x1], $0x2000, $0x38;
	[tilespmem:$0x1C400] =	vst v63  }
0x2a: {  	_ =	swait.ge [sflag:s19], $0x2000  }
0x2b: {  	[sflag:s19] =	ssyncset.done $0x0  }
0x2c: {  	[sflag:s19] =	ssyncadd.s32 $0xFFFFE000  }
0x2d: {  	[spmem:s12] =	stream.linear.scatter [tilespmem:s18], [sflag:$0x1], $0x2000, $0x38;
	[tilespmem:$0x1C400] =	vst v63  }
0x2e: {  	_ =	swait.ge [sflag:s19], $0x2000  }
0x2f: {  	[sflag:s19] =	ssyncset.done $0x0  }
0x30: {  	[sflag:s19] =	ssyncadd.s32 $0xFFFFE000  }
0x31: {  	[spmem:s13] =	stream.linear.scatter [tilespmem:s18], [sflag:$0x1], $0x2000, $0x38;
	[tilespmem:$0x1C400] =	vst v63  }
0x32: {  	_ =	swait.ge [sflag:s19], $0x2000  }
0x33: {  	[sflag:s19] =	ssyncset.done $0x0  }
0x34: {  	[sflag:s19] =	ssyncadd.s32 $0xFFFFE000  }
0x35: {  	[spmem:s14] =	stream.linear.scatter [tilespmem:s18], [sflag:$0x1], $0x2000, $0x38;
	[tilespmem:$0x1C400] =	vst v63  }
0x36: {  	_ =	swait.ge [sflag:s19], $0x2000  }
0x37: {  	[sflag:s19] =	ssyncset.done $0x0  }
0x38: {  	[sflag:s19] =	ssyncadd.s32 $0xFFFFE000  }
0x39: {  	[spmem:s15] =	stream.linear.scatter [tilespmem:s18], [sflag:$0x1], $0x2000, $0x38;
	[tilespmem:$0x1C400] =	vst v63  }
0x3a: {  	_ =	swait.ge [sflag:s19], $0x2000  }
0x3b: {  	[sflag:s19] =	ssyncset.done $0x0  }
0x3c: {  	[sflag:s19] =	ssyncadd.s32 $0xFFFFE000  }
0x3d: {  	[spmem:s16] =	stream.linear.scatter [tilespmem:s18], [sflag:$0x1], $0x2000, $0x38;
	[tilespmem:$0x1C400] =	vst v63  }
0x3e: {  	_ =	swait.ge [sflag:s19], $0x2000  }
0x3f: {  	[sflag:s19] =	ssyncset.done $0x0  }
0x40: {  	[sflag:s19] =	ssyncadd.s32 $0xFFFFE000  }
0x41: {  	[spmem:s17] =	stream.linear.scatter [tilespmem:s18], [sflag:$0x1], $0x2000, $0x38;
	[tilespmem:$0x1C400] =	vst v63  }
0x42: {  	_ =	swait.ge [sflag:s19], $0x2000  }
0x43: {  	[sflag:s19] =	ssyncset.done $0x0  }
0x44: {  	[sflag:s19] =	ssyncadd.s32 $0xFFFFE000  }
0x45: {  	[spmem:s6] =	stream.linear.scatter [tilespmem:s18], [sflag:$0x1], $0x1C00, $0x38;
	[tilespmem:$0x1C400] =	vst v63  }
0x46: {  	_ =	swait.ge [sflag:s19], $0x1C00  }
0x47: {  	[sflag:s19] =	ssyncset.done $0x0  }
0x48: {  	s30 =	simm.s32 $0x0;
	[sflag:s19] =	ssyncadd.s32 $0xFFFFE400  }
0x49: {  	[tilespmem:s20], [sflag:$0x1] =	stream.linear.gather [hbm4b:s2+s30], $0x4000, $0x38;
	[tilespmem:$0x1C400] =	vst v63  }
0x4a: {  	_ =	swait.ge [sflag:s19], $0x4000  }
0x4b: {  	[sflag:s19] =	ssyncset.done $0x0  }
0x4c: {  	[sflag:s19] =	ssyncadd.s32 $0xFFFFC000  }
0x4d: {  	[tilespmem:s21], [sflag:$0x1] =	stream.linear.gather [hbm4b:s7+s30], $0x2800, $0x38;
	[tilespmem:$0x1C400] =	vst v63  }
0x4e: {  	_ =	swait.ge [sflag:s19], $0x2800  }
0x4f: {  	[sflag:s19] =	ssyncset.done $0x0  }
0x50: {  	[sflag:s19] =	ssyncadd.s32 $0xFFFFD800  }
0x51: {  	s31 =	simm.s32 $0x13C00;
	[bflag:$0x0] =	sbarrier.arrive $0xFFFF  }
0x52: {  	[spmem:s3] =	stream.indirect.scatter.add.f32 [tilespmem:s20], [sflag:$0x1], $0x80, s31, s22, $0xb8;
	[tilespmem:$0x1C400] =	vst v63  }
0x53: {  	s23 =	simm.s32 $0x200;
	_ =	swait.ge [sflag:s19], $0x4000  }
.LBB2_4:
0x54: {  	s24 =	sshra.s32 s23, $0x2;
	[sflag:s19] =	ssyncset.done $0x0;
	p0 =	sne.s32 s23, $0x9E00  }
.Ltmp1:
0x55: {  	s24 =	sadd.s32 $0x13C00, s24;
	[sflag:s19] =	ssyncadd.s32 $0xFFFFC000;
	(pc) =	sbr.rel @p0 .LBB2_4-.Ltmp1, $3  }
0x56: {  	[spmem:s3] =	stream.indirect.scatter.add.f32 [tilespmem:s20], [sflag:$0x1], $0x80, s24, s22, $0xb8;
	[tilespmem:$0x1C400] =	vst v63  }
0x57: {  	s23 =	sadd.s32 $0x200, s23;
	_ =	sdelay $0x1  }
0x58: {  	_ =	swait.ge [sflag:s19], $0x4000  }
0x59: {  	[sflag:s19] =	ssyncset.done $0x0;
	s23 =	sshll.u32 s0, $0x6;
	s4 =	sadd.s32 $0x1, s4  }
0x5a: {  	s24 =	sshrl.u32 s5, $0x3;
	[sflag:s19] =	ssyncadd.s32 $0xFFFFC000;
	p0 =	sne.s32 s4, s9  }
.Ltmp2:
0x5b: {  	s23 =	sor.u32 $0x1C01, s23;
	[bflag:$0x0] =	sbarrier.arrive $0xFFFF;
	(pc) =	sbr.rel @p0 .LBB2_1-.Ltmp2, $4  }
0x5c: {  	[hbm:s8], [sflag:s23] =	dma.local [spmem:s24], $0x2780  }
0x5d: {  	_ =	swait.ge [sflag:s19], $0x2780  }
0x5e: {  	[sflag:s19] =	ssyncset.done $0x0  }
0x5f: {  	[sflag:s19] =	ssyncadd.s32 $0xFFFFD880  }
0x60: {  	_ =	sfence.sel $0x180000  }
0x61: {  	[bflag:$0x0] =	sbarrier.arrive $0xFFFF  }
0x62: {  	p0 =	sne.s32 s0, $0x0;
	_ =	strace $0x90000047  }
0x63: {  	s0 =	sadd.s32 @!p0 $0x100000, s1;
	[bflag:$0x2] =	sbarrier.arrive $0xFFFF  }
0x64: {  	[sflag:s0] =	ssyncadd.tile.s32 @!p0 $0x1;
	_ =	shalt  }
.Lfunc_end2:
_tile_overlayer_lowered:
.L_overlay_start_2:
0x65: {  	(tag) =	ssettag $0x2  }
0x66: {  	s0 =	rddreg [dreg:$0x0];
	s2 =	stileid.u32  }
0x67: {  	s1 =	rddreg [dreg:$0x1];
	p0 =	sne.s32 s2, $0x0  }
0x68: {  	s3 =	rddreg [dreg:$0x2];
	[bflag:$0x3] =	sbarrier.arrive $0xFFFF;
	s2 =	simm.s32 @!p0 $0x1C01  }
0x69: {  	[timem:s3], [sflag:s2] =	dma.local @!p0 [hbm:s0], s1  }
0x6a: {  	s0 =	simm.s32 @!p0 $0x1  }
0x6b: {  	_ =	swait.ge @!p0 [sflag:s0], s1  }
0x6c: {  	s1 =	ssub.s32 @!p0 $0x0, s1;
	[sflag:s0] =	ssyncset.done @!p0 $0x0  }
0x6d: {  	[sflag:s0] =	ssyncadd.s32 @!p0 s1  }
0x6e: {  	[bflag:$0x3] =	sbarrier.arrive $0xFFFF  }
0x6f: {  	_ =	shalt  }

// kernel: kernel.18.cloned.1.call-start
scs
__scs_entry_jumppad:
0x0: {  	(pc) =	sbr.rel $0x88, $3  }
0x1: {  	(tag) =	ssettag $0x0;
	lr =	simm.s32 $0x1  }
0x2: {  	[smem:$0x3F91] =	sst lr;
	_ =	strace $0xD0000000  }
0x3: {  	_ = 	snop  }
0x4: {  	_ = 	snop  }
0x5: {  	_ = 	snop  }
0x6: {  	_ = 	snop  }
0x7: {  	_ = 	snop  }
__scs_overlays_trampoline_lowered:
0x8: {  	[smem:$0x3FA0] =	sst s0  }
0x9: {  	[smem:$0x3FA1] =	sst s1  }
0xa: {  	[smem:$0x3FA2] =	sst s2  }
0xb: {  	[smem:$0x3FA3] =	sst s3  }
0xc: {  	[smem:$0x3FA4] =	sst s4  }
0xd: {  	[smem:$0x3FA5] =	sst s5  }
0xe: {  	[smem:$0x3FA6] =	sst s6  }
0xf: {  	[smem:$0x3FA7] =	sst s7  }
0x10: {  	[smem:$0x3FA8] =	sst s8  }
0x11: {  	[smem:$0x3FA9] =	sst s9;
	s0 =	simm.s32 @!p0 $0x0  }
0x12: {  	s1 =	sld [smem:$0x3F8F];
	s0 =	simm.s32 @p0 $0x1  }
0x13: {  	[smem:$0x3FAA] =	sst s0;
	s0 =	simm.s32 @!p1 $0x0  }
0x14: {  	s2 =	sld [smem:$0x3F8E];
	s0 =	simm.s32 @p1 $0x1  }
0x15: {  	[smem:$0x3FAB] =	sst s0;
	s0 =	simm.s32 @!p2 $0x0  }
0x16: {  	s3 =	sld [smem:$0x3FDB];
	s0 =	simm.s32 @p2 $0x1  }
0x17: {  	s4 =	simm.s32 $0x1BF5;
	[smem:$0x3FAD] =	sst s0  }
0x18: {  	s0 =	sld [smem:$0x3F90];
	_ =	swait.ge [sflag:s4], $0x0  }
0x19: {  	s7 =	sld [smem:$0x3F91]  }
0x1a: {  	s8 =	sadd.s32 $0xFFFFE003, lr  }
0x1b: {  	s9 =	sadd.s32 $0xFFFFFEF7, lr;
	s5 =	simm.s32 $0xFFFFFFFF;
	p2 =	slt.u32 s8, $0xFFFFF086  }
0x1c: {  	p1 =	slt.u32 s9, $0xF7A;
	s5 =	simm.s32 @!p2 $0x0  }
0x1d: {  	s5 =	simm.s32 @p1 $0x1;
	p0 =	seq.s32 s7, s2  }
0x1e: {  	s7 =	smul.u32 @!p0 $0xF7A, s2;
	p2 =	seq.s32 @!p0 s5, $0x0  }
0x1f: {  	s9 =	smul.u32 $0xF7A, s1;
	s8 =	simm.s32 @!p0 $0x1BF5;
	p2 =	por !p2, p0  }
0x20: {  	[sflag:s8] =	ssyncset.s32 @!p0 $0xFFFFF086;
	s6 =	sadd.s32 @!p0 s3, s7;
	s7 =	simm.s32 @!p0 $0x108  }
0x21: {  	s3 =	sadd.s32 s3, s9;
	s6 =	sadd.s32 @!p0 $0x88, s6;
	s7 =	simm.s32 @p2 $0x1082  }
0x22: {  	[simem:s7], [sflag:s8] =	dma.local @!p0 [hbm:s6], $0xF7A  }
0x23: {  	s9 =	sor.u32 $0xD0000000, s2;
	s6 =	simm.s32 $0x108;
	_ =	swait.ge @!p0 [sflag:s8], $0x0  }
0x24: {  	s3 =	sadd.s32 $0x88, s3;
	s6 =	simm.s32 @!p1 $0x1082;
	[sflag:s4] =	ssyncset.s32 $0xFFFFF086  }
0x25: {  	[simem:s6], [sflag:s4] =	dma.local [hbm:s3], $0xF7A  }
0x26: {  	[smem:$0x3F91] =	sst s1;
	(tag) =	ssettag s2;
	_ =	strace s9  }
0x27: {  	s1 =	sld [smem:$0x3FA1]  }
0x28: {  	s2 =	sld [smem:$0x3FA2]  }
0x29: {  	s4 =	sld [smem:$0x3FA4]  }
0x2a: {  	p0 =	seq.s32 s5, $0x0;
	s5 =	sld [smem:$0x3FA5]  }
0x2b: {  	s6 =	sld [smem:$0x3FA6]  }
0x2c: {  	s7 =	sld [smem:$0x3FA7]  }
0x2d: {  	s3 =	simm.s32 $0x108;
	s8 =	sld [smem:$0x3FA8]  }
0x2e: {  	s3 =	simm.s32 @!p0 $0x1082;
	s9 =	sld [smem:$0x3FA9]  }
0x2f: {  	lr =	sadd.s32 s0, s3;
	s0 =	sld [smem:$0x3FA0]  }
0x30: {  	s3 =	sld [smem:$0x3FA3]  }
0x31: {  	[smem:$0x3FAC] =	sst s10  }
0x32: {  	s10 =	sld [smem:$0x3FAA];
	_ =	sdelay $0x3  }
0x33: {  	p0 =	seq.s32 s10, $0x1;
	s10 =	sld [smem:$0x3FAC];
	_ =	sdelay $0x3  }
0x34: {  	[smem:$0x3FAC] =	sst s10  }
0x35: {  	s10 =	sld [smem:$0x3FAB];
	_ =	sdelay $0x3  }
0x36: {  	p1 =	seq.s32 s10, $0x1;
	s10 =	sld [smem:$0x3FAC];
	_ =	sdelay $0x3  }
0x37: {  	[smem:$0x3FAC] =	sst s10  }
0x38: {  	s10 =	sld [smem:$0x3FAD]  }
0x39: {  	_ = 	snop;
	(pc) =	sbr.ind lr, $3  }
0x3a: {  	_ = 	snop  }
0x3b: {  	_ = 	snop  }
0x3c: {  	p2 =	seq.s32 s10, $0x1;
	s10 =	sld [smem:$0x3FAC]  }
0x3d: {  	_ =	shalt  }
0x3e: {  	_ =	shalt  }
0x3f: {  	_ =	shalt  }
0x40: {  	_ =	shalt  }
0x41: {  	_ =	shalt  }
0x42: {  	_ =	shalt  }
0x43: {  	_ =	shalt  }
0x44: {  	_ =	shalt  }
0x45: {  	_ =	shalt  }
0x46: {  	_ =	shalt  }
0x47: {  	_ =	shalt  }
0x48: {  	_ =	shalt  }
0x49: {  	_ =	shalt  }
0x4a: {  	_ =	shalt  }
0x4b: {  	_ =	shalt  }
0x4c: {  	_ =	shalt  }
0x4d: {  	_ =	shalt  }
0x4e: {  	_ =	shalt  }
0x4f: {  	_ =	shalt  }
0x50: {  	_ =	shalt  }
0x51: {  	_ =	shalt  }
0x52: {  	_ =	shalt  }
0x53: {  	_ =	shalt  }
0x54: {  	_ =	shalt  }
0x55: {  	_ =	shalt  }
0x56: {  	_ =	shalt  }
0x57: {  	_ =	shalt  }
0x58: {  	_ =	shalt  }
0x59: {  	_ =	shalt  }
0x5a: {  	_ =	shalt  }
0x5b: {  	_ =	shalt  }
0x5c: {  	_ =	shalt  }
0x5d: {  	_ =	shalt  }
0x5e: {  	_ =	shalt  }
0x5f: {  	_ =	shalt  }
0x60: {  	_ =	shalt  }
0x61: {  	_ =	shalt  }
0x62: {  	_ =	shalt  }
0x63: {  	_ =	shalt  }
0x64: {  	_ =	shalt  }
0x65: {  	_ =	shalt  }
0x66: {  	_ =	shalt  }
0x67: {  	_ =	shalt  }
0x68: {  	_ =	shalt  }
0x69: {  	_ =	shalt  }
0x6a: {  	_ =	shalt  }
0x6b: {  	_ =	shalt  }
0x6c: {  	_ =	shalt  }
0x6d: {  	_ =	shalt  }
0x6e: {  	_ =	shalt  }
0x6f: {  	_ =	shalt  }
0x70: {  	_ =	shalt  }
0x71: {  	_ =	shalt  }
0x72: {  	_ =	shalt  }
0x73: {  	_ =	shalt  }
0x74: {  	_ =	shalt  }
0x75: {  	_ =	shalt  }
0x76: {  	_ =	shalt  }
0x77: {  	_ =	shalt  }
0x78: {  	_ =	shalt  }
0x79: {  	_ =	shalt  }
0x7a: {  	_ =	shalt  }
0x7b: {  	_ =	shalt  }
0x7c: {  	_ =	shalt  }
0x7d: {  	_ =	shalt  }
0x7e: {  	_ =	shalt  }
0x7f: {  	_ =	shalt  }
0x80: {  	_ =	shalt  }
0x81: {  	_ =	shalt  }
0x82: {  	_ =	shalt  }
0x83: {  	_ =	shalt  }
0x84: {  	_ =	shalt  }
0x85: {  	_ =	shalt  }
0x86: {  	_ =	shalt  }
0x87: {  	_ =	shalt  }
.Lfunc_end0:
.L_simem_size_0:
called_computation.1_lowered:
.L_overlay_start_0:
0x88: {  	s2 =	sld [smem:$0x3FD9]  }
0x89: {  	s3 =	sld [smem:$0x3FFE];
	_ =	sdelay $0x1  }
0x8a: {  	s1 =	srdreg.scid  }
0x8b: {  	s0 =	sand.u32 $0x1, s1  }
0x8c: {  	s17 =	sshll.u32 s0, $0xA;
	s2 =	sadd.s32 s3, s2  }
0x8d: {  	s2 =	sadd.s32 s2, s17  }
0x8e: {  	[smem:$0x3FB8] =	sst s2  }
0x8f: {  	_ = 	snop  }
0x90: {  	s2 =	sld [smem:$0x3FD0];
	(tm) =	ssettm $0x1  }
0x91: {  	s18 =	sld [smem:$0x3FFB];
	_ =	sdelay $0x3  }
0x92: {  	_ =	strace s18  }
0x93: {  	s3 =	sld [smem:$0x3FFC];
	_ =	sdelay $0x3  }
0x94: {  	_ =	strace s3  }
0x95: {  	s3 =	sld [smem:$0x3FFD];
	_ =	sdelay $0x3  }
0x96: {  	_ =	strace s3  }
0x97: {  	_ =	strace $0x8FFFFFFF  }
0x98: {  	s19 =	sld [smem:$0x3FDB];
	_ =	sdelay $0x1  }
0x99: {  	s4 =	simm.s32 $_scs_section_size  }
0x9a: {  	s5 =	simm.s32 $_size__tile_overlayer_lowered;
	s6 =	simm.s32 $_tile_overlayer_lowered  }
0x9b: {  	s22 =	simm.s32 $0x1BFF;
	s21 =	sshll.u32 s6, $0x1;
	s3 =	sadd.s32 s4, s19  }
0x9c: {  	s7 =	simm.s32 $0x0;
	s20 =	sshll.u32 s5, $0x1;
	s5 =	sadd.s32 s21, s3  }
0x9d: {  	[timem:s7], [sflag:s22] =	dma.local [hbm:s5], s20  }
0x9e: {  	_ =	swait.ge [sflag:s22], s20  }
0x9f: {  	s4 =	ssub.s32 $0x0, s20;
	[sflag:s22] =	ssyncset.done $0x0  }
0xa0: {  	[sflag:s22] =	ssyncadd.s32 s4;
	_ =	sdelay $0x1  }
0xa1: {  	s23 =	simm.s32 $0x1B8B  }
0xa2: {  	_ =	swait.ge [sflag:s23], $0x1  }
0xa3: {  	[sflag:s23] =	ssyncset.done $0x0  }
0xa4: {  	s25 =	simm.s32 $0x1B8E;
	s24 =	sld [smem:$0x3FFE];
	[sflag:s23] =	ssyncadd.s32 $0xFFFFFFFF  }
0xa5: {  	s26 =	simm.s32 $execute0_lowered;
	[smem:$0x3FD2] =	sst s25  }
0xa6: {  	s5 =	sshll.u32 s26, $0x1;
	_ =	strace $0x80000049;
	[dreg:$0x1] =	wrdreg $0xFFFFFFFF  }
0xa7: {  	s28 =	simm.s32 $_size_execute0_lowered;
	s3 =	sadd.s32 s3, s5;
	[dreg:$0x0] =	wrdreg $0x0  }
0xa8: {  	s5 =	sshll.u32 s28, $0x1;
	[dreg:$0x2] =	wrdreg s3  }
0xa9: {  	[dreg:$0x3] =	wrdreg s5  }
0xaa: {  	[dreg:$0x4] =	wrdreg $0xC0  }
0xab: {  	_ =	task [dreg:s7], $0x5FFFF  }
0xac: {  	[dreg:$0x1] =	wrdreg $0xFFFFFFFF  }
0xad: {  	[dreg:$0x0] =	wrdreg $0x60  }
0xae: {  	[dreg:$0x2] =	wrdreg s2  }
0xaf: {  	[dreg:$0x3] =	wrdreg s24  }
0xb0: {  	[dreg:$0x4] =	wrdreg $0x0  }
0xb1: {  	[dreg:$0x5] =	wrdreg $0x9  }
0xb2: {  	_ =	task.clear_ibuf [dreg:s7], $0x6FFFF;
	_ =	strace $0x90000049  }
0xb3: {  	s29 =	simm.s32 $0x9;
	_ =	strace $0x8000004B  }
0xb4: {  	_ =	swait.ge [sflag:s29], $0x1  }
0xb5: {  	[sflag:s29] =	ssyncadd.s32 $0xFFFFFFFF  }
0xb6: {  	_ =	strace $0x9000004B  }
0xb7: {  	_ =	sfence  }
0xb8: {  	s30 =	sld [smem:$0x0];
	_ =	sdelay $0x2  }
0xb9: {  	s31 =	sshll.u32 s1, $0xD;
	s1 =	sshrl.u32 s1, $0x2  }
0xba: {  	s3 =	sand.u32 $0x4000, s31;
	s1 =	sadd.s32 s1, s30  }
0xbb: {  	s0 =	sor.u32 s3, s0;
	s1 =	sshll.u32 s1, $0x11  }
0xbc: {  	s0 =	sor.u32 s1, s0  }
0xbd: {  	s0 =	sadd.s32 $0x8F2B, s0  }
0xbe: {  	[sflag:s0] =	ssyncadd.remote.s32 $0x1  }
0xbf: {  	_ =	sfence.sel $0xFFFF  }
0xc0: {  	[dreg:$0x0] =	wrdreg $0xFFFFFFFF;
	(pc) =	sbr.abs _section_cstart, $3  }
0xc1: {  	[dreg:$0x1] =	wrdreg $0xFFFFFFFF  }
0xc2: {  	_ =	task.clear_ibuf [dreg:s7], $0x2FFFF;
	_ =	strace $0x9FFFFFFF  }
0xc3: {  	(tm) =	ssettm $0x7FFFFFFF  }
tec
execute0_lowered:
.L_overlay_start_1:
0x0: {  	(tag) =	ssettag $0x1  }
0x1: {  	s2 =	rddreg [dreg:$0x0]  }
0x2: {  	s6 =	rddreg [dreg:$0x1]  }
0x3: {  	s0 =	srdreg.scid;
	s3 =	rddreg [dreg:$0x2]  }
0x4: {  	s4 =	simm.s32 $0x0;
	s15 =	simm.s32 $0x17800;
	s16 =	simm.s32 $0x3  }
0x5: {  	s17 =	simm.s32 $0x13C00;
	s18 =	simm.s32 $0x16400;
	s19 =	simm.s32 $0x80  }
0x6: {  	s20 =	simm.s32 $0x13C80;
	s21 =	simm.s32 $0x1B800;
	s22 =	simm.s32 $0x1  }
0x7: {  	s23 =	simm.s32 $0x2;
	s24 =	simm.s32 $0x17700;
	s5 =	sand.u32 $0x1, s0  }
0x8: {  	s25 =	simm.s32 $0x17780;
	s0 =	stileid.u32;
	s8 =	smul.u32 $0x13C000, s5  }
0x9: {  	[smem:$0x7FF] =	sst s4;
	s1 =	sshll.u32 s5, $0x4;
	s9 =	smul.u32 $0x13C00, s0  }
0xa: {  	s10 =	smul.u32 $0x4F000, s0;
	s28 =	ssub.s32 $0x2, s5;
	s1 =	sor.u32 s0, s1  }
0xb: {  	s31 =	sshrl.u32 s28, $0x1;
	s7 =	smul.u32 $0x2800, s1;
	s1 =	rddreg [dreg:$0x3]  }
0xc: {  	_ =	strace $0x8000004A;
	s26 =	sadd.s32 s9, s8;
	s29 =	sshrl.u32 s10, $0x2  }
0xd: {  	s12 =	ssub.s32 s28, s31;
	s5 =	sadd.s32 s29, s3;
	s7 =	sshrl.u32 s7, $0x3  }
0xe: {  	s13 =	sadd.s32 $0x8000, s5;
	s11 =	sadd.s32 s7, s6;
	s7 =	sshrl.u32 s26, $0x3  }
0xf: {  	s14 =	sadd.s32 $0xC000, s5;
	s30 =	sadd.s32 s7, s6;
	s6 =	sadd.s32 $0x10000, s5  }
0x10: {  	s7 =	sadd.s32 $0x5E400, s11;
	s8 =	sadd.s32 $0x5400, s11;
	s9 =	sadd.s32 $0x5680, s11  }
0x11: {  	v0 =	vimm.f32 $0.0e+00;
	s11 =	smax.u32 s12, $0x1;
	s12 =	sadd.s32 $0x4000, s5;
	s10 =	sadd.s32 $0xF400, s30  }
.LBB2_1:
0x12: {  	s26 =	simm.s32 $0x0;
	s28 =	simm.s32 $0x200  }
.LBB2_2:
0x13: {  	p0 =	sne.s32 s28, $0xFE00;
	[tilespmem:s26+$0x17870] =	vst v0  }
0x14: {  	[tilespmem:s26+$0x17800] =	vst v0  }
0x15: {  	[tilespmem:s26+$0x17810] =	vst v0  }
.Ltmp0:
0x16: {  	[tilespmem:s26+$0x17820] =	vst v0;
	(pc) =	sbr.rel @p0 .LBB2_2-.Ltmp0, $4  }
0x17: {  	[tilespmem:s26+$0x17830] =	vst v0  }
0x18: {  	[tilespmem:s26+$0x17840] =	vst v0  }
0x19: {  	[tilespmem:s26+$0x17850] =	vst v0  }
0x1a: {  	[tilespmem:s26+$0x17860] =	vst v0;
	s26 =	sshra.s32 s28, $0x2;
	s28 =	sadd.s32 $0x200, s28  }
0x1b: {  	[tilespmem:s26+$0x17870] =	vst v0  }
0x1c: {  	[tilespmem:s26+$0x17800] =	vst v0  }
0x1d: {  	[tilespmem:s26+$0x17810] =	vst v0  }
0x1e: {  	[tilespmem:s26+$0x17820] =	vst v0  }
0x1f: {  	[tilespmem:s26+$0x17830] =	vst v0  }
0x20: {  	[tilespmem:s26+$0x17840] =	vst v0  }
0x21: {  	[tilespmem:s26+$0x17850] =	vst v0  }
0x22: {  	[tilespmem:s26+$0x17860] =	vst v0  }
0x23: {  	[spmem:s5] =	stream.linear.scatter [tilespmem:s15], [sflag:$0x3], $0x4000, $0x38;
	[tilespmem:$0x1F800] =	vst v63  }
0x24: {  	_ =	swait.ge [sflag:s16], $0x4000  }
0x25: {  	[sflag:s16] =	ssyncset.done $0x0  }
0x26: {  	[sflag:s16] =	ssyncadd.s32 $0xFFFFC000  }
0x27: {  	[spmem:s12] =	stream.linear.scatter [tilespmem:s15], [sflag:$0x3], $0x4000, $0x38;
	[tilespmem:$0x1F800] =	vst v63  }
0x28: {  	_ =	swait.ge [sflag:s16], $0x4000  }
0x29: {  	[sflag:s16] =	ssyncset.done $0x0  }
0x2a: {  	[sflag:s16] =	ssyncadd.s32 $0xFFFFC000  }
0x2b: {  	[spmem:s13] =	stream.linear.scatter [tilespmem:s15], [sflag:$0x3], $0x4000, $0x38;
	[tilespmem:$0x1F800] =	vst v63  }
0x2c: {  	_ =	swait.ge [sflag:s16], $0x4000  }
0x2d: {  	[sflag:s16] =	ssyncset.done $0x0  }
0x2e: {  	[sflag:s16] =	ssyncadd.s32 $0xFFFFC000  }
0x2f: {  	[spmem:s14] =	stream.linear.scatter [tilespmem:s15], [sflag:$0x3], $0x4000, $0x38;
	[tilespmem:$0x1F800] =	vst v63  }
0x30: {  	_ =	swait.ge [sflag:s16], $0x4000  }
0x31: {  	[sflag:s16] =	ssyncset.done $0x0  }
0x32: {  	[sflag:s16] =	ssyncadd.s32 $0xFFFFC000  }
0x33: {  	[spmem:s6] =	stream.linear.scatter [tilespmem:s15], [sflag:$0x3], $0x3C00, $0x38;
	[tilespmem:$0x1F800] =	vst v63  }
0x34: {  	_ =	swait.ge [sflag:s16], $0x3C00  }
0x35: {  	[sflag:s16] =	ssyncset.done $0x0  }
0x36: {  	[sflag:s16] =	ssyncadd.s32 $0xFFFFC400  }
0x37: {  	s31 =	simm.s32 $0x0;
	[bflag:$0x0] =	sbarrier.arrive $0xFFFF  }
0x38: {  	[tilespmem:s17], [sflag:$0x3] =	stream.linear.gather [hbm4b:s7+s31], $0x2800, $0x38;
	[tilespmem:$0x1F800] =	vst v63  }
0x39: {  	_ =	swait.ge [sflag:s16], $0x2800  }
0x3a: {  	[sflag:s16] =	ssyncset.done $0x0  }
0x3b: {  	[sflag:s16] =	ssyncadd.s32 $0xFFFFD800  }
0x3c: {  	[tilespmem:s18], [sflag:$0x3] =	stream.linear.gather [hbm4b:s8+s31], $0x1400, $0x38;
	[tilespmem:$0x1F800] =	vst v63  }
0x3d: {  	_ =	swait.ge [sflag:s16], $0x1400  }
0x3e: {  	[sflag:s16] =	ssyncset.done $0x0  }
0x3f: {  	[sflag:s16] =	ssyncadd.s32 $0xFFFFEC00  }
0x40: {  	[tilespmem:s15], [sflag:$0x1] =	stream.indirect.gather [hbm4b:s2+s19], $0x80, s17, s19, $0xb8;
	[tilespmem:$0x1F800] =	vst v63  }
0x41: {  	_ = 	snop  }
0x42: {  	[tilespmem:s21], [sflag:$0x2] =	stream.indirect.gather [hbm4b:s2+s19], $0x80, s20, s19, $0xb8;
	[tilespmem:$0x1F800] =	vst v63  }
0x43: {  	_ =	swait.ge [sflag:s22], $0x4000  }
0x44: {  	[sflag:s22] =	ssyncset.done $0x0  }
0x45: {  	s29 =	simm.s32 $0x16400;
	[sflag:s22] =	ssyncadd.s32 $0xFFFFC000  }
0x46: {  	[spmem:s3] =	stream.indirect.scatter.add.f32 [tilespmem:s15], [sflag:$0x3], $0x80, s29, s19, $0xb8;
	[tilespmem:$0x1F800] =	vst v63  }
0x47: {  	_ =	swait.ge [sflag:s16], $0x4000  }
0x48: {  	[sflag:s16] =	ssyncset.done $0x0  }
0x49: {  	s30 =	simm.s32 $0x13D00;
	[sflag:s16] =	ssyncadd.s32 $0xFFFFC000  }
0x4a: {  	[tilespmem:s15], [sflag:$0x1] =	stream.indirect.gather [hbm4b:s2+s19], $0x80, s30, s19, $0xb8;
	[tilespmem:$0x1F800] =	vst v63  }
0x4b: {  	_ =	swait.ge [sflag:s23], $0x4000  }
0x4c: {  	[sflag:s23] =	ssyncset.done $0x0  }
0x4d: {  	s31 =	simm.s32 $0x16480;
	[sflag:s23] =	ssyncadd.s32 $0xFFFFC000  }
0x4e: {  	[spmem:s3] =	stream.indirect.scatter.add.f32 [tilespmem:s21], [sflag:$0x3], $0x80, s31, s19, $0xb8;
	[tilespmem:$0x1F800] =	vst v63  }
0x4f: {  	_ =	swait.ge [sflag:s16], $0x4000  }
0x50: {  	[sflag:s16] =	ssyncset.done $0x0  }
0x51: {  	s26 =	simm.s32 $0x400;
	s28 =	simm.s32 $0x13D80;
	[sflag:s16] =	ssyncadd.s32 $0xFFFFC000  }
.LBB2_4:
0x52: {  	[tilespmem:s21], [sflag:$0x2] =	stream.indirect.gather [hbm4b:s2+s19], $0x80, s28, s19, $0xb8;
	[tilespmem:$0x1F800] =	vst v63  }
0x53: {  	s28 =	smov.u32 s26  }
0x54: {  	p0 =	sne.s32 s26, $0x4C00;
	s26 =	sadd.s32 $0x400, s26;
	_ =	swait.ge [sflag:s22], $0x4000  }
0x55: {  	s28 =	sshra.s32 s28, $0x2;
	[sflag:s22] =	ssyncset.done $0x0  }
0x56: {  	s29 =	sadd.s32 $0x16400, s28;
	[sflag:s22] =	ssyncadd.s32 $0xFFFFC000  }
0x57: {  	[spmem:s3] =	stream.indirect.scatter.add.f32 [tilespmem:s15], [sflag:$0x3], $0x80, s29, s19, $0xb8;
	[tilespmem:$0x1F800] =	vst v63  }
0x58: {  	_ =	swait.ge [sflag:s16], $0x4000  }
0x59: {  	[sflag:s16] =	ssyncset.done $0x0  }
0x5a: {  	s29 =	sadd.s32 $0x13D00, s28;
	[sflag:s16] =	ssyncadd.s32 $0xFFFFC000  }
0x5b: {  	[tilespmem:s15], [sflag:$0x1] =	stream.indirect.gather [hbm4b:s2+s19], $0x80, s29, s19, $0xb8;
	[tilespmem:$0x1F800] =	vst v63  }
0x5c: {  	_ =	swait.ge [sflag:s23], $0x4000  }
0x5d: {  	[sflag:s23] =	ssyncset.done $0x0  }
.Ltmp1:
0x5e: {  	s29 =	sadd.s32 $0x16480, s28;
	[sflag:s23] =	ssyncadd.s32 $0xFFFFC000;
	(pc) =	sbr.rel @p0 .LBB2_4-.Ltmp1, $4  }
0x5f: {  	[spmem:s3] =	stream.indirect.scatter.add.f32 [tilespmem:s21], [sflag:$0x3], $0x80, s29, s19, $0xb8;
	[tilespmem:$0x1F800] =	vst v63  }
0x60: {  	_ =	swait.ge [sflag:s16], $0x4000  }
0x61: {  	[sflag:s16] =	ssyncset.done $0x0  }
0x62: {  	s28 =	sadd.s32 $0x13D80, s28;
	[sflag:s16] =	ssyncadd.s32 $0xFFFFC000  }
0x63: {  	[tilespmem:s21], [sflag:$0x2] =	stream.indirect.gather [hbm4b:s2+s19], $0x80, s28, s19, $0xb8;
	[tilespmem:$0x1F800] =	vst v63  }
0x64: {  	s26 =	simm.s32 $0x0  }
0x65: {  	[tilespmem:s18], [sflag:$0x3] =	stream.linear.gather [hbm4b:s9+s26], $0x1400, $0x38;
	[tilespmem:$0x1F800] =	vst v63  }
0x66: {  	_ =	swait.ge [sflag:s16], $0x1400  }
0x67: {  	[sflag:s16] =	ssyncset.done $0x0  }
0x68: {  	[sflag:s16] =	ssyncadd.s32 $0xFFFFEC00  }
0x69: {  	_ =	swait.ge [sflag:s22], $0x4000  }
0x6a: {  	[sflag:s22] =	ssyncset.done $0x0  }
0x6b: {  	s29 =	simm.s32 $0x16400;
	[sflag:s22] =	ssyncadd.s32 $0xFFFFC000  }
0x6c: {  	[spmem:s3] =	stream.indirect.scatter.add.f32 [tilespmem:s15], [sflag:$0x3], $0x80, s29, s19, $0xb8;
	[tilespmem:$0x1F800] =	vst v63  }
0x6d: {  	_ =	swait.ge [sflag:s16], $0x4000  }
0x6e: {  	[sflag:s16] =	ssyncset.done $0x0  }
0x6f: {  	s30 =	simm.s32 $0x15100;
	[sflag:s16] =	ssyncadd.s32 $0xFFFFC000  }
0x70: {  	[tilespmem:s15], [sflag:$0x1] =	stream.indirect.gather [hbm4b:s2+s19], $0x80, s30, s19, $0xb8;
	[tilespmem:$0x1F800] =	vst v63  }
0x71: {  	_ =	swait.ge [sflag:s23], $0x4000  }
0x72: {  	[sflag:s23] =	ssyncset.done $0x0  }
0x73: {  	s31 =	simm.s32 $0x16480;
	[sflag:s23] =	ssyncadd.s32 $0xFFFFC000  }
0x74: {  	[spmem:s3] =	stream.indirect.scatter.add.f32 [tilespmem:s21], [sflag:$0x3], $0x80, s31, s19, $0xb8;
	[tilespmem:$0x1F800] =	vst v63  }
0x75: {  	_ =	swait.ge [sflag:s16], $0x4000  }
0x76: {  	[sflag:s16] =	ssyncset.done $0x0  }
0x77: {  	s28 =	simm.s32 $0x15180;
	s26 =	simm.s32 $0x400;
	[sflag:s16] =	ssyncadd.s32 $0xFFFFC000  }
.LBB2_6:
0x78: {  	[tilespmem:s21], [sflag:$0x2] =	stream.indirect.gather [hbm4b:s2+s19], $0x80, s28, s19, $0xb8;
	[tilespmem:$0x1F800] =	vst v63  }
0x79: {  	s28 =	smov.u32 s26  }
0x7a: {  	p0 =	sne.s32 s26, $0x4800;
	s26 =	sadd.s32 $0x400, s26;
	_ =	swait.ge [sflag:s22], $0x4000  }
0x7b: {  	s28 =	sshra.s32 s28, $0x2;
	[sflag:s22] =	ssyncset.done $0x0  }
0x7c: {  	s29 =	sadd.s32 $0x16400, s28;
	[sflag:s22] =	ssyncadd.s32 $0xFFFFC000  }
0x7d: {  	[spmem:s3] =	stream.indirect.scatter.add.f32 [tilespmem:s15], [sflag:$0x3], $0x80, s29, s19, $0xb8;
	[tilespmem:$0x1F800] =	vst v63  }
0x7e: {  	_ =	swait.ge [sflag:s16], $0x4000  }
0x7f: {  	[sflag:s16] =	ssyncset.done $0x0  }
0x80: {  	s29 =	sadd.s32 $0x15100, s28;
	[sflag:s16] =	ssyncadd.s32 $0xFFFFC000  }
0x81: {  	[tilespmem:s15], [sflag:$0x1] =	stream.indirect.gather [hbm4b:s2+s19], $0x80, s29, s19, $0xb8;
	[tilespmem:$0x1F800] =	vst v63  }
0x82: {  	_ =	swait.ge [sflag:s23], $0x4000  }
0x83: {  	[sflag:s23] =	ssyncset.done $0x0  }
.Ltmp2:
0x84: {  	s29 =	sadd.s32 $0x16480, s28;
	[sflag:s23] =	ssyncadd.s32 $0xFFFFC000;
	(pc) =	sbr.rel @p0 .LBB2_6-.Ltmp2, $4  }
0x85: {  	[spmem:s3] =	stream.indirect.scatter.add.f32 [tilespmem:s21], [sflag:$0x3], $0x80, s29, s19, $0xb8;
	[tilespmem:$0x1F800] =	vst v63  }
0x86: {  	_ =	swait.ge [sflag:s16], $0x4000  }
0x87: {  	[sflag:s16] =	ssyncset.done $0x0  }
0x88: {  	s28 =	sadd.s32 $0x15180, s28;
	[sflag:s16] =	ssyncadd.s32 $0xFFFFC000  }
0x89: {  	[tilespmem:s21], [sflag:$0x2] =	stream.indirect.gather [hbm4b:s2+s19], $0x80, s28, s19, $0xb8;
	[tilespmem:$0x1F800] =	vst v63  }
0x8a: {  	_ =	swait.ge [sflag:s22], $0x4000  }
0x8b: {  	[sflag:s22] =	ssyncset.done $0x0  }
0x8c: {  	[sflag:s22] =	ssyncadd.s32 $0xFFFFC000  }
0x8d: {  	[spmem:s3] =	stream.indirect.scatter.add.f32 [tilespmem:s15], [sflag:$0x3], $0x80, s24, s19, $0xb8;
	[tilespmem:$0x1F800] =	vst v63  }
0x8e: {  	_ =	swait.ge [sflag:s16], $0x4000  }
0x8f: {  	[sflag:s16] =	ssyncset.done $0x0  }
0x90: {  	[sflag:s16] =	ssyncadd.s32 $0xFFFFC000  }
0x91: {  	[tilespmem:s15], [sflag:$0x1] =	stream.indirect.gather [hbm4b:s2+s19], $0x80, s17, s19, $0xb8;
	[tilespmem:$0x1F800] =	vst v63  }
0x92: {  	_ =	swait.ge [sflag:s23], $0x4000  }
0x93: {  	[sflag:s23] =	ssyncset.done $0x0  }
0x94: {  	[sflag:s23] =	ssyncadd.s32 $0xFFFFC000  }
0x95: {  	[spmem:s3] =	stream.indirect.scatter.add.f32 [tilespmem:s21], [sflag:$0x3], $0x80, s25, s19, $0xb8;
	[tilespmem:$0x1F800] =	vst v63  }
0x96: {  	_ =	swait.ge [sflag:s16], $0x4000  }
0x97: {  	[sflag:s16] =	ssyncset.done $0x0  }
0x98: {  	[sflag:s16] =	ssyncadd.s32 $0xFFFFC000  }
0x99: {  	[tilespmem:s21], [sflag:$0x2] =	stream.indirect.gather [hbm4b:s2+s19], $0x80, s20, s19, $0xb8;
	[tilespmem:$0x1F800] =	vst v63  }
0x9a: {  	_ =	swait.ge [sflag:s22], $0x4000  }
0x9b: {  	[sflag:s22] =	ssyncset.done $0x0  }
0x9c: {  	[sflag:s22] =	ssyncadd.s32 $0xFFFFC000  }
0x9d: {  	_ =	swait.ge [sflag:s23], $0x4000  }
0x9e: {  	s26 =	sshll.u32 s0, $0x6;
	s4 =	sadd.s32 $0x1, s4;
	[sflag:s23] =	ssyncset.done $0x0  }
0x9f: {  	s31 =	sshrl.u32 s5, $0x3;
	p0 =	sne.s32 s4, s11;
	[sflag:s23] =	ssyncadd.s32 $0xFFFFC000  }
.Ltmp3:
0xa0: {  	s26 =	sor.u32 $0x1C03, s26;
	[bflag:$0x0] =	sbarrier.arrive $0xFFFF;
	(pc) =	sbr.rel @p0 .LBB2_1-.Ltmp3, $4  }
0xa1: {  	[hbm:s10], [sflag:s26] =	dma.local [spmem:s31], $0x2780  }
0xa2: {  	_ =	swait.ge [sflag:s16], $0x2780  }
0xa3: {  	[sflag:s16] =	ssyncset.done $0x0  }
0xa4: {  	[sflag:s16] =	ssyncadd.s32 $0xFFFFD880  }
0xa5: {  	_ =	sfence.sel $0x180000  }
0xa6: {  	[bflag:$0x0] =	sbarrier.arrive $0xFFFF  }
0xa7: {  	p0 =	sne.s32 s0, $0x0;
	_ =	strace $0x9000004A  }
0xa8: {  	s0 =	sadd.s32 @!p0 $0x100000, s1;
	[bflag:$0x2] =	sbarrier.arrive $0xFFFF  }
0xa9: {  	[sflag:s0] =	ssyncadd.tile.s32 @!p0 $0x1;
	_ =	shalt  }
.Lfunc_end2:
_tile_overlayer_lowered:
.L_overlay_start_2:
0xaa: {  	(tag) =	ssettag $0x2  }
0xab: {  	s0 =	rddreg [dreg:$0x0];
	s2 =	stileid.u32  }
0xac: {  	s1 =	rddreg [dreg:$0x1];
	p0 =	sne.s32 s2, $0x0  }
0xad: {  	s3 =	rddreg [dreg:$0x2];
	[bflag:$0x3] =	sbarrier.arrive $0xFFFF;
	s2 =	simm.s32 @!p0 $0x1C03  }
0xae: {  	[timem:s3], [sflag:s2] =	dma.local @!p0 [hbm:s0], s1  }
0xaf: {  	s0 =	simm.s32 @!p0 $0x3  }
0xb0: {  	_ =	swait.ge @!p0 [sflag:s0], s1  }
0xb1: {  	s1 =	ssub.s32 @!p0 $0x0, s1;
	[sflag:s0] =	ssyncset.done @!p0 $0x0  }
0xb2: {  	[sflag:s0] =	ssyncadd.s32 @!p0 s1  }
0xb3: {  	[bflag:$0x3] =	sbarrier.arrive $0xFFFF  }
0xb4: {  	_ =	shalt  }

// kernel: kernel.21.cloned.1.call-start
scs
__scs_entry_jumppad:
0x0: {  	(pc) =	sbr.rel $0x88, $3  }
0x1: {  	(tag) =	ssettag $0x0;
	lr =	simm.s32 $0x1  }
0x2: {  	[smem:$0x3F91] =	sst lr;
	_ =	strace $0xD0000000  }
0x3: {  	_ = 	snop  }
0x4: {  	_ = 	snop  }
0x5: {  	_ = 	snop  }
0x6: {  	_ = 	snop  }
0x7: {  	_ = 	snop  }
__scs_overlays_trampoline_lowered:
0x8: {  	[smem:$0x3FA0] =	sst s0  }
0x9: {  	[smem:$0x3FA1] =	sst s1  }
0xa: {  	[smem:$0x3FA2] =	sst s2  }
0xb: {  	[smem:$0x3FA3] =	sst s3  }
0xc: {  	[smem:$0x3FA4] =	sst s4  }
0xd: {  	[smem:$0x3FA5] =	sst s5  }
0xe: {  	[smem:$0x3FA6] =	sst s6  }
0xf: {  	[smem:$0x3FA7] =	sst s7  }
0x10: {  	[smem:$0x3FA8] =	sst s8  }
0x11: {  	[smem:$0x3FA9] =	sst s9;
	s0 =	simm.s32 @!p0 $0x0  }
0x12: {  	s1 =	sld [smem:$0x3F8F];
	s0 =	simm.s32 @p0 $0x1  }
0x13: {  	[smem:$0x3FAA] =	sst s0;
	s0 =	simm.s32 @!p1 $0x0  }
0x14: {  	s2 =	sld [smem:$0x3F8E];
	s0 =	simm.s32 @p1 $0x1  }
0x15: {  	[smem:$0x3FAB] =	sst s0;
	s0 =	simm.s32 @!p2 $0x0  }
0x16: {  	s3 =	sld [smem:$0x3FDB];
	s0 =	simm.s32 @p2 $0x1  }
0x17: {  	s4 =	simm.s32 $0x1BF5;
	[smem:$0x3FAD] =	sst s0  }
0x18: {  	s0 =	sld [smem:$0x3F90];
	_ =	swait.ge [sflag:s4], $0x0  }
0x19: {  	s7 =	sld [smem:$0x3F91]  }
0x1a: {  	s8 =	sadd.s32 $0xFFFFE003, lr  }
0x1b: {  	s9 =	sadd.s32 $0xFFFFFEF7, lr;
	s5 =	simm.s32 $0xFFFFFFFF;
	p2 =	slt.u32 s8, $0xFFFFF086  }
0x1c: {  	p1 =	slt.u32 s9, $0xF7A;
	s5 =	simm.s32 @!p2 $0x0  }
0x1d: {  	s5 =	simm.s32 @p1 $0x1;
	p0 =	seq.s32 s7, s2  }
0x1e: {  	s7 =	smul.u32 @!p0 $0xF7A, s2;
	p2 =	seq.s32 @!p0 s5, $0x0  }
0x1f: {  	s9 =	smul.u32 $0xF7A, s1;
	s8 =	simm.s32 @!p0 $0x1BF5;
	p2 =	por !p2, p0  }
0x20: {  	[sflag:s8] =	ssyncset.s32 @!p0 $0xFFFFF086;
	s6 =	sadd.s32 @!p0 s3, s7;
	s7 =	simm.s32 @!p0 $0x108  }
0x21: {  	s3 =	sadd.s32 s3, s9;
	s6 =	sadd.s32 @!p0 $0x88, s6;
	s7 =	simm.s32 @p2 $0x1082  }
0x22: {  	[simem:s7], [sflag:s8] =	dma.local @!p0 [hbm:s6], $0xF7A  }
0x23: {  	s9 =	sor.u32 $0xD0000000, s2;
	s6 =	simm.s32 $0x108;
	_ =	swait.ge @!p0 [sflag:s8], $0x0  }
0x24: {  	s3 =	sadd.s32 $0x88, s3;
	s6 =	simm.s32 @!p1 $0x1082;
	[sflag:s4] =	ssyncset.s32 $0xFFFFF086  }
0x25: {  	[simem:s6], [sflag:s4] =	dma.local [hbm:s3], $0xF7A  }
0x26: {  	[smem:$0x3F91] =	sst s1;
	(tag) =	ssettag s2;
	_ =	strace s9  }
0x27: {  	s1 =	sld [smem:$0x3FA1]  }
0x28: {  	s2 =	sld [smem:$0x3FA2]  }
0x29: {  	s4 =	sld [smem:$0x3FA4]  }
0x2a: {  	p0 =	seq.s32 s5, $0x0;
	s5 =	sld [smem:$0x3FA5]  }
0x2b: {  	s6 =	sld [smem:$0x3FA6]  }
0x2c: {  	s7 =	sld [smem:$0x3FA7]  }
0x2d: {  	s3 =	simm.s32 $0x108;
	s8 =	sld [smem:$0x3FA8]  }
0x2e: {  	s3 =	simm.s32 @!p0 $0x1082;
	s9 =	sld [smem:$0x3FA9]  }
0x2f: {  	lr =	sadd.s32 s0, s3;
	s0 =	sld [smem:$0x3FA0]  }
0x30: {  	s3 =	sld [smem:$0x3FA3]  }
0x31: {  	[smem:$0x3FAC] =	sst s10  }
0x32: {  	s10 =	sld [smem:$0x3FAA];
	_ =	sdelay $0x3  }
0x33: {  	p0 =	seq.s32 s10, $0x1;
	s10 =	sld [smem:$0x3FAC];
	_ =	sdelay $0x3  }
0x34: {  	[smem:$0x3FAC] =	sst s10  }
0x35: {  	s10 =	sld [smem:$0x3FAB];
	_ =	sdelay $0x3  }
0x36: {  	p1 =	seq.s32 s10, $0x1;
	s10 =	sld [smem:$0x3FAC];
	_ =	sdelay $0x3  }
0x37: {  	[smem:$0x3FAC] =	sst s10  }
0x38: {  	s10 =	sld [smem:$0x3FAD]  }
0x39: {  	_ = 	snop;
	(pc) =	sbr.ind lr, $3  }
0x3a: {  	_ = 	snop  }
0x3b: {  	_ = 	snop  }
0x3c: {  	p2 =	seq.s32 s10, $0x1;
	s10 =	sld [smem:$0x3FAC]  }
0x3d: {  	_ =	shalt  }
0x3e: {  	_ =	shalt  }
0x3f: {  	_ =	shalt  }
0x40: {  	_ =	shalt  }
0x41: {  	_ =	shalt  }
0x42: {  	_ =	shalt  }
0x43: {  	_ =	shalt  }
0x44: {  	_ =	shalt  }
0x45: {  	_ =	shalt  }
0x46: {  	_ =	shalt  }
0x47: {  	_ =	shalt  }
0x48: {  	_ =	shalt  }
0x49: {  	_ =	shalt  }
0x4a: {  	_ =	shalt  }
0x4b: {  	_ =	shalt  }
0x4c: {  	_ =	shalt  }
0x4d: {  	_ =	shalt  }
0x4e: {  	_ =	shalt  }
0x4f: {  	_ =	shalt  }
0x50: {  	_ =	shalt  }
0x51: {  	_ =	shalt  }
0x52: {  	_ =	shalt  }
0x53: {  	_ =	shalt  }
0x54: {  	_ =	shalt  }
0x55: {  	_ =	shalt  }
0x56: {  	_ =	shalt  }
0x57: {  	_ =	shalt  }
0x58: {  	_ =	shalt  }
0x59: {  	_ =	shalt  }
0x5a: {  	_ =	shalt  }
0x5b: {  	_ =	shalt  }
0x5c: {  	_ =	shalt  }
0x5d: {  	_ =	shalt  }
0x5e: {  	_ =	shalt  }
0x5f: {  	_ =	shalt  }
0x60: {  	_ =	shalt  }
0x61: {  	_ =	shalt  }
0x62: {  	_ =	shalt  }
0x63: {  	_ =	shalt  }
0x64: {  	_ =	shalt  }
0x65: {  	_ =	shalt  }
0x66: {  	_ =	shalt  }
0x67: {  	_ =	shalt  }
0x68: {  	_ =	shalt  }
0x69: {  	_ =	shalt  }
0x6a: {  	_ =	shalt  }
0x6b: {  	_ =	shalt  }
0x6c: {  	_ =	shalt  }
0x6d: {  	_ =	shalt  }
0x6e: {  	_ =	shalt  }
0x6f: {  	_ =	shalt  }
0x70: {  	_ =	shalt  }
0x71: {  	_ =	shalt  }
0x72: {  	_ =	shalt  }
0x73: {  	_ =	shalt  }
0x74: {  	_ =	shalt  }
0x75: {  	_ =	shalt  }
0x76: {  	_ =	shalt  }
0x77: {  	_ =	shalt  }
0x78: {  	_ =	shalt  }
0x79: {  	_ =	shalt  }
0x7a: {  	_ =	shalt  }
0x7b: {  	_ =	shalt  }
0x7c: {  	_ =	shalt  }
0x7d: {  	_ =	shalt  }
0x7e: {  	_ =	shalt  }
0x7f: {  	_ =	shalt  }
0x80: {  	_ =	shalt  }
0x81: {  	_ =	shalt  }
0x82: {  	_ =	shalt  }
0x83: {  	_ =	shalt  }
0x84: {  	_ =	shalt  }
0x85: {  	_ =	shalt  }
0x86: {  	_ =	shalt  }
0x87: {  	_ =	shalt  }
.Lfunc_end0:
.L_simem_size_0:
called_computation.2_lowered:
.L_overlay_start_0:
0x88: {  	s2 =	sld [smem:$0x3FD9]  }
0x89: {  	s3 =	sld [smem:$0x3FFE];
	_ =	sdelay $0x1  }
0x8a: {  	s1 =	srdreg.scid  }
0x8b: {  	s0 =	sand.u32 $0x1, s1  }
0x8c: {  	s17 =	sshll.u32 s0, $0xA;
	s2 =	sadd.s32 s3, s2  }
0x8d: {  	s2 =	sadd.s32 s2, s17  }
0x8e: {  	[smem:$0x3FB8] =	sst s2  }
0x8f: {  	_ = 	snop  }
0x90: {  	s2 =	sld [smem:$0x3FD0];
	(tm) =	ssettm $0x1  }
0x91: {  	s18 =	sld [smem:$0x3FFB];
	_ =	sdelay $0x3  }
0x92: {  	_ =	strace s18  }
0x93: {  	s3 =	sld [smem:$0x3FFC];
	_ =	sdelay $0x3  }
0x94: {  	_ =	strace s3  }
0x95: {  	s3 =	sld [smem:$0x3FFD];
	_ =	sdelay $0x3  }
0x96: {  	_ =	strace s3  }
0x97: {  	_ =	strace $0x8FFFFFFF  }
0x98: {  	s19 =	sld [smem:$0x3FDB];
	_ =	sdelay $0x1  }
0x99: {  	s4 =	simm.s32 $_scs_section_size  }
0x9a: {  	s5 =	simm.s32 $_size__tile_overlayer_lowered;
	s6 =	simm.s32 $_tile_overlayer_lowered  }
0x9b: {  	s22 =	simm.s32 $0x1BFF;
	s21 =	sshll.u32 s6, $0x1;
	s3 =	sadd.s32 s4, s19  }
0x9c: {  	s7 =	simm.s32 $0x0;
	s20 =	sshll.u32 s5, $0x1;
	s5 =	sadd.s32 s21, s3  }
0x9d: {  	[timem:s7], [sflag:s22] =	dma.local [hbm:s5], s20  }
0x9e: {  	_ =	swait.ge [sflag:s22], s20  }
0x9f: {  	s4 =	ssub.s32 $0x0, s20;
	[sflag:s22] =	ssyncset.done $0x0  }
0xa0: {  	[sflag:s22] =	ssyncadd.s32 s4;
	_ =	sdelay $0x1  }
0xa1: {  	s23 =	simm.s32 $0x1B8B  }
0xa2: {  	_ =	swait.ge [sflag:s23], $0x1  }
0xa3: {  	[sflag:s23] =	ssyncset.done $0x0  }
0xa4: {  	s25 =	simm.s32 $0x1B8E;
	s24 =	sld [smem:$0x3FFE];
	[sflag:s23] =	ssyncadd.s32 $0xFFFFFFFF  }
0xa5: {  	s26 =	simm.s32 $execute0_lowered;
	[smem:$0x3FD2] =	sst s25  }
0xa6: {  	s5 =	sshll.u32 s26, $0x1;
	_ =	strace $0x8000004C;
	[dreg:$0x1] =	wrdreg $0xFFFFFFFF  }
0xa7: {  	s28 =	simm.s32 $_size_execute0_lowered;
	s3 =	sadd.s32 s3, s5;
	[dreg:$0x0] =	wrdreg $0x0  }
0xa8: {  	s5 =	sshll.u32 s28, $0x1;
	[dreg:$0x2] =	wrdreg s3  }
0xa9: {  	[dreg:$0x3] =	wrdreg s5  }
0xaa: {  	[dreg:$0x4] =	wrdreg $0xC0  }
0xab: {  	_ =	task [dreg:s7], $0x5FFFF  }
0xac: {  	[dreg:$0x1] =	wrdreg $0xFFFFFFFF  }
0xad: {  	[dreg:$0x0] =	wrdreg $0x60  }
0xae: {  	[dreg:$0x2] =	wrdreg s2  }
0xaf: {  	[dreg:$0x3] =	wrdreg s24  }
0xb0: {  	[dreg:$0x4] =	wrdreg $0x0  }
0xb1: {  	[dreg:$0x5] =	wrdreg $0x9  }
0xb2: {  	_ =	task.clear_ibuf [dreg:s7], $0x6FFFF;
	_ =	strace $0x9000004C  }
0xb3: {  	s29 =	simm.s32 $0x9;
	_ =	strace $0x8000004E  }
0xb4: {  	_ =	swait.ge [sflag:s29], $0x1  }
0xb5: {  	[sflag:s29] =	ssyncadd.s32 $0xFFFFFFFF  }
0xb6: {  	_ =	strace $0x9000004E  }
0xb7: {  	_ =	sfence  }
0xb8: {  	s30 =	sld [smem:$0x0];
	_ =	sdelay $0x2  }
0xb9: {  	s31 =	sshll.u32 s1, $0xD;
	s1 =	sshrl.u32 s1, $0x2  }
0xba: {  	s3 =	sand.u32 $0x4000, s31;
	s1 =	sadd.s32 s1, s30  }
0xbb: {  	s0 =	sor.u32 s3, s0;
	s1 =	sshll.u32 s1, $0x11  }
0xbc: {  	s0 =	sor.u32 s1, s0  }
0xbd: {  	s0 =	sadd.s32 $0x8F2B, s0  }
0xbe: {  	[sflag:s0] =	ssyncadd.remote.s32 $0x1  }
0xbf: {  	_ =	sfence.sel $0xFFFF  }
0xc0: {  	[dreg:$0x0] =	wrdreg $0xFFFFFFFF;
	(pc) =	sbr.abs _section_cstart, $3  }
0xc1: {  	[dreg:$0x1] =	wrdreg $0xFFFFFFFF  }
0xc2: {  	_ =	task.clear_ibuf [dreg:s7], $0x2FFFF;
	_ =	strace $0x9FFFFFFF  }
0xc3: {  	(tm) =	ssettm $0x7FFFFFFF  }
tec
execute0_lowered:
.L_overlay_start_1:
0x0: {  	(tag) =	ssettag $0x1  }
0x1: {  	s2 =	rddreg [dreg:$0x0]  }
0x2: {  	s6 =	rddreg [dreg:$0x1]  }
0x3: {  	s0 =	srdreg.scid;
	s3 =	rddreg [dreg:$0x2]  }
0x4: {  	s4 =	simm.s32 $0x0;
	s15 =	simm.s32 $0x17800;
	s16 =	simm.s32 $0x3  }
0x5: {  	s17 =	simm.s32 $0x13C00;
	s18 =	simm.s32 $0x16400;
	s19 =	simm.s32 $0x80  }
0x6: {  	s20 =	simm.s32 $0x13C80;
	s21 =	simm.s32 $0x1B800;
	s22 =	simm.s32 $0x1  }
0x7: {  	s23 =	simm.s32 $0x2;
	s24 =	simm.s32 $0x17700;
	s5 =	sand.u32 $0x1, s0  }
0x8: {  	s25 =	simm.s32 $0x17780;
	s0 =	stileid.u32;
	s8 =	smul.u32 $0x13C000, s5  }
0x9: {  	[smem:$0x7FF] =	sst s4;
	s1 =	sshll.u32 s5, $0x4;
	s9 =	smul.u32 $0x13C00, s0  }
0xa: {  	s10 =	smul.u32 $0x4F000, s0;
	s28 =	ssub.s32 $0x2, s5;
	s1 =	sor.u32 s0, s1  }
0xb: {  	s31 =	sshrl.u32 s28, $0x1;
	s7 =	smul.u32 $0x2800, s1;
	s1 =	rddreg [dreg:$0x3]  }
0xc: {  	_ =	strace $0x8000004D;
	s26 =	sadd.s32 s9, s8;
	s29 =	sshrl.u32 s10, $0x2  }
0xd: {  	s12 =	ssub.s32 s28, s31;
	s5 =	sadd.s32 s29, s3;
	s7 =	sshrl.u32 s7, $0x3  }
0xe: {  	s13 =	sadd.s32 $0x8000, s5;
	s11 =	sadd.s32 s7, s6;
	s7 =	sshrl.u32 s26, $0x3  }
0xf: {  	s14 =	sadd.s32 $0xC000, s5;
	s30 =	sadd.s32 s7, s6;
	s6 =	sadd.s32 $0x10000, s5  }
0x10: {  	s7 =	sadd.s32 $0x5E400, s11;
	s8 =	sadd.s32 $0x5400, s11;
	s9 =	sadd.s32 $0x5680, s11  }
0x11: {  	v0 =	vimm.f32 $0.0e+00;
	s11 =	smax.u32 s12, $0x1;
	s12 =	sadd.s32 $0x4000, s5;
	s10 =	sadd.s32 $0xF400, s30  }
.LBB2_1:
0x12: {  	s26 =	simm.s32 $0x0;
	s28 =	simm.s32 $0x200  }
.LBB2_2:
0x13: {  	p0 =	sne.s32 s28, $0xFE00;
	[tilespmem:s26+$0x17870] =	vst v0  }
0x14: {  	[tilespmem:s26+$0x17800] =	vst v0  }
0x15: {  	[tilespmem:s26+$0x17810] =	vst v0  }
.Ltmp0:
0x16: {  	[tilespmem:s26+$0x17820] =	vst v0;
	(pc) =	sbr.rel @p0 .LBB2_2-.Ltmp0, $4  }
0x17: {  	[tilespmem:s26+$0x17830] =	vst v0  }
0x18: {  	[tilespmem:s26+$0x17840] =	vst v0  }
0x19: {  	[tilespmem:s26+$0x17850] =	vst v0  }
0x1a: {  	[tilespmem:s26+$0x17860] =	vst v0;
	s26 =	sshra.s32 s28, $0x2;
	s28 =	sadd.s32 $0x200, s28  }
0x1b: {  	[tilespmem:s26+$0x17870] =	vst v0  }
0x1c: {  	[tilespmem:s26+$0x17800] =	vst v0  }
0x1d: {  	[tilespmem:s26+$0x17810] =	vst v0  }
0x1e: {  	[tilespmem:s26+$0x17820] =	vst v0  }
0x1f: {  	[tilespmem:s26+$0x17830] =	vst v0  }
0x20: {  	[tilespmem:s26+$0x17840] =	vst v0  }
0x21: {  	[tilespmem:s26+$0x17850] =	vst v0  }
0x22: {  	[tilespmem:s26+$0x17860] =	vst v0  }
0x23: {  	[spmem:s5] =	stream.linear.scatter [tilespmem:s15], [sflag:$0x3], $0x4000, $0x38;
	[tilespmem:$0x1F800] =	vst v63  }
0x24: {  	_ =	swait.ge [sflag:s16], $0x4000  }
0x25: {  	[sflag:s16] =	ssyncset.done $0x0  }
0x26: {  	[sflag:s16] =	ssyncadd.s32 $0xFFFFC000  }
0x27: {  	[spmem:s12] =	stream.linear.scatter [tilespmem:s15], [sflag:$0x3], $0x4000, $0x38;
	[tilespmem:$0x1F800] =	vst v63  }
0x28: {  	_ =	swait.ge [sflag:s16], $0x4000  }
0x29: {  	[sflag:s16] =	ssyncset.done $0x0  }
0x2a: {  	[sflag:s16] =	ssyncadd.s32 $0xFFFFC000  }
0x2b: {  	[spmem:s13] =	stream.linear.scatter [tilespmem:s15], [sflag:$0x3], $0x4000, $0x38;
	[tilespmem:$0x1F800] =	vst v63  }
0x2c: {  	_ =	swait.ge [sflag:s16], $0x4000  }
0x2d: {  	[sflag:s16] =	ssyncset.done $0x0  }
0x2e: {  	[sflag:s16] =	ssyncadd.s32 $0xFFFFC000  }
0x2f: {  	[spmem:s14] =	stream.linear.scatter [tilespmem:s15], [sflag:$0x3], $0x4000, $0x38;
	[tilespmem:$0x1F800] =	vst v63  }
0x30: {  	_ =	swait.ge [sflag:s16], $0x4000  }
0x31: {  	[sflag:s16] =	ssyncset.done $0x0  }
0x32: {  	[sflag:s16] =	ssyncadd.s32 $0xFFFFC000  }
0x33: {  	[spmem:s6] =	stream.linear.scatter [tilespmem:s15], [sflag:$0x3], $0x3C00, $0x38;
	[tilespmem:$0x1F800] =	vst v63  }
0x34: {  	_ =	swait.ge [sflag:s16], $0x3C00  }
0x35: {  	[sflag:s16] =	ssyncset.done $0x0  }
0x36: {  	[sflag:s16] =	ssyncadd.s32 $0xFFFFC400  }
0x37: {  	s31 =	simm.s32 $0x0;
	[bflag:$0x0] =	sbarrier.arrive $0xFFFF  }
0x38: {  	[tilespmem:s17], [sflag:$0x3] =	stream.linear.gather [hbm4b:s7+s31], $0x2800, $0x38;
	[tilespmem:$0x1F800] =	vst v63  }
0x39: {  	_ =	swait.ge [sflag:s16], $0x2800  }
0x3a: {  	[sflag:s16] =	ssyncset.done $0x0  }
0x3b: {  	[sflag:s16] =	ssyncadd.s32 $0xFFFFD800  }
0x3c: {  	[tilespmem:s18], [sflag:$0x3] =	stream.linear.gather [hbm4b:s8+s31], $0x1400, $0x38;
	[tilespmem:$0x1F800] =	vst v63  }
0x3d: {  	_ =	swait.ge [sflag:s16], $0x1400  }
0x3e: {  	[sflag:s16] =	ssyncset.done $0x0  }
0x3f: {  	[sflag:s16] =	ssyncadd.s32 $0xFFFFEC00  }
0x40: {  	[tilespmem:s15], [sflag:$0x1] =	stream.indirect.gather [hbm4b:s2+s19], $0x80, s17, s19, $0xb8;
	[tilespmem:$0x1F800] =	vst v63  }
0x41: {  	_ = 	snop  }
0x42: {  	[tilespmem:s21], [sflag:$0x2] =	stream.indirect.gather [hbm4b:s2+s19], $0x80, s20, s19, $0xb8;
	[tilespmem:$0x1F800] =	vst v63  }
0x43: {  	_ =	swait.ge [sflag:s22], $0x4000  }
0x44: {  	[sflag:s22] =	ssyncset.done $0x0  }
0x45: {  	s29 =	simm.s32 $0x16400;
	[sflag:s22] =	ssyncadd.s32 $0xFFFFC000  }
0x46: {  	[spmem:s3] =	stream.indirect.scatter.add.f32 [tilespmem:s15], [sflag:$0x3], $0x80, s29, s19, $0xb8;
	[tilespmem:$0x1F800] =	vst v63  }
0x47: {  	_ =	swait.ge [sflag:s16], $0x4000  }
0x48: {  	[sflag:s16] =	ssyncset.done $0x0  }
0x49: {  	s30 =	simm.s32 $0x13D00;
	[sflag:s16] =	ssyncadd.s32 $0xFFFFC000  }
0x4a: {  	[tilespmem:s15], [sflag:$0x1] =	stream.indirect.gather [hbm4b:s2+s19], $0x80, s30, s19, $0xb8;
	[tilespmem:$0x1F800] =	vst v63  }
0x4b: {  	_ =	swait.ge [sflag:s23], $0x4000  }
0x4c: {  	[sflag:s23] =	ssyncset.done $0x0  }
0x4d: {  	s31 =	simm.s32 $0x16480;
	[sflag:s23] =	ssyncadd.s32 $0xFFFFC000  }
0x4e: {  	[spmem:s3] =	stream.indirect.scatter.add.f32 [tilespmem:s21], [sflag:$0x3], $0x80, s31, s19, $0xb8;
	[tilespmem:$0x1F800] =	vst v63  }
0x4f: {  	_ =	swait.ge [sflag:s16], $0x4000  }
0x50: {  	[sflag:s16] =	ssyncset.done $0x0  }
0x51: {  	s26 =	simm.s32 $0x400;
	s28 =	simm.s32 $0x13D80;
	[sflag:s16] =	ssyncadd.s32 $0xFFFFC000  }
.LBB2_4:
0x52: {  	[tilespmem:s21], [sflag:$0x2] =	stream.indirect.gather [hbm4b:s2+s19], $0x80, s28, s19, $0xb8;
	[tilespmem:$0x1F800] =	vst v63  }
0x53: {  	s28 =	smov.u32 s26  }
0x54: {  	p0 =	sne.s32 s26, $0x4C00;
	s26 =	sadd.s32 $0x400, s26;
	_ =	swait.ge [sflag:s22], $0x4000  }
0x55: {  	s28 =	sshra.s32 s28, $0x2;
	[sflag:s22] =	ssyncset.done $0x0  }
0x56: {  	s29 =	sadd.s32 $0x16400, s28;
	[sflag:s22] =	ssyncadd.s32 $0xFFFFC000  }
0x57: {  	[spmem:s3] =	stream.indirect.scatter.add.f32 [tilespmem:s15], [sflag:$0x3], $0x80, s29, s19, $0xb8;
	[tilespmem:$0x1F800] =	vst v63  }
0x58: {  	_ =	swait.ge [sflag:s16], $0x4000  }
0x59: {  	[sflag:s16] =	ssyncset.done $0x0  }
0x5a: {  	s29 =	sadd.s32 $0x13D00, s28;
	[sflag:s16] =	ssyncadd.s32 $0xFFFFC000  }
0x5b: {  	[tilespmem:s15], [sflag:$0x1] =	stream.indirect.gather [hbm4b:s2+s19], $0x80, s29, s19, $0xb8;
	[tilespmem:$0x1F800] =	vst v63  }
0x5c: {  	_ =	swait.ge [sflag:s23], $0x4000  }
0x5d: {  	[sflag:s23] =	ssyncset.done $0x0  }
.Ltmp1:
0x5e: {  	s29 =	sadd.s32 $0x16480, s28;
	[sflag:s23] =	ssyncadd.s32 $0xFFFFC000;
	(pc) =	sbr.rel @p0 .LBB2_4-.Ltmp1, $4  }
0x5f: {  	[spmem:s3] =	stream.indirect.scatter.add.f32 [tilespmem:s21], [sflag:$0x3], $0x80, s29, s19, $0xb8;
	[tilespmem:$0x1F800] =	vst v63  }
0x60: {  	_ =	swait.ge [sflag:s16], $0x4000  }
0x61: {  	[sflag:s16] =	ssyncset.done $0x0  }
0x62: {  	s28 =	sadd.s32 $0x13D80, s28;
	[sflag:s16] =	ssyncadd.s32 $0xFFFFC000  }
0x63: {  	[tilespmem:s21], [sflag:$0x2] =	stream.indirect.gather [hbm4b:s2+s19], $0x80, s28, s19, $0xb8;
	[tilespmem:$0x1F800] =	vst v63  }
0x64: {  	s26 =	simm.s32 $0x0  }
0x65: {  	[tilespmem:s18], [sflag:$0x3] =	stream.linear.gather [hbm4b:s9+s26], $0x1400, $0x38;
	[tilespmem:$0x1F800] =	vst v63  }
0x66: {  	_ =	swait.ge [sflag:s16], $0x1400  }
0x67: {  	[sflag:s16] =	ssyncset.done $0x0  }
0x68: {  	[sflag:s16] =	ssyncadd.s32 $0xFFFFEC00  }
0x69: {  	_ =	swait.ge [sflag:s22], $0x4000  }
0x6a: {  	[sflag:s22] =	ssyncset.done $0x0  }
0x6b: {  	s29 =	simm.s32 $0x16400;
	[sflag:s22] =	ssyncadd.s32 $0xFFFFC000  }
0x6c: {  	[spmem:s3] =	stream.indirect.scatter.add.f32 [tilespmem:s15], [sflag:$0x3], $0x80, s29, s19, $0xb8;
	[tilespmem:$0x1F800] =	vst v63  }
0x6d: {  	_ =	swait.ge [sflag:s16], $0x4000  }
0x6e: {  	[sflag:s16] =	ssyncset.done $0x0  }
0x6f: {  	s30 =	simm.s32 $0x15100;
	[sflag:s16] =	ssyncadd.s32 $0xFFFFC000  }
0x70: {  	[tilespmem:s15], [sflag:$0x1] =	stream.indirect.gather [hbm4b:s2+s19], $0x80, s30, s19, $0xb8;
	[tilespmem:$0x1F800] =	vst v63  }
0x71: {  	_ =	swait.ge [sflag:s23], $0x4000  }
0x72: {  	[sflag:s23] =	ssyncset.done $0x0  }
0x73: {  	s31 =	simm.s32 $0x16480;
	[sflag:s23] =	ssyncadd.s32 $0xFFFFC000  }
0x74: {  	[spmem:s3] =	stream.indirect.scatter.add.f32 [tilespmem:s21], [sflag:$0x3], $0x80, s31, s19, $0xb8;
	[tilespmem:$0x1F800] =	vst v63  }
0x75: {  	_ =	swait.ge [sflag:s16], $0x4000  }
0x76: {  	[sflag:s16] =	ssyncset.done $0x0  }
0x77: {  	s28 =	simm.s32 $0x15180;
	s26 =	simm.s32 $0x400;
	[sflag:s16] =	ssyncadd.s32 $0xFFFFC000  }
.LBB2_6:
0x78: {  	[tilespmem:s21], [sflag:$0x2] =	stream.indirect.gather [hbm4b:s2+s19], $0x80, s28, s19, $0xb8;
	[tilespmem:$0x1F800] =	vst v63  }
0x79: {  	s28 =	smov.u32 s26  }
0x7a: {  	p0 =	sne.s32 s26, $0x4800;
	s26 =	sadd.s32 $0x400, s26;
	_ =	swait.ge [sflag:s22], $0x4000  }
0x7b: {  	s28 =	sshra.s32 s28, $0x2;
	[sflag:s22] =	ssyncset.done $0x0  }
0x7c: {  	s29 =	sadd.s32 $0x16400, s28;
	[sflag:s22] =	ssyncadd.s32 $0xFFFFC000  }
0x7d: {  	[spmem:s3] =	stream.indirect.scatter.add.f32 [tilespmem:s15], [sflag:$0x3], $0x80, s29, s19, $0xb8;
	[tilespmem:$0x1F800] =	vst v63  }
0x7e: {  	_ =	swait.ge [sflag:s16], $0x4000  }
0x7f: {  	[sflag:s16] =	ssyncset.done $0x0  }
0x80: {  	s29 =	sadd.s32 $0x15100, s28;
	[sflag:s16] =	ssyncadd.s32 $0xFFFFC000  }
0x81: {  	[tilespmem:s15], [sflag:$0x1] =	stream.indirect.gather [hbm4b:s2+s19], $0x80, s29, s19, $0xb8;
	[tilespmem:$0x1F800] =	vst v63  }
0x82: {  	_ =	swait.ge [sflag:s23], $0x4000  }
0x83: {  	[sflag:s23] =	ssyncset.done $0x0  }
.Ltmp2:
0x84: {  	s29 =	sadd.s32 $0x16480, s28;
	[sflag:s23] =	ssyncadd.s32 $0xFFFFC000;
	(pc) =	sbr.rel @p0 .LBB2_6-.Ltmp2, $4  }
0x85: {  	[spmem:s3] =	stream.indirect.scatter.add.f32 [tilespmem:s21], [sflag:$0x3], $0x80, s29, s19, $0xb8;
	[tilespmem:$0x1F800] =	vst v63  }
0x86: {  	_ =	swait.ge [sflag:s16], $0x4000  }
0x87: {  	[sflag:s16] =	ssyncset.done $0x0  }
0x88: {  	s28 =	sadd.s32 $0x15180, s28;
	[sflag:s16] =	ssyncadd.s32 $0xFFFFC000  }
0x89: {  	[tilespmem:s21], [sflag:$0x2] =	stream.indirect.gather [hbm4b:s2+s19], $0x80, s28, s19, $0xb8;
	[tilespmem:$0x1F800] =	vst v63  }
0x8a: {  	_ =	swait.ge [sflag:s22], $0x4000  }
0x8b: {  	[sflag:s22] =	ssyncset.done $0x0  }
0x8c: {  	[sflag:s22] =	ssyncadd.s32 $0xFFFFC000  }
0x8d: {  	[spmem:s3] =	stream.indirect.scatter.add.f32 [tilespmem:s15], [sflag:$0x3], $0x80, s24, s19, $0xb8;
	[tilespmem:$0x1F800] =	vst v63  }
0x8e: {  	_ =	swait.ge [sflag:s16], $0x4000  }
0x8f: {  	[sflag:s16] =	ssyncset.done $0x0  }
0x90: {  	[sflag:s16] =	ssyncadd.s32 $0xFFFFC000  }
0x91: {  	[tilespmem:s15], [sflag:$0x1] =	stream.indirect.gather [hbm4b:s2+s19], $0x80, s17, s19, $0xb8;
	[tilespmem:$0x1F800] =	vst v63  }
0x92: {  	_ =	swait.ge [sflag:s23], $0x4000  }
0x93: {  	[sflag:s23] =	ssyncset.done $0x0  }
0x94: {  	[sflag:s23] =	ssyncadd.s32 $0xFFFFC000  }
0x95: {  	[spmem:s3] =	stream.indirect.scatter.add.f32 [tilespmem:s21], [sflag:$0x3], $0x80, s25, s19, $0xb8;
	[tilespmem:$0x1F800] =	vst v63  }
0x96: {  	_ =	swait.ge [sflag:s16], $0x4000  }
0x97: {  	[sflag:s16] =	ssyncset.done $0x0  }
0x98: {  	[sflag:s16] =	ssyncadd.s32 $0xFFFFC000  }
0x99: {  	[tilespmem:s21], [sflag:$0x2] =	stream.indirect.gather [hbm4b:s2+s19], $0x80, s20, s19, $0xb8;
	[tilespmem:$0x1F800] =	vst v63  }
0x9a: {  	_ =	swait.ge [sflag:s22], $0x4000  }
0x9b: {  	[sflag:s22] =	ssyncset.done $0x0  }
0x9c: {  	[sflag:s22] =	ssyncadd.s32 $0xFFFFC000  }
0x9d: {  	_ =	swait.ge [sflag:s23], $0x4000  }
0x9e: {  	s26 =	sshll.u32 s0, $0x6;
	s4 =	sadd.s32 $0x1, s4;
	[sflag:s23] =	ssyncset.done $0x0  }
0x9f: {  	s31 =	sshrl.u32 s5, $0x3;
	p0 =	sne.s32 s4, s11;
	[sflag:s23] =	ssyncadd.s32 $0xFFFFC000  }
.Ltmp3:
0xa0: {  	s26 =	sor.u32 $0x1C03, s26;
	[bflag:$0x0] =	sbarrier.arrive $0xFFFF;
	(pc) =	sbr.rel @p0 .LBB2_1-.Ltmp3, $4  }
0xa1: {  	[hbm:s10], [sflag:s26] =	dma.local [spmem:s31], $0x2780  }
0xa2: {  	_ =	swait.ge [sflag:s16], $0x2780  }
0xa3: {  	[sflag:s16] =	ssyncset.done $0x0  }
0xa4: {  	[sflag:s16] =	ssyncadd.s32 $0xFFFFD880  }
0xa5: {  	_ =	sfence.sel $0x180000  }
0xa6: {  	[bflag:$0x0] =	sbarrier.arrive $0xFFFF  }
0xa7: {  	p0 =	sne.s32 s0, $0x0;
	_ =	strace $0x9000004D  }
0xa8: {  	s0 =	sadd.s32 @!p0 $0x100000, s1;
	[bflag:$0x2] =	sbarrier.arrive $0xFFFF  }
0xa9: {  	[sflag:s0] =	ssyncadd.tile.s32 @!p0 $0x1;
	_ =	shalt  }
.Lfunc_end2:
_tile_overlayer_lowered:
.L_overlay_start_2:
0xaa: {  	(tag) =	ssettag $0x2  }
0xab: {  	s0 =	rddreg [dreg:$0x0];
	s2 =	stileid.u32  }
0xac: {  	s1 =	rddreg [dreg:$0x1];
	p0 =	sne.s32 s2, $0x0  }
0xad: {  	s3 =	rddreg [dreg:$0x2];
	[bflag:$0x3] =	sbarrier.arrive $0xFFFF;
	s2 =	simm.s32 @!p0 $0x1C03  }
0xae: {  	[timem:s3], [sflag:s2] =	dma.local @!p0 [hbm:s0], s1  }
0xaf: {  	s0 =	simm.s32 @!p0 $0x3  }
0xb0: {  	_ =	swait.ge @!p0 [sflag:s0], s1  }
0xb1: {  	s1 =	ssub.s32 @!p0 $0x0, s1;
	[sflag:s0] =	ssyncset.done @!p0 $0x0  }
0xb2: {  	[sflag:s0] =	ssyncadd.s32 @!p0 s1  }
0xb3: {  	[bflag:$0x3] =	sbarrier.arrive $0xFFFF  }
0xb4: {  	_ =	shalt  }

// kernel: kernel.24.cloned.1.call-start
scs
__scs_entry_jumppad:
0x0: {  	(pc) =	sbr.rel $0x88, $3  }
0x1: {  	(tag) =	ssettag $0x0;
	lr =	simm.s32 $0x1  }
0x2: {  	[smem:$0x3F91] =	sst lr;
	_ =	strace $0xD0000000  }
0x3: {  	_ = 	snop  }
0x4: {  	_ = 	snop  }
0x5: {  	_ = 	snop  }
0x6: {  	_ = 	snop  }
0x7: {  	_ = 	snop  }
__scs_overlays_trampoline_lowered:
0x8: {  	[smem:$0x3FA0] =	sst s0  }
0x9: {  	[smem:$0x3FA1] =	sst s1  }
0xa: {  	[smem:$0x3FA2] =	sst s2  }
0xb: {  	[smem:$0x3FA3] =	sst s3  }
0xc: {  	[smem:$0x3FA4] =	sst s4  }
0xd: {  	[smem:$0x3FA5] =	sst s5  }
0xe: {  	[smem:$0x3FA6] =	sst s6  }
0xf: {  	[smem:$0x3FA7] =	sst s7  }
0x10: {  	[smem:$0x3FA8] =	sst s8  }
0x11: {  	[smem:$0x3FA9] =	sst s9;
	s0 =	simm.s32 @!p0 $0x0  }
0x12: {  	s1 =	sld [smem:$0x3F8F];
	s0 =	simm.s32 @p0 $0x1  }
0x13: {  	[smem:$0x3FAA] =	sst s0;
	s0 =	simm.s32 @!p1 $0x0  }
0x14: {  	s2 =	sld [smem:$0x3F8E];
	s0 =	simm.s32 @p1 $0x1  }
0x15: {  	[smem:$0x3FAB] =	sst s0;
	s0 =	simm.s32 @!p2 $0x0  }
0x16: {  	s3 =	sld [smem:$0x3FDB];
	s0 =	simm.s32 @p2 $0x1  }
0x17: {  	s4 =	simm.s32 $0x1BF5;
	[smem:$0x3FAD] =	sst s0  }
0x18: {  	s0 =	sld [smem:$0x3F90];
	_ =	swait.ge [sflag:s4], $0x0  }
0x19: {  	s7 =	sld [smem:$0x3F91]  }
0x1a: {  	s8 =	sadd.s32 $0xFFFFE003, lr  }
0x1b: {  	s9 =	sadd.s32 $0xFFFFFEF7, lr;
	s5 =	simm.s32 $0xFFFFFFFF;
	p2 =	slt.u32 s8, $0xFFFFF086  }
0x1c: {  	p1 =	slt.u32 s9, $0xF7A;
	s5 =	simm.s32 @!p2 $0x0  }
0x1d: {  	s5 =	simm.s32 @p1 $0x1;
	p0 =	seq.s32 s7, s2  }
0x1e: {  	s7 =	smul.u32 @!p0 $0xF7A, s2;
	p2 =	seq.s32 @!p0 s5, $0x0  }
0x1f: {  	s9 =	smul.u32 $0xF7A, s1;
	s8 =	simm.s32 @!p0 $0x1BF5;
	p2 =	por !p2, p0  }
0x20: {  	[sflag:s8] =	ssyncset.s32 @!p0 $0xFFFFF086;
	s6 =	sadd.s32 @!p0 s3, s7;
	s7 =	simm.s32 @!p0 $0x108  }
0x21: {  	s3 =	sadd.s32 s3, s9;
	s6 =	sadd.s32 @!p0 $0x88, s6;
	s7 =	simm.s32 @p2 $0x1082  }
0x22: {  	[simem:s7], [sflag:s8] =	dma.local @!p0 [hbm:s6], $0xF7A  }
0x23: {  	s9 =	sor.u32 $0xD0000000, s2;
	s6 =	simm.s32 $0x108;
	_ =	swait.ge @!p0 [sflag:s8], $0x0  }
0x24: {  	s3 =	sadd.s32 $0x88, s3;
	s6 =	simm.s32 @!p1 $0x1082;
	[sflag:s4] =	ssyncset.s32 $0xFFFFF086  }
0x25: {  	[simem:s6], [sflag:s4] =	dma.local [hbm:s3], $0xF7A  }
0x26: {  	[smem:$0x3F91] =	sst s1;
	(tag) =	ssettag s2;
	_ =	strace s9  }
0x27: {  	s1 =	sld [smem:$0x3FA1]  }
0x28: {  	s2 =	sld [smem:$0x3FA2]  }
0x29: {  	s4 =	sld [smem:$0x3FA4]  }
0x2a: {  	p0 =	seq.s32 s5, $0x0;
	s5 =	sld [smem:$0x3FA5]  }
0x2b: {  	s6 =	sld [smem:$0x3FA6]  }
0x2c: {  	s7 =	sld [smem:$0x3FA7]  }
0x2d: {  	s3 =	simm.s32 $0x108;
	s8 =	sld [smem:$0x3FA8]  }
0x2e: {  	s3 =	simm.s32 @!p0 $0x1082;
	s9 =	sld [smem:$0x3FA9]  }
0x2f: {  	lr =	sadd.s32 s0, s3;
	s0 =	sld [smem:$0x3FA0]  }
0x30: {  	s3 =	sld [smem:$0x3FA3]  }
0x31: {  	[smem:$0x3FAC] =	sst s10  }
0x32: {  	s10 =	sld [smem:$0x3FAA];
	_ =	sdelay $0x3  }
0x33: {  	p0 =	seq.s32 s10, $0x1;
	s10 =	sld [smem:$0x3FAC];
	_ =	sdelay $0x3  }
0x34: {  	[smem:$0x3FAC] =	sst s10  }
0x35: {  	s10 =	sld [smem:$0x3FAB];
	_ =	sdelay $0x3  }
0x36: {  	p1 =	seq.s32 s10, $0x1;
	s10 =	sld [smem:$0x3FAC];
	_ =	sdelay $0x3  }
0x37: {  	[smem:$0x3FAC] =	sst s10  }
0x38: {  	s10 =	sld [smem:$0x3FAD]  }
0x39: {  	_ = 	snop;
	(pc) =	sbr.ind lr, $3  }
0x3a: {  	_ = 	snop  }
0x3b: {  	_ = 	snop  }
0x3c: {  	p2 =	seq.s32 s10, $0x1;
	s10 =	sld [smem:$0x3FAC]  }
0x3d: {  	_ =	shalt  }
0x3e: {  	_ =	shalt  }
0x3f: {  	_ =	shalt  }
0x40: {  	_ =	shalt  }
0x41: {  	_ =	shalt  }
0x42: {  	_ =	shalt  }
0x43: {  	_ =	shalt  }
0x44: {  	_ =	shalt  }
0x45: {  	_ =	shalt  }
0x46: {  	_ =	shalt  }
0x47: {  	_ =	shalt  }
0x48: {  	_ =	shalt  }
0x49: {  	_ =	shalt  }
0x4a: {  	_ =	shalt  }
0x4b: {  	_ =	shalt  }
0x4c: {  	_ =	shalt  }
0x4d: {  	_ =	shalt  }
0x4e: {  	_ =	shalt  }
0x4f: {  	_ =	shalt  }
0x50: {  	_ =	shalt  }
0x51: {  	_ =	shalt  }
0x52: {  	_ =	shalt  }
0x53: {  	_ =	shalt  }
0x54: {  	_ =	shalt  }
0x55: {  	_ =	shalt  }
0x56: {  	_ =	shalt  }
0x57: {  	_ =	shalt  }
0x58: {  	_ =	shalt  }
0x59: {  	_ =	shalt  }
0x5a: {  	_ =	shalt  }
0x5b: {  	_ =	shalt  }
0x5c: {  	_ =	shalt  }
0x5d: {  	_ =	shalt  }
0x5e: {  	_ =	shalt  }
0x5f: {  	_ =	shalt  }
0x60: {  	_ =	shalt  }
0x61: {  	_ =	shalt  }
0x62: {  	_ =	shalt  }
0x63: {  	_ =	shalt  }
0x64: {  	_ =	shalt  }
0x65: {  	_ =	shalt  }
0x66: {  	_ =	shalt  }
0x67: {  	_ =	shalt  }
0x68: {  	_ =	shalt  }
0x69: {  	_ =	shalt  }
0x6a: {  	_ =	shalt  }
0x6b: {  	_ =	shalt  }
0x6c: {  	_ =	shalt  }
0x6d: {  	_ =	shalt  }
0x6e: {  	_ =	shalt  }
0x6f: {  	_ =	shalt  }
0x70: {  	_ =	shalt  }
0x71: {  	_ =	shalt  }
0x72: {  	_ =	shalt  }
0x73: {  	_ =	shalt  }
0x74: {  	_ =	shalt  }
0x75: {  	_ =	shalt  }
0x76: {  	_ =	shalt  }
0x77: {  	_ =	shalt  }
0x78: {  	_ =	shalt  }
0x79: {  	_ =	shalt  }
0x7a: {  	_ =	shalt  }
0x7b: {  	_ =	shalt  }
0x7c: {  	_ =	shalt  }
0x7d: {  	_ =	shalt  }
0x7e: {  	_ =	shalt  }
0x7f: {  	_ =	shalt  }
0x80: {  	_ =	shalt  }
0x81: {  	_ =	shalt  }
0x82: {  	_ =	shalt  }
0x83: {  	_ =	shalt  }
0x84: {  	_ =	shalt  }
0x85: {  	_ =	shalt  }
0x86: {  	_ =	shalt  }
0x87: {  	_ =	shalt  }
.Lfunc_end0:
.L_simem_size_0:
called_computation.3_lowered:
.L_overlay_start_0:
0x88: {  	s2 =	sld [smem:$0x3FD9]  }
0x89: {  	s3 =	sld [smem:$0x3FFE];
	_ =	sdelay $0x1  }
0x8a: {  	s1 =	srdreg.scid  }
0x8b: {  	s0 =	sand.u32 $0x1, s1  }
0x8c: {  	s17 =	sshll.u32 s0, $0xA;
	s2 =	sadd.s32 s3, s2  }
0x8d: {  	s2 =	sadd.s32 s2, s17  }
0x8e: {  	[smem:$0x3FB8] =	sst s2  }
0x8f: {  	_ = 	snop  }
0x90: {  	s2 =	sld [smem:$0x3FD0];
	(tm) =	ssettm $0x1  }
0x91: {  	s18 =	sld [smem:$0x3FFB];
	_ =	sdelay $0x3  }
0x92: {  	_ =	strace s18  }
0x93: {  	s3 =	sld [smem:$0x3FFC];
	_ =	sdelay $0x3  }
0x94: {  	_ =	strace s3  }
0x95: {  	s3 =	sld [smem:$0x3FFD];
	_ =	sdelay $0x3  }
0x96: {  	_ =	strace s3  }
0x97: {  	_ =	strace $0x8FFFFFFF  }
0x98: {  	s19 =	sld [smem:$0x3FDB];
	_ =	sdelay $0x1  }
0x99: {  	s4 =	simm.s32 $_scs_section_size  }
0x9a: {  	s5 =	simm.s32 $_size__tile_overlayer_lowered;
	s6 =	simm.s32 $_tile_overlayer_lowered  }
0x9b: {  	s22 =	simm.s32 $0x1BFF;
	s21 =	sshll.u32 s6, $0x1;
	s3 =	sadd.s32 s4, s19  }
0x9c: {  	s7 =	simm.s32 $0x0;
	s20 =	sshll.u32 s5, $0x1;
	s5 =	sadd.s32 s21, s3  }
0x9d: {  	[timem:s7], [sflag:s22] =	dma.local [hbm:s5], s20  }
0x9e: {  	_ =	swait.ge [sflag:s22], s20  }
0x9f: {  	s4 =	ssub.s32 $0x0, s20;
	[sflag:s22] =	ssyncset.done $0x0  }
0xa0: {  	[sflag:s22] =	ssyncadd.s32 s4;
	_ =	sdelay $0x1  }
0xa1: {  	s23 =	simm.s32 $0x1B8B  }
0xa2: {  	_ =	swait.ge [sflag:s23], $0x1  }
0xa3: {  	[sflag:s23] =	ssyncset.done $0x0  }
0xa4: {  	s25 =	simm.s32 $0x1B8E;
	s24 =	sld [smem:$0x3FFE];
	[sflag:s23] =	ssyncadd.s32 $0xFFFFFFFF  }
0xa5: {  	s26 =	simm.s32 $execute0_lowered;
	[smem:$0x3FD2] =	sst s25  }
0xa6: {  	s5 =	sshll.u32 s26, $0x1;
	_ =	strace $0x8000004F;
	[dreg:$0x1] =	wrdreg $0xFFFFFFFF  }
0xa7: {  	s28 =	simm.s32 $_size_execute0_lowered;
	s3 =	sadd.s32 s3, s5;
	[dreg:$0x0] =	wrdreg $0x0  }
0xa8: {  	s5 =	sshll.u32 s28, $0x1;
	[dreg:$0x2] =	wrdreg s3  }
0xa9: {  	[dreg:$0x3] =	wrdreg s5  }
0xaa: {  	[dreg:$0x4] =	wrdreg $0xC0  }
0xab: {  	_ =	task [dreg:s7], $0x5FFFF  }
0xac: {  	[dreg:$0x1] =	wrdreg $0xFFFFFFFF  }
0xad: {  	[dreg:$0x0] =	wrdreg $0x60  }
0xae: {  	[dreg:$0x2] =	wrdreg s2  }
0xaf: {  	[dreg:$0x3] =	wrdreg s24  }
0xb0: {  	[dreg:$0x4] =	wrdreg $0x0  }
0xb1: {  	[dreg:$0x5] =	wrdreg $0x9  }
0xb2: {  	_ =	task.clear_ibuf [dreg:s7], $0x6FFFF;
	_ =	strace $0x9000004F  }
0xb3: {  	s29 =	simm.s32 $0x9;
	_ =	strace $0x80000051  }
0xb4: {  	_ =	swait.ge [sflag:s29], $0x1  }
0xb5: {  	[sflag:s29] =	ssyncadd.s32 $0xFFFFFFFF  }
0xb6: {  	_ =	strace $0x90000051  }
0xb7: {  	_ =	sfence  }
0xb8: {  	s30 =	sld [smem:$0x0];
	_ =	sdelay $0x2  }
0xb9: {  	s31 =	sshll.u32 s1, $0xD;
	s1 =	sshrl.u32 s1, $0x2  }
0xba: {  	s3 =	sand.u32 $0x4000, s31;
	s1 =	sadd.s32 s1, s30  }
0xbb: {  	s0 =	sor.u32 s3, s0;
	s1 =	sshll.u32 s1, $0x11  }
0xbc: {  	s0 =	sor.u32 s1, s0  }
0xbd: {  	s0 =	sadd.s32 $0x8F2B, s0  }
0xbe: {  	[sflag:s0] =	ssyncadd.remote.s32 $0x1  }
0xbf: {  	_ =	sfence.sel $0xFFFF  }
0xc0: {  	[dreg:$0x0] =	wrdreg $0xFFFFFFFF;
	(pc) =	sbr.abs _section_cstart, $3  }
0xc1: {  	[dreg:$0x1] =	wrdreg $0xFFFFFFFF  }
0xc2: {  	_ =	task.clear_ibuf [dreg:s7], $0x2FFFF;
	_ =	strace $0x9FFFFFFF  }
0xc3: {  	(tm) =	ssettm $0x7FFFFFFF  }
tec
execute0_lowered:
.L_overlay_start_1:
0x0: {  	(tag) =	ssettag $0x1  }
0x1: {  	s2 =	rddreg [dreg:$0x0]  }
0x2: {  	s6 =	rddreg [dreg:$0x1]  }
0x3: {  	s0 =	srdreg.scid;
	s3 =	rddreg [dreg:$0x2]  }
0x4: {  	s4 =	simm.s32 $0x0;
	s15 =	simm.s32 $0x17800;
	s16 =	simm.s32 $0x3  }
0x5: {  	s17 =	simm.s32 $0x13C00;
	s18 =	simm.s32 $0x16400;
	s19 =	simm.s32 $0x80  }
0x6: {  	s20 =	simm.s32 $0x13C80;
	s21 =	simm.s32 $0x1B800;
	s22 =	simm.s32 $0x1  }
0x7: {  	s23 =	simm.s32 $0x2;
	s24 =	simm.s32 $0x17700;
	s5 =	sand.u32 $0x1, s0  }
0x8: {  	s25 =	simm.s32 $0x17780;
	s0 =	stileid.u32;
	s8 =	smul.u32 $0x13C000, s5  }
0x9: {  	[smem:$0x7FF] =	sst s4;
	s1 =	sshll.u32 s5, $0x4;
	s9 =	smul.u32 $0x13C00, s0  }
0xa: {  	s10 =	smul.u32 $0x4F000, s0;
	s28 =	ssub.s32 $0x2, s5;
	s1 =	sor.u32 s0, s1  }
0xb: {  	s31 =	sshrl.u32 s28, $0x1;
	s7 =	smul.u32 $0x2800, s1;
	s1 =	rddreg [dreg:$0x3]  }
0xc: {  	_ =	strace $0x80000050;
	s26 =	sadd.s32 s9, s8;
	s29 =	sshrl.u32 s10, $0x2  }
0xd: {  	s12 =	ssub.s32 s28, s31;
	s5 =	sadd.s32 s29, s3;
	s7 =	sshrl.u32 s7, $0x3  }
0xe: {  	s13 =	sadd.s32 $0x8000, s5;
	s11 =	sadd.s32 s7, s6;
	s7 =	sshrl.u32 s26, $0x3  }
0xf: {  	s14 =	sadd.s32 $0xC000, s5;
	s30 =	sadd.s32 s7, s6;
	s6 =	sadd.s32 $0x10000, s5  }
0x10: {  	s7 =	sadd.s32 $0x5E400, s11;
	s8 =	sadd.s32 $0x5400, s11;
	s9 =	sadd.s32 $0x5680, s11  }
0x11: {  	v0 =	vimm.f32 $0.0e+00;
	s11 =	smax.u32 s12, $0x1;
	s12 =	sadd.s32 $0x4000, s5;
	s10 =	sadd.s32 $0xF400, s30  }
.LBB2_1:
0x12: {  	s26 =	simm.s32 $0x0;
	s28 =	simm.s32 $0x200  }
.LBB2_2:
0x13: {  	p0 =	sne.s32 s28, $0xFE00;
	[tilespmem:s26+$0x17870] =	vst v0  }
0x14: {  	[tilespmem:s26+$0x17800] =	vst v0  }
0x15: {  	[tilespmem:s26+$0x17810] =	vst v0  }
.Ltmp0:
0x16: {  	[tilespmem:s26+$0x17820] =	vst v0;
	(pc) =	sbr.rel @p0 .LBB2_2-.Ltmp0, $4  }
0x17: {  	[tilespmem:s26+$0x17830] =	vst v0  }
0x18: {  	[tilespmem:s26+$0x17840] =	vst v0  }
0x19: {  	[tilespmem:s26+$0x17850] =	vst v0  }
0x1a: {  	[tilespmem:s26+$0x17860] =	vst v0;
	s26 =	sshra.s32 s28, $0x2;
	s28 =	sadd.s32 $0x200, s28  }
0x1b: {  	[tilespmem:s26+$0x17870] =	vst v0  }
0x1c: {  	[tilespmem:s26+$0x17800] =	vst v0  }
0x1d: {  	[tilespmem:s26+$0x17810] =	vst v0  }
0x1e: {  	[tilespmem:s26+$0x17820] =	vst v0  }
0x1f: {  	[tilespmem:s26+$0x17830] =	vst v0  }
0x20: {  	[tilespmem:s26+$0x17840] =	vst v0  }
0x21: {  	[tilespmem:s26+$0x17850] =	vst v0  }
0x22: {  	[tilespmem:s26+$0x17860] =	vst v0  }
0x23: {  	[spmem:s5] =	stream.linear.scatter [tilespmem:s15], [sflag:$0x3], $0x4000, $0x38;
	[tilespmem:$0x1F800] =	vst v63  }
0x24: {  	_ =	swait.ge [sflag:s16], $0x4000  }
0x25: {  	[sflag:s16] =	ssyncset.done $0x0  }
0x26: {  	[sflag:s16] =	ssyncadd.s32 $0xFFFFC000  }
0x27: {  	[spmem:s12] =	stream.linear.scatter [tilespmem:s15], [sflag:$0x3], $0x4000, $0x38;
	[tilespmem:$0x1F800] =	vst v63  }
0x28: {  	_ =	swait.ge [sflag:s16], $0x4000  }
0x29: {  	[sflag:s16] =	ssyncset.done $0x0  }
0x2a: {  	[sflag:s16] =	ssyncadd.s32 $0xFFFFC000  }
0x2b: {  	[spmem:s13] =	stream.linear.scatter [tilespmem:s15], [sflag:$0x3], $0x4000, $0x38;
	[tilespmem:$0x1F800] =	vst v63  }
0x2c: {  	_ =	swait.ge [sflag:s16], $0x4000  }
0x2d: {  	[sflag:s16] =	ssyncset.done $0x0  }
0x2e: {  	[sflag:s16] =	ssyncadd.s32 $0xFFFFC000  }
0x2f: {  	[spmem:s14] =	stream.linear.scatter [tilespmem:s15], [sflag:$0x3], $0x4000, $0x38;
	[tilespmem:$0x1F800] =	vst v63  }
0x30: {  	_ =	swait.ge [sflag:s16], $0x4000  }
0x31: {  	[sflag:s16] =	ssyncset.done $0x0  }
0x32: {  	[sflag:s16] =	ssyncadd.s32 $0xFFFFC000  }
0x33: {  	[spmem:s6] =	stream.linear.scatter [tilespmem:s15], [sflag:$0x3], $0x3C00, $0x38;
	[tilespmem:$0x1F800] =	vst v63  }
0x34: {  	_ =	swait.ge [sflag:s16], $0x3C00  }
0x35: {  	[sflag:s16] =	ssyncset.done $0x0  }
0x36: {  	[sflag:s16] =	ssyncadd.s32 $0xFFFFC400  }
0x37: {  	s31 =	simm.s32 $0x0;
	[bflag:$0x0] =	sbarrier.arrive $0xFFFF  }
0x38: {  	[tilespmem:s17], [sflag:$0x3] =	stream.linear.gather [hbm4b:s7+s31], $0x2800, $0x38;
	[tilespmem:$0x1F800] =	vst v63  }
0x39: {  	_ =	swait.ge [sflag:s16], $0x2800  }
0x3a: {  	[sflag:s16] =	ssyncset.done $0x0  }
0x3b: {  	[sflag:s16] =	ssyncadd.s32 $0xFFFFD800  }
0x3c: {  	[tilespmem:s18], [sflag:$0x3] =	stream.linear.gather [hbm4b:s8+s31], $0x1400, $0x38;
	[tilespmem:$0x1F800] =	vst v63  }
0x3d: {  	_ =	swait.ge [sflag:s16], $0x1400  }
0x3e: {  	[sflag:s16] =	ssyncset.done $0x0  }
0x3f: {  	[sflag:s16] =	ssyncadd.s32 $0xFFFFEC00  }
0x40: {  	[tilespmem:s15], [sflag:$0x1] =	stream.indirect.gather [hbm4b:s2+s19], $0x80, s17, s19, $0xb8;
	[tilespmem:$0x1F800] =	vst v63  }
0x41: {  	_ = 	snop  }
0x42: {  	[tilespmem:s21], [sflag:$0x2] =	stream.indirect.gather [hbm4b:s2+s19], $0x80, s20, s19, $0xb8;
	[tilespmem:$0x1F800] =	vst v63  }
0x43: {  	_ =	swait.ge [sflag:s22], $0x4000  }
0x44: {  	[sflag:s22] =	ssyncset.done $0x0  }
0x45: {  	s29 =	simm.s32 $0x16400;
	[sflag:s22] =	ssyncadd.s32 $0xFFFFC000  }
0x46: {  	[spmem:s3] =	stream.indirect.scatter.add.f32 [tilespmem:s15], [sflag:$0x3], $0x80, s29, s19, $0xb8;
	[tilespmem:$0x1F800] =	vst v63  }
0x47: {  	_ =	swait.ge [sflag:s16], $0x4000  }
0x48: {  	[sflag:s16] =	ssyncset.done $0x0  }
0x49: {  	s30 =	simm.s32 $0x13D00;
	[sflag:s16] =	ssyncadd.s32 $0xFFFFC000  }
0x4a: {  	[tilespmem:s15], [sflag:$0x1] =	stream.indirect.gather [hbm4b:s2+s19], $0x80, s30, s19, $0xb8;
	[tilespmem:$0x1F800] =	vst v63  }
0x4b: {  	_ =	swait.ge [sflag:s23], $0x4000  }
0x4c: {  	[sflag:s23] =	ssyncset.done $0x0  }
0x4d: {  	s31 =	simm.s32 $0x16480;
	[sflag:s23] =	ssyncadd.s32 $0xFFFFC000  }
0x4e: {  	[spmem:s3] =	stream.indirect.scatter.add.f32 [tilespmem:s21], [sflag:$0x3], $0x80, s31, s19, $0xb8;
	[tilespmem:$0x1F800] =	vst v63  }
0x4f: {  	_ =	swait.ge [sflag:s16], $0x4000  }
0x50: {  	[sflag:s16] =	ssyncset.done $0x0  }
0x51: {  	s26 =	simm.s32 $0x400;
	s28 =	simm.s32 $0x13D80;
	[sflag:s16] =	ssyncadd.s32 $0xFFFFC000  }
.LBB2_4:
0x52: {  	[tilespmem:s21], [sflag:$0x2] =	stream.indirect.gather [hbm4b:s2+s19], $0x80, s28, s19, $0xb8;
	[tilespmem:$0x1F800] =	vst v63  }
0x53: {  	s28 =	smov.u32 s26  }
0x54: {  	p0 =	sne.s32 s26, $0x4C00;
	s26 =	sadd.s32 $0x400, s26;
	_ =	swait.ge [sflag:s22], $0x4000  }
0x55: {  	s28 =	sshra.s32 s28, $0x2;
	[sflag:s22] =	ssyncset.done $0x0  }
0x56: {  	s29 =	sadd.s32 $0x16400, s28;
	[sflag:s22] =	ssyncadd.s32 $0xFFFFC000  }
0x57: {  	[spmem:s3] =	stream.indirect.scatter.add.f32 [tilespmem:s15], [sflag:$0x3], $0x80, s29, s19, $0xb8;
	[tilespmem:$0x1F800] =	vst v63  }
0x58: {  	_ =	swait.ge [sflag:s16], $0x4000  }
0x59: {  	[sflag:s16] =	ssyncset.done $0x0  }
0x5a: {  	s29 =	sadd.s32 $0x13D00, s28;
	[sflag:s16] =	ssyncadd.s32 $0xFFFFC000  }
0x5b: {  	[tilespmem:s15], [sflag:$0x1] =	stream.indirect.gather [hbm4b:s2+s19], $0x80, s29, s19, $0xb8;
	[tilespmem:$0x1F800] =	vst v63  }
0x5c: {  	_ =	swait.ge [sflag:s23], $0x4000  }
0x5d: {  	[sflag:s23] =	ssyncset.done $0x0  }
.Ltmp1:
0x5e: {  	s29 =	sadd.s32 $0x16480, s28;
	[sflag:s23] =	ssyncadd.s32 $0xFFFFC000;
	(pc) =	sbr.rel @p0 .LBB2_4-.Ltmp1, $4  }
0x5f: {  	[spmem:s3] =	stream.indirect.scatter.add.f32 [tilespmem:s21], [sflag:$0x3], $0x80, s29, s19, $0xb8;
	[tilespmem:$0x1F800] =	vst v63  }
0x60: {  	_ =	swait.ge [sflag:s16], $0x4000  }
0x61: {  	[sflag:s16] =	ssyncset.done $0x0  }
0x62: {  	s28 =	sadd.s32 $0x13D80, s28;
	[sflag:s16] =	ssyncadd.s32 $0xFFFFC000  }
0x63: {  	[tilespmem:s21], [sflag:$0x2] =	stream.indirect.gather [hbm4b:s2+s19], $0x80, s28, s19, $0xb8;
	[tilespmem:$0x1F800] =	vst v63  }
0x64: {  	s26 =	simm.s32 $0x0  }
0x65: {  	[tilespmem:s18], [sflag:$0x3] =	stream.linear.gather [hbm4b:s9+s26], $0x1400, $0x38;
	[tilespmem:$0x1F800] =	vst v63  }
0x66: {  	_ =	swait.ge [sflag:s16], $0x1400  }
0x67: {  	[sflag:s16] =	ssyncset.done $0x0  }
0x68: {  	[sflag:s16] =	ssyncadd.s32 $0xFFFFEC00  }
0x69: {  	_ =	swait.ge [sflag:s22], $0x4000  }
0x6a: {  	[sflag:s22] =	ssyncset.done $0x0  }
0x6b: {  	s29 =	simm.s32 $0x16400;
	[sflag:s22] =	ssyncadd.s32 $0xFFFFC000  }
0x6c: {  	[spmem:s3] =	stream.indirect.scatter.add.f32 [tilespmem:s15], [sflag:$0x3], $0x80, s29, s19, $0xb8;
	[tilespmem:$0x1F800] =	vst v63  }
0x6d: {  	_ =	swait.ge [sflag:s16], $0x4000  }
0x6e: {  	[sflag:s16] =	ssyncset.done $0x0  }
0x6f: {  	s30 =	simm.s32 $0x15100;
	[sflag:s16] =	ssyncadd.s32 $0xFFFFC000  }
0x70: {  	[tilespmem:s15], [sflag:$0x1] =	stream.indirect.gather [hbm4b:s2+s19], $0x80, s30, s19, $0xb8;
	[tilespmem:$0x1F800] =	vst v63  }
0x71: {  	_ =	swait.ge [sflag:s23], $0x4000  }
0x72: {  	[sflag:s23] =	ssyncset.done $0x0  }
0x73: {  	s31 =	simm.s32 $0x16480;
	[sflag:s23] =	ssyncadd.s32 $0xFFFFC000  }
0x74: {  	[spmem:s3] =	stream.indirect.scatter.add.f32 [tilespmem:s21], [sflag:$0x3], $0x80, s31, s19, $0xb8;
	[tilespmem:$0x1F800] =	vst v63  }
0x75: {  	_ =	swait.ge [sflag:s16], $0x4000  }
0x76: {  	[sflag:s16] =	ssyncset.done $0x0  }
0x77: {  	s28 =	simm.s32 $0x15180;
	s26 =	simm.s32 $0x400;
	[sflag:s16] =	ssyncadd.s32 $0xFFFFC000  }
.LBB2_6:
0x78: {  	[tilespmem:s21], [sflag:$0x2] =	stream.indirect.gather [hbm4b:s2+s19], $0x80, s28, s19, $0xb8;
	[tilespmem:$0x1F800] =	vst v63  }
0x79: {  	s28 =	smov.u32 s26  }
0x7a: {  	p0 =	sne.s32 s26, $0x4800;
	s26 =	sadd.s32 $0x400, s26;
	_ =	swait.ge [sflag:s22], $0x4000  }
0x7b: {  	s28 =	sshra.s32 s28, $0x2;
	[sflag:s22] =	ssyncset.done $0x0  }
0x7c: {  	s29 =	sadd.s32 $0x16400, s28;
	[sflag:s22] =	ssyncadd.s32 $0xFFFFC000  }
0x7d: {  	[spmem:s3] =	stream.indirect.scatter.add.f32 [tilespmem:s15], [sflag:$0x3], $0x80, s29, s19, $0xb8;
	[tilespmem:$0x1F800] =	vst v63  }
0x7e: {  	_ =	swait.ge [sflag:s16], $0x4000  }
0x7f: {  	[sflag:s16] =	ssyncset.done $0x0  }
0x80: {  	s29 =	sadd.s32 $0x15100, s28;
	[sflag:s16] =	ssyncadd.s32 $0xFFFFC000  }
0x81: {  	[tilespmem:s15], [sflag:$0x1] =	stream.indirect.gather [hbm4b:s2+s19], $0x80, s29, s19, $0xb8;
	[tilespmem:$0x1F800] =	vst v63  }
0x82: {  	_ =	swait.ge [sflag:s23], $0x4000  }
0x83: {  	[sflag:s23] =	ssyncset.done $0x0  }
.Ltmp2:
0x84: {  	s29 =	sadd.s32 $0x16480, s28;
	[sflag:s23] =	ssyncadd.s32 $0xFFFFC000;
	(pc) =	sbr.rel @p0 .LBB2_6-.Ltmp2, $4  }
0x85: {  	[spmem:s3] =	stream.indirect.scatter.add.f32 [tilespmem:s21], [sflag:$0x3], $0x80, s29, s19, $0xb8;
	[tilespmem:$0x1F800] =	vst v63  }
0x86: {  	_ =	swait.ge [sflag:s16], $0x4000  }
0x87: {  	[sflag:s16] =	ssyncset.done $0x0  }
0x88: {  	s28 =	sadd.s32 $0x15180, s28;
	[sflag:s16] =	ssyncadd.s32 $0xFFFFC000  }
0x89: {  	[tilespmem:s21], [sflag:$0x2] =	stream.indirect.gather [hbm4b:s2+s19], $0x80, s28, s19, $0xb8;
	[tilespmem:$0x1F800] =	vst v63  }
0x8a: {  	_ =	swait.ge [sflag:s22], $0x4000  }
0x8b: {  	[sflag:s22] =	ssyncset.done $0x0  }
0x8c: {  	[sflag:s22] =	ssyncadd.s32 $0xFFFFC000  }
0x8d: {  	[spmem:s3] =	stream.indirect.scatter.add.f32 [tilespmem:s15], [sflag:$0x3], $0x80, s24, s19, $0xb8;
	[tilespmem:$0x1F800] =	vst v63  }
0x8e: {  	_ =	swait.ge [sflag:s16], $0x4000  }
0x8f: {  	[sflag:s16] =	ssyncset.done $0x0  }
0x90: {  	[sflag:s16] =	ssyncadd.s32 $0xFFFFC000  }
0x91: {  	[tilespmem:s15], [sflag:$0x1] =	stream.indirect.gather [hbm4b:s2+s19], $0x80, s17, s19, $0xb8;
	[tilespmem:$0x1F800] =	vst v63  }
0x92: {  	_ =	swait.ge [sflag:s23], $0x4000  }
0x93: {  	[sflag:s23] =	ssyncset.done $0x0  }
0x94: {  	[sflag:s23] =	ssyncadd.s32 $0xFFFFC000  }
0x95: {  	[spmem:s3] =	stream.indirect.scatter.add.f32 [tilespmem:s21], [sflag:$0x3], $0x80, s25, s19, $0xb8;
	[tilespmem:$0x1F800] =	vst v63  }
0x96: {  	_ =	swait.ge [sflag:s16], $0x4000  }
0x97: {  	[sflag:s16] =	ssyncset.done $0x0  }
0x98: {  	[sflag:s16] =	ssyncadd.s32 $0xFFFFC000  }
0x99: {  	[tilespmem:s21], [sflag:$0x2] =	stream.indirect.gather [hbm4b:s2+s19], $0x80, s20, s19, $0xb8;
	[tilespmem:$0x1F800] =	vst v63  }
0x9a: {  	_ =	swait.ge [sflag:s22], $0x4000  }
0x9b: {  	[sflag:s22] =	ssyncset.done $0x0  }
0x9c: {  	[sflag:s22] =	ssyncadd.s32 $0xFFFFC000  }
0x9d: {  	_ =	swait.ge [sflag:s23], $0x4000  }
0x9e: {  	s26 =	sshll.u32 s0, $0x6;
	s4 =	sadd.s32 $0x1, s4;
	[sflag:s23] =	ssyncset.done $0x0  }
0x9f: {  	s31 =	sshrl.u32 s5, $0x3;
	p0 =	sne.s32 s4, s11;
	[sflag:s23] =	ssyncadd.s32 $0xFFFFC000  }
.Ltmp3:
0xa0: {  	s26 =	sor.u32 $0x1C03, s26;
	[bflag:$0x0] =	sbarrier.arrive $0xFFFF;
	(pc) =	sbr.rel @p0 .LBB2_1-.Ltmp3, $4  }
0xa1: {  	[hbm:s10], [sflag:s26] =	dma.local [spmem:s31], $0x2780  }
0xa2: {  	_ =	swait.ge [sflag:s16], $0x2780  }
0xa3: {  	[sflag:s16] =	ssyncset.done $0x0  }
0xa4: {  	[sflag:s16] =	ssyncadd.s32 $0xFFFFD880  }
0xa5: {  	_ =	sfence.sel $0x180000  }
0xa6: {  	[bflag:$0x0] =	sbarrier.arrive $0xFFFF  }
0xa7: {  	p0 =	sne.s32 s0, $0x0;
	_ =	strace $0x90000050  }
0xa8: {  	s0 =	sadd.s32 @!p0 $0x100000, s1;
	[bflag:$0x2] =	sbarrier.arrive $0xFFFF  }
0xa9: {  	[sflag:s0] =	ssyncadd.tile.s32 @!p0 $0x1;
	_ =	shalt  }
.Lfunc_end2:
_tile_overlayer_lowered:
.L_overlay_start_2:
0xaa: {  	(tag) =	ssettag $0x2  }
0xab: {  	s0 =	rddreg [dreg:$0x0];
	s2 =	stileid.u32  }
0xac: {  	s1 =	rddreg [dreg:$0x1];
	p0 =	sne.s32 s2, $0x0  }
0xad: {  	s3 =	rddreg [dreg:$0x2];
	[bflag:$0x3] =	sbarrier.arrive $0xFFFF;
	s2 =	simm.s32 @!p0 $0x1C03  }
0xae: {  	[timem:s3], [sflag:s2] =	dma.local @!p0 [hbm:s0], s1  }
0xaf: {  	s0 =	simm.s32 @!p0 $0x3  }
0xb0: {  	_ =	swait.ge @!p0 [sflag:s0], s1  }
0xb1: {  	s1 =	ssub.s32 @!p0 $0x0, s1;
	[sflag:s0] =	ssyncset.done @!p0 $0x0  }
0xb2: {  	[sflag:s0] =	ssyncadd.s32 @!p0 s1  }
0xb3: {  	[bflag:$0x3] =	sbarrier.arrive $0xFFFF  }
0xb4: {  	_ =	shalt  }

// kernel: kernel.27.cloned.1.call-start
scs
__scs_entry_jumppad:
0x0: {  	(pc) =	sbr.rel $0x88, $3  }
0x1: {  	(tag) =	ssettag $0x0;
	lr =	simm.s32 $0x1  }
0x2: {  	[smem:$0x3F91] =	sst lr;
	_ =	strace $0xD0000000  }
0x3: {  	_ = 	snop  }
0x4: {  	_ = 	snop  }
0x5: {  	_ = 	snop  }
0x6: {  	_ = 	snop  }
0x7: {  	_ = 	snop  }
__scs_overlays_trampoline_lowered:
0x8: {  	[smem:$0x3FA0] =	sst s0  }
0x9: {  	[smem:$0x3FA1] =	sst s1  }
0xa: {  	[smem:$0x3FA2] =	sst s2  }
0xb: {  	[smem:$0x3FA3] =	sst s3  }
0xc: {  	[smem:$0x3FA4] =	sst s4  }
0xd: {  	[smem:$0x3FA5] =	sst s5  }
0xe: {  	[smem:$0x3FA6] =	sst s6  }
0xf: {  	[smem:$0x3FA7] =	sst s7  }
0x10: {  	[smem:$0x3FA8] =	sst s8  }
0x11: {  	[smem:$0x3FA9] =	sst s9;
	s0 =	simm.s32 @!p0 $0x0  }
0x12: {  	s1 =	sld [smem:$0x3F8F];
	s0 =	simm.s32 @p0 $0x1  }
0x13: {  	[smem:$0x3FAA] =	sst s0;
	s0 =	simm.s32 @!p1 $0x0  }
0x14: {  	s2 =	sld [smem:$0x3F8E];
	s0 =	simm.s32 @p1 $0x1  }
0x15: {  	[smem:$0x3FAB] =	sst s0;
	s0 =	simm.s32 @!p2 $0x0  }
0x16: {  	s3 =	sld [smem:$0x3FDB];
	s0 =	simm.s32 @p2 $0x1  }
0x17: {  	s4 =	simm.s32 $0x1BF5;
	[smem:$0x3FAD] =	sst s0  }
0x18: {  	s0 =	sld [smem:$0x3F90];
	_ =	swait.ge [sflag:s4], $0x0  }
0x19: {  	s7 =	sld [smem:$0x3F91]  }
0x1a: {  	s8 =	sadd.s32 $0xFFFFE003, lr  }
0x1b: {  	s9 =	sadd.s32 $0xFFFFFEF7, lr;
	s5 =	simm.s32 $0xFFFFFFFF;
	p2 =	slt.u32 s8, $0xFFFFF086  }
0x1c: {  	p1 =	slt.u32 s9, $0xF7A;
	s5 =	simm.s32 @!p2 $0x0  }
0x1d: {  	s5 =	simm.s32 @p1 $0x1;
	p0 =	seq.s32 s7, s2  }
0x1e: {  	s7 =	smul.u32 @!p0 $0xF7A, s2;
	p2 =	seq.s32 @!p0 s5, $0x0  }
0x1f: {  	s9 =	smul.u32 $0xF7A, s1;
	s8 =	simm.s32 @!p0 $0x1BF5;
	p2 =	por !p2, p0  }
0x20: {  	[sflag:s8] =	ssyncset.s32 @!p0 $0xFFFFF086;
	s6 =	sadd.s32 @!p0 s3, s7;
	s7 =	simm.s32 @!p0 $0x108  }
0x21: {  	s3 =	sadd.s32 s3, s9;
	s6 =	sadd.s32 @!p0 $0x88, s6;
	s7 =	simm.s32 @p2 $0x1082  }
0x22: {  	[simem:s7], [sflag:s8] =	dma.local @!p0 [hbm:s6], $0xF7A  }
0x23: {  	s9 =	sor.u32 $0xD0000000, s2;
	s6 =	simm.s32 $0x108;
	_ =	swait.ge @!p0 [sflag:s8], $0x0  }
0x24: {  	s3 =	sadd.s32 $0x88, s3;
	s6 =	simm.s32 @!p1 $0x1082;
	[sflag:s4] =	ssyncset.s32 $0xFFFFF086  }
0x25: {  	[simem:s6], [sflag:s4] =	dma.local [hbm:s3], $0xF7A  }
0x26: {  	[smem:$0x3F91] =	sst s1;
	(tag) =	ssettag s2;
	_ =	strace s9  }
0x27: {  	s1 =	sld [smem:$0x3FA1]  }
0x28: {  	s2 =	sld [smem:$0x3FA2]  }
0x29: {  	s4 =	sld [smem:$0x3FA4]  }
0x2a: {  	p0 =	seq.s32 s5, $0x0;
	s5 =	sld [smem:$0x3FA5]  }
0x2b: {  	s6 =	sld [smem:$0x3FA6]  }
0x2c: {  	s7 =	sld [smem:$0x3FA7]  }
0x2d: {  	s3 =	simm.s32 $0x108;
	s8 =	sld [smem:$0x3FA8]  }
0x2e: {  	s3 =	simm.s32 @!p0 $0x1082;
	s9 =	sld [smem:$0x3FA9]  }
0x2f: {  	lr =	sadd.s32 s0, s3;
	s0 =	sld [smem:$0x3FA0]  }
0x30: {  	s3 =	sld [smem:$0x3FA3]  }
0x31: {  	[smem:$0x3FAC] =	sst s10  }
0x32: {  	s10 =	sld [smem:$0x3FAA];
	_ =	sdelay $0x3  }
0x33: {  	p0 =	seq.s32 s10, $0x1;
	s10 =	sld [smem:$0x3FAC];
	_ =	sdelay $0x3  }
0x34: {  	[smem:$0x3FAC] =	sst s10  }
0x35: {  	s10 =	sld [smem:$0x3FAB];
	_ =	sdelay $0x3  }
0x36: {  	p1 =	seq.s32 s10, $0x1;
	s10 =	sld [smem:$0x3FAC];
	_ =	sdelay $0x3  }
0x37: {  	[smem:$0x3FAC] =	sst s10  }
0x38: {  	s10 =	sld [smem:$0x3FAD]  }
0x39: {  	_ = 	snop;
	(pc) =	sbr.ind lr, $3  }
0x3a: {  	_ = 	snop  }
0x3b: {  	_ = 	snop  }
0x3c: {  	p2 =	seq.s32 s10, $0x1;
	s10 =	sld [smem:$0x3FAC]  }
0x3d: {  	_ =	shalt  }
0x3e: {  	_ =	shalt  }
0x3f: {  	_ =	shalt  }
0x40: {  	_ =	shalt  }
0x41: {  	_ =	shalt  }
0x42: {  	_ =	shalt  }
0x43: {  	_ =	shalt  }
0x44: {  	_ =	shalt  }
0x45: {  	_ =	shalt  }
0x46: {  	_ =	shalt  }
0x47: {  	_ =	shalt  }
0x48: {  	_ =	shalt  }
0x49: {  	_ =	shalt  }
0x4a: {  	_ =	shalt  }
0x4b: {  	_ =	shalt  }
0x4c: {  	_ =	shalt  }
0x4d: {  	_ =	shalt  }
0x4e: {  	_ =	shalt  }
0x4f: {  	_ =	shalt  }
0x50: {  	_ =	shalt  }
0x51: {  	_ =	shalt  }
0x52: {  	_ =	shalt  }
0x53: {  	_ =	shalt  }
0x54: {  	_ =	shalt  }
0x55: {  	_ =	shalt  }
0x56: {  	_ =	shalt  }
0x57: {  	_ =	shalt  }
0x58: {  	_ =	shalt  }
0x59: {  	_ =	shalt  }
0x5a: {  	_ =	shalt  }
0x5b: {  	_ =	shalt  }
0x5c: {  	_ =	shalt  }
0x5d: {  	_ =	shalt  }
0x5e: {  	_ =	shalt  }
0x5f: {  	_ =	shalt  }
0x60: {  	_ =	shalt  }
0x61: {  	_ =	shalt  }
0x62: {  	_ =	shalt  }
0x63: {  	_ =	shalt  }
0x64: {  	_ =	shalt  }
0x65: {  	_ =	shalt  }
0x66: {  	_ =	shalt  }
0x67: {  	_ =	shalt  }
0x68: {  	_ =	shalt  }
0x69: {  	_ =	shalt  }
0x6a: {  	_ =	shalt  }
0x6b: {  	_ =	shalt  }
0x6c: {  	_ =	shalt  }
0x6d: {  	_ =	shalt  }
0x6e: {  	_ =	shalt  }
0x6f: {  	_ =	shalt  }
0x70: {  	_ =	shalt  }
0x71: {  	_ =	shalt  }
0x72: {  	_ =	shalt  }
0x73: {  	_ =	shalt  }
0x74: {  	_ =	shalt  }
0x75: {  	_ =	shalt  }
0x76: {  	_ =	shalt  }
0x77: {  	_ =	shalt  }
0x78: {  	_ =	shalt  }
0x79: {  	_ =	shalt  }
0x7a: {  	_ =	shalt  }
0x7b: {  	_ =	shalt  }
0x7c: {  	_ =	shalt  }
0x7d: {  	_ =	shalt  }
0x7e: {  	_ =	shalt  }
0x7f: {  	_ =	shalt  }
0x80: {  	_ =	shalt  }
0x81: {  	_ =	shalt  }
0x82: {  	_ =	shalt  }
0x83: {  	_ =	shalt  }
0x84: {  	_ =	shalt  }
0x85: {  	_ =	shalt  }
0x86: {  	_ =	shalt  }
0x87: {  	_ =	shalt  }
.Lfunc_end0:
.L_simem_size_0:
called_computation.4_lowered:
.L_overlay_start_0:
0x88: {  	s2 =	sld [smem:$0x3FD9]  }
0x89: {  	s3 =	sld [smem:$0x3FFE];
	_ =	sdelay $0x1  }
0x8a: {  	s1 =	srdreg.scid  }
0x8b: {  	s0 =	sand.u32 $0x1, s1  }
0x8c: {  	s17 =	sshll.u32 s0, $0xA;
	s2 =	sadd.s32 s3, s2  }
0x8d: {  	s2 =	sadd.s32 s2, s17  }
0x8e: {  	[smem:$0x3FB8] =	sst s2  }
0x8f: {  	_ = 	snop  }
0x90: {  	s2 =	sld [smem:$0x3FD0];
	(tm) =	ssettm $0x1  }
0x91: {  	s18 =	sld [smem:$0x3FFB];
	_ =	sdelay $0x3  }
0x92: {  	_ =	strace s18  }
0x93: {  	s3 =	sld [smem:$0x3FFC];
	_ =	sdelay $0x3  }
0x94: {  	_ =	strace s3  }
0x95: {  	s3 =	sld [smem:$0x3FFD];
	_ =	sdelay $0x3  }
0x96: {  	_ =	strace s3  }
0x97: {  	_ =	strace $0x8FFFFFFF  }
0x98: {  	s19 =	sld [smem:$0x3FDB];
	_ =	sdelay $0x1  }
0x99: {  	s4 =	simm.s32 $_scs_section_size  }
0x9a: {  	s5 =	simm.s32 $_size__tile_overlayer_lowered;
	s6 =	simm.s32 $_tile_overlayer_lowered  }
0x9b: {  	s22 =	simm.s32 $0x1BFF;
	s21 =	sshll.u32 s6, $0x1;
	s3 =	sadd.s32 s4, s19  }
0x9c: {  	s7 =	simm.s32 $0x0;
	s20 =	sshll.u32 s5, $0x1;
	s5 =	sadd.s32 s21, s3  }
0x9d: {  	[timem:s7], [sflag:s22] =	dma.local [hbm:s5], s20  }
0x9e: {  	_ =	swait.ge [sflag:s22], s20  }
0x9f: {  	s4 =	ssub.s32 $0x0, s20;
	[sflag:s22] =	ssyncset.done $0x0  }
0xa0: {  	[sflag:s22] =	ssyncadd.s32 s4;
	_ =	sdelay $0x1  }
0xa1: {  	s23 =	simm.s32 $0x1B8B  }
0xa2: {  	_ =	swait.ge [sflag:s23], $0x1  }
0xa3: {  	[sflag:s23] =	ssyncset.done $0x0  }
0xa4: {  	s25 =	simm.s32 $0x1B8E;
	s24 =	sld [smem:$0x3FFE];
	[sflag:s23] =	ssyncadd.s32 $0xFFFFFFFF  }
0xa5: {  	s26 =	simm.s32 $execute0_lowered;
	[smem:$0x3FD2] =	sst s25  }
0xa6: {  	s5 =	sshll.u32 s26, $0x1;
	_ =	strace $0x80000052;
	[dreg:$0x1] =	wrdreg $0xFFFFFFFF  }
0xa7: {  	s28 =	simm.s32 $_size_execute0_lowered;
	s3 =	sadd.s32 s3, s5;
	[dreg:$0x0] =	wrdreg $0x0  }
0xa8: {  	s5 =	sshll.u32 s28, $0x1;
	[dreg:$0x2] =	wrdreg s3  }
0xa9: {  	[dreg:$0x3] =	wrdreg s5  }
0xaa: {  	[dreg:$0x4] =	wrdreg $0xC0  }
0xab: {  	_ =	task [dreg:s7], $0x5FFFF  }
0xac: {  	[dreg:$0x1] =	wrdreg $0xFFFFFFFF  }
0xad: {  	[dreg:$0x0] =	wrdreg $0x60  }
0xae: {  	[dreg:$0x2] =	wrdreg s2  }
0xaf: {  	[dreg:$0x3] =	wrdreg s24  }
0xb0: {  	[dreg:$0x4] =	wrdreg $0x0  }
0xb1: {  	[dreg:$0x5] =	wrdreg $0x9  }
0xb2: {  	_ =	task.clear_ibuf [dreg:s7], $0x6FFFF;
	_ =	strace $0x90000052  }
0xb3: {  	s29 =	simm.s32 $0x9;
	_ =	strace $0x80000054  }
0xb4: {  	_ =	swait.ge [sflag:s29], $0x1  }
0xb5: {  	[sflag:s29] =	ssyncadd.s32 $0xFFFFFFFF  }
0xb6: {  	_ =	strace $0x90000054  }
0xb7: {  	_ =	sfence  }
0xb8: {  	s30 =	sld [smem:$0x0];
	_ =	sdelay $0x2  }
0xb9: {  	s31 =	sshll.u32 s1, $0xD;
	s1 =	sshrl.u32 s1, $0x2  }
0xba: {  	s3 =	sand.u32 $0x4000, s31;
	s1 =	sadd.s32 s1, s30  }
0xbb: {  	s0 =	sor.u32 s3, s0;
	s1 =	sshll.u32 s1, $0x11  }
0xbc: {  	s0 =	sor.u32 s1, s0  }
0xbd: {  	s0 =	sadd.s32 $0x8F2B, s0  }
0xbe: {  	[sflag:s0] =	ssyncadd.remote.s32 $0x1  }
0xbf: {  	_ =	sfence.sel $0xFFFF  }
0xc0: {  	[dreg:$0x0] =	wrdreg $0xFFFFFFFF;
	(pc) =	sbr.abs _section_cstart, $3  }
0xc1: {  	[dreg:$0x1] =	wrdreg $0xFFFFFFFF  }
0xc2: {  	_ =	task.clear_ibuf [dreg:s7], $0x2FFFF;
	_ =	strace $0x9FFFFFFF  }
0xc3: {  	(tm) =	ssettm $0x7FFFFFFF  }
tec
execute0_lowered:
.L_overlay_start_1:
0x0: {  	(tag) =	ssettag $0x1  }
0x1: {  	s2 =	rddreg [dreg:$0x0]  }
0x2: {  	s6 =	rddreg [dreg:$0x1]  }
0x3: {  	s0 =	srdreg.scid;
	s3 =	rddreg [dreg:$0x2]  }
0x4: {  	s4 =	simm.s32 $0x0;
	s15 =	simm.s32 $0x17800;
	s16 =	simm.s32 $0x3  }
0x5: {  	s17 =	simm.s32 $0x13C00;
	s18 =	simm.s32 $0x16400;
	s19 =	simm.s32 $0x80  }
0x6: {  	s20 =	simm.s32 $0x13C80;
	s21 =	simm.s32 $0x1B800;
	s22 =	simm.s32 $0x1  }
0x7: {  	s23 =	simm.s32 $0x2;
	s24 =	simm.s32 $0x17700;
	s5 =	sand.u32 $0x1, s0  }
0x8: {  	s25 =	simm.s32 $0x17780;
	s0 =	stileid.u32;
	s8 =	smul.u32 $0x13C000, s5  }
0x9: {  	[smem:$0x7FF] =	sst s4;
	s1 =	sshll.u32 s5, $0x4;
	s9 =	smul.u32 $0x13C00, s0  }
0xa: {  	s10 =	smul.u32 $0x4F000, s0;
	s28 =	ssub.s32 $0x2, s5;
	s1 =	sor.u32 s0, s1  }
0xb: {  	s31 =	sshrl.u32 s28, $0x1;
	s7 =	smul.u32 $0x2800, s1;
	s1 =	rddreg [dreg:$0x3]  }
0xc: {  	_ =	strace $0x80000053;
	s26 =	sadd.s32 s9, s8;
	s29 =	sshrl.u32 s10, $0x2  }
0xd: {  	s12 =	ssub.s32 s28, s31;
	s5 =	sadd.s32 s29, s3;
	s7 =	sshrl.u32 s7, $0x3  }
0xe: {  	s13 =	sadd.s32 $0x8000, s5;
	s11 =	sadd.s32 s7, s6;
	s7 =	sshrl.u32 s26, $0x3  }
0xf: {  	s14 =	sadd.s32 $0xC000, s5;
	s30 =	sadd.s32 s7, s6;
	s6 =	sadd.s32 $0x10000, s5  }
0x10: {  	s7 =	sadd.s32 $0x5E400, s11;
	s8 =	sadd.s32 $0x5400, s11;
	s9 =	sadd.s32 $0x5680, s11  }
0x11: {  	v0 =	vimm.f32 $0.0e+00;
	s11 =	smax.u32 s12, $0x1;
	s12 =	sadd.s32 $0x4000, s5;
	s10 =	sadd.s32 $0xF400, s30  }
.LBB2_1:
0x12: {  	s26 =	simm.s32 $0x0;
	s28 =	simm.s32 $0x200  }
.LBB2_2:
0x13: {  	p0 =	sne.s32 s28, $0xFE00;
	[tilespmem:s26+$0x17870] =	vst v0  }
0x14: {  	[tilespmem:s26+$0x17800] =	vst v0  }
0x15: {  	[tilespmem:s26+$0x17810] =	vst v0  }
.Ltmp0:
0x16: {  	[tilespmem:s26+$0x17820] =	vst v0;
	(pc) =	sbr.rel @p0 .LBB2_2-.Ltmp0, $4  }
0x17: {  	[tilespmem:s26+$0x17830] =	vst v0  }
0x18: {  	[tilespmem:s26+$0x17840] =	vst v0  }
0x19: {  	[tilespmem:s26+$0x17850] =	vst v0  }
0x1a: {  	[tilespmem:s26+$0x17860] =	vst v0;
	s26 =	sshra.s32 s28, $0x2;
	s28 =	sadd.s32 $0x200, s28  }
0x1b: {  	[tilespmem:s26+$0x17870] =	vst v0  }
0x1c: {  	[tilespmem:s26+$0x17800] =	vst v0  }
0x1d: {  	[tilespmem:s26+$0x17810] =	vst v0  }
0x1e: {  	[tilespmem:s26+$0x17820] =	vst v0  }
0x1f: {  	[tilespmem:s26+$0x17830] =	vst v0  }
0x20: {  	[tilespmem:s26+$0x17840] =	vst v0  }
0x21: {  	[tilespmem:s26+$0x17850] =	vst v0  }
0x22: {  	[tilespmem:s26+$0x17860] =	vst v0  }
0x23: {  	[spmem:s5] =	stream.linear.scatter [tilespmem:s15], [sflag:$0x3], $0x4000, $0x38;
	[tilespmem:$0x1F800] =	vst v63  }
0x24: {  	_ =	swait.ge [sflag:s16], $0x4000  }
0x25: {  	[sflag:s16] =	ssyncset.done $0x0  }
0x26: {  	[sflag:s16] =	ssyncadd.s32 $0xFFFFC000  }
0x27: {  	[spmem:s12] =	stream.linear.scatter [tilespmem:s15], [sflag:$0x3], $0x4000, $0x38;
	[tilespmem:$0x1F800] =	vst v63  }
0x28: {  	_ =	swait.ge [sflag:s16], $0x4000  }
0x29: {  	[sflag:s16] =	ssyncset.done $0x0  }
0x2a: {  	[sflag:s16] =	ssyncadd.s32 $0xFFFFC000  }
0x2b: {  	[spmem:s13] =	stream.linear.scatter [tilespmem:s15], [sflag:$0x3], $0x4000, $0x38;
	[tilespmem:$0x1F800] =	vst v63  }
0x2c: {  	_ =	swait.ge [sflag:s16], $0x4000  }
0x2d: {  	[sflag:s16] =	ssyncset.done $0x0  }
0x2e: {  	[sflag:s16] =	ssyncadd.s32 $0xFFFFC000  }
0x2f: {  	[spmem:s14] =	stream.linear.scatter [tilespmem:s15], [sflag:$0x3], $0x4000, $0x38;
	[tilespmem:$0x1F800] =	vst v63  }
0x30: {  	_ =	swait.ge [sflag:s16], $0x4000  }
0x31: {  	[sflag:s16] =	ssyncset.done $0x0  }
0x32: {  	[sflag:s16] =	ssyncadd.s32 $0xFFFFC000  }
0x33: {  	[spmem:s6] =	stream.linear.scatter [tilespmem:s15], [sflag:$0x3], $0x3C00, $0x38;
	[tilespmem:$0x1F800] =	vst v63  }
0x34: {  	_ =	swait.ge [sflag:s16], $0x3C00  }
0x35: {  	[sflag:s16] =	ssyncset.done $0x0  }
0x36: {  	[sflag:s16] =	ssyncadd.s32 $0xFFFFC400  }
0x37: {  	s31 =	simm.s32 $0x0;
	[bflag:$0x0] =	sbarrier.arrive $0xFFFF  }
0x38: {  	[tilespmem:s17], [sflag:$0x3] =	stream.linear.gather [hbm4b:s7+s31], $0x2800, $0x38;
	[tilespmem:$0x1F800] =	vst v63  }
0x39: {  	_ =	swait.ge [sflag:s16], $0x2800  }
0x3a: {  	[sflag:s16] =	ssyncset.done $0x0  }
0x3b: {  	[sflag:s16] =	ssyncadd.s32 $0xFFFFD800  }
0x3c: {  	[tilespmem:s18], [sflag:$0x3] =	stream.linear.gather [hbm4b:s8+s31], $0x1400, $0x38;
	[tilespmem:$0x1F800] =	vst v63  }
0x3d: {  	_ =	swait.ge [sflag:s16], $0x1400  }
0x3e: {  	[sflag:s16] =	ssyncset.done $0x0  }
0x3f: {  	[sflag:s16] =	ssyncadd.s32 $0xFFFFEC00  }
0x40: {  	[tilespmem:s15], [sflag:$0x1] =	stream.indirect.gather [hbm4b:s2+s19], $0x80, s17, s19, $0xb8;
	[tilespmem:$0x1F800] =	vst v63  }
0x41: {  	_ = 	snop  }
0x42: {  	[tilespmem:s21], [sflag:$0x2] =	stream.indirect.gather [hbm4b:s2+s19], $0x80, s20, s19, $0xb8;
	[tilespmem:$0x1F800] =	vst v63  }
0x43: {  	_ =	swait.ge [sflag:s22], $0x4000  }
0x44: {  	[sflag:s22] =	ssyncset.done $0x0  }
0x45: {  	s29 =	simm.s32 $0x16400;
	[sflag:s22] =	ssyncadd.s32 $0xFFFFC000  }
0x46: {  	[spmem:s3] =	stream.indirect.scatter.add.f32 [tilespmem:s15], [sflag:$0x3], $0x80, s29, s19, $0xb8;
	[tilespmem:$0x1F800] =	vst v63  }
0x47: {  	_ =	swait.ge [sflag:s16], $0x4000  }
0x48: {  	[sflag:s16] =	ssyncset.done $0x0  }
0x49: {  	s30 =	simm.s32 $0x13D00;
	[sflag:s16] =	ssyncadd.s32 $0xFFFFC000  }
0x4a: {  	[tilespmem:s15], [sflag:$0x1] =	stream.indirect.gather [hbm4b:s2+s19], $0x80, s30, s19, $0xb8;
	[tilespmem:$0x1F800] =	vst v63  }
0x4b: {  	_ =	swait.ge [sflag:s23], $0x4000  }
0x4c: {  	[sflag:s23] =	ssyncset.done $0x0  }
0x4d: {  	s31 =	simm.s32 $0x16480;
	[sflag:s23] =	ssyncadd.s32 $0xFFFFC000  }
0x4e: {  	[spmem:s3] =	stream.indirect.scatter.add.f32 [tilespmem:s21], [sflag:$0x3], $0x80, s31, s19, $0xb8;
	[tilespmem:$0x1F800] =	vst v63  }
0x4f: {  	_ =	swait.ge [sflag:s16], $0x4000  }
0x50: {  	[sflag:s16] =	ssyncset.done $0x0  }
0x51: {  	s26 =	simm.s32 $0x400;
	s28 =	simm.s32 $0x13D80;
	[sflag:s16] =	ssyncadd.s32 $0xFFFFC000  }
.LBB2_4:
0x52: {  	[tilespmem:s21], [sflag:$0x2] =	stream.indirect.gather [hbm4b:s2+s19], $0x80, s28, s19, $0xb8;
	[tilespmem:$0x1F800] =	vst v63  }
0x53: {  	s28 =	smov.u32 s26  }
0x54: {  	p0 =	sne.s32 s26, $0x4C00;
	s26 =	sadd.s32 $0x400, s26;
	_ =	swait.ge [sflag:s22], $0x4000  }
0x55: {  	s28 =	sshra.s32 s28, $0x2;
	[sflag:s22] =	ssyncset.done $0x0  }
0x56: {  	s29 =	sadd.s32 $0x16400, s28;
	[sflag:s22] =	ssyncadd.s32 $0xFFFFC000  }
0x57: {  	[spmem:s3] =	stream.indirect.scatter.add.f32 [tilespmem:s15], [sflag:$0x3], $0x80, s29, s19, $0xb8;
	[tilespmem:$0x1F800] =	vst v63  }
0x58: {  	_ =	swait.ge [sflag:s16], $0x4000  }
0x59: {  	[sflag:s16] =	ssyncset.done $0x0  }
0x5a: {  	s29 =	sadd.s32 $0x13D00, s28;
	[sflag:s16] =	ssyncadd.s32 $0xFFFFC000  }
0x5b: {  	[tilespmem:s15], [sflag:$0x1] =	stream.indirect.gather [hbm4b:s2+s19], $0x80, s29, s19, $0xb8;
	[tilespmem:$0x1F800] =	vst v63  }
0x5c: {  	_ =	swait.ge [sflag:s23], $0x4000  }
0x5d: {  	[sflag:s23] =	ssyncset.done $0x0  }
.Ltmp1:
0x5e: {  	s29 =	sadd.s32 $0x16480, s28;
	[sflag:s23] =	ssyncadd.s32 $0xFFFFC000;
	(pc) =	sbr.rel @p0 .LBB2_4-.Ltmp1, $4  }
0x5f: {  	[spmem:s3] =	stream.indirect.scatter.add.f32 [tilespmem:s21], [sflag:$0x3], $0x80, s29, s19, $0xb8;
	[tilespmem:$0x1F800] =	vst v63  }
0x60: {  	_ =	swait.ge [sflag:s16], $0x4000  }
0x61: {  	[sflag:s16] =	ssyncset.done $0x0  }
0x62: {  	s28 =	sadd.s32 $0x13D80, s28;
	[sflag:s16] =	ssyncadd.s32 $0xFFFFC000  }
0x63: {  	[tilespmem:s21], [sflag:$0x2] =	stream.indirect.gather [hbm4b:s2+s19], $0x80, s28, s19, $0xb8;
	[tilespmem:$0x1F800] =	vst v63  }
0x64: {  	s26 =	simm.s32 $0x0  }
0x65: {  	[tilespmem:s18], [sflag:$0x3] =	stream.linear.gather [hbm4b:s9+s26], $0x1400, $0x38;
	[tilespmem:$0x1F800] =	vst v63  }
0x66: {  	_ =	swait.ge [sflag:s16], $0x1400  }
0x67: {  	[sflag:s16] =	ssyncset.done $0x0  }
0x68: {  	[sflag:s16] =	ssyncadd.s32 $0xFFFFEC00  }
0x69: {  	_ =	swait.ge [sflag:s22], $0x4000  }
0x6a: {  	[sflag:s22] =	ssyncset.done $0x0  }
0x6b: {  	s29 =	simm.s32 $0x16400;
	[sflag:s22] =	ssyncadd.s32 $0xFFFFC000  }
0x6c: {  	[spmem:s3] =	stream.indirect.scatter.add.f32 [tilespmem:s15], [sflag:$0x3], $0x80, s29, s19, $0xb8;
	[tilespmem:$0x1F800] =	vst v63  }
0x6d: {  	_ =	swait.ge [sflag:s16], $0x4000  }
0x6e: {  	[sflag:s16] =	ssyncset.done $0x0  }
0x6f: {  	s30 =	simm.s32 $0x15100;
	[sflag:s16] =	ssyncadd.s32 $0xFFFFC000  }
0x70: {  	[tilespmem:s15], [sflag:$0x1] =	stream.indirect.gather [hbm4b:s2+s19], $0x80, s30, s19, $0xb8;
	[tilespmem:$0x1F800] =	vst v63  }
0x71: {  	_ =	swait.ge [sflag:s23], $0x4000  }
0x72: {  	[sflag:s23] =	ssyncset.done $0x0  }
0x73: {  	s31 =	simm.s32 $0x16480;
	[sflag:s23] =	ssyncadd.s32 $0xFFFFC000  }
0x74: {  	[spmem:s3] =	stream.indirect.scatter.add.f32 [tilespmem:s21], [sflag:$0x3], $0x80, s31, s19, $0xb8;
	[tilespmem:$0x1F800] =	vst v63  }
0x75: {  	_ =	swait.ge [sflag:s16], $0x4000  }
0x76: {  	[sflag:s16] =	ssyncset.done $0x0  }
0x77: {  	s28 =	simm.s32 $0x15180;
	s26 =	simm.s32 $0x400;
	[sflag:s16] =	ssyncadd.s32 $0xFFFFC000  }
.LBB2_6:
0x78: {  	[tilespmem:s21], [sflag:$0x2] =	stream.indirect.gather [hbm4b:s2+s19], $0x80, s28, s19, $0xb8;
	[tilespmem:$0x1F800] =	vst v63  }
0x79: {  	s28 =	smov.u32 s26  }
0x7a: {  	p0 =	sne.s32 s26, $0x4800;
	s26 =	sadd.s32 $0x400, s26;
	_ =	swait.ge [sflag:s22], $0x4000  }
0x7b: {  	s28 =	sshra.s32 s28, $0x2;
	[sflag:s22] =	ssyncset.done $0x0  }
0x7c: {  	s29 =	sadd.s32 $0x16400, s28;
	[sflag:s22] =	ssyncadd.s32 $0xFFFFC000  }
0x7d: {  	[spmem:s3] =	stream.indirect.scatter.add.f32 [tilespmem:s15], [sflag:$0x3], $0x80, s29, s19, $0xb8;
	[tilespmem:$0x1F800] =	vst v63  }
0x7e: {  	_ =	swait.ge [sflag:s16], $0x4000  }
0x7f: {  	[sflag:s16] =	ssyncset.done $0x0  }
0x80: {  	s29 =	sadd.s32 $0x15100, s28;
	[sflag:s16] =	ssyncadd.s32 $0xFFFFC000  }
0x81: {  	[tilespmem:s15], [sflag:$0x1] =	stream.indirect.gather [hbm4b:s2+s19], $0x80, s29, s19, $0xb8;
	[tilespmem:$0x1F800] =	vst v63  }
0x82: {  	_ =	swait.ge [sflag:s23], $0x4000  }
0x83: {  	[sflag:s23] =	ssyncset.done $0x0  }
.Ltmp2:
0x84: {  	s29 =	sadd.s32 $0x16480, s28;
	[sflag:s23] =	ssyncadd.s32 $0xFFFFC000;
	(pc) =	sbr.rel @p0 .LBB2_6-.Ltmp2, $4  }
0x85: {  	[spmem:s3] =	stream.indirect.scatter.add.f32 [tilespmem:s21], [sflag:$0x3], $0x80, s29, s19, $0xb8;
	[tilespmem:$0x1F800] =	vst v63  }
0x86: {  	_ =	swait.ge [sflag:s16], $0x4000  }
0x87: {  	[sflag:s16] =	ssyncset.done $0x0  }
0x88: {  	s28 =	sadd.s32 $0x15180, s28;
	[sflag:s16] =	ssyncadd.s32 $0xFFFFC000  }
0x89: {  	[tilespmem:s21], [sflag:$0x2] =	stream.indirect.gather [hbm4b:s2+s19], $0x80, s28, s19, $0xb8;
	[tilespmem:$0x1F800] =	vst v63  }
0x8a: {  	_ =	swait.ge [sflag:s22], $0x4000  }
0x8b: {  	[sflag:s22] =	ssyncset.done $0x0  }
0x8c: {  	[sflag:s22] =	ssyncadd.s32 $0xFFFFC000  }
0x8d: {  	[spmem:s3] =	stream.indirect.scatter.add.f32 [tilespmem:s15], [sflag:$0x3], $0x80, s24, s19, $0xb8;
	[tilespmem:$0x1F800] =	vst v63  }
0x8e: {  	_ =	swait.ge [sflag:s16], $0x4000  }
0x8f: {  	[sflag:s16] =	ssyncset.done $0x0  }
0x90: {  	[sflag:s16] =	ssyncadd.s32 $0xFFFFC000  }
0x91: {  	[tilespmem:s15], [sflag:$0x1] =	stream.indirect.gather [hbm4b:s2+s19], $0x80, s17, s19, $0xb8;
	[tilespmem:$0x1F800] =	vst v63  }
0x92: {  	_ =	swait.ge [sflag:s23], $0x4000  }
0x93: {  	[sflag:s23] =	ssyncset.done $0x0  }
0x94: {  	[sflag:s23] =	ssyncadd.s32 $0xFFFFC000  }
0x95: {  	[spmem:s3] =	stream.indirect.scatter.add.f32 [tilespmem:s21], [sflag:$0x3], $0x80, s25, s19, $0xb8;
	[tilespmem:$0x1F800] =	vst v63  }
0x96: {  	_ =	swait.ge [sflag:s16], $0x4000  }
0x97: {  	[sflag:s16] =	ssyncset.done $0x0  }
0x98: {  	[sflag:s16] =	ssyncadd.s32 $0xFFFFC000  }
0x99: {  	[tilespmem:s21], [sflag:$0x2] =	stream.indirect.gather [hbm4b:s2+s19], $0x80, s20, s19, $0xb8;
	[tilespmem:$0x1F800] =	vst v63  }
0x9a: {  	_ =	swait.ge [sflag:s22], $0x4000  }
0x9b: {  	[sflag:s22] =	ssyncset.done $0x0  }
0x9c: {  	[sflag:s22] =	ssyncadd.s32 $0xFFFFC000  }
0x9d: {  	_ =	swait.ge [sflag:s23], $0x4000  }
0x9e: {  	s26 =	sshll.u32 s0, $0x6;
	s4 =	sadd.s32 $0x1, s4;
	[sflag:s23] =	ssyncset.done $0x0  }
0x9f: {  	s31 =	sshrl.u32 s5, $0x3;
	p0 =	sne.s32 s4, s11;
	[sflag:s23] =	ssyncadd.s32 $0xFFFFC000  }
.Ltmp3:
0xa0: {  	s26 =	sor.u32 $0x1C03, s26;
	[bflag:$0x0] =	sbarrier.arrive $0xFFFF;
	(pc) =	sbr.rel @p0 .LBB2_1-.Ltmp3, $4  }
0xa1: {  	[hbm:s10], [sflag:s26] =	dma.local [spmem:s31], $0x2780  }
0xa2: {  	_ =	swait.ge [sflag:s16], $0x2780  }
0xa3: {  	[sflag:s16] =	ssyncset.done $0x0  }
0xa4: {  	[sflag:s16] =	ssyncadd.s32 $0xFFFFD880  }
0xa5: {  	_ =	sfence.sel $0x180000  }
0xa6: {  	[bflag:$0x0] =	sbarrier.arrive $0xFFFF  }
0xa7: {  	p0 =	sne.s32 s0, $0x0;
	_ =	strace $0x90000053  }
0xa8: {  	s0 =	sadd.s32 @!p0 $0x100000, s1;
	[bflag:$0x2] =	sbarrier.arrive $0xFFFF  }
0xa9: {  	[sflag:s0] =	ssyncadd.tile.s32 @!p0 $0x1;
	_ =	shalt  }
.Lfunc_end2:
_tile_overlayer_lowered:
.L_overlay_start_2:
0xaa: {  	(tag) =	ssettag $0x2  }
0xab: {  	s0 =	rddreg [dreg:$0x0];
	s2 =	stileid.u32  }
0xac: {  	s1 =	rddreg [dreg:$0x1];
	p0 =	sne.s32 s2, $0x0  }
0xad: {  	s3 =	rddreg [dreg:$0x2];
	[bflag:$0x3] =	sbarrier.arrive $0xFFFF;
	s2 =	simm.s32 @!p0 $0x1C03  }
0xae: {  	[timem:s3], [sflag:s2] =	dma.local @!p0 [hbm:s0], s1  }
0xaf: {  	s0 =	simm.s32 @!p0 $0x3  }
0xb0: {  	_ =	swait.ge @!p0 [sflag:s0], s1  }
0xb1: {  	s1 =	ssub.s32 @!p0 $0x0, s1;
	[sflag:s0] =	ssyncset.done @!p0 $0x0  }
0xb2: {  	[sflag:s0] =	ssyncadd.s32 @!p0 s1  }
0xb3: {  	[bflag:$0x3] =	sbarrier.arrive $0xFFFF  }
0xb4: {  	_ =	shalt  }

// kernel: kernel.30.cloned.1.call-start
scs
__scs_entry_jumppad:
0x0: {  	(pc) =	sbr.rel $0x88, $3  }
0x1: {  	(tag) =	ssettag $0x0;
	lr =	simm.s32 $0x1  }
0x2: {  	[smem:$0x3F91] =	sst lr;
	_ =	strace $0xD0000000  }
0x3: {  	_ = 	snop  }
0x4: {  	_ = 	snop  }
0x5: {  	_ = 	snop  }
0x6: {  	_ = 	snop  }
0x7: {  	_ = 	snop  }
__scs_overlays_trampoline_lowered:
0x8: {  	[smem:$0x3FA0] =	sst s0  }
0x9: {  	[smem:$0x3FA1] =	sst s1  }
0xa: {  	[smem:$0x3FA2] =	sst s2  }
0xb: {  	[smem:$0x3FA3] =	sst s3  }
0xc: {  	[smem:$0x3FA4] =	sst s4  }
0xd: {  	[smem:$0x3FA5] =	sst s5  }
0xe: {  	[smem:$0x3FA6] =	sst s6  }
0xf: {  	[smem:$0x3FA7] =	sst s7  }
0x10: {  	[smem:$0x3FA8] =	sst s8  }
0x11: {  	[smem:$0x3FA9] =	sst s9;
	s0 =	simm.s32 @!p0 $0x0  }
0x12: {  	s1 =	sld [smem:$0x3F8F];
	s0 =	simm.s32 @p0 $0x1  }
0x13: {  	[smem:$0x3FAA] =	sst s0;
	s0 =	simm.s32 @!p1 $0x0  }
0x14: {  	s2 =	sld [smem:$0x3F8E];
	s0 =	simm.s32 @p1 $0x1  }
0x15: {  	[smem:$0x3FAB] =	sst s0;
	s0 =	simm.s32 @!p2 $0x0  }
0x16: {  	s3 =	sld [smem:$0x3FDB];
	s0 =	simm.s32 @p2 $0x1  }
0x17: {  	s4 =	simm.s32 $0x1BF5;
	[smem:$0x3FAD] =	sst s0  }
0x18: {  	s0 =	sld [smem:$0x3F90];
	_ =	swait.ge [sflag:s4], $0x0  }
0x19: {  	s7 =	sld [smem:$0x3F91]  }
0x1a: {  	s8 =	sadd.s32 $0xFFFFE003, lr  }
0x1b: {  	s9 =	sadd.s32 $0xFFFFFEF7, lr;
	s5 =	simm.s32 $0xFFFFFFFF;
	p2 =	slt.u32 s8, $0xFFFFF086  }
0x1c: {  	p1 =	slt.u32 s9, $0xF7A;
	s5 =	simm.s32 @!p2 $0x0  }
0x1d: {  	s5 =	simm.s32 @p1 $0x1;
	p0 =	seq.s32 s7, s2  }
0x1e: {  	s7 =	smul.u32 @!p0 $0xF7A, s2;
	p2 =	seq.s32 @!p0 s5, $0x0  }
0x1f: {  	s9 =	smul.u32 $0xF7A, s1;
	s8 =	simm.s32 @!p0 $0x1BF5;
	p2 =	por !p2, p0  }
0x20: {  	[sflag:s8] =	ssyncset.s32 @!p0 $0xFFFFF086;
	s6 =	sadd.s32 @!p0 s3, s7;
	s7 =	simm.s32 @!p0 $0x108  }
0x21: {  	s3 =	sadd.s32 s3, s9;
	s6 =	sadd.s32 @!p0 $0x88, s6;
	s7 =	simm.s32 @p2 $0x1082  }
0x22: {  	[simem:s7], [sflag:s8] =	dma.local @!p0 [hbm:s6], $0xF7A  }
0x23: {  	s9 =	sor.u32 $0xD0000000, s2;
	s6 =	simm.s32 $0x108;
	_ =	swait.ge @!p0 [sflag:s8], $0x0  }
0x24: {  	s3 =	sadd.s32 $0x88, s3;
	s6 =	simm.s32 @!p1 $0x1082;
	[sflag:s4] =	ssyncset.s32 $0xFFFFF086  }
0x25: {  	[simem:s6], [sflag:s4] =	dma.local [hbm:s3], $0xF7A  }
0x26: {  	[smem:$0x3F91] =	sst s1;
	(tag) =	ssettag s2;
	_ =	strace s9  }
0x27: {  	s1 =	sld [smem:$0x3FA1]  }
0x28: {  	s2 =	sld [smem:$0x3FA2]  }
0x29: {  	s4 =	sld [smem:$0x3FA4]  }
0x2a: {  	p0 =	seq.s32 s5, $0x0;
	s5 =	sld [smem:$0x3FA5]  }
0x2b: {  	s6 =	sld [smem:$0x3FA6]  }
0x2c: {  	s7 =	sld [smem:$0x3FA7]  }
0x2d: {  	s3 =	simm.s32 $0x108;
	s8 =	sld [smem:$0x3FA8]  }
0x2e: {  	s3 =	simm.s32 @!p0 $0x1082;
	s9 =	sld [smem:$0x3FA9]  }
0x2f: {  	lr =	sadd.s32 s0, s3;
	s0 =	sld [smem:$0x3FA0]  }
0x30: {  	s3 =	sld [smem:$0x3FA3]  }
0x31: {  	[smem:$0x3FAC] =	sst s10  }
0x32: {  	s10 =	sld [smem:$0x3FAA];
	_ =	sdelay $0x3  }
0x33: {  	p0 =	seq.s32 s10, $0x1;
	s10 =	sld [smem:$0x3FAC];
	_ =	sdelay $0x3  }
0x34: {  	[smem:$0x3FAC] =	sst s10  }
0x35: {  	s10 =	sld [smem:$0x3FAB];
	_ =	sdelay $0x3  }
0x36: {  	p1 =	seq.s32 s10, $0x1;
	s10 =	sld [smem:$0x3FAC];
	_ =	sdelay $0x3  }
0x37: {  	[smem:$0x3FAC] =	sst s10  }
0x38: {  	s10 =	sld [smem:$0x3FAD]  }
0x39: {  	_ = 	snop;
	(pc) =	sbr.ind lr, $3  }
0x3a: {  	_ = 	snop  }
0x3b: {  	_ = 	snop  }
0x3c: {  	p2 =	seq.s32 s10, $0x1;
	s10 =	sld [smem:$0x3FAC]  }
0x3d: {  	_ =	shalt  }
0x3e: {  	_ =	shalt  }
0x3f: {  	_ =	shalt  }
0x40: {  	_ =	shalt  }
0x41: {  	_ =	shalt  }
0x42: {  	_ =	shalt  }
0x43: {  	_ =	shalt  }
0x44: {  	_ =	shalt  }
0x45: {  	_ =	shalt  }
0x46: {  	_ =	shalt  }
0x47: {  	_ =	shalt  }
0x48: {  	_ =	shalt  }
0x49: {  	_ =	shalt  }
0x4a: {  	_ =	shalt  }
0x4b: {  	_ =	shalt  }
0x4c: {  	_ =	shalt  }
0x4d: {  	_ =	shalt  }
0x4e: {  	_ =	shalt  }
0x4f: {  	_ =	shalt  }
0x50: {  	_ =	shalt  }
0x51: {  	_ =	shalt  }
0x52: {  	_ =	shalt  }
0x53: {  	_ =	shalt  }
0x54: {  	_ =	shalt  }
0x55: {  	_ =	shalt  }
0x56: {  	_ =	shalt  }
0x57: {  	_ =	shalt  }
0x58: {  	_ =	shalt  }
0x59: {  	_ =	shalt  }
0x5a: {  	_ =	shalt  }
0x5b: {  	_ =	shalt  }
0x5c: {  	_ =	shalt  }
0x5d: {  	_ =	shalt  }
0x5e: {  	_ =	shalt  }
0x5f: {  	_ =	shalt  }
0x60: {  	_ =	shalt  }
0x61: {  	_ =	shalt  }
0x62: {  	_ =	shalt  }
0x63: {  	_ =	shalt  }
0x64: {  	_ =	shalt  }
0x65: {  	_ =	shalt  }
0x66: {  	_ =	shalt  }
0x67: {  	_ =	shalt  }
0x68: {  	_ =	shalt  }
0x69: {  	_ =	shalt  }
0x6a: {  	_ =	shalt  }
0x6b: {  	_ =	shalt  }
0x6c: {  	_ =	shalt  }
0x6d: {  	_ =	shalt  }
0x6e: {  	_ =	shalt  }
0x6f: {  	_ =	shalt  }
0x70: {  	_ =	shalt  }
0x71: {  	_ =	shalt  }
0x72: {  	_ =	shalt  }
0x73: {  	_ =	shalt  }
0x74: {  	_ =	shalt  }
0x75: {  	_ =	shalt  }
0x76: {  	_ =	shalt  }
0x77: {  	_ =	shalt  }
0x78: {  	_ =	shalt  }
0x79: {  	_ =	shalt  }
0x7a: {  	_ =	shalt  }
0x7b: {  	_ =	shalt  }
0x7c: {  	_ =	shalt  }
0x7d: {  	_ =	shalt  }
0x7e: {  	_ =	shalt  }
0x7f: {  	_ =	shalt  }
0x80: {  	_ =	shalt  }
0x81: {  	_ =	shalt  }
0x82: {  	_ =	shalt  }
0x83: {  	_ =	shalt  }
0x84: {  	_ =	shalt  }
0x85: {  	_ =	shalt  }
0x86: {  	_ =	shalt  }
0x87: {  	_ =	shalt  }
.Lfunc_end0:
.L_simem_size_0:
called_computation.5_lowered:
.L_overlay_start_0:
0x88: {  	s2 =	sld [smem:$0x3FD9]  }
0x89: {  	s3 =	sld [smem:$0x3FFE];
	_ =	sdelay $0x1  }
0x8a: {  	s1 =	srdreg.scid  }
0x8b: {  	s0 =	sand.u32 $0x1, s1  }
0x8c: {  	s17 =	sshll.u32 s0, $0xA;
	s2 =	sadd.s32 s3, s2  }
0x8d: {  	s2 =	sadd.s32 s2, s17  }
0x8e: {  	[smem:$0x3FB8] =	sst s2  }
0x8f: {  	_ = 	snop  }
0x90: {  	s2 =	sld [smem:$0x3FD0];
	(tm) =	ssettm $0x1  }
0x91: {  	s18 =	sld [smem:$0x3FFB];
	_ =	sdelay $0x3  }
0x92: {  	_ =	strace s18  }
0x93: {  	s3 =	sld [smem:$0x3FFC];
	_ =	sdelay $0x3  }
0x94: {  	_ =	strace s3  }
0x95: {  	s3 =	sld [smem:$0x3FFD];
	_ =	sdelay $0x3  }
0x96: {  	_ =	strace s3  }
0x97: {  	_ =	strace $0x8FFFFFFF  }
0x98: {  	s19 =	sld [smem:$0x3FDB];
	_ =	sdelay $0x1  }
0x99: {  	s4 =	simm.s32 $_scs_section_size  }
0x9a: {  	s5 =	simm.s32 $_size__tile_overlayer_lowered;
	s6 =	simm.s32 $_tile_overlayer_lowered  }
0x9b: {  	s22 =	simm.s32 $0x1BFF;
	s21 =	sshll.u32 s6, $0x1;
	s3 =	sadd.s32 s4, s19  }
0x9c: {  	s7 =	simm.s32 $0x0;
	s20 =	sshll.u32 s5, $0x1;
	s5 =	sadd.s32 s21, s3  }
0x9d: {  	[timem:s7], [sflag:s22] =	dma.local [hbm:s5], s20  }
0x9e: {  	_ =	swait.ge [sflag:s22], s20  }
0x9f: {  	s4 =	ssub.s32 $0x0, s20;
	[sflag:s22] =	ssyncset.done $0x0  }
0xa0: {  	[sflag:s22] =	ssyncadd.s32 s4;
	_ =	sdelay $0x1  }
0xa1: {  	s23 =	simm.s32 $0x1B8B  }
0xa2: {  	_ =	swait.ge [sflag:s23], $0x1  }
0xa3: {  	[sflag:s23] =	ssyncset.done $0x0  }
0xa4: {  	s25 =	simm.s32 $0x1B8E;
	s24 =	sld [smem:$0x3FFE];
	[sflag:s23] =	ssyncadd.s32 $0xFFFFFFFF  }
0xa5: {  	s26 =	simm.s32 $execute0_lowered;
	[smem:$0x3FD2] =	sst s25  }
0xa6: {  	s5 =	sshll.u32 s26, $0x1;
	_ =	strace $0x80000055;
	[dreg:$0x1] =	wrdreg $0xFFFFFFFF  }
0xa7: {  	s28 =	simm.s32 $_size_execute0_lowered;
	s3 =	sadd.s32 s3, s5;
	[dreg:$0x0] =	wrdreg $0x0  }
0xa8: {  	s5 =	sshll.u32 s28, $0x1;
	[dreg:$0x2] =	wrdreg s3  }
0xa9: {  	[dreg:$0x3] =	wrdreg s5  }
0xaa: {  	[dreg:$0x4] =	wrdreg $0xC0  }
0xab: {  	_ =	task [dreg:s7], $0x5FFFF  }
0xac: {  	[dreg:$0x1] =	wrdreg $0xFFFFFFFF  }
0xad: {  	[dreg:$0x0] =	wrdreg $0x60  }
0xae: {  	[dreg:$0x2] =	wrdreg s2  }
0xaf: {  	[dreg:$0x3] =	wrdreg s24  }
0xb0: {  	[dreg:$0x4] =	wrdreg $0x0  }
0xb1: {  	[dreg:$0x5] =	wrdreg $0x9  }
0xb2: {  	_ =	task.clear_ibuf [dreg:s7], $0x6FFFF;
	_ =	strace $0x90000055  }
0xb3: {  	s29 =	simm.s32 $0x9;
	_ =	strace $0x80000057  }
0xb4: {  	_ =	swait.ge [sflag:s29], $0x1  }
0xb5: {  	[sflag:s29] =	ssyncadd.s32 $0xFFFFFFFF  }
0xb6: {  	_ =	strace $0x90000057  }
0xb7: {  	_ =	sfence  }
0xb8: {  	s30 =	sld [smem:$0x0];
	_ =	sdelay $0x2  }
0xb9: {  	s31 =	sshll.u32 s1, $0xD;
	s1 =	sshrl.u32 s1, $0x2  }
0xba: {  	s3 =	sand.u32 $0x4000, s31;
	s1 =	sadd.s32 s1, s30  }
0xbb: {  	s0 =	sor.u32 s3, s0;
	s1 =	sshll.u32 s1, $0x11  }
0xbc: {  	s0 =	sor.u32 s1, s0  }
0xbd: {  	s0 =	sadd.s32 $0x8F2B, s0  }
0xbe: {  	[sflag:s0] =	ssyncadd.remote.s32 $0x1  }
0xbf: {  	_ =	sfence.sel $0xFFFF  }
0xc0: {  	[dreg:$0x0] =	wrdreg $0xFFFFFFFF;
	(pc) =	sbr.abs _section_cstart, $3  }
0xc1: {  	[dreg:$0x1] =	wrdreg $0xFFFFFFFF  }
0xc2: {  	_ =	task.clear_ibuf [dreg:s7], $0x2FFFF;
	_ =	strace $0x9FFFFFFF  }
0xc3: {  	(tm) =	ssettm $0x7FFFFFFF  }
tec
execute0_lowered:
.L_overlay_start_1:
0x0: {  	(tag) =	ssettag $0x1  }
0x1: {  	s2 =	rddreg [dreg:$0x0]  }
0x2: {  	s6 =	rddreg [dreg:$0x1]  }
0x3: {  	s0 =	srdreg.scid;
	s3 =	rddreg [dreg:$0x2]  }
0x4: {  	s4 =	simm.s32 $0x0;
	s15 =	simm.s32 $0x17800;
	s16 =	simm.s32 $0x3  }
0x5: {  	s17 =	simm.s32 $0x13C00;
	s18 =	simm.s32 $0x16400;
	s19 =	simm.s32 $0x80  }
0x6: {  	s20 =	simm.s32 $0x13C80;
	s21 =	simm.s32 $0x1B800;
	s22 =	simm.s32 $0x1  }
0x7: {  	s23 =	simm.s32 $0x2;
	s24 =	simm.s32 $0x17700;
	s5 =	sand.u32 $0x1, s0  }
0x8: {  	s25 =	simm.s32 $0x17780;
	s0 =	stileid.u32;
	s8 =	smul.u32 $0x13C000, s5  }
0x9: {  	[smem:$0x7FF] =	sst s4;
	s1 =	sshll.u32 s5, $0x4;
	s9 =	smul.u32 $0x13C00, s0  }
0xa: {  	s10 =	smul.u32 $0x4F000, s0;
	s28 =	ssub.s32 $0x2, s5;
	s1 =	sor.u32 s0, s1  }
0xb: {  	s31 =	sshrl.u32 s28, $0x1;
	s7 =	smul.u32 $0x2800, s1;
	s1 =	rddreg [dreg:$0x3]  }
0xc: {  	_ =	strace $0x80000056;
	s26 =	sadd.s32 s9, s8;
	s29 =	sshrl.u32 s10, $0x2  }
0xd: {  	s12 =	ssub.s32 s28, s31;
	s5 =	sadd.s32 s29, s3;
	s7 =	sshrl.u32 s7, $0x3  }
0xe: {  	s13 =	sadd.s32 $0x8000, s5;
	s11 =	sadd.s32 s7, s6;
	s7 =	sshrl.u32 s26, $0x3  }
0xf: {  	s14 =	sadd.s32 $0xC000, s5;
	s30 =	sadd.s32 s7, s6;
	s6 =	sadd.s32 $0x10000, s5  }
0x10: {  	s7 =	sadd.s32 $0x5E400, s11;
	s8 =	sadd.s32 $0x5400, s11;
	s9 =	sadd.s32 $0x5680, s11  }
0x11: {  	v0 =	vimm.f32 $0.0e+00;
	s11 =	smax.u32 s12, $0x1;
	s12 =	sadd.s32 $0x4000, s5;
	s10 =	sadd.s32 $0xF400, s30  }
.LBB2_1:
0x12: {  	s26 =	simm.s32 $0x0;
	s28 =	simm.s32 $0x200  }
.LBB2_2:
0x13: {  	p0 =	sne.s32 s28, $0xFE00;
	[tilespmem:s26+$0x17870] =	vst v0  }
0x14: {  	[tilespmem:s26+$0x17800] =	vst v0  }
0x15: {  	[tilespmem:s26+$0x17810] =	vst v0  }
.Ltmp0:
0x16: {  	[tilespmem:s26+$0x17820] =	vst v0;
	(pc) =	sbr.rel @p0 .LBB2_2-.Ltmp0, $4  }
0x17: {  	[tilespmem:s26+$0x17830] =	vst v0  }
0x18: {  	[tilespmem:s26+$0x17840] =	vst v0  }
0x19: {  	[tilespmem:s26+$0x17850] =	vst v0  }
0x1a: {  	[tilespmem:s26+$0x17860] =	vst v0;
	s26 =	sshra.s32 s28, $0x2;
	s28 =	sadd.s32 $0x200, s28  }
0x1b: {  	[tilespmem:s26+$0x17870] =	vst v0  }
0x1c: {  	[tilespmem:s26+$0x17800] =	vst v0  }
0x1d: {  	[tilespmem:s26+$0x17810] =	vst v0  }
0x1e: {  	[tilespmem:s26+$0x17820] =	vst v0  }
0x1f: {  	[tilespmem:s26+$0x17830] =	vst v0  }
0x20: {  	[tilespmem:s26+$0x17840] =	vst v0  }
0x21: {  	[tilespmem:s26+$0x17850] =	vst v0  }
0x22: {  	[tilespmem:s26+$0x17860] =	vst v0  }
0x23: {  	[spmem:s5] =	stream.linear.scatter [tilespmem:s15], [sflag:$0x3], $0x4000, $0x38;
	[tilespmem:$0x1F800] =	vst v63  }
0x24: {  	_ =	swait.ge [sflag:s16], $0x4000  }
0x25: {  	[sflag:s16] =	ssyncset.done $0x0  }
0x26: {  	[sflag:s16] =	ssyncadd.s32 $0xFFFFC000  }
0x27: {  	[spmem:s12] =	stream.linear.scatter [tilespmem:s15], [sflag:$0x3], $0x4000, $0x38;
	[tilespmem:$0x1F800] =	vst v63  }
0x28: {  	_ =	swait.ge [sflag:s16], $0x4000  }
0x29: {  	[sflag:s16] =	ssyncset.done $0x0  }
0x2a: {  	[sflag:s16] =	ssyncadd.s32 $0xFFFFC000  }
0x2b: {  	[spmem:s13] =	stream.linear.scatter [tilespmem:s15], [sflag:$0x3], $0x4000, $0x38;
	[tilespmem:$0x1F800] =	vst v63  }
0x2c: {  	_ =	swait.ge [sflag:s16], $0x4000  }
0x2d: {  	[sflag:s16] =	ssyncset.done $0x0  }
0x2e: {  	[sflag:s16] =	ssyncadd.s32 $0xFFFFC000  }
0x2f: {  	[spmem:s14] =	stream.linear.scatter [tilespmem:s15], [sflag:$0x3], $0x4000, $0x38;
	[tilespmem:$0x1F800] =	vst v63  }
0x30: {  	_ =	swait.ge [sflag:s16], $0x4000  }
0x31: {  	[sflag:s16] =	ssyncset.done $0x0  }
0x32: {  	[sflag:s16] =	ssyncadd.s32 $0xFFFFC000  }
0x33: {  	[spmem:s6] =	stream.linear.scatter [tilespmem:s15], [sflag:$0x3], $0x3C00, $0x38;
	[tilespmem:$0x1F800] =	vst v63  }
0x34: {  	_ =	swait.ge [sflag:s16], $0x3C00  }
0x35: {  	[sflag:s16] =	ssyncset.done $0x0  }
0x36: {  	[sflag:s16] =	ssyncadd.s32 $0xFFFFC400  }
0x37: {  	s31 =	simm.s32 $0x0;
	[bflag:$0x0] =	sbarrier.arrive $0xFFFF  }
0x38: {  	[tilespmem:s17], [sflag:$0x3] =	stream.linear.gather [hbm4b:s7+s31], $0x2800, $0x38;
	[tilespmem:$0x1F800] =	vst v63  }
0x39: {  	_ =	swait.ge [sflag:s16], $0x2800  }
0x3a: {  	[sflag:s16] =	ssyncset.done $0x0  }
0x3b: {  	[sflag:s16] =	ssyncadd.s32 $0xFFFFD800  }
0x3c: {  	[tilespmem:s18], [sflag:$0x3] =	stream.linear.gather [hbm4b:s8+s31], $0x1400, $0x38;
	[tilespmem:$0x1F800] =	vst v63  }
0x3d: {  	_ =	swait.ge [sflag:s16], $0x1400  }
0x3e: {  	[sflag:s16] =	ssyncset.done $0x0  }
0x3f: {  	[sflag:s16] =	ssyncadd.s32 $0xFFFFEC00  }
0x40: {  	[tilespmem:s15], [sflag:$0x1] =	stream.indirect.gather [hbm4b:s2+s19], $0x80, s17, s19, $0xb8;
	[tilespmem:$0x1F800] =	vst v63  }
0x41: {  	_ = 	snop  }
0x42: {  	[tilespmem:s21], [sflag:$0x2] =	stream.indirect.gather [hbm4b:s2+s19], $0x80, s20, s19, $0xb8;
	[tilespmem:$0x1F800] =	vst v63  }
0x43: {  	_ =	swait.ge [sflag:s22], $0x4000  }
0x44: {  	[sflag:s22] =	ssyncset.done $0x0  }
0x45: {  	s29 =	simm.s32 $0x16400;
	[sflag:s22] =	ssyncadd.s32 $0xFFFFC000  }
0x46: {  	[spmem:s3] =	stream.indirect.scatter.add.f32 [tilespmem:s15], [sflag:$0x3], $0x80, s29, s19, $0xb8;
	[tilespmem:$0x1F800] =	vst v63  }
0x47: {  	_ =	swait.ge [sflag:s16], $0x4000  }
0x48: {  	[sflag:s16] =	ssyncset.done $0x0  }
0x49: {  	s30 =	simm.s32 $0x13D00;
	[sflag:s16] =	ssyncadd.s32 $0xFFFFC000  }
0x4a: {  	[tilespmem:s15], [sflag:$0x1] =	stream.indirect.gather [hbm4b:s2+s19], $0x80, s30, s19, $0xb8;
	[tilespmem:$0x1F800] =	vst v63  }
0x4b: {  	_ =	swait.ge [sflag:s23], $0x4000  }
0x4c: {  	[sflag:s23] =	ssyncset.done $0x0  }
0x4d: {  	s31 =	simm.s32 $0x16480;
	[sflag:s23] =	ssyncadd.s32 $0xFFFFC000  }
0x4e: {  	[spmem:s3] =	stream.indirect.scatter.add.f32 [tilespmem:s21], [sflag:$0x3], $0x80, s31, s19, $0xb8;
	[tilespmem:$0x1F800] =	vst v63  }
0x4f: {  	_ =	swait.ge [sflag:s16], $0x4000  }
0x50: {  	[sflag:s16] =	ssyncset.done $0x0  }
0x51: {  	s26 =	simm.s32 $0x400;
	s28 =	simm.s32 $0x13D80;
	[sflag:s16] =	ssyncadd.s32 $0xFFFFC000  }
.LBB2_4:
0x52: {  	[tilespmem:s21], [sflag:$0x2] =	stream.indirect.gather [hbm4b:s2+s19], $0x80, s28, s19, $0xb8;
	[tilespmem:$0x1F800] =	vst v63  }
0x53: {  	s28 =	smov.u32 s26  }
0x54: {  	p0 =	sne.s32 s26, $0x4C00;
	s26 =	sadd.s32 $0x400, s26;
	_ =	swait.ge [sflag:s22], $0x4000  }
0x55: {  	s28 =	sshra.s32 s28, $0x2;
	[sflag:s22] =	ssyncset.done $0x0  }
0x56: {  	s29 =	sadd.s32 $0x16400, s28;
	[sflag:s22] =	ssyncadd.s32 $0xFFFFC000  }
0x57: {  	[spmem:s3] =	stream.indirect.scatter.add.f32 [tilespmem:s15], [sflag:$0x3], $0x80, s29, s19, $0xb8;
	[tilespmem:$0x1F800] =	vst v63  }
0x58: {  	_ =	swait.ge [sflag:s16], $0x4000  }
0x59: {  	[sflag:s16] =	ssyncset.done $0x0  }
0x5a: {  	s29 =	sadd.s32 $0x13D00, s28;
	[sflag:s16] =	ssyncadd.s32 $0xFFFFC000  }
0x5b: {  	[tilespmem:s15], [sflag:$0x1] =	stream.indirect.gather [hbm4b:s2+s19], $0x80, s29, s19, $0xb8;
	[tilespmem:$0x1F800] =	vst v63  }
0x5c: {  	_ =	swait.ge [sflag:s23], $0x4000  }
0x5d: {  	[sflag:s23] =	ssyncset.done $0x0  }
.Ltmp1:
0x5e: {  	s29 =	sadd.s32 $0x16480, s28;
	[sflag:s23] =	ssyncadd.s32 $0xFFFFC000;
	(pc) =	sbr.rel @p0 .LBB2_4-.Ltmp1, $4  }
0x5f: {  	[spmem:s3] =	stream.indirect.scatter.add.f32 [tilespmem:s21], [sflag:$0x3], $0x80, s29, s19, $0xb8;
	[tilespmem:$0x1F800] =	vst v63  }
0x60: {  	_ =	swait.ge [sflag:s16], $0x4000  }
0x61: {  	[sflag:s16] =	ssyncset.done $0x0  }
0x62: {  	s28 =	sadd.s32 $0x13D80, s28;
	[sflag:s16] =	ssyncadd.s32 $0xFFFFC000  }
0x63: {  	[tilespmem:s21], [sflag:$0x2] =	stream.indirect.gather [hbm4b:s2+s19], $0x80, s28, s19, $0xb8;
	[tilespmem:$0x1F800] =	vst v63  }
0x64: {  	s26 =	simm.s32 $0x0  }
0x65: {  	[tilespmem:s18], [sflag:$0x3] =	stream.linear.gather [hbm4b:s9+s26], $0x1400, $0x38;
	[tilespmem:$0x1F800] =	vst v63  }
0x66: {  	_ =	swait.ge [sflag:s16], $0x1400  }
0x67: {  	[sflag:s16] =	ssyncset.done $0x0  }
0x68: {  	[sflag:s16] =	ssyncadd.s32 $0xFFFFEC00  }
0x69: {  	_ =	swait.ge [sflag:s22], $0x4000  }
0x6a: {  	[sflag:s22] =	ssyncset.done $0x0  }
0x6b: {  	s29 =	simm.s32 $0x16400;
	[sflag:s22] =	ssyncadd.s32 $0xFFFFC000  }
0x6c: {  	[spmem:s3] =	stream.indirect.scatter.add.f32 [tilespmem:s15], [sflag:$0x3], $0x80, s29, s19, $0xb8;
	[tilespmem:$0x1F800] =	vst v63  }
0x6d: {  	_ =	swait.ge [sflag:s16], $0x4000  }
0x6e: {  	[sflag:s16] =	ssyncset.done $0x0  }
0x6f: {  	s30 =	simm.s32 $0x15100;
	[sflag:s16] =	ssyncadd.s32 $0xFFFFC000  }
0x70: {  	[tilespmem:s15], [sflag:$0x1] =	stream.indirect.gather [hbm4b:s2+s19], $0x80, s30, s19, $0xb8;
	[tilespmem:$0x1F800] =	vst v63  }
0x71: {  	_ =	swait.ge [sflag:s23], $0x4000  }
0x72: {  	[sflag:s23] =	ssyncset.done $0x0  }
0x73: {  	s31 =	simm.s32 $0x16480;
	[sflag:s23] =	ssyncadd.s32 $0xFFFFC000  }
0x74: {  	[spmem:s3] =	stream.indirect.scatter.add.f32 [tilespmem:s21], [sflag:$0x3], $0x80, s31, s19, $0xb8;
	[tilespmem:$0x1F800] =	vst v63  }
0x75: {  	_ =	swait.ge [sflag:s16], $0x4000  }
0x76: {  	[sflag:s16] =	ssyncset.done $0x0  }
0x77: {  	s28 =	simm.s32 $0x15180;
	s26 =	simm.s32 $0x400;
	[sflag:s16] =	ssyncadd.s32 $0xFFFFC000  }
.LBB2_6:
0x78: {  	[tilespmem:s21], [sflag:$0x2] =	stream.indirect.gather [hbm4b:s2+s19], $0x80, s28, s19, $0xb8;
	[tilespmem:$0x1F800] =	vst v63  }
0x79: {  	s28 =	smov.u32 s26  }
0x7a: {  	p0 =	sne.s32 s26, $0x4800;
	s26 =	sadd.s32 $0x400, s26;
	_ =	swait.ge [sflag:s22], $0x4000  }
0x7b: {  	s28 =	sshra.s32 s28, $0x2;
	[sflag:s22] =	ssyncset.done $0x0  }
0x7c: {  	s29 =	sadd.s32 $0x16400, s28;
	[sflag:s22] =	ssyncadd.s32 $0xFFFFC000  }
0x7d: {  	[spmem:s3] =	stream.indirect.scatter.add.f32 [tilespmem:s15], [sflag:$0x3], $0x80, s29, s19, $0xb8;
	[tilespmem:$0x1F800] =	vst v63  }
0x7e: {  	_ =	swait.ge [sflag:s16], $0x4000  }
0x7f: {  	[sflag:s16] =	ssyncset.done $0x0  }
0x80: {  	s29 =	sadd.s32 $0x15100, s28;
	[sflag:s16] =	ssyncadd.s32 $0xFFFFC000  }
0x81: {  	[tilespmem:s15], [sflag:$0x1] =	stream.indirect.gather [hbm4b:s2+s19], $0x80, s29, s19, $0xb8;
	[tilespmem:$0x1F800] =	vst v63  }
0x82: {  	_ =	swait.ge [sflag:s23], $0x4000  }
0x83: {  	[sflag:s23] =	ssyncset.done $0x0  }
.Ltmp2:
0x84: {  	s29 =	sadd.s32 $0x16480, s28;
	[sflag:s23] =	ssyncadd.s32 $0xFFFFC000;
	(pc) =	sbr.rel @p0 .LBB2_6-.Ltmp2, $4  }
0x85: {  	[spmem:s3] =	stream.indirect.scatter.add.f32 [tilespmem:s21], [sflag:$0x3], $0x80, s29, s19, $0xb8;
	[tilespmem:$0x1F800] =	vst v63  }
0x86: {  	_ =	swait.ge [sflag:s16], $0x4000  }
0x87: {  	[sflag:s16] =	ssyncset.done $0x0  }
0x88: {  	s28 =	sadd.s32 $0x15180, s28;
	[sflag:s16] =	ssyncadd.s32 $0xFFFFC000  }
0x89: {  	[tilespmem:s21], [sflag:$0x2] =	stream.indirect.gather [hbm4b:s2+s19], $0x80, s28, s19, $0xb8;
	[tilespmem:$0x1F800] =	vst v63  }
0x8a: {  	_ =	swait.ge [sflag:s22], $0x4000  }
0x8b: {  	[sflag:s22] =	ssyncset.done $0x0  }
0x8c: {  	[sflag:s22] =	ssyncadd.s32 $0xFFFFC000  }
0x8d: {  	[spmem:s3] =	stream.indirect.scatter.add.f32 [tilespmem:s15], [sflag:$0x3], $0x80, s24, s19, $0xb8;
	[tilespmem:$0x1F800] =	vst v63  }
0x8e: {  	_ =	swait.ge [sflag:s16], $0x4000  }
0x8f: {  	[sflag:s16] =	ssyncset.done $0x0  }
0x90: {  	[sflag:s16] =	ssyncadd.s32 $0xFFFFC000  }
0x91: {  	[tilespmem:s15], [sflag:$0x1] =	stream.indirect.gather [hbm4b:s2+s19], $0x80, s17, s19, $0xb8;
	[tilespmem:$0x1F800] =	vst v63  }
0x92: {  	_ =	swait.ge [sflag:s23], $0x4000  }
0x93: {  	[sflag:s23] =	ssyncset.done $0x0  }
0x94: {  	[sflag:s23] =	ssyncadd.s32 $0xFFFFC000  }
0x95: {  	[spmem:s3] =	stream.indirect.scatter.add.f32 [tilespmem:s21], [sflag:$0x3], $0x80, s25, s19, $0xb8;
	[tilespmem:$0x1F800] =	vst v63  }
0x96: {  	_ =	swait.ge [sflag:s16], $0x4000  }
0x97: {  	[sflag:s16] =	ssyncset.done $0x0  }
0x98: {  	[sflag:s16] =	ssyncadd.s32 $0xFFFFC000  }
0x99: {  	[tilespmem:s21], [sflag:$0x2] =	stream.indirect.gather [hbm4b:s2+s19], $0x80, s20, s19, $0xb8;
	[tilespmem:$0x1F800] =	vst v63  }
0x9a: {  	_ =	swait.ge [sflag:s22], $0x4000  }
0x9b: {  	[sflag:s22] =	ssyncset.done $0x0  }
0x9c: {  	[sflag:s22] =	ssyncadd.s32 $0xFFFFC000  }
0x9d: {  	_ =	swait.ge [sflag:s23], $0x4000  }
0x9e: {  	s26 =	sshll.u32 s0, $0x6;
	s4 =	sadd.s32 $0x1, s4;
	[sflag:s23] =	ssyncset.done $0x0  }
0x9f: {  	s31 =	sshrl.u32 s5, $0x3;
	p0 =	sne.s32 s4, s11;
	[sflag:s23] =	ssyncadd.s32 $0xFFFFC000  }
.Ltmp3:
0xa0: {  	s26 =	sor.u32 $0x1C03, s26;
	[bflag:$0x0] =	sbarrier.arrive $0xFFFF;
	(pc) =	sbr.rel @p0 .LBB2_1-.Ltmp3, $4  }
0xa1: {  	[hbm:s10], [sflag:s26] =	dma.local [spmem:s31], $0x2780  }
0xa2: {  	_ =	swait.ge [sflag:s16], $0x2780  }
0xa3: {  	[sflag:s16] =	ssyncset.done $0x0  }
0xa4: {  	[sflag:s16] =	ssyncadd.s32 $0xFFFFD880  }
0xa5: {  	_ =	sfence.sel $0x180000  }
0xa6: {  	[bflag:$0x0] =	sbarrier.arrive $0xFFFF  }
0xa7: {  	p0 =	sne.s32 s0, $0x0;
	_ =	strace $0x90000056  }
0xa8: {  	s0 =	sadd.s32 @!p0 $0x100000, s1;
	[bflag:$0x2] =	sbarrier.arrive $0xFFFF  }
0xa9: {  	[sflag:s0] =	ssyncadd.tile.s32 @!p0 $0x1;
	_ =	shalt  }
.Lfunc_end2:
_tile_overlayer_lowered:
.L_overlay_start_2:
0xaa: {  	(tag) =	ssettag $0x2  }
0xab: {  	s0 =	rddreg [dreg:$0x0];
	s2 =	stileid.u32  }
0xac: {  	s1 =	rddreg [dreg:$0x1];
	p0 =	sne.s32 s2, $0x0  }
0xad: {  	s3 =	rddreg [dreg:$0x2];
	[bflag:$0x3] =	sbarrier.arrive $0xFFFF;
	s2 =	simm.s32 @!p0 $0x1C03  }
0xae: {  	[timem:s3], [sflag:s2] =	dma.local @!p0 [hbm:s0], s1  }
0xaf: {  	s0 =	simm.s32 @!p0 $0x3  }
0xb0: {  	_ =	swait.ge @!p0 [sflag:s0], s1  }
0xb1: {  	s1 =	ssub.s32 @!p0 $0x0, s1;
	[sflag:s0] =	ssyncset.done @!p0 $0x0  }
0xb2: {  	[sflag:s0] =	ssyncadd.s32 @!p0 s1  }
0xb3: {  	[bflag:$0x3] =	sbarrier.arrive $0xFFFF  }
0xb4: {  	_ =	shalt  }

</sc_bundles>
